<compile_context>
chip_gen: v7x
topology: tpu7x:2x2x1
jax: 0.10.2.dev20260603
libtpu: 0.0.44.dev20260713+nightly
codegen_flags: <defaults>
</compile_context>

<pallas_src>
import functools

import jax
import jax.numpy as jnp
from jax import lax
from jax.experimental import pallas as pl
from jax.experimental.pallas import tpu as pltpu
from jax.experimental.pallas import tpu_sc as plsc

GS = 52
SPACING = 2.0
NUM_CAMS = 12
JOINTS = 12
H, W = 512, 640
HW = H * W
V = GS * GS * GS
D = 16

NC, NS, L = 2, 16, 16
NW = NC * NS
CH = 896
NCH = 5
PW = CH * NCH
VPAD = NW * PW
NSEG = CH // 128


@functools.partial(
    pl.kernel,
    out_type=jax.ShapeDtypeStruct((VPAD, D), jnp.float32),
    mesh=plsc.VectorSubcoreMesh(core_axis_name="c", subcore_axis_name="s"),
    compiler_params=pltpu.CompilerParams(use_tc_tiling_on_sc=False),
    scratch_types=[
        pltpu.VMEM((NUM_CAMS * CH,), jnp.int32),
        pltpu.VMEM((CH, D), jnp.float32),
        pltpu.VMEM((CH, D), jnp.float32),
        pltpu.VMEM((CH, D), jnp.float32),
        pltpu.SemaphoreType.DMA,
        pltpu.SemaphoreType.DMA,
    ],
)
def _sc_gather_mean(hmT, idx_hbm, sums, idx_v, buf_a, buf_b, acc_v,
                    sem_a, sem_b):
    cid = lax.axis_index("c")
    sid = lax.axis_index("s")
    wid = sid * NC + cid

    def chunk_body(k, carry):
        cb = wid * PW + k * CH
        ih = [pltpu.async_copy(idx_hbm.at[pl.ds(c * VPAD + cb, CH)],
                               idx_v.at[pl.ds(c * CH, CH)], sem_a)
              for c in range(NUM_CAMS)]
        for h in ih:
            h.wait()

        def fire(c):
            buf = buf_a if c % 2 == 0 else buf_b
            sem = sem_a if c % 2 == 0 else sem_b
            handles = []
            for s in range(NSEG):
                handles.append(pltpu.async_copy(
                    hmT.at[idx_v.at[pl.ds(c * CH + s * 128, 128)]],
                    buf.at[pl.ds(s * 128, 128), :],
                    sem))
            return handles

        handles = fire(0)
        for c in range(NUM_CAMS):
            nxt = fire(c + 1) if c + 1 < NUM_CAMS else None
            for h in handles:
                h.wait()
            handles = nxt
            buf = buf_a if c % 2 == 0 else buf_b

            def acc_body(i, carry3, buf=buf, first=(c == 0)):
                row = buf[i, :]
                if first:
                    acc_v[i, :] = row
                else:
                    plsc.addupdate(acc_v.at[i, :], row)
                return carry3

            lax.fori_loop(0, CH, acc_body, 0, unroll=8)

        pltpu.sync_copy(acc_v, sums.at[pl.ds(cb, CH), :])
        return carry

    lax.fori_loop(0, NCH, chunk_body, 0)


def _grid():
    r = jnp.arange(GS, dtype=jnp.float32) - float(GS // 2)
    gx, gy, gz = jnp.meshgrid(r, r, r, indexing='ij')
    return jnp.stack([gx, gy, gz], axis=-1) * SPACING


def kernel(heatmaps, center, cameraMatrices):
    hm = heatmaps.reshape(NUM_CAMS, JOINTS, HW)
    hmT = jnp.transpose(hm, (0, 2, 1))
    hmT = jnp.pad(hmT, ((0, 0), (0, 0), (0, D - JOINTS)))
    hmT = hmT.reshape(NUM_CAMS * HW, D)

    grid = _grid()

    def per_batch_idx(c):
        g = grid + c
        ones = jnp.ones(g.shape[:3] + (1,), dtype=g.dtype)
        g4 = jnp.concatenate([g, ones], axis=-1)
        partial = jnp.einsum('xyzr,nrc->nxyzc', g4, cameraMatrices)
        u = jnp.clip(partial[..., 0] / partial[..., 2], 0.0, 1279.0)
        v = jnp.clip(partial[..., 1] / partial[..., 2], 0.0, 1023.0)
        idx = (v / 2.0).astype(jnp.int32) * 640 + (u / 2.0).astype(jnp.int32)
        return jax.lax.stop_gradient(idx)

    idx = jax.vmap(per_batch_idx)(center)[0]
    idx = idx.reshape(NUM_CAMS, V)
    idx = jnp.pad(idx, ((0, 0), (0, VPAD - V)))
    idx = idx + (jnp.arange(NUM_CAMS, dtype=jnp.int32) * HW)[:, None]
    idx = idx.reshape(NUM_CAMS * VPAD)

    sums = _sc_gather_mean(hmT, idx)

    out = sums[:V, :JOINTS].T * (1.0 / NUM_CAMS)
    return out.reshape(1, JOINTS, GS, GS, GS)

# --- scband reference (transcript-rebuilt; emitter-appended) ---
"""Pipeline reference for scband-reprojection-layer-19731079758021 (READ-ONLY COPY).

The authoritative reference and input builder live on the scoring server;
editing this copy changes nothing except your own understanding.
"""

import jax, jax.numpy as jnp
import numpy as np

GS = 52          # ROI_CUBE_SIZE(104) / GRID_SPACING(2)
SPACING = 2.0
NUM_CAMS = 12    # hardcoded 12-camera loop in the original module
JOINTS = 12
H, W = 512, 640  # heatmaps are half-res of the 1280x1024 camera images (constants 1279/1023/640 in source)


def _make_camera_matrices(key):
    # Plausible pinhole projection matrices, stored transposed as [4,3] so that
    # [X,Y,Z,1] @ M = [u_h, v_h, w], matching cameraMatrix.transpose(0,1) in the source.
    f = 1200.0 + 50.0 * jnp.arange(NUM_CAMS, dtype=jnp.float32)
    base = jnp.zeros((NUM_CAMS, 4, 3), dtype=jnp.float32)
    base = base.at[:, 0, 0].set(f)
    base = base.at[:, 1, 1].set(f)
    base = base.at[:, 2, 0].set(640.0)
    base = base.at[:, 2, 1].set(512.0)
    base = base.at[:, 2, 2].set(1.0)
    base = base.at[:, 3, 2].set(2000.0)  # camera 2m away -> w = Z + 2000 > 0 always
    noise = jax.random.normal(key, (NUM_CAMS, 4, 2), dtype=jnp.float32) * 20.0
    base = base.at[:, :, 0:2].add(noise)  # perturb u/v columns only, keep depth column exact
    return base


def _grid():
    r = jnp.arange(GS, dtype=jnp.float32) - float(GS // 2)
    gx, gy, gz = jnp.meshgrid(r, r, r, indexing='ij')
    return jnp.stack([gx, gy, gz], axis=-1) * SPACING  # [GS,GS,GS,3] in mm


def setup_inputs(seed: int = 0) -> dict:
    key = jax.random.key(seed)
    k1, k2, k3 = jax.random.split(key, 3)
    heatmaps = jax.random.uniform(k1, (1, NUM_CAMS, JOINTS, H, W), dtype=jnp.float32)
    center = jax.random.normal(k2, (1, 3), dtype=jnp.float32)
    cameraMatrices = _make_camera_matrices(k3)
    return {"heatmaps": heatmaps, "center": center, "cameraMatrices": cameraMatrices}


def reference(heatmaps, center, cameraMatrices):
    grid = _grid()

    def per_batch(hm_b, c):
        # hm_b: [NUM_CAMS, JOINTS, H, W]; c: [3]
        g = grid + c  # [GS,GS,GS,3]
        ones = jnp.ones(g.shape[:3] + (1,), dtype=g.dtype)
        g4 = jnp.concatenate([g, ones], axis=-1)  # homogeneous coords
        partial = jnp.einsum('xyzr,nrc->nxyzc', g4, cameraMatrices)  # [N,GS,GS,GS,3]
        u = jnp.clip(partial[..., 0] / partial[..., 2], 0.0, 1279.0)
        v = jnp.clip(partial[..., 1] / partial[..., 2], 0.0, 1023.0)
        # torch .int() truncates toward zero; values are >= 0 so astype(int32) matches
        idx = (v / 2.0).astype(jnp.int32) * 640 + (u / 2.0).astype(jnp.int32)  # [N,GS,GS,GS]
        idx = jax.lax.stop_gradient(idx)
        # transpose(0,1).flatten(2): [JOINTS, NUM_CAMS, H*W]
        hm_t = jnp.transpose(hm_b, (1, 0, 2, 3)).reshape(JOINTS, NUM_CAMS, H * W)
        # gather per camera then mean over cameras (dim=1 in source after joint-major layout)
        gathered = jax.vmap(lambda h, ix: h[:, ix], in_axes=(1, 0))(hm_t, idx)  # [N,JOINTS,GS,GS,GS]
        return jnp.mean(gathered, axis=0)  # [JOINTS,GS,GS,GS]

    return jax.vmap(per_batch, in_axes=(0, 0))(heatmaps, center)  # [B,JOINTS,GS,GS,GS]

if __name__ == "__main__":
    import jax
    _d = setup_inputs()
    print(jax.jit(kernel)(*tuple(_d.values())))

</pallas_src>

<mosaic_0001>
#map = affine_map<(d0, d1) -> (0, 0)>
#map1 = affine_map<(d0, d1) -> (0)>
module attributes {stable_mosaic.version = 14 : i64} {
  func.func @_sc_gather_mean(%arg0: i32, %arg1: i32, %arg2: memref<3932160x16xf32, #tpu.memory_space<hbm>>, %arg3: memref<1720320xi32, #tpu.memory_space<hbm>>, %arg4: memref<143360x16xf32, #tpu.memory_space<hbm>>, %arg5: memref<10752xi32, #tpu.memory_space<vmem>>, %arg6: memref<896x16xf32, #tpu.memory_space<vmem>>, %arg7: memref<896x16xf32, #tpu.memory_space<vmem>>, %arg8: memref<896x16xf32, #tpu.memory_space<vmem>>, %arg9: memref<!tpu.dma_semaphore, #tpu.memory_space<semaphore_mem>>, %arg10: memref<!tpu.dma_semaphore, #tpu.memory_space<semaphore_mem>>) attributes {dimension_semantics = [#tpu.dimension_semantics<core_parallel>, #tpu.dimension_semantics<subcore_parallel>], iteration_bounds = array<i64: 2, 16>, scalar_prefetch = 0 : i64, scratch_operands = 6 : i64, tpu.core_type = #tpu.core_type<sc_vector_subcore>, window_params = [{transform_indices = #map}, {transform_indices = #map1}, {transform_indices = #map}]} {
    %mul3A = arith.constant 2 : i32
    %mul3A_0 = arith.muli %arg1, %mul3A : i32
    %add3A = arith.addi %mul3A_0, %arg0 : i32
    %scan3A = arith.constant 0 : i32
    %scan3A_1 = arith.constant 0 : i32
    %scan3A_2 = arith.constant 5 : i32
    %scan3A_3 = arith.addi %scan3A_1, %scan3A_2 : i32
    %scan3A_4 = arith.constant 1 : i32
    scf.for %scan3A_6 = %scan3A_1 to %scan3A_3 step %scan3A_4  : i32 {
      %mul3A_7 = arith.constant 4480 : i32
      %mul3A_8 = arith.muli %add3A, %mul3A_7 : i32
      %mul3A_9 = arith.constant 896 : i32
      %mul3A_10 = arith.muli %scan3A_6, %mul3A_9 : i32
      %add3A_11 = arith.addi %mul3A_8, %mul3A_10 : i32
      %add3A_12 = arith.constant 0 : i32
      %add3A_13 = arith.addi %add3A_12, %add3A_11 : i32
      %dma_start3A = arith.constant 0 : i32
      %dma_start3A_14 = tpu.memref_slice %arg5[%dma_start3A] : memref<10752xi32, #tpu.memory_space<vmem>> -> memref<896xi32, #tpu.memory_space<vmem>>
      %dma_start3A_15 = tpu.memref_slice %arg3[%add3A_13] : memref<1720320xi32, #tpu.memory_space<hbm>> -> memref<896xi32, #tpu.memory_space<hbm>>
      %dma_start3A_16 = arith.constant 0 : i32
      %dma_start3A_17 = tpu.memref_slice %arg5[%dma_start3A_16] : memref<10752xi32, #tpu.memory_space<vmem>> -> memref<896xi32, #tpu.memory_space<vmem>>
      %dma_start3A_18 = tpu.memref_slice %arg3[%add3A_13] : memref<1720320xi32, #tpu.memory_space<hbm>> -> memref<896xi32, #tpu.memory_space<hbm>>
      tpu.enqueue_dma source(%dma_start3A_18 : memref<896xi32, #tpu.memory_space<hbm>>) target(%dma_start3A_17 : memref<896xi32, #tpu.memory_space<vmem>>) target_semaphore(%arg9 : memref<!tpu.dma_semaphore, #tpu.memory_space<semaphore_mem>>)
      %add3A_19 = arith.constant 143360 : i32
      %add3A_20 = arith.addi %add3A_19, %add3A_11 : i32
      %dma_start3A_21 = arith.constant 896 : i32
      %dma_start3A_22 = tpu.memref_slice %arg5[%dma_start3A_21] : memref<10752xi32, #tpu.memory_space<vmem>> -> memref<896xi32, #tpu.memory_space<vmem>>
      %dma_start3A_23 = tpu.memref_slice %arg3[%add3A_20] : memref<1720320xi32, #tpu.memory_space<hbm>> -> memref<896xi32, #tpu.memory_space<hbm>>
      %dma_start3A_24 = arith.constant 896 : i32
      %dma_start3A_25 = tpu.memref_slice %arg5[%dma_start3A_24] : memref<10752xi32, #tpu.memory_space<vmem>> -> memref<896xi32, #tpu.memory_space<vmem>>
      %dma_start3A_26 = tpu.memref_slice %arg3[%add3A_20] : memref<1720320xi32, #tpu.memory_space<hbm>> -> memref<896xi32, #tpu.memory_space<hbm>>
      tpu.enqueue_dma source(%dma_start3A_26 : memref<896xi32, #tpu.memory_space<hbm>>) target(%dma_start3A_25 : memref<896xi32, #tpu.memory_space<vmem>>) target_semaphore(%arg9 : memref<!tpu.dma_semaphore, #tpu.memory_space<semaphore_mem>>)
      %add3A_27 = arith.constant 286720 : i32
      %add3A_28 = arith.addi %add3A_27, %add3A_11 : i32
      %dma_start3A_29 = arith.constant 1792 : i32
      %dma_start3A_30 = tpu.memref_slice %arg5[%dma_start3A_29] : memref<10752xi32, #tpu.memory_space<vmem>> -> memref<896xi32, #tpu.memory_space<vmem>>
      %dma_start3A_31 = tpu.memref_slice %arg3[%add3A_28] : memref<1720320xi32, #tpu.memory_space<hbm>> -> memref<896xi32, #tpu.memory_space<hbm>>
      %dma_start3A_32 = arith.constant 1792 : i32
      %dma_start3A_33 = tpu.memref_slice %arg5[%dma_start3A_32] : memref<10752xi32, #tpu.memory_space<vmem>> -> memref<896xi32, #tpu.memory_space<vmem>>
      %dma_start3A_34 = tpu.memref_slice %arg3[%add3A_28] : memref<1720320xi32, #tpu.memory_space<hbm>> -> memref<896xi32, #tpu.memory_space<hbm>>
      tpu.enqueue_dma source(%dma_start3A_34 : memref<896xi32, #tpu.memory_space<hbm>>) target(%dma_start3A_33 : memref<896xi32, #tpu.memory_space<vmem>>) target_semaphore(%arg9 : memref<!tpu.dma_semaphore, #tpu.memory_space<semaphore_mem>>)
      %add3A_35 = arith.constant 430080 : i32
      %add3A_36 = arith.addi %add3A_35, %add3A_11 : i32
      %dma_start3A_37 = arith.constant 2688 : i32
      %dma_start3A_38 = tpu.memref_slice %arg5[%dma_start3A_37] : memref<10752xi32, #tpu.memory_space<vmem>> -> memref<896xi32, #tpu.memory_space<vmem>>
      %dma_start3A_39 = tpu.memref_slice %arg3[%add3A_36] : memref<1720320xi32, #tpu.memory_space<hbm>> -> memref<896xi32, #tpu.memory_space<hbm>>
      %dma_start3A_40 = arith.constant 2688 : i32
      %dma_start3A_41 = tpu.memref_slice %arg5[%dma_start3A_40] : memref<10752xi32, #tpu.memory_space<vmem>> -> memref<896xi32, #tpu.memory_space<vmem>>
      %dma_start3A_42 = tpu.memref_slice %arg3[%add3A_36] : memref<1720320xi32, #tpu.memory_space<hbm>> -> memref<896xi32, #tpu.memory_space<hbm>>
      tpu.enqueue_dma source(%dma_start3A_42 : memref<896xi32, #tpu.memory_space<hbm>>) target(%dma_start3A_41 : memref<896xi32, #tpu.memory_space<vmem>>) target_semaphore(%arg9 : memref<!tpu.dma_semaphore, #tpu.memory_space<semaphore_mem>>)
      %add3A_43 = arith.constant 573440 : i32
      %add3A_44 = arith.addi %add3A_43, %add3A_11 : i32
      %dma_start3A_45 = arith.constant 3584 : i32
      %dma_start3A_46 = tpu.memref_slice %arg5[%dma_start3A_45] : memref<10752xi32, #tpu.memory_space<vmem>> -> memref<896xi32, #tpu.memory_space<vmem>>
      %dma_start3A_47 = tpu.memref_slice %arg3[%add3A_44] : memref<1720320xi32, #tpu.memory_space<hbm>> -> memref<896xi32, #tpu.memory_space<hbm>>
      %dma_start3A_48 = arith.constant 3584 : i32
      %dma_start3A_49 = tpu.memref_slice %arg5[%dma_start3A_48] : memref<10752xi32, #tpu.memory_space<vmem>> -> memref<896xi32, #tpu.memory_space<vmem>>
      %dma_start3A_50 = tpu.memref_slice %arg3[%add3A_44] : memref<1720320xi32, #tpu.memory_space<hbm>> -> memref<896xi32, #tpu.memory_space<hbm>>
      tpu.enqueue_dma source(%dma_start3A_50 : memref<896xi32, #tpu.memory_space<hbm>>) target(%dma_start3A_49 : memref<896xi32, #tpu.memory_space<vmem>>) target_semaphore(%arg9 : memref<!tpu.dma_semaphore, #tpu.memory_space<semaphore_mem>>)
      %add3A_51 = arith.constant 716800 : i32
      %add3A_52 = arith.addi %add3A_51, %add3A_11 : i32
      %dma_start3A_53 = arith.constant 4480 : i32
      %dma_start3A_54 = tpu.memref_slice %arg5[%dma_start3A_53] : memref<10752xi32, #tpu.memory_space<vmem>> -> memref<896xi32, #tpu.memory_space<vmem>>
      %dma_start3A_55 = tpu.memref_slice %arg3[%add3A_52] : memref<1720320xi32, #tpu.memory_space<hbm>> -> memref<896xi32, #tpu.memory_space<hbm>>
      %dma_start3A_56 = arith.constant 4480 : i32
      %dma_start3A_57 = tpu.memref_slice %arg5[%dma_start3A_56] : memref<10752xi32, #tpu.memory_space<vmem>> -> memref<896xi32, #tpu.memory_space<vmem>>
      %dma_start3A_58 = tpu.memref_slice %arg3[%add3A_52] : memref<1720320xi32, #tpu.memory_space<hbm>> -> memref<896xi32, #tpu.memory_space<hbm>>
      tpu.enqueue_dma source(%dma_start3A_58 : memref<896xi32, #tpu.memory_space<hbm>>) target(%dma_start3A_57 : memref<896xi32, #tpu.memory_space<vmem>>) target_semaphore(%arg9 : memref<!tpu.dma_semaphore, #tpu.memory_space<semaphore_mem>>)
      %add3A_59 = arith.constant 860160 : i32
      %add3A_60 = arith.addi %add3A_59, %add3A_11 : i32
      %dma_start3A_61 = arith.constant 5376 : i32
      %dma_start3A_62 = tpu.memref_slice %arg5[%dma_start3A_61] : memref<10752xi32, #tpu.memory_space<vmem>> -> memref<896xi32, #tpu.memory_space<vmem>>
      %dma_start3A_63 = tpu.memref_slice %arg3[%add3A_60] : memref<1720320xi32, #tpu.memory_space<hbm>> -> memref<896xi32, #tpu.memory_space<hbm>>
      %dma_start3A_64 = arith.constant 5376 : i32
      %dma_start3A_65 = tpu.memref_slice %arg5[%dma_start3A_64] : memref<10752xi32, #tpu.memory_space<vmem>> -> memref<896xi32, #tpu.memory_space<vmem>>
      %dma_start3A_66 = tpu.memref_slice %arg3[%add3A_60] : memref<1720320xi32, #tpu.memory_space<hbm>> -> memref<896xi32, #tpu.memory_space<hbm>>
      tpu.enqueue_dma source(%dma_start3A_66 : memref<896xi32, #tpu.memory_space<hbm>>) target(%dma_start3A_65 : memref<896xi32, #tpu.memory_space<vmem>>) target_semaphore(%arg9 : memref<!tpu.dma_semaphore, #tpu.memory_space<semaphore_mem>>)
      %add3A_67 = arith.constant 1003520 : i32
      %add3A_68 = arith.addi %add3A_67, %add3A_11 : i32
      %dma_start3A_69 = arith.constant 6272 : i32
      %dma_start3A_70 = tpu.memref_slice %arg5[%dma_start3A_69] : memref<10752xi32, #tpu.memory_space<vmem>> -> memref<896xi32, #tpu.memory_space<vmem>>
      %dma_start3A_71 = tpu.memref_slice %arg3[%add3A_68] : memref<1720320xi32, #tpu.memory_space<hbm>> -> memref<896xi32, #tpu.memory_space<hbm>>
      %dma_start3A_72 = arith.constant 6272 : i32
      %dma_start3A_73 = tpu.memref_slice %arg5[%dma_start3A_72] : memref<10752xi32, #tpu.memory_space<vmem>> -> memref<896xi32, #tpu.memory_space<vmem>>
      %dma_start3A_74 = tpu.memref_slice %arg3[%add3A_68] : memref<1720320xi32, #tpu.memory_space<hbm>> -> memref<896xi32, #tpu.memory_space<hbm>>
      tpu.enqueue_dma source(%dma_start3A_74 : memref<896xi32, #tpu.memory_space<hbm>>) target(%dma_start3A_73 : memref<896xi32, #tpu.memory_space<vmem>>) target_semaphore(%arg9 : memref<!tpu.dma_semaphore, #tpu.memory_space<semaphore_mem>>)
      %add3A_75 = arith.constant 1146880 : i32
      %add3A_76 = arith.addi %add3A_75, %add3A_11 : i32
      %dma_start3A_77 = arith.constant 7168 : i32
      %dma_start3A_78 = tpu.memref_slice %arg5[%dma_start3A_77] : memref<10752xi32, #tpu.memory_space<vmem>> -> memref<896xi32, #tpu.memory_space<vmem>>
      %dma_start3A_79 = tpu.memref_slice %arg3[%add3A_76] : memref<1720320xi32, #tpu.memory_space<hbm>> -> memref<896xi32, #tpu.memory_space<hbm>>
      %dma_start3A_80 = arith.constant 7168 : i32
      %dma_start3A_81 = tpu.memref_slice %arg5[%dma_start3A_80] : memref<10752xi32, #tpu.memory_space<vmem>> -> memref<896xi32, #tpu.memory_space<vmem>>
      %dma_start3A_82 = tpu.memref_slice %arg3[%add3A_76] : memref<1720320xi32, #tpu.memory_space<hbm>> -> memref<896xi32, #tpu.memory_space<hbm>>
      tpu.enqueue_dma source(%dma_start3A_82 : memref<896xi32, #tpu.memory_space<hbm>>) target(%dma_start3A_81 : memref<896xi32, #tpu.memory_space<vmem>>) target_semaphore(%arg9 : memref<!tpu.dma_semaphore, #tpu.memory_space<semaphore_mem>>)
      %add3A_83 = arith.constant 1290240 : i32
      %add3A_84 = arith.addi %add3A_83, %add3A_11 : i32
      %dma_start3A_85 = arith.constant 8064 : i32
      %dma_start3A_86 = tpu.memref_slice %arg5[%dma_start3A_85] : memref<10752xi32, #tpu.memory_space<vmem>> -> memref<896xi32, #tpu.memory_space<vmem>>
      %dma_start3A_87 = tpu.memref_slice %arg3[%add3A_84] : memref<1720320xi32, #tpu.memory_space<hbm>> -> memref<896xi32, #tpu.memory_space<hbm>>
      %dma_start3A_88 = arith.constant 8064 : i32
      %dma_start3A_89 = tpu.memref_slice %arg5[%dma_start3A_88] : memref<10752xi32, #tpu.memory_space<vmem>> -> memref<896xi32, #tpu.memory_space<vmem>>
      %dma_start3A_90 = tpu.memref_slice %arg3[%add3A_84] : memref<1720320xi32, #tpu.memory_space<hbm>> -> memref<896xi32, #tpu.memory_space<hbm>>
      tpu.enqueue_dma source(%dma_start3A_90 : memref<896xi32, #tpu.memory_space<hbm>>) target(%dma_start3A_89 : memref<896xi32, #tpu.memory_space<vmem>>) target_semaphore(%arg9 : memref<!tpu.dma_semaphore, #tpu.memory_space<semaphore_mem>>)
      %add3A_91 = arith.constant 1433600 : i32
      %add3A_92 = arith.addi %add3A_91, %add3A_11 : i32
      %dma_start3A_93 = arith.constant 8960 : i32
      %dma_start3A_94 = tpu.memref_slice %arg5[%dma_start3A_93] : memref<10752xi32, #tpu.memory_space<vmem>> -> memref<896xi32, #tpu.memory_space<vmem>>
      %dma_start3A_95 = tpu.memref_slice %arg3[%add3A_92] : memref<1720320xi32, #tpu.memory_space<hbm>> -> memref<896xi32, #tpu.memory_space<hbm>>
      %dma_start3A_96 = arith.constant 8960 : i32
      %dma_start3A_97 = tpu.memref_slice %arg5[%dma_start3A_96] : memref<10752xi32, #tpu.memory_space<vmem>> -> memref<896xi32, #tpu.memory_space<vmem>>
      %dma_start3A_98 = tpu.memref_slice %arg3[%add3A_92] : memref<1720320xi32, #tpu.memory_space<hbm>> -> memref<896xi32, #tpu.memory_space<hbm>>
      tpu.enqueue_dma source(%dma_start3A_98 : memref<896xi32, #tpu.memory_space<hbm>>) target(%dma_start3A_97 : memref<896xi32, #tpu.memory_space<vmem>>) target_semaphore(%arg9 : memref<!tpu.dma_semaphore, #tpu.memory_space<semaphore_mem>>)
      %add3A_99 = arith.constant 1576960 : i32
      %add3A_100 = arith.addi %add3A_99, %add3A_11 : i32
      %dma_start3A_101 = arith.constant 9856 : i32
      %dma_start3A_102 = tpu.memref_slice %arg5[%dma_start3A_101] : memref<10752xi32, #tpu.memory_space<vmem>> -> memref<896xi32, #tpu.memory_space<vmem>>
      %dma_start3A_103 = tpu.memref_slice %arg3[%add3A_100] : memref<1720320xi32, #tpu.memory_space<hbm>> -> memref<896xi32, #tpu.memory_space<hbm>>
      %dma_start3A_104 = arith.constant 9856 : i32
      %dma_start3A_105 = tpu.memref_slice %arg5[%dma_start3A_104] : memref<10752xi32, #tpu.memory_space<vmem>> -> memref<896xi32, #tpu.memory_space<vmem>>
      %dma_start3A_106 = tpu.memref_slice %arg3[%add3A_100] : memref<1720320xi32, #tpu.memory_space<hbm>> -> memref<896xi32, #tpu.memory_space<hbm>>
      tpu.enqueue_dma source(%dma_start3A_106 : memref<896xi32, #tpu.memory_space<hbm>>) target(%dma_start3A_105 : memref<896xi32, #tpu.memory_space<vmem>>) target_semaphore(%arg9 : memref<!tpu.dma_semaphore, #tpu.memory_space<semaphore_mem>>)
      %dma_wait3A = arith.constant 0 : i32
      %dma_wait3A_107 = tpu.memref_slice %arg5[%dma_wait3A] : memref<10752xi32, #tpu.memory_space<vmem>> -> memref<896xi32, #tpu.memory_space<vmem>>
      %dma_wait3A_108 = tpu.memref_slice %arg3[%add3A_13] : memref<1720320xi32, #tpu.memory_space<hbm>> -> memref<896xi32, #tpu.memory_space<hbm>>
      %dma_wait3A_109 = arith.constant 0 : i32
      %dma_wait3A_110 = tpu.memref_slice %arg5[%dma_wait3A_109] : memref<10752xi32, #tpu.memory_space<vmem>> -> memref<896xi32, #tpu.memory_space<vmem>>
      %dma_wait3A_111 = tpu.memref_slice %arg3[%add3A_13] : memref<1720320xi32, #tpu.memory_space<hbm>> -> memref<896xi32, #tpu.memory_space<hbm>>
      tpu.wait_dma2 semaphore(%arg9 : memref<!tpu.dma_semaphore, #tpu.memory_space<semaphore_mem>>) src(%dma_wait3A_111 : memref<896xi32, #tpu.memory_space<hbm>>) dst(%dma_wait3A_110 : memref<896xi32, #tpu.memory_space<vmem>>)
      %dma_wait3A_112 = arith.constant 896 : i32
      %dma_wait3A_113 = tpu.memref_slice %arg5[%dma_wait3A_112] : memref<10752xi32, #tpu.memory_space<vmem>> -> memref<896xi32, #tpu.memory_space<vmem>>
      %dma_wait3A_114 = tpu.memref_slice %arg3[%add3A_20] : memref<1720320xi32, #tpu.memory_space<hbm>> -> memref<896xi32, #tpu.memory_space<hbm>>
      %dma_wait3A_115 = arith.constant 896 : i32
      %dma_wait3A_116 = tpu.memref_slice %arg5[%dma_wait3A_115] : memref<10752xi32, #tpu.memory_space<vmem>> -> memref<896xi32, #tpu.memory_space<vmem>>
      %dma_wait3A_117 = tpu.memref_slice %arg3[%add3A_20] : memref<1720320xi32, #tpu.memory_space<hbm>> -> memref<896xi32, #tpu.memory_space<hbm>>
      tpu.wait_dma2 semaphore(%arg9 : memref<!tpu.dma_semaphore, #tpu.memory_space<semaphore_mem>>) src(%dma_wait3A_117 : memref<896xi32, #tpu.memory_space<hbm>>) dst(%dma_wait3A_116 : memref<896xi32, #tpu.memory_space<vmem>>)
      %dma_wait3A_118 = arith.constant 1792 : i32
      %dma_wait3A_119 = tpu.memref_slice %arg5[%dma_wait3A_118] : memref<10752xi32, #tpu.memory_space<vmem>> -> memref<896xi32, #tpu.memory_space<vmem>>
      %dma_wait3A_120 = tpu.memref_slice %arg3[%add3A_28] : memref<1720320xi32, #tpu.memory_space<hbm>> -> memref<896xi32, #tpu.memory_space<hbm>>
      %dma_wait3A_121 = arith.constant 1792 : i32
      %dma_wait3A_122 = tpu.memref_slice %arg5[%dma_wait3A_121] : memref<10752xi32, #tpu.memory_space<vmem>> -> memref<896xi32, #tpu.memory_space<vmem>>
      %dma_wait3A_123 = tpu.memref_slice %arg3[%add3A_28] : memref<1720320xi32, #tpu.memory_space<hbm>> -> memref<896xi32, #tpu.memory_space<hbm>>
      tpu.wait_dma2 semaphore(%arg9 : memref<!tpu.dma_semaphore, #tpu.memory_space<semaphore_mem>>) src(%dma_wait3A_123 : memref<896xi32, #tpu.memory_space<hbm>>) dst(%dma_wait3A_122 : memref<896xi32, #tpu.memory_space<vmem>>)
      %dma_wait3A_124 = arith.constant 2688 : i32
      %dma_wait3A_125 = tpu.memref_slice %arg5[%dma_wait3A_124] : memref<10752xi32, #tpu.memory_space<vmem>> -> memref<896xi32, #tpu.memory_space<vmem>>
      %dma_wait3A_126 = tpu.memref_slice %arg3[%add3A_36] : memref<1720320xi32, #tpu.memory_space<hbm>> -> memref<896xi32, #tpu.memory_space<hbm>>
      %dma_wait3A_127 = arith.constant 2688 : i32
      %dma_wait3A_128 = tpu.memref_slice %arg5[%dma_wait3A_127] : memref<10752xi32, #tpu.memory_space<vmem>> -> memref<896xi32, #tpu.memory_space<vmem>>
      %dma_wait3A_129 = tpu.memref_slice %arg3[%add3A_36] : memref<1720320xi32, #tpu.memory_space<hbm>> -> memref<896xi32, #tpu.memory_space<hbm>>
      tpu.wait_dma2 semaphore(%arg9 : memref<!tpu.dma_semaphore, #tpu.memory_space<semaphore_mem>>) src(%dma_wait3A_129 : memref<896xi32, #tpu.memory_space<hbm>>) dst(%dma_wait3A_128 : memref<896xi32, #tpu.memory_space<vmem>>)
      %dma_wait3A_130 = arith.constant 3584 : i32
      %dma_wait3A_131 = tpu.memref_slice %arg5[%dma_wait3A_130] : memref<10752xi32, #tpu.memory_space<vmem>> -> memref<896xi32, #tpu.memory_space<vmem>>
      %dma_wait3A_132 = tpu.memref_slice %arg3[%add3A_44] : memref<1720320xi32, #tpu.memory_space<hbm>> -> memref<896xi32, #tpu.memory_space<hbm>>
      %dma_wait3A_133 = arith.constant 3584 : i32
      %dma_wait3A_134 = tpu.memref_slice %arg5[%dma_wait3A_133] : memref<10752xi32, #tpu.memory_space<vmem>> -> memref<896xi32, #tpu.memory_space<vmem>>
      %dma_wait3A_135 = tpu.memref_slice %arg3[%add3A_44] : memref<1720320xi32, #tpu.memory_space<hbm>> -> memref<896xi32, #tpu.memory_space<hbm>>
      tpu.wait_dma2 semaphore(%arg9 : memref<!tpu.dma_semaphore, #tpu.memory_space<semaphore_mem>>) src(%dma_wait3A_135 : memref<896xi32, #tpu.memory_space<hbm>>) dst(%dma_wait3A_134 : memref<896xi32, #tpu.memory_space<vmem>>)
      %dma_wait3A_136 = arith.constant 4480 : i32
      %dma_wait3A_137 = tpu.memref_slice %arg5[%dma_wait3A_136] : memref<10752xi32, #tpu.memory_space<vmem>> -> memref<896xi32, #tpu.memory_space<vmem>>
      %dma_wait3A_138 = tpu.memref_slice %arg3[%add3A_52] : memref<1720320xi32, #tpu.memory_space<hbm>> -> memref<896xi32, #tpu.memory_space<hbm>>
      %dma_wait3A_139 = arith.constant 4480 : i32
      %dma_wait3A_140 = tpu.memref_slice %arg5[%dma_wait3A_139] : memref<10752xi32, #tpu.memory_space<vmem>> -> memref<896xi32, #tpu.memory_space<vmem>>
      %dma_wait3A_141 = tpu.memref_slice %arg3[%add3A_52] : memref<1720320xi32, #tpu.memory_space<hbm>> -> memref<896xi32, #tpu.memory_space<hbm>>
      tpu.wait_dma2 semaphore(%arg9 : memref<!tpu.dma_semaphore, #tpu.memory_space<semaphore_mem>>) src(%dma_wait3A_141 : memref<896xi32, #tpu.memory_space<hbm>>) dst(%dma_wait3A_140 : memref<896xi32, #tpu.memory_space<vmem>>)
      %dma_wait3A_142 = arith.constant 5376 : i32
      %dma_wait3A_143 = tpu.memref_slice %arg5[%dma_wait3A_142] : memref<10752xi32, #tpu.memory_space<vmem>> -> memref<896xi32, #tpu.memory_space<vmem>>
      %dma_wait3A_144 = tpu.memref_slice %arg3[%add3A_60] : memref<1720320xi32, #tpu.memory_space<hbm>> -> memref<896xi32, #tpu.memory_space<hbm>>
      %dma_wait3A_145 = arith.constant 5376 : i32
      %dma_wait3A_146 = tpu.memref_slice %arg5[%dma_wait3A_145] : memref<10752xi32, #tpu.memory_space<vmem>> -> memref<896xi32, #tpu.memory_space<vmem>>
      %dma_wait3A_147 = tpu.memref_slice %arg3[%add3A_60] : memref<1720320xi32, #tpu.memory_space<hbm>> -> memref<896xi32, #tpu.memory_space<hbm>>
      tpu.wait_dma2 semaphore(%arg9 : memref<!tpu.dma_semaphore, #tpu.memory_space<semaphore_mem>>) src(%dma_wait3A_147 : memref<896xi32, #tpu.memory_space<hbm>>) dst(%dma_wait3A_146 : memref<896xi32, #tpu.memory_space<vmem>>)
      %dma_wait3A_148 = arith.constant 6272 : i32
      %dma_wait3A_149 = tpu.memref_slice %arg5[%dma_wait3A_148] : memref<10752xi32, #tpu.memory_space<vmem>> -> memref<896xi32, #tpu.memory_space<vmem>>
      %dma_wait3A_150 = tpu.memref_slice %arg3[%add3A_68] : memref<1720320xi32, #tpu.memory_space<hbm>> -> memref<896xi32, #tpu.memory_space<hbm>>
      %dma_wait3A_151 = arith.constant 6272 : i32
      %dma_wait3A_152 = tpu.memref_slice %arg5[%dma_wait3A_151] : memref<10752xi32, #tpu.memory_space<vmem>> -> memref<896xi32, #tpu.memory_space<vmem>>
      %dma_wait3A_153 = tpu.memref_slice %arg3[%add3A_68] : memref<1720320xi32, #tpu.memory_space<hbm>> -> memref<896xi32, #tpu.memory_space<hbm>>
      tpu.wait_dma2 semaphore(%arg9 : memref<!tpu.dma_semaphore, #tpu.memory_space<semaphore_mem>>) src(%dma_wait3A_153 : memref<896xi32, #tpu.memory_space<hbm>>) dst(%dma_wait3A_152 : memref<896xi32, #tpu.memory_space<vmem>>)
      %dma_wait3A_154 = arith.constant 7168 : i32
      %dma_wait3A_155 = tpu.memref_slice %arg5[%dma_wait3A_154] : memref<10752xi32, #tpu.memory_space<vmem>> -> memref<896xi32, #tpu.memory_space<vmem>>
      %dma_wait3A_156 = tpu.memref_slice %arg3[%add3A_76] : memref<1720320xi32, #tpu.memory_space<hbm>> -> memref<896xi32, #tpu.memory_space<hbm>>
      %dma_wait3A_157 = arith.constant 7168 : i32
      %dma_wait3A_158 = tpu.memref_slice %arg5[%dma_wait3A_157] : memref<10752xi32, #tpu.memory_space<vmem>> -> memref<896xi32, #tpu.memory_space<vmem>>
      %dma_wait3A_159 = tpu.memref_slice %arg3[%add3A_76] : memref<1720320xi32, #tpu.memory_space<hbm>> -> memref<896xi32, #tpu.memory_space<hbm>>
      tpu.wait_dma2 semaphore(%arg9 : memref<!tpu.dma_semaphore, #tpu.memory_space<semaphore_mem>>) src(%dma_wait3A_159 : memref<896xi32, #tpu.memory_space<hbm>>) dst(%dma_wait3A_158 : memref<896xi32, #tpu.memory_space<vmem>>)
      %dma_wait3A_160 = arith.constant 8064 : i32
      %dma_wait3A_161 = tpu.memref_slice %arg5[%dma_wait3A_160] : memref<10752xi32, #tpu.memory_space<vmem>> -> memref<896xi32, #tpu.memory_space<vmem>>
      %dma_wait3A_162 = tpu.memref_slice %arg3[%add3A_84] : memref<1720320xi32, #tpu.memory_space<hbm>> -> memref<896xi32, #tpu.memory_space<hbm>>
      %dma_wait3A_163 = arith.constant 8064 : i32
      %dma_wait3A_164 = tpu.memref_slice %arg5[%dma_wait3A_163] : memref<10752xi32, #tpu.memory_space<vmem>> -> memref<896xi32, #tpu.memory_space<vmem>>
      %dma_wait3A_165 = tpu.memref_slice %arg3[%add3A_84] : memref<1720320xi32, #tpu.memory_space<hbm>> -> memref<896xi32, #tpu.memory_space<hbm>>
      tpu.wait_dma2 semaphore(%arg9 : memref<!tpu.dma_semaphore, #tpu.memory_space<semaphore_mem>>) src(%dma_wait3A_165 : memref<896xi32, #tpu.memory_space<hbm>>) dst(%dma_wait3A_164 : memref<896xi32, #tpu.memory_space<vmem>>)
      %dma_wait3A_166 = arith.constant 8960 : i32
      %dma_wait3A_167 = tpu.memref_slice %arg5[%dma_wait3A_166] : memref<10752xi32, #tpu.memory_space<vmem>> -> memref<896xi32, #tpu.memory_space<vmem>>
      %dma_wait3A_168 = tpu.memref_slice %arg3[%add3A_92] : memref<1720320xi32, #tpu.memory_space<hbm>> -> memref<896xi32, #tpu.memory_space<hbm>>
      %dma_wait3A_169 = arith.constant 8960 : i32
      %dma_wait3A_170 = tpu.memref_slice %arg5[%dma_wait3A_169] : memref<10752xi32, #tpu.memory_space<vmem>> -> memref<896xi32, #tpu.memory_space<vmem>>
      %dma_wait3A_171 = tpu.memref_slice %arg3[%add3A_92] : memref<1720320xi32, #tpu.memory_space<hbm>> -> memref<896xi32, #tpu.memory_space<hbm>>
      tpu.wait_dma2 semaphore(%arg9 : memref<!tpu.dma_semaphore, #tpu.memory_space<semaphore_mem>>) src(%dma_wait3A_171 : memref<896xi32, #tpu.memory_space<hbm>>) dst(%dma_wait3A_170 : memref<896xi32, #tpu.memory_space<vmem>>)
      %dma_wait3A_172 = arith.constant 9856 : i32
      %dma_wait3A_173 = tpu.memref_slice %arg5[%dma_wait3A_172] : memref<10752xi32, #tpu.memory_space<vmem>> -> memref<896xi32, #tpu.memory_space<vmem>>
      %dma_wait3A_174 = tpu.memref_slice %arg3[%add3A_100] : memref<1720320xi32, #tpu.memory_space<hbm>> -> memref<896xi32, #tpu.memory_space<hbm>>
      %dma_wait3A_175 = arith.constant 9856 : i32
      %dma_wait3A_176 = tpu.memref_slice %arg5[%dma_wait3A_175] : memref<10752xi32, #tpu.memory_space<vmem>> -> memref<896xi32, #tpu.memory_space<vmem>>
      %dma_wait3A_177 = tpu.memref_slice %arg3[%add3A_100] : memref<1720320xi32, #tpu.memory_space<hbm>> -> memref<896xi32, #tpu.memory_space<hbm>>
      tpu.wait_dma2 semaphore(%arg9 : memref<!tpu.dma_semaphore, #tpu.memory_space<semaphore_mem>>) src(%dma_wait3A_177 : memref<896xi32, #tpu.memory_space<hbm>>) dst(%dma_wait3A_176 : memref<896xi32, #tpu.memory_space<vmem>>)
      %dma_start3A_178 = arith.constant 0 : i32
      %dma_start3A_179 = arith.constant 0 : i32
      %dma_start3A_180 = tpu.memref_slice %arg6[%dma_start3A_178, %dma_start3A_179] : memref<896x16xf32, #tpu.memory_space<vmem>> -> memref<128x16xf32, #tpu.memory_space<vmem>>
      %dma_start3A_181 = arith.constant 0 : i32
      %dma_start3A_182 = tpu.memref_slice %arg5[%dma_start3A_181] : memref<10752xi32, #tpu.memory_space<vmem>> -> memref<128xi32, #tpu.memory_space<vmem>>
      %dma_start3A_183 = arith.constant 0 : i32
      %dma_start3A_184 = arith.constant 0 : i32
      %dma_start3A_185 = tpu.memref_slice %arg2[%dma_start3A_183, %dma_start3A_184] : memref<3932160x16xf32, #tpu.memory_space<hbm>> -> memref<3932160x16xf32, #tpu.memory_space<hbm>>
      tpu.enqueue_indirect_dma source(%dma_start3A_185 : memref<3932160x16xf32, #tpu.memory_space<hbm>>) target(%dma_start3A_180 : memref<128x16xf32, #tpu.memory_space<vmem>>) offsets(%dma_start3A_182 : memref<128xi32, #tpu.memory_space<vmem>>) semaphore(%arg9 : memref<!tpu.dma_semaphore, #tpu.memory_space<semaphore_mem>>)
      %dma_start3A_186 = arith.constant 128 : i32
      %dma_start3A_187 = arith.constant 0 : i32
      %dma_start3A_188 = tpu.memref_slice %arg6[%dma_start3A_186, %dma_start3A_187] : memref<896x16xf32, #tpu.memory_space<vmem>> -> memref<128x16xf32, #tpu.memory_space<vmem>>
      %dma_start3A_189 = arith.constant 128 : i32
      %dma_start3A_190 = tpu.memref_slice %arg5[%dma_start3A_189] : memref<10752xi32, #tpu.memory_space<vmem>> -> memref<128xi32, #tpu.memory_space<vmem>>
      %dma_start3A_191 = arith.constant 0 : i32
      %dma_start3A_192 = arith.constant 0 : i32
      %dma_start3A_193 = tpu.memref_slice %arg2[%dma_start3A_191, %dma_start3A_192] : memref<3932160x16xf32, #tpu.memory_space<hbm>> -> memref<3932160x16xf32, #tpu.memory_space<hbm>>
      tpu.enqueue_indirect_dma source(%dma_start3A_193 : memref<3932160x16xf32, #tpu.memory_space<hbm>>) target(%dma_start3A_188 : memref<128x16xf32, #tpu.memory_space<vmem>>) offsets(%dma_start3A_190 : memref<128xi32, #tpu.memory_space<vmem>>) semaphore(%arg9 : memref<!tpu.dma_semaphore, #tpu.memory_space<semaphore_mem>>)
      %dma_start3A_194 = arith.constant 256 : i32
      %dma_start3A_195 = arith.constant 0 : i32
      %dma_start3A_196 = tpu.memref_slice %arg6[%dma_start3A_194, %dma_start3A_195] : memref<896x16xf32, #tpu.memory_space<vmem>> -> memref<128x16xf32, #tpu.memory_space<vmem>>
      %dma_start3A_197 = arith.constant 256 : i32
      %dma_start3A_198 = tpu.memref_slice %arg5[%dma_start3A_197] : memref<10752xi32, #tpu.memory_space<vmem>> -> memref<128xi32, #tpu.memory_space<vmem>>
      %dma_start3A_199 = arith.constant 0 : i32
      %dma_start3A_200 = arith.constant 0 : i32
      %dma_start3A_201 = tpu.memref_slice %arg2[%dma_start3A_199, %dma_start3A_200] : memref<3932160x16xf32, #tpu.memory_space<hbm>> -> memref<3932160x16xf32, #tpu.memory_space<hbm>>
      tpu.enqueue_indirect_dma source(%dma_start3A_201 : memref<3932160x16xf32, #tpu.memory_space<hbm>>) target(%dma_start3A_196 : memref<128x16xf32, #tpu.memory_space<vmem>>) offsets(%dma_start3A_198 : memref<128xi32, #tpu.memory_space<vmem>>) semaphore(%arg9 : memref<!tpu.dma_semaphore, #tpu.memory_space<semaphore_mem>>)
      %dma_start3A_202 = arith.constant 384 : i32
      %dma_start3A_203 = arith.constant 0 : i32
      %dma_start3A_204 = tpu.memref_slice %arg6[%dma_start3A_202, %dma_start3A_203] : memref<896x16xf32, #tpu.memory_space<vmem>> -> memref<128x16xf32, #tpu.memory_space<vmem>>
      %dma_start3A_205 = arith.constant 384 : i32
      %dma_start3A_206 = tpu.memref_slice %arg5[%dma_start3A_205] : memref<10752xi32, #tpu.memory_space<vmem>> -> memref<128xi32, #tpu.memory_space<vmem>>
      %dma_start3A_207 = arith.constant 0 : i32
      %dma_start3A_208 = arith.constant 0 : i32
      %dma_start3A_209 = tpu.memref_slice %arg2[%dma_start3A_207, %dma_start3A_208] : memref<3932160x16xf32, #tpu.memory_space<hbm>> -> memref<3932160x16xf32, #tpu.memory_space<hbm>>
      tpu.enqueue_indirect_dma source(%dma_start3A_209 : memref<3932160x16xf32, #tpu.memory_space<hbm>>) target(%dma_start3A_204 : memref<128x16xf32, #tpu.memory_space<vmem>>) offsets(%dma_start3A_206 : memref<128xi32, #tpu.memory_space<vmem>>) semaphore(%arg9 : memref<!tpu.dma_semaphore, #tpu.memory_space<semaphore_mem>>)
      %dma_start3A_210 = arith.constant 512 : i32
      %dma_start3A_211 = arith.constant 0 : i32
      %dma_start3A_212 = tpu.memref_slice %arg6[%dma_start3A_210, %dma_start3A_211] : memref<896x16xf32, #tpu.memory_space<vmem>> -> memref<128x16xf32, #tpu.memory_space<vmem>>
      %dma_start3A_213 = arith.constant 512 : i32
      %dma_start3A_214 = tpu.memref_slice %arg5[%dma_start3A_213] : memref<10752xi32, #tpu.memory_space<vmem>> -> memref<128xi32, #tpu.memory_space<vmem>>
      %dma_start3A_215 = arith.constant 0 : i32
      %dma_start3A_216 = arith.constant 0 : i32
      %dma_start3A_217 = tpu.memref_slice %arg2[%dma_start3A_215, %dma_start3A_216] : memref<3932160x16xf32, #tpu.memory_space<hbm>> -> memref<3932160x16xf32, #tpu.memory_space<hbm>>
      tpu.enqueue_indirect_dma source(%dma_start3A_217 : memref<3932160x16xf32, #tpu.memory_space<hbm>>) target(%dma_start3A_212 : memref<128x16xf32, #tpu.memory_space<vmem>>) offsets(%dma_start3A_214 : memref<128xi32, #tpu.memory_space<vmem>>) semaphore(%arg9 : memref<!tpu.dma_semaphore, #tpu.memory_space<semaphore_mem>>)
      %dma_start3A_218 = arith.constant 640 : i32
      %dma_start3A_219 = arith.constant 0 : i32
      %dma_start3A_220 = tpu.memref_slice %arg6[%dma_start3A_218, %dma_start3A_219] : memref<896x16xf32, #tpu.memory_space<vmem>> -> memref<128x16xf32, #tpu.memory_space<vmem>>
      %dma_start3A_221 = arith.constant 640 : i32
      %dma_start3A_222 = tpu.memref_slice %arg5[%dma_start3A_221] : memref<10752xi32, #tpu.memory_space<vmem>> -> memref<128xi32, #tpu.memory_space<vmem>>
      %dma_start3A_223 = arith.constant 0 : i32
      %dma_start3A_224 = arith.constant 0 : i32
      %dma_start3A_225 = tpu.memref_slice %arg2[%dma_start3A_223, %dma_start3A_224] : memref<3932160x16xf32, #tpu.memory_space<hbm>> -> memref<3932160x16xf32, #tpu.memory_space<hbm>>
      tpu.enqueue_indirect_dma source(%dma_start3A_225 : memref<3932160x16xf32, #tpu.memory_space<hbm>>) target(%dma_start3A_220 : memref<128x16xf32, #tpu.memory_space<vmem>>) offsets(%dma_start3A_222 : memref<128xi32, #tpu.memory_space<vmem>>) semaphore(%arg9 : memref<!tpu.dma_semaphore, #tpu.memory_space<semaphore_mem>>)
      %dma_start3A_226 = arith.constant 768 : i32
      %dma_start3A_227 = arith.constant 0 : i32
      %dma_start3A_228 = tpu.memref_slice %arg6[%dma_start3A_226, %dma_start3A_227] : memref<896x16xf32, #tpu.memory_space<vmem>> -> memref<128x16xf32, #tpu.memory_space<vmem>>
      %dma_start3A_229 = arith.constant 768 : i32
      %dma_start3A_230 = tpu.memref_slice %arg5[%dma_start3A_229] : memref<10752xi32, #tpu.memory_space<vmem>> -> memref<128xi32, #tpu.memory_space<vmem>>
      %dma_start3A_231 = arith.constant 0 : i32
      %dma_start3A_232 = arith.constant 0 : i32
      %dma_start3A_233 = tpu.memref_slice %arg2[%dma_start3A_231, %dma_start3A_232] : memref<3932160x16xf32, #tpu.memory_space<hbm>> -> memref<3932160x16xf32, #tpu.memory_space<hbm>>
      tpu.enqueue_indirect_dma source(%dma_start3A_233 : memref<3932160x16xf32, #tpu.memory_space<hbm>>) target(%dma_start3A_228 : memref<128x16xf32, #tpu.memory_space<vmem>>) offsets(%dma_start3A_230 : memref<128xi32, #tpu.memory_space<vmem>>) semaphore(%arg9 : memref<!tpu.dma_semaphore, #tpu.memory_space<semaphore_mem>>)
      %dma_start3A_234 = arith.constant 0 : i32
      %dma_start3A_235 = arith.constant 0 : i32
      %dma_start3A_236 = tpu.memref_slice %arg7[%dma_start3A_234, %dma_start3A_235] : memref<896x16xf32, #tpu.memory_space<vmem>> -> memref<128x16xf32, #tpu.memory_space<vmem>>
      %dma_start3A_237 = arith.constant 896 : i32
      %dma_start3A_238 = tpu.memref_slice %arg5[%dma_start3A_237] : memref<10752xi32, #tpu.memory_space<vmem>> -> memref<128xi32, #tpu.memory_space<vmem>>
      %dma_start3A_239 = arith.constant 0 : i32
      %dma_start3A_240 = arith.constant 0 : i32
      %dma_start3A_241 = tpu.memref_slice %arg2[%dma_start3A_239, %dma_start3A_240] : memref<3932160x16xf32, #tpu.memory_space<hbm>> -> memref<3932160x16xf32, #tpu.memory_space<hbm>>
      tpu.enqueue_indirect_dma source(%dma_start3A_241 : memref<3932160x16xf32, #tpu.memory_space<hbm>>) target(%dma_start3A_236 : memref<128x16xf32, #tpu.memory_space<vmem>>) offsets(%dma_start3A_238 : memref<128xi32, #tpu.memory_space<vmem>>) semaphore(%arg10 : memref<!tpu.dma_semaphore, #tpu.memory_space<semaphore_mem>>)
      %dma_start3A_242 = arith.constant 128 : i32
      %dma_start3A_243 = arith.constant 0 : i32
      %dma_start3A_244 = tpu.memref_slice %arg7[%dma_start3A_242, %dma_start3A_243] : memref<896x16xf32, #tpu.memory_space<vmem>> -> memref<128x16xf32, #tpu.memory_space<vmem>>
      %dma_start3A_245 = arith.constant 1024 : i32
      %dma_start3A_246 = tpu.memref_slice %arg5[%dma_start3A_245] : memref<10752xi32, #tpu.memory_space<vmem>> -> memref<128xi32, #tpu.memory_space<vmem>>
      %dma_start3A_247 = arith.constant 0 : i32
      %dma_start3A_248 = arith.constant 0 : i32
      %dma_start3A_249 = tpu.memref_slice %arg2[%dma_start3A_247, %dma_start3A_248] : memref<3932160x16xf32, #tpu.memory_space<hbm>> -> memref<3932160x16xf32, #tpu.memory_space<hbm>>
      tpu.enqueue_indirect_dma source(%dma_start3A_249 : memref<3932160x16xf32, #tpu.memory_space<hbm>>) target(%dma_start3A_244 : memref<128x16xf32, #tpu.memory_space<vmem>>) offsets(%dma_start3A_246 : memref<128xi32, #tpu.memory_space<vmem>>) semaphore(%arg10 : memref<!tpu.dma_semaphore, #tpu.memory_space<semaphore_mem>>)
      %dma_start3A_250 = arith.constant 256 : i32
      %dma_start3A_251 = arith.constant 0 : i32
      %dma_start3A_252 = tpu.memref_slice %arg7[%dma_start3A_250, %dma_start3A_251] : memref<896x16xf32, #tpu.memory_space<vmem>> -> memref<128x16xf32, #tpu.memory_space<vmem>>
      %dma_start3A_253 = arith.constant 1152 : i32
      %dma_start3A_254 = tpu.memref_slice %arg5[%dma_start3A_253] : memref<10752xi32, #tpu.memory_space<vmem>> -> memref<128xi32, #tpu.memory_space<vmem>>
      %dma_start3A_255 = arith.constant 0 : i32
      %dma_start3A_256 = arith.constant 0 : i32
      %dma_start3A_257 = tpu.memref_slice %arg2[%dma_start3A_255, %dma_start3A_256] : memref<3932160x16xf32, #tpu.memory_space<hbm>> -> memref<3932160x16xf32, #tpu.memory_space<hbm>>
      tpu.enqueue_indirect_dma source(%dma_start3A_257 : memref<3932160x16xf32, #tpu.memory_space<hbm>>) target(%dma_start3A_252 : memref<128x16xf32, #tpu.memory_space<vmem>>) offsets(%dma_start3A_254 : memref<128xi32, #tpu.memory_space<vmem>>) semaphore(%arg10 : memref<!tpu.dma_semaphore, #tpu.memory_space<semaphore_mem>>)
      %dma_start3A_258 = arith.constant 384 : i32
      %dma_start3A_259 = arith.constant 0 : i32
      %dma_start3A_260 = tpu.memref_slice %arg7[%dma_start3A_258, %dma_start3A_259] : memref<896x16xf32, #tpu.memory_space<vmem>> -> memref<128x16xf32, #tpu.memory_space<vmem>>
      %dma_start3A_261 = arith.constant 1280 : i32
      %dma_start3A_262 = tpu.memref_slice %arg5[%dma_start3A_261] : memref<10752xi32, #tpu.memory_space<vmem>> -> memref<128xi32, #tpu.memory_space<vmem>>
      %dma_start3A_263 = arith.constant 0 : i32
      %dma_start3A_264 = arith.constant 0 : i32
      %dma_start3A_265 = tpu.memref_slice %arg2[%dma_start3A_263, %dma_start3A_264] : memref<3932160x16xf32, #tpu.memory_space<hbm>> -> memref<3932160x16xf32, #tpu.memory_space<hbm>>
      tpu.enqueue_indirect_dma source(%dma_start3A_265 : memref<3932160x16xf32, #tpu.memory_space<hbm>>) target(%dma_start3A_260 : memref<128x16xf32, #tpu.memory_space<vmem>>) offsets(%dma_start3A_262 : memref<128xi32, #tpu.memory_space<vmem>>) semaphore(%arg10 : memref<!tpu.dma_semaphore, #tpu.memory_space<semaphore_mem>>)
      %dma_start3A_266 = arith.constant 512 : i32
      %dma_start3A_267 = arith.constant 0 : i32
      %dma_start3A_268 = tpu.memref_slice %arg7[%dma_start3A_266, %dma_start3A_267] : memref<896x16xf32, #tpu.memory_space<vmem>> -> memref<128x16xf32, #tpu.memory_space<vmem>>
      %dma_start3A_269 = arith.constant 1408 : i32
      %dma_start3A_270 = tpu.memref_slice %arg5[%dma_start3A_269] : memref<10752xi32, #tpu.memory_space<vmem>> -> memref<128xi32, #tpu.memory_space<vmem>>
      %dma_start3A_271 = arith.constant 0 : i32
      %dma_start3A_272 = arith.constant 0 : i32
      %dma_start3A_273 = tpu.memref_slice %arg2[%dma_start3A_271, %dma_start3A_272] : memref<3932160x16xf32, #tpu.memory_space<hbm>> -> memref<3932160x16xf32, #tpu.memory_space<hbm>>
      tpu.enqueue_indirect_dma source(%dma_start3A_273 : memref<3932160x16xf32, #tpu.memory_space<hbm>>) target(%dma_start3A_268 : memref<128x16xf32, #tpu.memory_space<vmem>>) offsets(%dma_start3A_270 : memref<128xi32, #tpu.memory_space<vmem>>) semaphore(%arg10 : memref<!tpu.dma_semaphore, #tpu.memory_space<semaphore_mem>>)
      %dma_start3A_274 = arith.constant 640 : i32
      %dma_start3A_275 = arith.constant 0 : i32
      %dma_start3A_276 = tpu.memref_slice %arg7[%dma_start3A_274, %dma_start3A_275] : memref<896x16xf32, #tpu.memory_space<vmem>> -> memref<128x16xf32, #tpu.memory_space<vmem>>
      %dma_start3A_277 = arith.constant 1536 : i32
      %dma_start3A_278 = tpu.memref_slice %arg5[%dma_start3A_277] : memref<10752xi32, #tpu.memory_space<vmem>> -> memref<128xi32, #tpu.memory_space<vmem>>
      %dma_start3A_279 = arith.constant 0 : i32
      %dma_start3A_280 = arith.constant 0 : i32
      %dma_start3A_281 = tpu.memref_slice %arg2[%dma_start3A_279, %dma_start3A_280] : memref<3932160x16xf32, #tpu.memory_space<hbm>> -> memref<3932160x16xf32, #tpu.memory_space<hbm>>
      tpu.enqueue_indirect_dma source(%dma_start3A_281 : memref<3932160x16xf32, #tpu.memory_space<hbm>>) target(%dma_start3A_276 : memref<128x16xf32, #tpu.memory_space<vmem>>) offsets(%dma_start3A_278 : memref<128xi32, #tpu.memory_space<vmem>>) semaphore(%arg10 : memref<!tpu.dma_semaphore, #tpu.memory_space<semaphore_mem>>)
      %dma_start3A_282 = arith.constant 768 : i32
      %dma_start3A_283 = arith.constant 0 : i32
      %dma_start3A_284 = tpu.memref_slice %arg7[%dma_start3A_282, %dma_start3A_283] : memref<896x16xf32, #tpu.memory_space<vmem>> -> memref<128x16xf32, #tpu.memory_space<vmem>>
      %dma_start3A_285 = arith.constant 1664 : i32
      %dma_start3A_286 = tpu.memref_slice %arg5[%dma_start3A_285] : memref<10752xi32, #tpu.memory_space<vmem>> -> memref<128xi32, #tpu.memory_space<vmem>>
      %dma_start3A_287 = arith.constant 0 : i32
      %dma_start3A_288 = arith.constant 0 : i32
      %dma_start3A_289 = tpu.memref_slice %arg2[%dma_start3A_287, %dma_start3A_288] : memref<3932160x16xf32, #tpu.memory_space<hbm>> -> memref<3932160x16xf32, #tpu.memory_space<hbm>>
      tpu.enqueue_indirect_dma source(%dma_start3A_289 : memref<3932160x16xf32, #tpu.memory_space<hbm>>) target(%dma_start3A_284 : memref<128x16xf32, #tpu.memory_space<vmem>>) offsets(%dma_start3A_286 : memref<128xi32, #tpu.memory_space<vmem>>) semaphore(%arg10 : memref<!tpu.dma_semaphore, #tpu.memory_space<semaphore_mem>>)
      %dma_wait3A_290 = arith.constant 0 : i32
      %dma_wait3A_291 = arith.constant 0 : i32
      %dma_wait3A_292 = tpu.memref_slice %arg6[%dma_wait3A_290, %dma_wait3A_291] : memref<896x16xf32, #tpu.memory_space<vmem>> -> memref<128x16xf32, #tpu.memory_space<vmem>>
      %dma_wait3A_293 = arith.constant 0 : i32
      %dma_wait3A_294 = tpu.memref_slice %arg5[%dma_wait3A_293] : memref<10752xi32, #tpu.memory_space<vmem>> -> memref<128xi32, #tpu.memory_space<vmem>>
      %dma_wait3A_295 = arith.constant 0 : i32
      %dma_wait3A_296 = arith.constant 0 : i32
      %dma_wait3A_297 = tpu.memref_slice %arg2[%dma_wait3A_295, %dma_wait3A_296] : memref<3932160x16xf32, #tpu.memory_space<hbm>> -> memref<3932160x16xf32, #tpu.memory_space<hbm>>
      tpu.wait_indirect_dma semaphore(%arg9 : memref<!tpu.dma_semaphore, #tpu.memory_space<semaphore_mem>>) src(%dma_wait3A_297 : memref<3932160x16xf32, #tpu.memory_space<hbm>>) dst(%dma_wait3A_292 : memref<128x16xf32, #tpu.memory_space<vmem>>)
      %dma_wait3A_298 = arith.constant 128 : i32
      %dma_wait3A_299 = arith.constant 0 : i32
      %dma_wait3A_300 = tpu.memref_slice %arg6[%dma_wait3A_298, %dma_wait3A_299] : memref<896x16xf32, #tpu.memory_space<vmem>> -> memref<128x16xf32, #tpu.memory_space<vmem>>
      %dma_wait3A_301 = arith.constant 128 : i32
      %dma_wait3A_302 = tpu.memref_slice %arg5[%dma_wait3A_301] : memref<10752xi32, #tpu.memory_space<vmem>> -> memref<128xi32, #tpu.memory_space<vmem>>
      %dma_wait3A_303 = arith.constant 0 : i32
      %dma_wait3A_304 = arith.constant 0 : i32
      %dma_wait3A_305 = tpu.memref_slice %arg2[%dma_wait3A_303, %dma_wait3A_304] : memref<3932160x16xf32, #tpu.memory_space<hbm>> -> memref<3932160x16xf32, #tpu.memory_space<hbm>>
      tpu.wait_indirect_dma semaphore(%arg9 : memref<!tpu.dma_semaphore, #tpu.memory_space<semaphore_mem>>) src(%dma_wait3A_305 : memref<3932160x16xf32, #tpu.memory_space<hbm>>) dst(%dma_wait3A_300 : memref<128x16xf32, #tpu.memory_space<vmem>>)
      %dma_wait3A_306 = arith.constant 256 : i32
      %dma_wait3A_307 = arith.constant 0 : i32
      %dma_wait3A_308 = tpu.memref_slice %arg6[%dma_wait3A_306, %dma_wait3A_307] : memref<896x16xf32, #tpu.memory_space<vmem>> -> memref<128x16xf32, #tpu.memory_space<vmem>>
      %dma_wait3A_309 = arith.constant 256 : i32
      %dma_wait3A_310 = tpu.memref_slice %arg5[%dma_wait3A_309] : memref<10752xi32, #tpu.memory_space<vmem>> -> memref<128xi32, #tpu.memory_space<vmem>>
      %dma_wait3A_311 = arith.constant 0 : i32
      %dma_wait3A_312 = arith.constant 0 : i32
      %dma_wait3A_313 = tpu.memref_slice %arg2[%dma_wait3A_311, %dma_wait3A_312] : memref<3932160x16xf32, #tpu.memory_space<hbm>> -> memref<3932160x16xf32, #tpu.memory_space<hbm>>
      tpu.wait_indirect_dma semaphore(%arg9 : memref<!tpu.dma_semaphore, #tpu.memory_space<semaphore_mem>>) src(%dma_wait3A_313 : memref<3932160x16xf32, #tpu.memory_space<hbm>>) dst(%dma_wait3A_308 : memref<128x16xf32, #tpu.memory_space<vmem>>)
      %dma_wait3A_314 = arith.constant 384 : i32
      %dma_wait3A_315 = arith.constant 0 : i32
      %dma_wait3A_316 = tpu.memref_slice %arg6[%dma_wait3A_314, %dma_wait3A_315] : memref<896x16xf32, #tpu.memory_space<vmem>> -> memref<128x16xf32, #tpu.memory_space<vmem>>
      %dma_wait3A_317 = arith.constant 384 : i32
      %dma_wait3A_318 = tpu.memref_slice %arg5[%dma_wait3A_317] : memref<10752xi32, #tpu.memory_space<vmem>> -> memref<128xi32, #tpu.memory_space<vmem>>
      %dma_wait3A_319 = arith.constant 0 : i32
      %dma_wait3A_320 = arith.constant 0 : i32
      %dma_wait3A_321 = tpu.memref_slice %arg2[%dma_wait3A_319, %dma_wait3A_320] : memref<3932160x16xf32, #tpu.memory_space<hbm>> -> memref<3932160x16xf32, #tpu.memory_space<hbm>>
      tpu.wait_indirect_dma semaphore(%arg9 : memref<!tpu.dma_semaphore, #tpu.memory_space<semaphore_mem>>) src(%dma_wait3A_321 : memref<3932160x16xf32, #tpu.memory_space<hbm>>) dst(%dma_wait3A_316 : memref<128x16xf32, #tpu.memory_space<vmem>>)
      %dma_wait3A_322 = arith.constant 512 : i32
      %dma_wait3A_323 = arith.constant 0 : i32
      %dma_wait3A_324 = tpu.memref_slice %arg6[%dma_wait3A_322, %dma_wait3A_323] : memref<896x16xf32, #tpu.memory_space<vmem>> -> memref<128x16xf32, #tpu.memory_space<vmem>>
      %dma_wait3A_325 = arith.constant 512 : i32
      %dma_wait3A_326 = tpu.memref_slice %arg5[%dma_wait3A_325] : memref<10752xi32, #tpu.memory_space<vmem>> -> memref<128xi32, #tpu.memory_space<vmem>>
      %dma_wait3A_327 = arith.constant 0 : i32
      %dma_wait3A_328 = arith.constant 0 : i32
      %dma_wait3A_329 = tpu.memref_slice %arg2[%dma_wait3A_327, %dma_wait3A_328] : memref<3932160x16xf32, #tpu.memory_space<hbm>> -> memref<3932160x16xf32, #tpu.memory_space<hbm>>
      tpu.wait_indirect_dma semaphore(%arg9 : memref<!tpu.dma_semaphore, #tpu.memory_space<semaphore_mem>>) src(%dma_wait3A_329 : memref<3932160x16xf32, #tpu.memory_space<hbm>>) dst(%dma_wait3A_324 : memref<128x16xf32, #tpu.memory_space<vmem>>)
      %dma_wait3A_330 = arith.constant 640 : i32
      %dma_wait3A_331 = arith.constant 0 : i32
      %dma_wait3A_332 = tpu.memref_slice %arg6[%dma_wait3A_330, %dma_wait3A_331] : memref<896x16xf32, #tpu.memory_space<vmem>> -> memref<128x16xf32, #tpu.memory_space<vmem>>
      %dma_wait3A_333 = arith.constant 640 : i32
      %dma_wait3A_334 = tpu.memref_slice %arg5[%dma_wait3A_333] : memref<10752xi32, #tpu.memory_space<vmem>> -> memref<128xi32, #tpu.memory_space<vmem>>
      %dma_wait3A_335 = arith.constant 0 : i32
      %dma_wait3A_336 = arith.constant 0 : i32
      %dma_wait3A_337 = tpu.memref_slice %arg2[%dma_wait3A_335, %dma_wait3A_336] : memref<3932160x16xf32, #tpu.memory_space<hbm>> -> memref<3932160x16xf32, #tpu.memory_space<hbm>>
      tpu.wait_indirect_dma semaphore(%arg9 : memref<!tpu.dma_semaphore, #tpu.memory_space<semaphore_mem>>) src(%dma_wait3A_337 : memref<3932160x16xf32, #tpu.memory_space<hbm>>) dst(%dma_wait3A_332 : memref<128x16xf32, #tpu.memory_space<vmem>>)
      %dma_wait3A_338 = arith.constant 768 : i32
      %dma_wait3A_339 = arith.constant 0 : i32
      %dma_wait3A_340 = tpu.memref_slice %arg6[%dma_wait3A_338, %dma_wait3A_339] : memref<896x16xf32, #tpu.memory_space<vmem>> -> memref<128x16xf32, #tpu.memory_space<vmem>>
      %dma_wait3A_341 = arith.constant 768 : i32
      %dma_wait3A_342 = tpu.memref_slice %arg5[%dma_wait3A_341] : memref<10752xi32, #tpu.memory_space<vmem>> -> memref<128xi32, #tpu.memory_space<vmem>>
      %dma_wait3A_343 = arith.constant 0 : i32
      %dma_wait3A_344 = arith.constant 0 : i32
      %dma_wait3A_345 = tpu.memref_slice %arg2[%dma_wait3A_343, %dma_wait3A_344] : memref<3932160x16xf32, #tpu.memory_space<hbm>> -> memref<3932160x16xf32, #tpu.memory_space<hbm>>
      tpu.wait_indirect_dma semaphore(%arg9 : memref<!tpu.dma_semaphore, #tpu.memory_space<semaphore_mem>>) src(%dma_wait3A_345 : memref<3932160x16xf32, #tpu.memory_space<hbm>>) dst(%dma_wait3A_340 : memref<128x16xf32, #tpu.memory_space<vmem>>)
      %scan3A_346 = arith.constant 0 : i32
      %scan3A_347 = arith.constant 0 : i32
      %scan3A_348 = arith.constant 896 : i32
      %scan3A_349 = arith.addi %scan3A_347, %scan3A_348 : i32
      %scan3A_350 = arith.constant 8 : i32
      scf.for %scan3A_1594 = %scan3A_347 to %scan3A_349 step %scan3A_350  : i32 {
        %get3A = arith.index_cast %scan3A_1594 : i32 to index
        %get3A_1595 = arith.constant 0 : index
        %get3A_1596 = tpu.vector_load %arg6[%get3A, %get3A_1595] {strides = array<i32>} : memref<896x16xf32, #tpu.memory_space<vmem>>, vector<1x16xf32>,
        %get3A_1597 = vector.shape_cast %get3A_1596 : vector<1x16xf32> to vector<16xf32>
        %swap3A = arith.index_cast %scan3A_1594 : i32 to index
        %swap3A_1598 = arith.constant 0 : index
        %swap3A_1599 = tpu.vector_load %arg8[%swap3A, %swap3A_1598] {strides = array<i32>} : memref<896x16xf32, #tpu.memory_space<vmem>>, vector<1x16xf32>,
        %swap3A_1600 = vector.shape_cast %swap3A_1599 : vector<1x16xf32> to vector<16xf32>
        %swap3A_1601 = vector.shape_cast %get3A_1597 : vector<16xf32> to vector<1x16xf32>
        tpu.vector_store %arg8[%swap3A, %swap3A_1598], %swap3A_1601 {strides = array<i32>} : memref<896x16xf32, #tpu.memory_space<vmem>>, vector<1x16xf32>,
        %scan3A_1602 = arith.constant 1 : i32
        %scan3A_1603 = arith.addi %scan3A_1594, %scan3A_1602 : i32
        %get3A_1604 = arith.index_cast %scan3A_1603 : i32 to index
        %get3A_1605 = arith.constant 0 : index
        %get3A_1606 = tpu.vector_load %arg6[%get3A_1604, %get3A_1605] {strides = array<i32>} : memref<896x16xf32, #tpu.memory_space<vmem>>, vector<1x16xf32>,
        %get3A_1607 = vector.shape_cast %get3A_1606 : vector<1x16xf32> to vector<16xf32>
        %swap3A_1608 = arith.index_cast %scan3A_1603 : i32 to index
        %swap3A_1609 = arith.constant 0 : index
        %swap3A_1610 = tpu.vector_load %arg8[%swap3A_1608, %swap3A_1609] {strides = array<i32>} : memref<896x16xf32, #tpu.memory_space<vmem>>, vector<1x16xf32>,
        %swap3A_1611 = vector.shape_cast %swap3A_1610 : vector<1x16xf32> to vector<16xf32>
        %swap3A_1612 = vector.shape_cast %get3A_1607 : vector<16xf32> to vector<1x16xf32>
        tpu.vector_store %arg8[%swap3A_1608, %swap3A_1609], %swap3A_1612 {strides = array<i32>} : memref<896x16xf32, #tpu.memory_space<vmem>>, vector<1x16xf32>,
        %scan3A_1613 = arith.constant 2 : i32
        %scan3A_1614 = arith.addi %scan3A_1594, %scan3A_1613 : i32
        %get3A_1615 = arith.index_cast %scan3A_1614 : i32 to index
        %get3A_1616 = arith.constant 0 : index
        %get3A_1617 = tpu.vector_load %arg6[%get3A_1615, %get3A_1616] {strides = array<i32>} : memref<896x16xf32, #tpu.memory_space<vmem>>, vector<1x16xf32>,
        %get3A_1618 = vector.shape_cast %get3A_1617 : vector<1x16xf32> to vector<16xf32>
        %swap3A_1619 = arith.index_cast %scan3A_1614 : i32 to index
        %swap3A_1620 = arith.constant 0 : index
        %swap3A_1621 = tpu.vector_load %arg8[%swap3A_1619, %swap3A_1620] {strides = array<i32>} : memref<896x16xf32, #tpu.memory_space<vmem>>, vector<1x16xf32>,
        %swap3A_1622 = vector.shape_cast %swap3A_1621 : vector<1x16xf32> to vector<16xf32>
        %swap3A_1623 = vector.shape_cast %get3A_1618 : vector<16xf32> to vector<1x16xf32>
        tpu.vector_store %arg8[%swap3A_1619, %swap3A_1620], %swap3A_1623 {strides = array<i32>} : memref<896x16xf32, #tpu.memory_space<vmem>>, vector<1x16xf32>,
        %scan3A_1624 = arith.constant 3 : i32
        %scan3A_1625 = arith.addi %scan3A_1594, %scan3A_1624 : i32
        %get3A_1626 = arith.index_cast %scan3A_1625 : i32 to index
        %get3A_1627 = arith.constant 0 : index
        %get3A_1628 = tpu.vector_load %arg6[%get3A_1626, %get3A_1627] {strides = array<i32>} : memref<896x16xf32, #tpu.memory_space<vmem>>, vector<1x16xf32>,
        %get3A_1629 = vector.shape_cast %get3A_1628 : vector<1x16xf32> to vector<16xf32>
        %swap3A_1630 = arith.index_cast %scan3A_1625 : i32 to index
        %swap3A_1631 = arith.constant 0 : index
        %swap3A_1632 = tpu.vector_load %arg8[%swap3A_1630, %swap3A_1631] {strides = array<i32>} : memref<896x16xf32, #tpu.memory_space<vmem>>, vector<1x16xf32>,
        %swap3A_1633 = vector.shape_cast %swap3A_1632 : vector<1x16xf32> to vector<16xf32>
        %swap3A_1634 = vector.shape_cast %get3A_1629 : vector<16xf32> to vector<1x16xf32>
        tpu.vector_store %arg8[%swap3A_1630, %swap3A_1631], %swap3A_1634 {strides = array<i32>} : memref<896x16xf32, #tpu.memory_space<vmem>>, vector<1x16xf32>,
        %scan3A_1635 = arith.constant 4 : i32
        %scan3A_1636 = arith.addi %scan3A_1594, %scan3A_1635 : i32
        %get3A_1637 = arith.index_cast %scan3A_1636 : i32 to index
        %get3A_1638 = arith.constant 0 : index
        %get3A_1639 = tpu.vector_load %arg6[%get3A_1637, %get3A_1638] {strides = array<i32>} : memref<896x16xf32, #tpu.memory_space<vmem>>, vector<1x16xf32>,
        %get3A_1640 = vector.shape_cast %get3A_1639 : vector<1x16xf32> to vector<16xf32>
        %swap3A_1641 = arith.index_cast %scan3A_1636 : i32 to index
        %swap3A_1642 = arith.constant 0 : index
        %swap3A_1643 = tpu.vector_load %arg8[%swap3A_1641, %swap3A_1642] {strides = array<i32>} : memref<896x16xf32, #tpu.memory_space<vmem>>, vector<1x16xf32>,
        %swap3A_1644 = vector.shape_cast %swap3A_1643 : vector<1x16xf32> to vector<16xf32>
        %swap3A_1645 = vector.shape_cast %get3A_1640 : vector<16xf32> to vector<1x16xf32>
        tpu.vector_store %arg8[%swap3A_1641, %swap3A_1642], %swap3A_1645 {strides = array<i32>} : memref<896x16xf32, #tpu.memory_space<vmem>>, vector<1x16xf32>,
        %scan3A_1646 = arith.constant 5 : i32
        %scan3A_1647 = arith.addi %scan3A_1594, %scan3A_1646 : i32
        %get3A_1648 = arith.index_cast %scan3A_1647 : i32 to index
        %get3A_1649 = arith.constant 0 : index
        %get3A_1650 = tpu.vector_load %arg6[%get3A_1648, %get3A_1649] {strides = array<i32>} : memref<896x16xf32, #tpu.memory_space<vmem>>, vector<1x16xf32>,
        %get3A_1651 = vector.shape_cast %get3A_1650 : vector<1x16xf32> to vector<16xf32>
        %swap3A_1652 = arith.index_cast %scan3A_1647 : i32 to index
        %swap3A_1653 = arith.constant 0 : index
        %swap3A_1654 = tpu.vector_load %arg8[%swap3A_1652, %swap3A_1653] {strides = array<i32>} : memref<896x16xf32, #tpu.memory_space<vmem>>, vector<1x16xf32>,
        %swap3A_1655 = vector.shape_cast %swap3A_1654 : vector<1x16xf32> to vector<16xf32>
        %swap3A_1656 = vector.shape_cast %get3A_1651 : vector<16xf32> to vector<1x16xf32>
        tpu.vector_store %arg8[%swap3A_1652, %swap3A_1653], %swap3A_1656 {strides = array<i32>} : memref<896x16xf32, #tpu.memory_space<vmem>>, vector<1x16xf32>,
        %scan3A_1657 = arith.constant 6 : i32
        %scan3A_1658 = arith.addi %scan3A_1594, %scan3A_1657 : i32
        %get3A_1659 = arith.index_cast %scan3A_1658 : i32 to index
        %get3A_1660 = arith.constant 0 : index
        %get3A_1661 = tpu.vector_load %arg6[%get3A_1659, %get3A_1660] {strides = array<i32>} : memref<896x16xf32, #tpu.memory_space<vmem>>, vector<1x16xf32>,
        %get3A_1662 = vector.shape_cast %get3A_1661 : vector<1x16xf32> to vector<16xf32>
        %swap3A_1663 = arith.index_cast %scan3A_1658 : i32 to index
        %swap3A_1664 = arith.constant 0 : index
        %swap3A_1665 = tpu.vector_load %arg8[%swap3A_1663, %swap3A_1664] {strides = array<i32>} : memref<896x16xf32, #tpu.memory_space<vmem>>, vector<1x16xf32>,
        %swap3A_1666 = vector.shape_cast %swap3A_1665 : vector<1x16xf32> to vector<16xf32>
        %swap3A_1667 = vector.shape_cast %get3A_1662 : vector<16xf32> to vector<1x16xf32>
        tpu.vector_store %arg8[%swap3A_1663, %swap3A_1664], %swap3A_1667 {strides = array<i32>} : memref<896x16xf32, #tpu.memory_space<vmem>>, vector<1x16xf32>,
        %scan3A_1668 = arith.constant 7 : i32
        %scan3A_1669 = arith.addi %scan3A_1594, %scan3A_1668 : i32
        %get3A_1670 = arith.index_cast %scan3A_1669 : i32 to index
        %get3A_1671 = arith.constant 0 : index
        %get3A_1672 = tpu.vector_load %arg6[%get3A_1670, %get3A_1671] {strides = array<i32>} : memref<896x16xf32, #tpu.memory_space<vmem>>, vector<1x16xf32>,
        %get3A_1673 = vector.shape_cast %get3A_1672 : vector<1x16xf32> to vector<16xf32>
        %swap3A_1674 = arith.index_cast %scan3A_1669 : i32 to index
        %swap3A_1675 = arith.constant 0 : index
        %swap3A_1676 = tpu.vector_load %arg8[%swap3A_1674, %swap3A_1675] {strides = array<i32>} : memref<896x16xf32, #tpu.memory_space<vmem>>, vector<1x16xf32>,
        %swap3A_1677 = vector.shape_cast %swap3A_1676 : vector<1x16xf32> to vector<16xf32>
        %swap3A_1678 = vector.shape_cast %get3A_1673 : vector<16xf32> to vector<1x16xf32>
        tpu.vector_store %arg8[%swap3A_1674, %swap3A_1675], %swap3A_1678 {strides = array<i32>} : memref<896x16xf32, #tpu.memory_space<vmem>>, vector<1x16xf32>,
      }
      %scan3A_351 = arith.constant 896 : i32
      %dma_start3A_352 = arith.constant 0 : i32
      %dma_start3A_353 = arith.constant 0 : i32
      %dma_start3A_354 = tpu.memref_slice %arg6[%dma_start3A_352, %dma_start3A_353] : memref<896x16xf32, #tpu.memory_space<vmem>> -> memref<128x16xf32, #tpu.memory_space<vmem>>
      %dma_start3A_355 = arith.constant 1792 : i32
      %dma_start3A_356 = tpu.memref_slice %arg5[%dma_start3A_355] : memref<10752xi32, #tpu.memory_space<vmem>> -> memref<128xi32, #tpu.memory_space<vmem>>
      %dma_start3A_357 = arith.constant 0 : i32
      %dma_start3A_358 = arith.constant 0 : i32
      %dma_start3A_359 = tpu.memref_slice %arg2[%dma_start3A_357, %dma_start3A_358] : memref<3932160x16xf32, #tpu.memory_space<hbm>> -> memref<3932160x16xf32, #tpu.memory_space<hbm>>
      tpu.enqueue_indirect_dma source(%dma_start3A_359 : memref<3932160x16xf32, #tpu.memory_space<hbm>>) target(%dma_start3A_354 : memref<128x16xf32, #tpu.memory_space<vmem>>) offsets(%dma_start3A_356 : memref<128xi32, #tpu.memory_space<vmem>>) semaphore(%arg9 : memref<!tpu.dma_semaphore, #tpu.memory_space<semaphore_mem>>)
      %dma_start3A_360 = arith.constant 128 : i32
      %dma_start3A_361 = arith.constant 0 : i32
      %dma_start3A_362 = tpu.memref_slice %arg6[%dma_start3A_360, %dma_start3A_361] : memref<896x16xf32, #tpu.memory_space<vmem>> -> memref<128x16xf32, #tpu.memory_space<vmem>>
      %dma_start3A_363 = arith.constant 1920 : i32
      %dma_start3A_364 = tpu.memref_slice %arg5[%dma_start3A_363] : memref<10752xi32, #tpu.memory_space<vmem>> -> memref<128xi32, #tpu.memory_space<vmem>>
      %dma_start3A_365 = arith.constant 0 : i32
      %dma_start3A_366 = arith.constant 0 : i32
      %dma_start3A_367 = tpu.memref_slice %arg2[%dma_start3A_365, %dma_start3A_366] : memref<3932160x16xf32, #tpu.memory_space<hbm>> -> memref<3932160x16xf32, #tpu.memory_space<hbm>>
      tpu.enqueue_indirect_dma source(%dma_start3A_367 : memref<3932160x16xf32, #tpu.memory_space<hbm>>) target(%dma_start3A_362 : memref<128x16xf32, #tpu.memory_space<vmem>>) offsets(%dma_start3A_364 : memref<128xi32, #tpu.memory_space<vmem>>) semaphore(%arg9 : memref<!tpu.dma_semaphore, #tpu.memory_space<semaphore_mem>>)
      %dma_start3A_368 = arith.constant 256 : i32
      %dma_start3A_369 = arith.constant 0 : i32
      %dma_start3A_370 = tpu.memref_slice %arg6[%dma_start3A_368, %dma_start3A_369] : memref<896x16xf32, #tpu.memory_space<vmem>> -> memref<128x16xf32, #tpu.memory_space<vmem>>
      %dma_start3A_371 = arith.constant 2048 : i32
      %dma_start3A_372 = tpu.memref_slice %arg5[%dma_start3A_371] : memref<10752xi32, #tpu.memory_space<vmem>> -> memref<128xi32, #tpu.memory_space<vmem>>
      %dma_start3A_373 = arith.constant 0 : i32
      %dma_start3A_374 = arith.constant 0 : i32
      %dma_start3A_375 = tpu.memref_slice %arg2[%dma_start3A_373, %dma_start3A_374] : memref<3932160x16xf32, #tpu.memory_space<hbm>> -> memref<3932160x16xf32, #tpu.memory_space<hbm>>
      tpu.enqueue_indirect_dma source(%dma_start3A_375 : memref<3932160x16xf32, #tpu.memory_space<hbm>>) target(%dma_start3A_370 : memref<128x16xf32, #tpu.memory_space<vmem>>) offsets(%dma_start3A_372 : memref<128xi32, #tpu.memory_space<vmem>>) semaphore(%arg9 : memref<!tpu.dma_semaphore, #tpu.memory_space<semaphore_mem>>)
      %dma_start3A_376 = arith.constant 384 : i32
      %dma_start3A_377 = arith.constant 0 : i32
      %dma_start3A_378 = tpu.memref_slice %arg6[%dma_start3A_376, %dma_start3A_377] : memref<896x16xf32, #tpu.memory_space<vmem>> -> memref<128x16xf32, #tpu.memory_space<vmem>>
      %dma_start3A_379 = arith.constant 2176 : i32
      %dma_start3A_380 = tpu.memref_slice %arg5[%dma_start3A_379] : memref<10752xi32, #tpu.memory_space<vmem>> -> memref<128xi32, #tpu.memory_space<vmem>>
      %dma_start3A_381 = arith.constant 0 : i32
      %dma_start3A_382 = arith.constant 0 : i32
      %dma_start3A_383 = tpu.memref_slice %arg2[%dma_start3A_381, %dma_start3A_382] : memref<3932160x16xf32, #tpu.memory_space<hbm>> -> memref<3932160x16xf32, #tpu.memory_space<hbm>>
      tpu.enqueue_indirect_dma source(%dma_start3A_383 : memref<3932160x16xf32, #tpu.memory_space<hbm>>) target(%dma_start3A_378 : memref<128x16xf32, #tpu.memory_space<vmem>>) offsets(%dma_start3A_380 : memref<128xi32, #tpu.memory_space<vmem>>) semaphore(%arg9 : memref<!tpu.dma_semaphore, #tpu.memory_space<semaphore_mem>>)
      %dma_start3A_384 = arith.constant 512 : i32
      %dma_start3A_385 = arith.constant 0 : i32
      %dma_start3A_386 = tpu.memref_slice %arg6[%dma_start3A_384, %dma_start3A_385] : memref<896x16xf32, #tpu.memory_space<vmem>> -> memref<128x16xf32, #tpu.memory_space<vmem>>
      %dma_start3A_387 = arith.constant 2304 : i32
      %dma_start3A_388 = tpu.memref_slice %arg5[%dma_start3A_387] : memref<10752xi32, #tpu.memory_space<vmem>> -> memref<128xi32, #tpu.memory_space<vmem>>
      %dma_start3A_389 = arith.constant 0 : i32
      %dma_start3A_390 = arith.constant 0 : i32
      %dma_start3A_391 = tpu.memref_slice %arg2[%dma_start3A_389, %dma_start3A_390] : memref<3932160x16xf32, #tpu.memory_space<hbm>> -> memref<3932160x16xf32, #tpu.memory_space<hbm>>
      tpu.enqueue_indirect_dma source(%dma_start3A_391 : memref<3932160x16xf32, #tpu.memory_space<hbm>>) target(%dma_start3A_386 : memref<128x16xf32, #tpu.memory_space<vmem>>) offsets(%dma_start3A_388 : memref<128xi32, #tpu.memory_space<vmem>>) semaphore(%arg9 : memref<!tpu.dma_semaphore, #tpu.memory_space<semaphore_mem>>)
      %dma_start3A_392 = arith.constant 640 : i32
      %dma_start3A_393 = arith.constant 0 : i32
      %dma_start3A_394 = tpu.memref_slice %arg6[%dma_start3A_392, %dma_start3A_393] : memref<896x16xf32, #tpu.memory_space<vmem>> -> memref<128x16xf32, #tpu.memory_space<vmem>>
      %dma_start3A_395 = arith.constant 2432 : i32
      %dma_start3A_396 = tpu.memref_slice %arg5[%dma_start3A_395] : memref<10752xi32, #tpu.memory_space<vmem>> -> memref<128xi32, #tpu.memory_space<vmem>>
      %dma_start3A_397 = arith.constant 0 : i32
      %dma_start3A_398 = arith.constant 0 : i32
      %dma_start3A_399 = tpu.memref_slice %arg2[%dma_start3A_397, %dma_start3A_398] : memref<3932160x16xf32, #tpu.memory_space<hbm>> -> memref<3932160x16xf32, #tpu.memory_space<hbm>>
      tpu.enqueue_indirect_dma source(%dma_start3A_399 : memref<3932160x16xf32, #tpu.memory_space<hbm>>) target(%dma_start3A_394 : memref<128x16xf32, #tpu.memory_space<vmem>>) offsets(%dma_start3A_396 : memref<128xi32, #tpu.memory_space<vmem>>) semaphore(%arg9 : memref<!tpu.dma_semaphore, #tpu.memory_space<semaphore_mem>>)
      %dma_start3A_400 = arith.constant 768 : i32
      %dma_start3A_401 = arith.constant 0 : i32
      %dma_start3A_402 = tpu.memref_slice %arg6[%dma_start3A_400, %dma_start3A_401] : memref<896x16xf32, #tpu.memory_space<vmem>> -> memref<128x16xf32, #tpu.memory_space<vmem>>
      %dma_start3A_403 = arith.constant 2560 : i32
      %dma_start3A_404 = tpu.memref_slice %arg5[%dma_start3A_403] : memref<10752xi32, #tpu.memory_space<vmem>> -> memref<128xi32, #tpu.memory_space<vmem>>
      %dma_start3A_405 = arith.constant 0 : i32
      %dma_start3A_406 = arith.constant 0 : i32
      %dma_start3A_407 = tpu.memref_slice %arg2[%dma_start3A_405, %dma_start3A_406] : memref<3932160x16xf32, #tpu.memory_space<hbm>> -> memref<3932160x16xf32, #tpu.memory_space<hbm>>
      tpu.enqueue_indirect_dma source(%dma_start3A_407 : memref<3932160x16xf32, #tpu.memory_space<hbm>>) target(%dma_start3A_402 : memref<128x16xf32, #tpu.memory_space<vmem>>) offsets(%dma_start3A_404 : memref<128xi32, #tpu.memory_space<vmem>>) semaphore(%arg9 : memref<!tpu.dma_semaphore, #tpu.memory_space<semaphore_mem>>)
      %dma_wait3A_408 = arith.constant 0 : i32
      %dma_wait3A_409 = arith.constant 0 : i32
      %dma_wait3A_410 = tpu.memref_slice %arg7[%dma_wait3A_408, %dma_wait3A_409] : memref<896x16xf32, #tpu.memory_space<vmem>> -> memref<128x16xf32, #tpu.memory_space<vmem>>
      %dma_wait3A_411 = arith.constant 896 : i32
      %dma_wait3A_412 = tpu.memref_slice %arg5[%dma_wait3A_411] : memref<10752xi32, #tpu.memory_space<vmem>> -> memref<128xi32, #tpu.memory_space<vmem>>
      %dma_wait3A_413 = arith.constant 0 : i32
      %dma_wait3A_414 = arith.constant 0 : i32
      %dma_wait3A_415 = tpu.memref_slice %arg2[%dma_wait3A_413, %dma_wait3A_414] : memref<3932160x16xf32, #tpu.memory_space<hbm>> -> memref<3932160x16xf32, #tpu.memory_space<hbm>>
      tpu.wait_indirect_dma semaphore(%arg10 : memref<!tpu.dma_semaphore, #tpu.memory_space<semaphore_mem>>) src(%dma_wait3A_415 : memref<3932160x16xf32, #tpu.memory_space<hbm>>) dst(%dma_wait3A_410 : memref<128x16xf32, #tpu.memory_space<vmem>>)
      %dma_wait3A_416 = arith.constant 128 : i32
      %dma_wait3A_417 = arith.constant 0 : i32
      %dma_wait3A_418 = tpu.memref_slice %arg7[%dma_wait3A_416, %dma_wait3A_417] : memref<896x16xf32, #tpu.memory_space<vmem>> -> memref<128x16xf32, #tpu.memory_space<vmem>>
      %dma_wait3A_419 = arith.constant 1024 : i32
      %dma_wait3A_420 = tpu.memref_slice %arg5[%dma_wait3A_419] : memref<10752xi32, #tpu.memory_space<vmem>> -> memref<128xi32, #tpu.memory_space<vmem>>
      %dma_wait3A_421 = arith.constant 0 : i32
      %dma_wait3A_422 = arith.constant 0 : i32
      %dma_wait3A_423 = tpu.memref_slice %arg2[%dma_wait3A_421, %dma_wait3A_422] : memref<3932160x16xf32, #tpu.memory_space<hbm>> -> memref<3932160x16xf32, #tpu.memory_space<hbm>>
      tpu.wait_indirect_dma semaphore(%arg10 : memref<!tpu.dma_semaphore, #tpu.memory_space<semaphore_mem>>) src(%dma_wait3A_423 : memref<3932160x16xf32, #tpu.memory_space<hbm>>) dst(%dma_wait3A_418 : memref<128x16xf32, #tpu.memory_space<vmem>>)
      %dma_wait3A_424 = arith.constant 256 : i32
      %dma_wait3A_425 = arith.constant 0 : i32
      %dma_wait3A_426 = tpu.memref_slice %arg7[%dma_wait3A_424, %dma_wait3A_425] : memref<896x16xf32, #tpu.memory_space<vmem>> -> memref<128x16xf32, #tpu.memory_space<vmem>>
      %dma_wait3A_427 = arith.constant 1152 : i32
      %dma_wait3A_428 = tpu.memref_slice %arg5[%dma_wait3A_427] : memref<10752xi32, #tpu.memory_space<vmem>> -> memref<128xi32, #tpu.memory_space<vmem>>
      %dma_wait3A_429 = arith.constant 0 : i32
      %dma_wait3A_430 = arith.constant 0 : i32
      %dma_wait3A_431 = tpu.memref_slice %arg2[%dma_wait3A_429, %dma_wait3A_430] : memref<3932160x16xf32, #tpu.memory_space<hbm>> -> memref<3932160x16xf32, #tpu.memory_space<hbm>>
      tpu.wait_indirect_dma semaphore(%arg10 : memref<!tpu.dma_semaphore, #tpu.memory_space<semaphore_mem>>) src(%dma_wait3A_431 : memref<3932160x16xf32, #tpu.memory_space<hbm>>) dst(%dma_wait3A_426 : memref<128x16xf32, #tpu.memory_space<vmem>>)
      %dma_wait3A_432 = arith.constant 384 : i32
      %dma_wait3A_433 = arith.constant 0 : i32
      %dma_wait3A_434 = tpu.memref_slice %arg7[%dma_wait3A_432, %dma_wait3A_433] : memref<896x16xf32, #tpu.memory_space<vmem>> -> memref<128x16xf32, #tpu.memory_space<vmem>>
      %dma_wait3A_435 = arith.constant 1280 : i32
      %dma_wait3A_436 = tpu.memref_slice %arg5[%dma_wait3A_435] : memref<10752xi32, #tpu.memory_space<vmem>> -> memref<128xi32, #tpu.memory_space<vmem>>
      %dma_wait3A_437 = arith.constant 0 : i32
      %dma_wait3A_438 = arith.constant 0 : i32
      %dma_wait3A_439 = tpu.memref_slice %arg2[%dma_wait3A_437, %dma_wait3A_438] : memref<3932160x16xf32, #tpu.memory_space<hbm>> -> memref<3932160x16xf32, #tpu.memory_space<hbm>>
      tpu.wait_indirect_dma semaphore(%arg10 : memref<!tpu.dma_semaphore, #tpu.memory_space<semaphore_mem>>) src(%dma_wait3A_439 : memref<3932160x16xf32, #tpu.memory_space<hbm>>) dst(%dma_wait3A_434 : memref<128x16xf32, #tpu.memory_space<vmem>>)
      %dma_wait3A_440 = arith.constant 512 : i32
      %dma_wait3A_441 = arith.constant 0 : i32
      %dma_wait3A_442 = tpu.memref_slice %arg7[%dma_wait3A_440, %dma_wait3A_441] : memref<896x16xf32, #tpu.memory_space<vmem>> -> memref<128x16xf32, #tpu.memory_space<vmem>>
      %dma_wait3A_443 = arith.constant 1408 : i32
      %dma_wait3A_444 = tpu.memref_slice %arg5[%dma_wait3A_443] : memref<10752xi32, #tpu.memory_space<vmem>> -> memref<128xi32, #tpu.memory_space<vmem>>
      %dma_wait3A_445 = arith.constant 0 : i32
      %dma_wait3A_446 = arith.constant 0 : i32
      %dma_wait3A_447 = tpu.memref_slice %arg2[%dma_wait3A_445, %dma_wait3A_446] : memref<3932160x16xf32, #tpu.memory_space<hbm>> -> memref<3932160x16xf32, #tpu.memory_space<hbm>>
      tpu.wait_indirect_dma semaphore(%arg10 : memref<!tpu.dma_semaphore, #tpu.memory_space<semaphore_mem>>) src(%dma_wait3A_447 : memref<3932160x16xf32, #tpu.memory_space<hbm>>) dst(%dma_wait3A_442 : memref<128x16xf32, #tpu.memory_space<vmem>>)
      %dma_wait3A_448 = arith.constant 640 : i32
      %dma_wait3A_449 = arith.constant 0 : i32
      %dma_wait3A_450 = tpu.memref_slice %arg7[%dma_wait3A_448, %dma_wait3A_449] : memref<896x16xf32, #tpu.memory_space<vmem>> -> memref<128x16xf32, #tpu.memory_space<vmem>>
      %dma_wait3A_451 = arith.constant 1536 : i32
      %dma_wait3A_452 = tpu.memref_slice %arg5[%dma_wait3A_451] : memref<10752xi32, #tpu.memory_space<vmem>> -> memref<128xi32, #tpu.memory_space<vmem>>
      %dma_wait3A_453 = arith.constant 0 : i32
      %dma_wait3A_454 = arith.constant 0 : i32
      %dma_wait3A_455 = tpu.memref_slice %arg2[%dma_wait3A_453, %dma_wait3A_454] : memref<3932160x16xf32, #tpu.memory_space<hbm>> -> memref<3932160x16xf32, #tpu.memory_space<hbm>>
      tpu.wait_indirect_dma semaphore(%arg10 : memref<!tpu.dma_semaphore, #tpu.memory_space<semaphore_mem>>) src(%dma_wait3A_455 : memref<3932160x16xf32, #tpu.memory_space<hbm>>) dst(%dma_wait3A_450 : memref<128x16xf32, #tpu.memory_space<vmem>>)
      %dma_wait3A_456 = arith.constant 768 : i32
      %dma_wait3A_457 = arith.constant 0 : i32
      %dma_wait3A_458 = tpu.memref_slice %arg7[%dma_wait3A_456, %dma_wait3A_457] : memref<896x16xf32, #tpu.memory_space<vmem>> -> memref<128x16xf32, #tpu.memory_space<vmem>>
      %dma_wait3A_459 = arith.constant 1664 : i32
      %dma_wait3A_460 = tpu.memref_slice %arg5[%dma_wait3A_459] : memref<10752xi32, #tpu.memory_space<vmem>> -> memref<128xi32, #tpu.memory_space<vmem>>
      %dma_wait3A_461 = arith.constant 0 : i32
      %dma_wait3A_462 = arith.constant 0 : i32
      %dma_wait3A_463 = tpu.memref_slice %arg2[%dma_wait3A_461, %dma_wait3A_462] : memref<3932160x16xf32, #tpu.memory_space<hbm>> -> memref<3932160x16xf32, #tpu.memory_space<hbm>>
      tpu.wait_indirect_dma semaphore(%arg10 : memref<!tpu.dma_semaphore, #tpu.memory_space<semaphore_mem>>) src(%dma_wait3A_463 : memref<3932160x16xf32, #tpu.memory_space<hbm>>) dst(%dma_wait3A_458 : memref<128x16xf32, #tpu.memory_space<vmem>>)
      %scan3A_464 = arith.constant 0 : i32
      %scan3A_465 = arith.constant 0 : i32
      %scan3A_466 = arith.constant 896 : i32
      %scan3A_467 = arith.addi %scan3A_465, %scan3A_466 : i32
      %scan3A_468 = arith.constant 8 : i32
      scf.for %scan3A_1594 = %scan3A_465 to %scan3A_467 step %scan3A_468  : i32 {
        %get3A = arith.index_cast %scan3A_1594 : i32 to index
        %get3A_1595 = arith.constant 0 : index
        %get3A_1596 = tpu.vector_load %arg7[%get3A, %get3A_1595] {strides = array<i32>} : memref<896x16xf32, #tpu.memory_space<vmem>>, vector<1x16xf32>,
        %get3A_1597 = vector.shape_cast %get3A_1596 : vector<1x16xf32> to vector<16xf32>
        %swap3A = arith.index_cast %scan3A_1594 : i32 to index
        %swap3A_1598 = arith.constant 0 : index
        %swap3A_1599 = tpu.vector_load %arg8[%swap3A, %swap3A_1598] {strides = array<i32>} : memref<896x16xf32, #tpu.memory_space<vmem>>, vector<1x16xf32>,
        %swap3A_1600 = vector.shape_cast %swap3A_1599 : vector<1x16xf32> to vector<16xf32>
        %swap3A_1601 = vector.shape_cast %get3A_1597 : vector<16xf32> to vector<1x16xf32>
        tpu.vector_store %arg8[%swap3A, %swap3A_1598], %swap3A_1601 {add = true, strides = array<i32>} : memref<896x16xf32, #tpu.memory_space<vmem>>, vector<1x16xf32>,
        %scan3A_1602 = arith.constant 1 : i32
        %scan3A_1603 = arith.addi %scan3A_1594, %scan3A_1602 : i32
        %get3A_1604 = arith.index_cast %scan3A_1603 : i32 to index
        %get3A_1605 = arith.constant 0 : index
        %get3A_1606 = tpu.vector_load %arg7[%get3A_1604, %get3A_1605] {strides = array<i32>} : memref<896x16xf32, #tpu.memory_space<vmem>>, vector<1x16xf32>,
        %get3A_1607 = vector.shape_cast %get3A_1606 : vector<1x16xf32> to vector<16xf32>
        %swap3A_1608 = arith.index_cast %scan3A_1603 : i32 to index
        %swap3A_1609 = arith.constant 0 : index
        %swap3A_1610 = tpu.vector_load %arg8[%swap3A_1608, %swap3A_1609] {strides = array<i32>} : memref<896x16xf32, #tpu.memory_space<vmem>>, vector<1x16xf32>,
        %swap3A_1611 = vector.shape_cast %swap3A_1610 : vector<1x16xf32> to vector<16xf32>
        %swap3A_1612 = vector.shape_cast %get3A_1607 : vector<16xf32> to vector<1x16xf32>
        tpu.vector_store %arg8[%swap3A_1608, %swap3A_1609], %swap3A_1612 {add = true, strides = array<i32>} : memref<896x16xf32, #tpu.memory_space<vmem>>, vector<1x16xf32>,
        %scan3A_1613 = arith.constant 2 : i32
        %scan3A_1614 = arith.addi %scan3A_1594, %scan3A_1613 : i32
        %get3A_1615 = arith.index_cast %scan3A_1614 : i32 to index
        %get3A_1616 = arith.constant 0 : index
        %get3A_1617 = tpu.vector_load %arg7[%get3A_1615, %get3A_1616] {strides = array<i32>} : memref<896x16xf32, #tpu.memory_space<vmem>>, vector<1x16xf32>,
        %get3A_1618 = vector.shape_cast %get3A_1617 : vector<1x16xf32> to vector<16xf32>
        %swap3A_1619 = arith.index_cast %scan3A_1614 : i32 to index
        %swap3A_1620 = arith.constant 0 : index
        %swap3A_1621 = tpu.vector_load %arg8[%swap3A_1619, %swap3A_1620] {strides = array<i32>} : memref<896x16xf32, #tpu.memory_space<vmem>>, vector<1x16xf32>,
        %swap3A_1622 = vector.shape_cast %swap3A_1621 : vector<1x16xf32> to vector<16xf32>
        %swap3A_1623 = vector.shape_cast %get3A_1618 : vector<16xf32> to vector<1x16xf32>
        tpu.vector_store %arg8[%swap3A_1619, %swap3A_1620], %swap3A_1623 {add = true, strides = array<i32>} : memref<896x16xf32, #tpu.memory_space<vmem>>, vector<1x16xf32>,
        %scan3A_1624 = arith.constant 3 : i32
        %scan3A_1625 = arith.addi %scan3A_1594, %scan3A_1624 : i32
        %get3A_1626 = arith.index_cast %scan3A_1625 : i32 to index
        %get3A_1627 = arith.constant 0 : index
        %get3A_1628 = tpu.vector_load %arg7[%get3A_1626, %get3A_1627] {strides = array<i32>} : memref<896x16xf32, #tpu.memory_space<vmem>>, vector<1x16xf32>,
        %get3A_1629 = vector.shape_cast %get3A_1628 : vector<1x16xf32> to vector<16xf32>
        %swap3A_1630 = arith.index_cast %scan3A_1625 : i32 to index
        %swap3A_1631 = arith.constant 0 : index
        %swap3A_1632 = tpu.vector_load %arg8[%swap3A_1630, %swap3A_1631] {strides = array<i32>} : memref<896x16xf32, #tpu.memory_space<vmem>>, vector<1x16xf32>,
        %swap3A_1633 = vector.shape_cast %swap3A_1632 : vector<1x16xf32> to vector<16xf32>
        %swap3A_1634 = vector.shape_cast %get3A_1629 : vector<16xf32> to vector<1x16xf32>
        tpu.vector_store %arg8[%swap3A_1630, %swap3A_1631], %swap3A_1634 {add = true, strides = array<i32>} : memref<896x16xf32, #tpu.memory_space<vmem>>, vector<1x16xf32>,
        %scan3A_1635 = arith.constant 4 : i32
        %scan3A_1636 = arith.addi %scan3A_1594, %scan3A_1635 : i32
        %get3A_1637 = arith.index_cast %scan3A_1636 : i32 to index
        %get3A_1638 = arith.constant 0 : index
        %get3A_1639 = tpu.vector_load %arg7[%get3A_1637, %get3A_1638] {strides = array<i32>} : memref<896x16xf32, #tpu.memory_space<vmem>>, vector<1x16xf32>,
        %get3A_1640 = vector.shape_cast %get3A_1639 : vector<1x16xf32> to vector<16xf32>
        %swap3A_1641 = arith.index_cast %scan3A_1636 : i32 to index
        %swap3A_1642 = arith.constant 0 : index
        %swap3A_1643 = tpu.vector_load %arg8[%swap3A_1641, %swap3A_1642] {strides = array<i32>} : memref<896x16xf32, #tpu.memory_space<vmem>>, vector<1x16xf32>,
        %swap3A_1644 = vector.shape_cast %swap3A_1643 : vector<1x16xf32> to vector<16xf32>
        %swap3A_1645 = vector.shape_cast %get3A_1640 : vector<16xf32> to vector<1x16xf32>
        tpu.vector_store %arg8[%swap3A_1641, %swap3A_1642], %swap3A_1645 {add = true, strides = array<i32>} : memref<896x16xf32, #tpu.memory_space<vmem>>, vector<1x16xf32>,
        %scan3A_1646 = arith.constant 5 : i32
        %scan3A_1647 = arith.addi %scan3A_1594, %scan3A_1646 : i32
        %get3A_1648 = arith.index_cast %scan3A_1647 : i32 to index
        %get3A_1649 = arith.constant 0 : index
        %get3A_1650 = tpu.vector_load %arg7[%get3A_1648, %get3A_1649] {strides = array<i32>} : memref<896x16xf32, #tpu.memory_space<vmem>>, vector<1x16xf32>,
        %get3A_1651 = vector.shape_cast %get3A_1650 : vector<1x16xf32> to vector<16xf32>
        %swap3A_1652 = arith.index_cast %scan3A_1647 : i32 to index
        %swap3A_1653 = arith.constant 0 : index
        %swap3A_1654 = tpu.vector_load %arg8[%swap3A_1652, %swap3A_1653] {strides = array<i32>} : memref<896x16xf32, #tpu.memory_space<vmem>>, vector<1x16xf32>,
        %swap3A_1655 = vector.shape_cast %swap3A_1654 : vector<1x16xf32> to vector<16xf32>
        %swap3A_1656 = vector.shape_cast %get3A_1651 : vector<16xf32> to vector<1x16xf32>
        tpu.vector_store %arg8[%swap3A_1652, %swap3A_1653], %swap3A_1656 {add = true, strides = array<i32>} : memref<896x16xf32, #tpu.memory_space<vmem>>, vector<1x16xf32>,
        %scan3A_1657 = arith.constant 6 : i32
        %scan3A_1658 = arith.addi %scan3A_1594, %scan3A_1657 : i32
        %get3A_1659 = arith.index_cast %scan3A_1658 : i32 to index
        %get3A_1660 = arith.constant 0 : index
        %get3A_1661 = tpu.vector_load %arg7[%get3A_1659, %get3A_1660] {strides = array<i32>} : memref<896x16xf32, #tpu.memory_space<vmem>>, vector<1x16xf32>,
        %get3A_1662 = vector.shape_cast %get3A_1661 : vector<1x16xf32> to vector<16xf32>
        %swap3A_1663 = arith.index_cast %scan3A_1658 : i32 to index
        %swap3A_1664 = arith.constant 0 : index
        %swap3A_1665 = tpu.vector_load %arg8[%swap3A_1663, %swap3A_1664] {strides = array<i32>} : memref<896x16xf32, #tpu.memory_space<vmem>>, vector<1x16xf32>,
        %swap3A_1666 = vector.shape_cast %swap3A_1665 : vector<1x16xf32> to vector<16xf32>
        %swap3A_1667 = vector.shape_cast %get3A_1662 : vector<16xf32> to vector<1x16xf32>
        tpu.vector_store %arg8[%swap3A_1663, %swap3A_1664], %swap3A_1667 {add = true, strides = array<i32>} : memref<896x16xf32, #tpu.memory_space<vmem>>, vector<1x16xf32>,
        %scan3A_1668 = arith.constant 7 : i32
        %scan3A_1669 = arith.addi %scan3A_1594, %scan3A_1668 : i32
        %get3A_1670 = arith.index_cast %scan3A_1669 : i32 to index
        %get3A_1671 = arith.constant 0 : index
        %get3A_1672 = tpu.vector_load %arg7[%get3A_1670, %get3A_1671] {strides = array<i32>} : memref<896x16xf32, #tpu.memory_space<vmem>>, vector<1x16xf32>,
        %get3A_1673 = vector.shape_cast %get3A_1672 : vector<1x16xf32> to vector<16xf32>
        %swap3A_1674 = arith.index_cast %scan3A_1669 : i32 to index
        %swap3A_1675 = arith.constant 0 : index
        %swap3A_1676 = tpu.vector_load %arg8[%swap3A_1674, %swap3A_1675] {strides = array<i32>} : memref<896x16xf32, #tpu.memory_space<vmem>>, vector<1x16xf32>,
        %swap3A_1677 = vector.shape_cast %swap3A_1676 : vector<1x16xf32> to vector<16xf32>
        %swap3A_1678 = vector.shape_cast %get3A_1673 : vector<16xf32> to vector<1x16xf32>
        tpu.vector_store %arg8[%swap3A_1674, %swap3A_1675], %swap3A_1678 {add = true, strides = array<i32>} : memref<896x16xf32, #tpu.memory_space<vmem>>, vector<1x16xf32>,
      }
      %scan3A_469 = arith.constant 896 : i32
      %dma_start3A_470 = arith.constant 0 : i32
      %dma_start3A_471 = arith.constant 0 : i32
      %dma_start3A_472 = tpu.memref_slice %arg7[%dma_start3A_470, %dma_start3A_471] : memref<896x16xf32, #tpu.memory_space<vmem>> -> memref<128x16xf32, #tpu.memory_space<vmem>>
      %dma_start3A_473 = arith.constant 2688 : i32
      %dma_start3A_474 = tpu.memref_slice %arg5[%dma_start3A_473] : memref<10752xi32, #tpu.memory_space<vmem>> -> memref<128xi32, #tpu.memory_space<vmem>>
      %dma_start3A_475 = arith.constant 0 : i32
      %dma_start3A_476 = arith.constant 0 : i32
      %dma_start3A_477 = tpu.memref_slice %arg2[%dma_start3A_475, %dma_start3A_476] : memref<3932160x16xf32, #tpu.memory_space<hbm>> -> memref<3932160x16xf32, #tpu.memory_space<hbm>>
      tpu.enqueue_indirect_dma source(%dma_start3A_477 : memref<3932160x16xf32, #tpu.memory_space<hbm>>) target(%dma_start3A_472 : memref<128x16xf32, #tpu.memory_space<vmem>>) offsets(%dma_start3A_474 : memref<128xi32, #tpu.memory_space<vmem>>) semaphore(%arg10 : memref<!tpu.dma_semaphore, #tpu.memory_space<semaphore_mem>>)
      %dma_start3A_478 = arith.constant 128 : i32
      %dma_start3A_479 = arith.constant 0 : i32
      %dma_start3A_480 = tpu.memref_slice %arg7[%dma_start3A_478, %dma_start3A_479] : memref<896x16xf32, #tpu.memory_space<vmem>> -> memref<128x16xf32, #tpu.memory_space<vmem>>
      %dma_start3A_481 = arith.constant 2816 : i32
      %dma_start3A_482 = tpu.memref_slice %arg5[%dma_start3A_481] : memref<10752xi32, #tpu.memory_space<vmem>> -> memref<128xi32, #tpu.memory_space<vmem>>
      %dma_start3A_483 = arith.constant 0 : i32
      %dma_start3A_484 = arith.constant 0 : i32
      %dma_start3A_485 = tpu.memref_slice %arg2[%dma_start3A_483, %dma_start3A_484] : memref<3932160x16xf32, #tpu.memory_space<hbm>> -> memref<3932160x16xf32, #tpu.memory_space<hbm>>
      tpu.enqueue_indirect_dma source(%dma_start3A_485 : memref<3932160x16xf32, #tpu.memory_space<hbm>>) target(%dma_start3A_480 : memref<128x16xf32, #tpu.memory_space<vmem>>) offsets(%dma_start3A_482 : memref<128xi32, #tpu.memory_space<vmem>>) semaphore(%arg10 : memref<!tpu.dma_semaphore, #tpu.memory_space<semaphore_mem>>)
      %dma_start3A_486 = arith.constant 256 : i32
      %dma_start3A_487 = arith.constant 0 : i32
      %dma_start3A_488 = tpu.memref_slice %arg7[%dma_start3A_486, %dma_start3A_487] : memref<896x16xf32, #tpu.memory_space<vmem>> -> memref<128x16xf32, #tpu.memory_space<vmem>>
      %dma_start3A_489 = arith.constant 2944 : i32
      %dma_start3A_490 = tpu.memref_slice %arg5[%dma_start3A_489] : memref<10752xi32, #tpu.memory_space<vmem>> -> memref<128xi32, #tpu.memory_space<vmem>>
      %dma_start3A_491 = arith.constant 0 : i32
      %dma_start3A_492 = arith.constant 0 : i32
      %dma_start3A_493 = tpu.memref_slice %arg2[%dma_start3A_491, %dma_start3A_492] : memref<3932160x16xf32, #tpu.memory_space<hbm>> -> memref<3932160x16xf32, #tpu.memory_space<hbm>>
      tpu.enqueue_indirect_dma source(%dma_start3A_493 : memref<3932160x16xf32, #tpu.memory_space<hbm>>) target(%dma_start3A_488 : memref<128x16xf32, #tpu.memory_space<vmem>>) offsets(%dma_start3A_490 : memref<128xi32, #tpu.memory_space<vmem>>) semaphore(%arg10 : memref<!tpu.dma_semaphore, #tpu.memory_space<semaphore_mem>>)
      %dma_start3A_494 = arith.constant 384 : i32
      %dma_start3A_495 = arith.constant 0 : i32
      %dma_start3A_496 = tpu.memref_slice %arg7[%dma_start3A_494, %dma_start3A_495] : memref<896x16xf32, #tpu.memory_space<vmem>> -> memref<128x16xf32, #tpu.memory_space<vmem>>
      %dma_start3A_497 = arith.constant 3072 : i32
      %dma_start3A_498 = tpu.memref_slice %arg5[%dma_start3A_497] : memref<10752xi32, #tpu.memory_space<vmem>> -> memref<128xi32, #tpu.memory_space<vmem>>
      %dma_start3A_499 = arith.constant 0 : i32
      %dma_start3A_500 = arith.constant 0 : i32
      %dma_start3A_501 = tpu.memref_slice %arg2[%dma_start3A_499, %dma_start3A_500] : memref<3932160x16xf32, #tpu.memory_space<hbm>> -> memref<3932160x16xf32, #tpu.memory_space<hbm>>
      tpu.enqueue_indirect_dma source(%dma_start3A_501 : memref<3932160x16xf32, #tpu.memory_space<hbm>>) target(%dma_start3A_496 : memref<128x16xf32, #tpu.memory_space<vmem>>) offsets(%dma_start3A_498 : memref<128xi32, #tpu.memory_space<vmem>>) semaphore(%arg10 : memref<!tpu.dma_semaphore, #tpu.memory_space<semaphore_mem>>)
      %dma_start3A_502 = arith.constant 512 : i32
      %dma_start3A_503 = arith.constant 0 : i32
      %dma_start3A_504 = tpu.memref_slice %arg7[%dma_start3A_502, %dma_start3A_503] : memref<896x16xf32, #tpu.memory_space<vmem>> -> memref<128x16xf32, #tpu.memory_space<vmem>>
      %dma_start3A_505 = arith.constant 3200 : i32
      %dma_start3A_506 = tpu.memref_slice %arg5[%dma_start3A_505] : memref<10752xi32, #tpu.memory_space<vmem>> -> memref<128xi32, #tpu.memory_space<vmem>>
      %dma_start3A_507 = arith.constant 0 : i32
      %dma_start3A_508 = arith.constant 0 : i32
      %dma_start3A_509 = tpu.memref_slice %arg2[%dma_start3A_507, %dma_start3A_508] : memref<3932160x16xf32, #tpu.memory_space<hbm>> -> memref<3932160x16xf32, #tpu.memory_space<hbm>>
      tpu.enqueue_indirect_dma source(%dma_start3A_509 : memref<3932160x16xf32, #tpu.memory_space<hbm>>) target(%dma_start3A_504 : memref<128x16xf32, #tpu.memory_space<vmem>>) offsets(%dma_start3A_506 : memref<128xi32, #tpu.memory_space<vmem>>) semaphore(%arg10 : memref<!tpu.dma_semaphore, #tpu.memory_space<semaphore_mem>>)
      %dma_start3A_510 = arith.constant 640 : i32
      %dma_start3A_511 = arith.constant 0 : i32
      %dma_start3A_512 = tpu.memref_slice %arg7[%dma_start3A_510, %dma_start3A_511] : memref<896x16xf32, #tpu.memory_space<vmem>> -> memref<128x16xf32, #tpu.memory_space<vmem>>
      %dma_start3A_513 = arith.constant 3328 : i32
      %dma_start3A_514 = tpu.memref_slice %arg5[%dma_start3A_513] : memref<10752xi32, #tpu.memory_space<vmem>> -> memref<128xi32, #tpu.memory_space<vmem>>
      %dma_start3A_515 = arith.constant 0 : i32
      %dma_start3A_516 = arith.constant 0 : i32
      %dma_start3A_517 = tpu.memref_slice %arg2[%dma_start3A_515, %dma_start3A_516] : memref<3932160x16xf32, #tpu.memory_space<hbm>> -> memref<3932160x16xf32, #tpu.memory_space<hbm>>
      tpu.enqueue_indirect_dma source(%dma_start3A_517 : memref<3932160x16xf32, #tpu.memory_space<hbm>>) target(%dma_start3A_512 : memref<128x16xf32, #tpu.memory_space<vmem>>) offsets(%dma_start3A_514 : memref<128xi32, #tpu.memory_space<vmem>>) semaphore(%arg10 : memref<!tpu.dma_semaphore, #tpu.memory_space<semaphore_mem>>)
      %dma_start3A_518 = arith.constant 768 : i32
      %dma_start3A_519 = arith.constant 0 : i32
      %dma_start3A_520 = tpu.memref_slice %arg7[%dma_start3A_518, %dma_start3A_519] : memref<896x16xf32, #tpu.memory_space<vmem>> -> memref<128x16xf32, #tpu.memory_space<vmem>>
      %dma_start3A_521 = arith.constant 3456 : i32
      %dma_start3A_522 = tpu.memref_slice %arg5[%dma_start3A_521] : memref<10752xi32, #tpu.memory_space<vmem>> -> memref<128xi32, #tpu.memory_space<vmem>>
      %dma_start3A_523 = arith.constant 0 : i32
      %dma_start3A_524 = arith.constant 0 : i32
      %dma_start3A_525 = tpu.memref_slice %arg2[%dma_start3A_523, %dma_start3A_524] : memref<3932160x16xf32, #tpu.memory_space<hbm>> -> memref<3932160x16xf32, #tpu.memory_space<hbm>>
      tpu.enqueue_indirect_dma source(%dma_start3A_525 : memref<3932160x16xf32, #tpu.memory_space<hbm>>) target(%dma_start3A_520 : memref<128x16xf32, #tpu.memory_space<vmem>>) offsets(%dma_start3A_522 : memref<128xi32, #tpu.memory_space<vmem>>) semaphore(%arg10 : memref<!tpu.dma_semaphore, #tpu.memory_space<semaphore_mem>>)
      %dma_wait3A_526 = arith.constant 0 : i32
      %dma_wait3A_527 = arith.constant 0 : i32
      %dma_wait3A_528 = tpu.memref_slice %arg6[%dma_wait3A_526, %dma_wait3A_527] : memref<896x16xf32, #tpu.memory_space<vmem>> -> memref<128x16xf32, #tpu.memory_space<vmem>>
      %dma_wait3A_529 = arith.constant 1792 : i32
      %dma_wait3A_530 = tpu.memref_slice %arg5[%dma_wait3A_529] : memref<10752xi32, #tpu.memory_space<vmem>> -> memref<128xi32, #tpu.memory_space<vmem>>
      %dma_wait3A_531 = arith.constant 0 : i32
      %dma_wait3A_532 = arith.constant 0 : i32
      %dma_wait3A_533 = tpu.memref_slice %arg2[%dma_wait3A_531, %dma_wait3A_532] : memref<3932160x16xf32, #tpu.memory_space<hbm>> -> memref<3932160x16xf32, #tpu.memory_space<hbm>>
      tpu.wait_indirect_dma semaphore(%arg9 : memref<!tpu.dma_semaphore, #tpu.memory_space<semaphore_mem>>) src(%dma_wait3A_533 : memref<3932160x16xf32, #tpu.memory_space<hbm>>) dst(%dma_wait3A_528 : memref<128x16xf32, #tpu.memory_space<vmem>>)
      %dma_wait3A_534 = arith.constant 128 : i32
      %dma_wait3A_535 = arith.constant 0 : i32
      %dma_wait3A_536 = tpu.memref_slice %arg6[%dma_wait3A_534, %dma_wait3A_535] : memref<896x16xf32, #tpu.memory_space<vmem>> -> memref<128x16xf32, #tpu.memory_space<vmem>>
      %dma_wait3A_537 = arith.constant 1920 : i32
      %dma_wait3A_538 = tpu.memref_slice %arg5[%dma_wait3A_537] : memref<10752xi32, #tpu.memory_space<vmem>> -> memref<128xi32, #tpu.memory_space<vmem>>
      %dma_wait3A_539 = arith.constant 0 : i32
      %dma_wait3A_540 = arith.constant 0 : i32
      %dma_wait3A_541 = tpu.memref_slice %arg2[%dma_wait3A_539, %dma_wait3A_540] : memref<3932160x16xf32, #tpu.memory_space<hbm>> -> memref<3932160x16xf32, #tpu.memory_space<hbm>>
      tpu.wait_indirect_dma semaphore(%arg9 : memref<!tpu.dma_semaphore, #tpu.memory_space<semaphore_mem>>) src(%dma_wait3A_541 : memref<3932160x16xf32, #tpu.memory_space<hbm>>) dst(%dma_wait3A_536 : memref<128x16xf32, #tpu.memory_space<vmem>>)
      %dma_wait3A_542 = arith.constant 256 : i32
      %dma_wait3A_543 = arith.constant 0 : i32
      %dma_wait3A_544 = tpu.memref_slice %arg6[%dma_wait3A_542, %dma_wait3A_543] : memref<896x16xf32, #tpu.memory_space<vmem>> -> memref<128x16xf32, #tpu.memory_space<vmem>>
      %dma_wait3A_545 = arith.constant 2048 : i32
      %dma_wait3A_546 = tpu.memref_slice %arg5[%dma_wait3A_545] : memref<10752xi32, #tpu.memory_space<vmem>> -> memref<128xi32, #tpu.memory_space<vmem>>
      %dma_wait3A_547 = arith.constant 0 : i32
      %dma_wait3A_548 = arith.constant 0 : i32
      %dma_wait3A_549 = tpu.memref_slice %arg2[%dma_wait3A_547, %dma_wait3A_548] : memref<3932160x16xf32, #tpu.memory_space<hbm>> -> memref<3932160x16xf32, #tpu.memory_space<hbm>>
      tpu.wait_indirect_dma semaphore(%arg9 : memref<!tpu.dma_semaphore, #tpu.memory_space<semaphore_mem>>) src(%dma_wait3A_549 : memref<3932160x16xf32, #tpu.memory_space<hbm>>) dst(%dma_wait3A_544 : memref<128x16xf32, #tpu.memory_space<vmem>>)
      %dma_wait3A_550 = arith.constant 384 : i32
      %dma_wait3A_551 = arith.constant 0 : i32
      %dma_wait3A_552 = tpu.memref_slice %arg6[%dma_wait3A_550, %dma_wait3A_551] : memref<896x16xf32, #tpu.memory_space<vmem>> -> memref<128x16xf32, #tpu.memory_space<vmem>>
      %dma_wait3A_553 = arith.constant 2176 : i32
      %dma_wait3A_554 = tpu.memref_slice %arg5[%dma_wait3A_553] : memref<10752xi32, #tpu.memory_space<vmem>> -> memref<128xi32, #tpu.memory_space<vmem>>
      %dma_wait3A_555 = arith.constant 0 : i32
      %dma_wait3A_556 = arith.constant 0 : i32
      %dma_wait3A_557 = tpu.memref_slice %arg2[%dma_wait3A_555, %dma_wait3A_556] : memref<3932160x16xf32, #tpu.memory_space<hbm>> -> memref<3932160x16xf32, #tpu.memory_space<hbm>>
      tpu.wait_indirect_dma semaphore(%arg9 : memref<!tpu.dma_semaphore, #tpu.memory_space<semaphore_mem>>) src(%dma_wait3A_557 : memref<3932160x16xf32, #tpu.memory_space<hbm>>) dst(%dma_wait3A_552 : memref<128x16xf32, #tpu.memory_space<vmem>>)
      %dma_wait3A_558 = arith.constant 512 : i32
      %dma_wait3A_559 = arith.constant 0 : i32
      %dma_wait3A_560 = tpu.memref_slice %arg6[%dma_wait3A_558, %dma_wait3A_559] : memref<896x16xf32, #tpu.memory_space<vmem>> -> memref<128x16xf32, #tpu.memory_space<vmem>>
      %dma_wait3A_561 = arith.constant 2304 : i32
      %dma_wait3A_562 = tpu.memref_slice %arg5[%dma_wait3A_561] : memref<10752xi32, #tpu.memory_space<vmem>> -> memref<128xi32, #tpu.memory_space<vmem>>
      %dma_wait3A_563 = arith.constant 0 : i32
      %dma_wait3A_564 = arith.constant 0 : i32
      %dma_wait3A_565 = tpu.memref_slice %arg2[%dma_wait3A_563, %dma_wait3A_564] : memref<3932160x16xf32, #tpu.memory_space<hbm>> -> memref<3932160x16xf32, #tpu.memory_space<hbm>>
      tpu.wait_indirect_dma semaphore(%arg9 : memref<!tpu.dma_semaphore, #tpu.memory_space<semaphore_mem>>) src(%dma_wait3A_565 : memref<3932160x16xf32, #tpu.memory_space<hbm>>) dst(%dma_wait3A_560 : memref<128x16xf32, #tpu.memory_space<vmem>>)
      %dma_wait3A_566 = arith.constant 640 : i32
      %dma_wait3A_567 = arith.constant 0 : i32
      %dma_wait3A_568 = tpu.memref_slice %arg6[%dma_wait3A_566, %dma_wait3A_567] : memref<896x16xf32, #tpu.memory_space<vmem>> -> memref<128x16xf32, #tpu.memory_space<vmem>>
      %dma_wait3A_569 = arith.constant 2432 : i32
      %dma_wait3A_570 = tpu.memref_slice %arg5[%dma_wait3A_569] : memref<10752xi32, #tpu.memory_space<vmem>> -> memref<128xi32, #tpu.memory_space<vmem>>
      %dma_wait3A_571 = arith.constant 0 : i32
      %dma_wait3A_572 = arith.constant 0 : i32
      %dma_wait3A_573 = tpu.memref_slice %arg2[%dma_wait3A_571, %dma_wait3A_572] : memref<3932160x16xf32, #tpu.memory_space<hbm>> -> memref<3932160x16xf32, #tpu.memory_space<hbm>>
      tpu.wait_indirect_dma semaphore(%arg9 : memref<!tpu.dma_semaphore, #tpu.memory_space<semaphore_mem>>) src(%dma_wait3A_573 : memref<3932160x16xf32, #tpu.memory_space<hbm>>) dst(%dma_wait3A_568 : memref<128x16xf32, #tpu.memory_space<vmem>>)
      %dma_wait3A_574 = arith.constant 768 : i32
      %dma_wait3A_575 = arith.constant 0 : i32
      %dma_wait3A_576 = tpu.memref_slice %arg6[%dma_wait3A_574, %dma_wait3A_575] : memref<896x16xf32, #tpu.memory_space<vmem>> -> memref<128x16xf32, #tpu.memory_space<vmem>>
      %dma_wait3A_577 = arith.constant 2560 : i32
      %dma_wait3A_578 = tpu.memref_slice %arg5[%dma_wait3A_577] : memref<10752xi32, #tpu.memory_space<vmem>> -> memref<128xi32, #tpu.memory_space<vmem>>
      %dma_wait3A_579 = arith.constant 0 : i32
      %dma_wait3A_580 = arith.constant 0 : i32
      %dma_wait3A_581 = tpu.memref_slice %arg2[%dma_wait3A_579, %dma_wait3A_580] : memref<3932160x16xf32, #tpu.memory_space<hbm>> -> memref<3932160x16xf32, #tpu.memory_space<hbm>>
      tpu.wait_indirect_dma semaphore(%arg9 : memref<!tpu.dma_semaphore, #tpu.memory_space<semaphore_mem>>) src(%dma_wait3A_581 : memref<3932160x16xf32, #tpu.memory_space<hbm>>) dst(%dma_wait3A_576 : memref<128x16xf32, #tpu.memory_space<vmem>>)
      %scan3A_582 = arith.constant 0 : i32
      %scan3A_583 = arith.constant 0 : i32
      %scan3A_584 = arith.constant 896 : i32
      %scan3A_585 = arith.addi %scan3A_583, %scan3A_584 : i32
      %scan3A_586 = arith.constant 8 : i32
      scf.for %scan3A_1594 = %scan3A_583 to %scan3A_585 step %scan3A_586  : i32 {
        %get3A = arith.index_cast %scan3A_1594 : i32 to index
        %get3A_1595 = arith.constant 0 : index
        %get3A_1596 = tpu.vector_load %arg6[%get3A, %get3A_1595] {strides = array<i32>} : memref<896x16xf32, #tpu.memory_space<vmem>>, vector<1x16xf32>,
        %get3A_1597 = vector.shape_cast %get3A_1596 : vector<1x16xf32> to vector<16xf32>
        %swap3A = arith.index_cast %scan3A_1594 : i32 to index
        %swap3A_1598 = arith.constant 0 : index
        %swap3A_1599 = tpu.vector_load %arg8[%swap3A, %swap3A_1598] {strides = array<i32>} : memref<896x16xf32, #tpu.memory_space<vmem>>, vector<1x16xf32>,
        %swap3A_1600 = vector.shape_cast %swap3A_1599 : vector<1x16xf32> to vector<16xf32>
        %swap3A_1601 = vector.shape_cast %get3A_1597 : vector<16xf32> to vector<1x16xf32>
        tpu.vector_store %arg8[%swap3A, %swap3A_1598], %swap3A_1601 {add = true, strides = array<i32>} : memref<896x16xf32, #tpu.memory_space<vmem>>, vector<1x16xf32>,
        %scan3A_1602 = arith.constant 1 : i32
        %scan3A_1603 = arith.addi %scan3A_1594, %scan3A_1602 : i32
        %get3A_1604 = arith.index_cast %scan3A_1603 : i32 to index
        %get3A_1605 = arith.constant 0 : index
        %get3A_1606 = tpu.vector_load %arg6[%get3A_1604, %get3A_1605] {strides = array<i32>} : memref<896x16xf32, #tpu.memory_space<vmem>>, vector<1x16xf32>,
        %get3A_1607 = vector.shape_cast %get3A_1606 : vector<1x16xf32> to vector<16xf32>
        %swap3A_1608 = arith.index_cast %scan3A_1603 : i32 to index
        %swap3A_1609 = arith.constant 0 : index
        %swap3A_1610 = tpu.vector_load %arg8[%swap3A_1608, %swap3A_1609] {strides = array<i32>} : memref<896x16xf32, #tpu.memory_space<vmem>>, vector<1x16xf32>,
        %swap3A_1611 = vector.shape_cast %swap3A_1610 : vector<1x16xf32> to vector<16xf32>
        %swap3A_1612 = vector.shape_cast %get3A_1607 : vector<16xf32> to vector<1x16xf32>
        tpu.vector_store %arg8[%swap3A_1608, %swap3A_1609], %swap3A_1612 {add = true, strides = array<i32>} : memref<896x16xf32, #tpu.memory_space<vmem>>, vector<1x16xf32>,
        %scan3A_1613 = arith.constant 2 : i32
        %scan3A_1614 = arith.addi %scan3A_1594, %scan3A_1613 : i32
        %get3A_1615 = arith.index_cast %scan3A_1614 : i32 to index
        %get3A_1616 = arith.constant 0 : index
        %get3A_1617 = tpu.vector_load %arg6[%get3A_1615, %get3A_1616] {strides = array<i32>} : memref<896x16xf32, #tpu.memory_space<vmem>>, vector<1x16xf32>,
        %get3A_1618 = vector.shape_cast %get3A_1617 : vector<1x16xf32> to vector<16xf32>
        %swap3A_1619 = arith.index_cast %scan3A_1614 : i32 to index
        %swap3A_1620 = arith.constant 0 : index
        %swap3A_1621 = tpu.vector_load %arg8[%swap3A_1619, %swap3A_1620] {strides = array<i32>} : memref<896x16xf32, #tpu.memory_space<vmem>>, vector<1x16xf32>,
        %swap3A_1622 = vector.shape_cast %swap3A_1621 : vector<1x16xf32> to vector<16xf32>
        %swap3A_1623 = vector.shape_cast %get3A_1618 : vector<16xf32> to vector<1x16xf32>
        tpu.vector_store %arg8[%swap3A_1619, %swap3A_1620], %swap3A_1623 {add = true, strides = array<i32>} : memref<896x16xf32, #tpu.memory_space<vmem>>, vector<1x16xf32>,
        %scan3A_1624 = arith.constant 3 : i32
        %scan3A_1625 = arith.addi %scan3A_1594, %scan3A_1624 : i32
        %get3A_1626 = arith.index_cast %scan3A_1625 : i32 to index
        %get3A_1627 = arith.constant 0 : index
        %get3A_1628 = tpu.vector_load %arg6[%get3A_1626, %get3A_1627] {strides = array<i32>} : memref<896x16xf32, #tpu.memory_space<vmem>>, vector<1x16xf32>,
        %get3A_1629 = vector.shape_cast %get3A_1628 : vector<1x16xf32> to vector<16xf32>
        %swap3A_1630 = arith.index_cast %scan3A_1625 : i32 to index
        %swap3A_1631 = arith.constant 0 : index
        %swap3A_1632 = tpu.vector_load %arg8[%swap3A_1630, %swap3A_1631] {strides = array<i32>} : memref<896x16xf32, #tpu.memory_space<vmem>>, vector<1x16xf32>,
        %swap3A_1633 = vector.shape_cast %swap3A_1632 : vector<1x16xf32> to vector<16xf32>
        %swap3A_1634 = vector.shape_cast %get3A_1629 : vector<16xf32> to vector<1x16xf32>
        tpu.vector_store %arg8[%swap3A_1630, %swap3A_1631], %swap3A_1634 {add = true, strides = array<i32>} : memref<896x16xf32, #tpu.memory_space<vmem>>, vector<1x16xf32>,
        %scan3A_1635 = arith.constant 4 : i32
        %scan3A_1636 = arith.addi %scan3A_1594, %scan3A_1635 : i32
        %get3A_1637 = arith.index_cast %scan3A_1636 : i32 to index
        %get3A_1638 = arith.constant 0 : index
        %get3A_1639 = tpu.vector_load %arg6[%get3A_1637, %get3A_1638] {strides = array<i32>} : memref<896x16xf32, #tpu.memory_space<vmem>>, vector<1x16xf32>,
        %get3A_1640 = vector.shape_cast %get3A_1639 : vector<1x16xf32> to vector<16xf32>
        %swap3A_1641 = arith.index_cast %scan3A_1636 : i32 to index
        %swap3A_1642 = arith.constant 0 : index
        %swap3A_1643 = tpu.vector_load %arg8[%swap3A_1641, %swap3A_1642] {strides = array<i32>} : memref<896x16xf32, #tpu.memory_space<vmem>>, vector<1x16xf32>,
        %swap3A_1644 = vector.shape_cast %swap3A_1643 : vector<1x16xf32> to vector<16xf32>
        %swap3A_1645 = vector.shape_cast %get3A_1640 : vector<16xf32> to vector<1x16xf32>
        tpu.vector_store %arg8[%swap3A_1641, %swap3A_1642], %swap3A_1645 {add = true, strides = array<i32>} : memref<896x16xf32, #tpu.memory_space<vmem>>, vector<1x16xf32>,
        %scan3A_1646 = arith.constant 5 : i32
        %scan3A_1647 = arith.addi %scan3A_1594, %scan3A_1646 : i32
        %get3A_1648 = arith.index_cast %scan3A_1647 : i32 to index
        %get3A_1649 = arith.constant 0 : index
        %get3A_1650 = tpu.vector_load %arg6[%get3A_1648, %get3A_1649] {strides = array<i32>} : memref<896x16xf32, #tpu.memory_space<vmem>>, vector<1x16xf32>,
        %get3A_1651 = vector.shape_cast %get3A_1650 : vector<1x16xf32> to vector<16xf32>
        %swap3A_1652 = arith.index_cast %scan3A_1647 : i32 to index
        %swap3A_1653 = arith.constant 0 : index
        %swap3A_1654 = tpu.vector_load %arg8[%swap3A_1652, %swap3A_1653] {strides = array<i32>} : memref<896x16xf32, #tpu.memory_space<vmem>>, vector<1x16xf32>,
        %swap3A_1655 = vector.shape_cast %swap3A_1654 : vector<1x16xf32> to vector<16xf32>
        %swap3A_1656 = vector.shape_cast %get3A_1651 : vector<16xf32> to vector<1x16xf32>
        tpu.vector_store %arg8[%swap3A_1652, %swap3A_1653], %swap3A_1656 {add = true, strides = array<i32>} : memref<896x16xf32, #tpu.memory_space<vmem>>, vector<1x16xf32>,
        %scan3A_1657 = arith.constant 6 : i32
        %scan3A_1658 = arith.addi %scan3A_1594, %scan3A_1657 : i32
        %get3A_1659 = arith.index_cast %scan3A_1658 : i32 to index
        %get3A_1660 = arith.constant 0 : index
        %get3A_1661 = tpu.vector_load %arg6[%get3A_1659, %get3A_1660] {strides = array<i32>} : memref<896x16xf32, #tpu.memory_space<vmem>>, vector<1x16xf32>,
        %get3A_1662 = vector.shape_cast %get3A_1661 : vector<1x16xf32> to vector<16xf32>
        %swap3A_1663 = arith.index_cast %scan3A_1658 : i32 to index
        %swap3A_1664 = arith.constant 0 : index
        %swap3A_1665 = tpu.vector_load %arg8[%swap3A_1663, %swap3A_1664] {strides = array<i32>} : memref<896x16xf32, #tpu.memory_space<vmem>>, vector<1x16xf32>,
        %swap3A_1666 = vector.shape_cast %swap3A_1665 : vector<1x16xf32> to vector<16xf32>
        %swap3A_1667 = vector.shape_cast %get3A_1662 : vector<16xf32> to vector<1x16xf32>
        tpu.vector_store %arg8[%swap3A_1663, %swap3A_1664], %swap3A_1667 {add = true, strides = array<i32>} : memref<896x16xf32, #tpu.memory_space<vmem>>, vector<1x16xf32>,
        %scan3A_1668 = arith.constant 7 : i32
        %scan3A_1669 = arith.addi %scan3A_1594, %scan3A_1668 : i32
        %get3A_1670 = arith.index_cast %scan3A_1669 : i32 to index
        %get3A_1671 = arith.constant 0 : index
        %get3A_1672 = tpu.vector_load %arg6[%get3A_1670, %get3A_1671] {strides = array<i32>} : memref<896x16xf32, #tpu.memory_space<vmem>>, vector<1x16xf32>,
        %get3A_1673 = vector.shape_cast %get3A_1672 : vector<1x16xf32> to vector<16xf32>
        %swap3A_1674 = arith.index_cast %scan3A_1669 : i32 to index
        %swap3A_1675 = arith.constant 0 : index
        %swap3A_1676 = tpu.vector_load %arg8[%swap3A_1674, %swap3A_1675] {strides = array<i32>} : memref<896x16xf32, #tpu.memory_space<vmem>>, vector<1x16xf32>,
        %swap3A_1677 = vector.shape_cast %swap3A_1676 : vector<1x16xf32> to vector<16xf32>
        %swap3A_1678 = vector.shape_cast %get3A_1673 : vector<16xf32> to vector<1x16xf32>
        tpu.vector_store %arg8[%swap3A_1674, %swap3A_1675], %swap3A_1678 {add = true, strides = array<i32>} : memref<896x16xf32, #tpu.memory_space<vmem>>, vector<1x16xf32>,
      }
      %scan3A_587 = arith.constant 896 : i32
      %dma_start3A_588 = arith.constant 0 : i32
      %dma_start3A_589 = arith.constant 0 : i32
      %dma_start3A_590 = tpu.memref_slice %arg6[%dma_start3A_588, %dma_start3A_589] : memref<896x16xf32, #tpu.memory_space<vmem>> -> memref<128x16xf32, #tpu.memory_space<vmem>>
      %dma_start3A_591 = arith.constant 3584 : i32
      %dma_start3A_592 = tpu.memref_slice %arg5[%dma_start3A_591] : memref<10752xi32, #tpu.memory_space<vmem>> -> memref<128xi32, #tpu.memory_space<vmem>>
      %dma_start3A_593 = arith.constant 0 : i32
      %dma_start3A_594 = arith.constant 0 : i32
      %dma_start3A_595 = tpu.memref_slice %arg2[%dma_start3A_593, %dma_start3A_594] : memref<3932160x16xf32, #tpu.memory_space<hbm>> -> memref<3932160x16xf32, #tpu.memory_space<hbm>>
      tpu.enqueue_indirect_dma source(%dma_start3A_595 : memref<3932160x16xf32, #tpu.memory_space<hbm>>) target(%dma_start3A_590 : memref<128x16xf32, #tpu.memory_space<vmem>>) offsets(%dma_start3A_592 : memref<128xi32, #tpu.memory_space<vmem>>) semaphore(%arg9 : memref<!tpu.dma_semaphore, #tpu.memory_space<semaphore_mem>>)
      %dma_start3A_596 = arith.constant 128 : i32
      %dma_start3A_597 = arith.constant 0 : i32
      %dma_start3A_598 = tpu.memref_slice %arg6[%dma_start3A_596, %dma_start3A_597] : memref<896x16xf32, #tpu.memory_space<vmem>> -> memref<128x16xf32, #tpu.memory_space<vmem>>
      %dma_start3A_599 = arith.constant 3712 : i32
      %dma_start3A_600 = tpu.memref_slice %arg5[%dma_start3A_599] : memref<10752xi32, #tpu.memory_space<vmem>> -> memref<128xi32, #tpu.memory_space<vmem>>
      %dma_start3A_601 = arith.constant 0 : i32
      %dma_start3A_602 = arith.constant 0 : i32
      %dma_start3A_603 = tpu.memref_slice %arg2[%dma_start3A_601, %dma_start3A_602] : memref<3932160x16xf32, #tpu.memory_space<hbm>> -> memref<3932160x16xf32, #tpu.memory_space<hbm>>
      tpu.enqueue_indirect_dma source(%dma_start3A_603 : memref<3932160x16xf32, #tpu.memory_space<hbm>>) target(%dma_start3A_598 : memref<128x16xf32, #tpu.memory_space<vmem>>) offsets(%dma_start3A_600 : memref<128xi32, #tpu.memory_space<vmem>>) semaphore(%arg9 : memref<!tpu.dma_semaphore, #tpu.memory_space<semaphore_mem>>)
      %dma_start3A_604 = arith.constant 256 : i32
      %dma_start3A_605 = arith.constant 0 : i32
      %dma_start3A_606 = tpu.memref_slice %arg6[%dma_start3A_604, %dma_start3A_605] : memref<896x16xf32, #tpu.memory_space<vmem>> -> memref<128x16xf32, #tpu.memory_space<vmem>>
      %dma_start3A_607 = arith.constant 3840 : i32
      %dma_start3A_608 = tpu.memref_slice %arg5[%dma_start3A_607] : memref<10752xi32, #tpu.memory_space<vmem>> -> memref<128xi32, #tpu.memory_space<vmem>>
      %dma_start3A_609 = arith.constant 0 : i32
      %dma_start3A_610 = arith.constant 0 : i32
      %dma_start3A_611 = tpu.memref_slice %arg2[%dma_start3A_609, %dma_start3A_610] : memref<3932160x16xf32, #tpu.memory_space<hbm>> -> memref<3932160x16xf32, #tpu.memory_space<hbm>>
      tpu.enqueue_indirect_dma source(%dma_start3A_611 : memref<3932160x16xf32, #tpu.memory_space<hbm>>) target(%dma_start3A_606 : memref<128x16xf32, #tpu.memory_space<vmem>>) offsets(%dma_start3A_608 : memref<128xi32, #tpu.memory_space<vmem>>) semaphore(%arg9 : memref<!tpu.dma_semaphore, #tpu.memory_space<semaphore_mem>>)
      %dma_start3A_612 = arith.constant 384 : i32
      %dma_start3A_613 = arith.constant 0 : i32
      %dma_start3A_614 = tpu.memref_slice %arg6[%dma_start3A_612, %dma_start3A_613] : memref<896x16xf32, #tpu.memory_space<vmem>> -> memref<128x16xf32, #tpu.memory_space<vmem>>
      %dma_start3A_615 = arith.constant 3968 : i32
      %dma_start3A_616 = tpu.memref_slice %arg5[%dma_start3A_615] : memref<10752xi32, #tpu.memory_space<vmem>> -> memref<128xi32, #tpu.memory_space<vmem>>
      %dma_start3A_617 = arith.constant 0 : i32
      %dma_start3A_618 = arith.constant 0 : i32
      %dma_start3A_619 = tpu.memref_slice %arg2[%dma_start3A_617, %dma_start3A_618] : memref<3932160x16xf32, #tpu.memory_space<hbm>> -> memref<3932160x16xf32, #tpu.memory_space<hbm>>
      tpu.enqueue_indirect_dma source(%dma_start3A_619 : memref<3932160x16xf32, #tpu.memory_space<hbm>>) target(%dma_start3A_614 : memref<128x16xf32, #tpu.memory_space<vmem>>) offsets(%dma_start3A_616 : memref<128xi32, #tpu.memory_space<vmem>>) semaphore(%arg9 : memref<!tpu.dma_semaphore, #tpu.memory_space<semaphore_mem>>)
      %dma_start3A_620 = arith.constant 512 : i32
      %dma_start3A_621 = arith.constant 0 : i32
      %dma_start3A_622 = tpu.memref_slice %arg6[%dma_start3A_620, %dma_start3A_621] : memref<896x16xf32, #tpu.memory_space<vmem>> -> memref<128x16xf32, #tpu.memory_space<vmem>>
      %dma_start3A_623 = arith.constant 4096 : i32
      %dma_start3A_624 = tpu.memref_slice %arg5[%dma_start3A_623] : memref<10752xi32, #tpu.memory_space<vmem>> -> memref<128xi32, #tpu.memory_space<vmem>>
      %dma_start3A_625 = arith.constant 0 : i32
      %dma_start3A_626 = arith.constant 0 : i32
      %dma_start3A_627 = tpu.memref_slice %arg2[%dma_start3A_625, %dma_start3A_626] : memref<3932160x16xf32, #tpu.memory_space<hbm>> -> memref<3932160x16xf32, #tpu.memory_space<hbm>>
      tpu.enqueue_indirect_dma source(%dma_start3A_627 : memref<3932160x16xf32, #tpu.memory_space<hbm>>) target(%dma_start3A_622 : memref<128x16xf32, #tpu.memory_space<vmem>>) offsets(%dma_start3A_624 : memref<128xi32, #tpu.memory_space<vmem>>) semaphore(%arg9 : memref<!tpu.dma_semaphore, #tpu.memory_space<semaphore_mem>>)
      %dma_start3A_628 = arith.constant 640 : i32
      %dma_start3A_629 = arith.constant 0 : i32
      %dma_start3A_630 = tpu.memref_slice %arg6[%dma_start3A_628, %dma_start3A_629] : memref<896x16xf32, #tpu.memory_space<vmem>> -> memref<128x16xf32, #tpu.memory_space<vmem>>
      %dma_start3A_631 = arith.constant 4224 : i32
      %dma_start3A_632 = tpu.memref_slice %arg5[%dma_start3A_631] : memref<10752xi32, #tpu.memory_space<vmem>> -> memref<128xi32, #tpu.memory_space<vmem>>
      %dma_start3A_633 = arith.constant 0 : i32
      %dma_start3A_634 = arith.constant 0 : i32
      %dma_start3A_635 = tpu.memref_slice %arg2[%dma_start3A_633, %dma_start3A_634] : memref<3932160x16xf32, #tpu.memory_space<hbm>> -> memref<3932160x16xf32, #tpu.memory_space<hbm>>
      tpu.enqueue_indirect_dma source(%dma_start3A_635 : memref<3932160x16xf32, #tpu.memory_space<hbm>>) target(%dma_start3A_630 : memref<128x16xf32, #tpu.memory_space<vmem>>) offsets(%dma_start3A_632 : memref<128xi32, #tpu.memory_space<vmem>>) semaphore(%arg9 : memref<!tpu.dma_semaphore, #tpu.memory_space<semaphore_mem>>)
      %dma_start3A_636 = arith.constant 768 : i32
      %dma_start3A_637 = arith.constant 0 : i32
      %dma_start3A_638 = tpu.memref_slice %arg6[%dma_start3A_636, %dma_start3A_637] : memref<896x16xf32, #tpu.memory_space<vmem>> -> memref<128x16xf32, #tpu.memory_space<vmem>>
      %dma_start3A_639 = arith.constant 4352 : i32
      %dma_start3A_640 = tpu.memref_slice %arg5[%dma_start3A_639] : memref<10752xi32, #tpu.memory_space<vmem>> -> memref<128xi32, #tpu.memory_space<vmem>>
      %dma_start3A_641 = arith.constant 0 : i32
      %dma_start3A_642 = arith.constant 0 : i32
      %dma_start3A_643 = tpu.memref_slice %arg2[%dma_start3A_641, %dma_start3A_642] : memref<3932160x16xf32, #tpu.memory_space<hbm>> -> memref<3932160x16xf32, #tpu.memory_space<hbm>>
      tpu.enqueue_indirect_dma source(%dma_start3A_643 : memref<3932160x16xf32, #tpu.memory_space<hbm>>) target(%dma_start3A_638 : memref<128x16xf32, #tpu.memory_space<vmem>>) offsets(%dma_start3A_640 : memref<128xi32, #tpu.memory_space<vmem>>) semaphore(%arg9 : memref<!tpu.dma_semaphore, #tpu.memory_space<semaphore_mem>>)
      %dma_wait3A_644 = arith.constant 0 : i32
      %dma_wait3A_645 = arith.constant 0 : i32
      %dma_wait3A_646 = tpu.memref_slice %arg7[%dma_wait3A_644, %dma_wait3A_645] : memref<896x16xf32, #tpu.memory_space<vmem>> -> memref<128x16xf32, #tpu.memory_space<vmem>>
      %dma_wait3A_647 = arith.constant 2688 : i32
      %dma_wait3A_648 = tpu.memref_slice %arg5[%dma_wait3A_647] : memref<10752xi32, #tpu.memory_space<vmem>> -> memref<128xi32, #tpu.memory_space<vmem>>
      %dma_wait3A_649 = arith.constant 0 : i32
      %dma_wait3A_650 = arith.constant 0 : i32
      %dma_wait3A_651 = tpu.memref_slice %arg2[%dma_wait3A_649, %dma_wait3A_650] : memref<3932160x16xf32, #tpu.memory_space<hbm>> -> memref<3932160x16xf32, #tpu.memory_space<hbm>>
      tpu.wait_indirect_dma semaphore(%arg10 : memref<!tpu.dma_semaphore, #tpu.memory_space<semaphore_mem>>) src(%dma_wait3A_651 : memref<3932160x16xf32, #tpu.memory_space<hbm>>) dst(%dma_wait3A_646 : memref<128x16xf32, #tpu.memory_space<vmem>>)
      %dma_wait3A_652 = arith.constant 128 : i32
      %dma_wait3A_653 = arith.constant 0 : i32
      %dma_wait3A_654 = tpu.memref_slice %arg7[%dma_wait3A_652, %dma_wait3A_653] : memref<896x16xf32, #tpu.memory_space<vmem>> -> memref<128x16xf32, #tpu.memory_space<vmem>>
      %dma_wait3A_655 = arith.constant 2816 : i32
      %dma_wait3A_656 = tpu.memref_slice %arg5[%dma_wait3A_655] : memref<10752xi32, #tpu.memory_space<vmem>> -> memref<128xi32, #tpu.memory_space<vmem>>
      %dma_wait3A_657 = arith.constant 0 : i32
      %dma_wait3A_658 = arith.constant 0 : i32
      %dma_wait3A_659 = tpu.memref_slice %arg2[%dma_wait3A_657, %dma_wait3A_658] : memref<3932160x16xf32, #tpu.memory_space<hbm>> -> memref<3932160x16xf32, #tpu.memory_space<hbm>>
      tpu.wait_indirect_dma semaphore(%arg10 : memref<!tpu.dma_semaphore, #tpu.memory_space<semaphore_mem>>) src(%dma_wait3A_659 : memref<3932160x16xf32, #tpu.memory_space<hbm>>) dst(%dma_wait3A_654 : memref<128x16xf32, #tpu.memory_space<vmem>>)
      %dma_wait3A_660 = arith.constant 256 : i32
      %dma_wait3A_661 = arith.constant 0 : i32
      %dma_wait3A_662 = tpu.memref_slice %arg7[%dma_wait3A_660, %dma_wait3A_661] : memref<896x16xf32, #tpu.memory_space<vmem>> -> memref<128x16xf32, #tpu.memory_space<vmem>>
      %dma_wait3A_663 = arith.constant 2944 : i32
      %dma_wait3A_664 = tpu.memref_slice %arg5[%dma_wait3A_663] : memref<10752xi32, #tpu.memory_space<vmem>> -> memref<128xi32, #tpu.memory_space<vmem>>
      %dma_wait3A_665 = arith.constant 0 : i32
      %dma_wait3A_666 = arith.constant 0 : i32
      %dma_wait3A_667 = tpu.memref_slice %arg2[%dma_wait3A_665, %dma_wait3A_666] : memref<3932160x16xf32, #tpu.memory_space<hbm>> -> memref<3932160x16xf32, #tpu.memory_space<hbm>>
      tpu.wait_indirect_dma semaphore(%arg10 : memref<!tpu.dma_semaphore, #tpu.memory_space<semaphore_mem>>) src(%dma_wait3A_667 : memref<3932160x16xf32, #tpu.memory_space<hbm>>) dst(%dma_wait3A_662 : memref<128x16xf32, #tpu.memory_space<vmem>>)
      %dma_wait3A_668 = arith.constant 384 : i32
      %dma_wait3A_669 = arith.constant 0 : i32
      %dma_wait3A_670 = tpu.memref_slice %arg7[%dma_wait3A_668, %dma_wait3A_669] : memref<896x16xf32, #tpu.memory_space<vmem>> -> memref<128x16xf32, #tpu.memory_space<vmem>>
      %dma_wait3A_671 = arith.constant 3072 : i32
      %dma_wait3A_672 = tpu.memref_slice %arg5[%dma_wait3A_671] : memref<10752xi32, #tpu.memory_space<vmem>> -> memref<128xi32, #tpu.memory_space<vmem>>
      %dma_wait3A_673 = arith.constant 0 : i32
      %dma_wait3A_674 = arith.constant 0 : i32
      %dma_wait3A_675 = tpu.memref_slice %arg2[%dma_wait3A_673, %dma_wait3A_674] : memref<3932160x16xf32, #tpu.memory_space<hbm>> -> memref<3932160x16xf32, #tpu.memory_space<hbm>>
      tpu.wait_indirect_dma semaphore(%arg10 : memref<!tpu.dma_semaphore, #tpu.memory_space<semaphore_mem>>) src(%dma_wait3A_675 : memref<3932160x16xf32, #tpu.memory_space<hbm>>) dst(%dma_wait3A_670 : memref<128x16xf32, #tpu.memory_space<vmem>>)
      %dma_wait3A_676 = arith.constant 512 : i32
      %dma_wait3A_677 = arith.constant 0 : i32
      %dma_wait3A_678 = tpu.memref_slice %arg7[%dma_wait3A_676, %dma_wait3A_677] : memref<896x16xf32, #tpu.memory_space<vmem>> -> memref<128x16xf32, #tpu.memory_space<vmem>>
      %dma_wait3A_679 = arith.constant 3200 : i32
      %dma_wait3A_680 = tpu.memref_slice %arg5[%dma_wait3A_679] : memref<10752xi32, #tpu.memory_space<vmem>> -> memref<128xi32, #tpu.memory_space<vmem>>
      %dma_wait3A_681 = arith.constant 0 : i32
      %dma_wait3A_682 = arith.constant 0 : i32
      %dma_wait3A_683 = tpu.memref_slice %arg2[%dma_wait3A_681, %dma_wait3A_682] : memref<3932160x16xf32, #tpu.memory_space<hbm>> -> memref<3932160x16xf32, #tpu.memory_space<hbm>>
      tpu.wait_indirect_dma semaphore(%arg10 : memref<!tpu.dma_semaphore, #tpu.memory_space<semaphore_mem>>) src(%dma_wait3A_683 : memref<3932160x16xf32, #tpu.memory_space<hbm>>) dst(%dma_wait3A_678 : memref<128x16xf32, #tpu.memory_space<vmem>>)
      %dma_wait3A_684 = arith.constant 640 : i32
      %dma_wait3A_685 = arith.constant 0 : i32
      %dma_wait3A_686 = tpu.memref_slice %arg7[%dma_wait3A_684, %dma_wait3A_685] : memref<896x16xf32, #tpu.memory_space<vmem>> -> memref<128x16xf32, #tpu.memory_space<vmem>>
      %dma_wait3A_687 = arith.constant 3328 : i32
      %dma_wait3A_688 = tpu.memref_slice %arg5[%dma_wait3A_687] : memref<10752xi32, #tpu.memory_space<vmem>> -> memref<128xi32, #tpu.memory_space<vmem>>
      %dma_wait3A_689 = arith.constant 0 : i32
      %dma_wait3A_690 = arith.constant 0 : i32
      %dma_wait3A_691 = tpu.memref_slice %arg2[%dma_wait3A_689, %dma_wait3A_690] : memref<3932160x16xf32, #tpu.memory_space<hbm>> -> memref<3932160x16xf32, #tpu.memory_space<hbm>>
      tpu.wait_indirect_dma semaphore(%arg10 : memref<!tpu.dma_semaphore, #tpu.memory_space<semaphore_mem>>) src(%dma_wait3A_691 : memref<3932160x16xf32, #tpu.memory_space<hbm>>) dst(%dma_wait3A_686 : memref<128x16xf32, #tpu.memory_space<vmem>>)
      %dma_wait3A_692 = arith.constant 768 : i32
      %dma_wait3A_693 = arith.constant 0 : i32
      %dma_wait3A_694 = tpu.memref_slice %arg7[%dma_wait3A_692, %dma_wait3A_693] : memref<896x16xf32, #tpu.memory_space<vmem>> -> memref<128x16xf32, #tpu.memory_space<vmem>>
      %dma_wait3A_695 = arith.constant 3456 : i32
      %dma_wait3A_696 = tpu.memref_slice %arg5[%dma_wait3A_695] : memref<10752xi32, #tpu.memory_space<vmem>> -> memref<128xi32, #tpu.memory_space<vmem>>
      %dma_wait3A_697 = arith.constant 0 : i32
      %dma_wait3A_698 = arith.constant 0 : i32
      %dma_wait3A_699 = tpu.memref_slice %arg2[%dma_wait3A_697, %dma_wait3A_698] : memref<3932160x16xf32, #tpu.memory_space<hbm>> -> memref<3932160x16xf32, #tpu.memory_space<hbm>>
      tpu.wait_indirect_dma semaphore(%arg10 : memref<!tpu.dma_semaphore, #tpu.memory_space<semaphore_mem>>) src(%dma_wait3A_699 : memref<3932160x16xf32, #tpu.memory_space<hbm>>) dst(%dma_wait3A_694 : memref<128x16xf32, #tpu.memory_space<vmem>>)
      %scan3A_700 = arith.constant 0 : i32
      %scan3A_701 = arith.constant 0 : i32
      %scan3A_702 = arith.constant 896 : i32
      %scan3A_703 = arith.addi %scan3A_701, %scan3A_702 : i32
      %scan3A_704 = arith.constant 8 : i32
      scf.for %scan3A_1594 = %scan3A_701 to %scan3A_703 step %scan3A_704  : i32 {
        %get3A = arith.index_cast %scan3A_1594 : i32 to index
        %get3A_1595 = arith.constant 0 : index
        %get3A_1596 = tpu.vector_load %arg7[%get3A, %get3A_1595] {strides = array<i32>} : memref<896x16xf32, #tpu.memory_space<vmem>>, vector<1x16xf32>,
        %get3A_1597 = vector.shape_cast %get3A_1596 : vector<1x16xf32> to vector<16xf32>
        %swap3A = arith.index_cast %scan3A_1594 : i32 to index
        %swap3A_1598 = arith.constant 0 : index
        %swap3A_1599 = tpu.vector_load %arg8[%swap3A, %swap3A_1598] {strides = array<i32>} : memref<896x16xf32, #tpu.memory_space<vmem>>, vector<1x16xf32>,
        %swap3A_1600 = vector.shape_cast %swap3A_1599 : vector<1x16xf32> to vector<16xf32>
        %swap3A_1601 = vector.shape_cast %get3A_1597 : vector<16xf32> to vector<1x16xf32>
        tpu.vector_store %arg8[%swap3A, %swap3A_1598], %swap3A_1601 {add = true, strides = array<i32>} : memref<896x16xf32, #tpu.memory_space<vmem>>, vector<1x16xf32>,
        %scan3A_1602 = arith.constant 1 : i32
        %scan3A_1603 = arith.addi %scan3A_1594, %scan3A_1602 : i32
        %get3A_1604 = arith.index_cast %scan3A_1603 : i32 to index
        %get3A_1605 = arith.constant 0 : index
        %get3A_1606 = tpu.vector_load %arg7[%get3A_1604, %get3A_1605] {strides = array<i32>} : memref<896x16xf32, #tpu.memory_space<vmem>>, vector<1x16xf32>,
        %get3A_1607 = vector.shape_cast %get3A_1606 : vector<1x16xf32> to vector<16xf32>
        %swap3A_1608 = arith.index_cast %scan3A_1603 : i32 to index
        %swap3A_1609 = arith.constant 0 : index
        %swap3A_1610 = tpu.vector_load %arg8[%swap3A_1608, %swap3A_1609] {strides = array<i32>} : memref<896x16xf32, #tpu.memory_space<vmem>>, vector<1x16xf32>,
        %swap3A_1611 = vector.shape_cast %swap3A_1610 : vector<1x16xf32> to vector<16xf32>
        %swap3A_1612 = vector.shape_cast %get3A_1607 : vector<16xf32> to vector<1x16xf32>
        tpu.vector_store %arg8[%swap3A_1608, %swap3A_1609], %swap3A_1612 {add = true, strides = array<i32>} : memref<896x16xf32, #tpu.memory_space<vmem>>, vector<1x16xf32>,
        %scan3A_1613 = arith.constant 2 : i32
        %scan3A_1614 = arith.addi %scan3A_1594, %scan3A_1613 : i32
        %get3A_1615 = arith.index_cast %scan3A_1614 : i32 to index
        %get3A_1616 = arith.constant 0 : index
        %get3A_1617 = tpu.vector_load %arg7[%get3A_1615, %get3A_1616] {strides = array<i32>} : memref<896x16xf32, #tpu.memory_space<vmem>>, vector<1x16xf32>,
        %get3A_1618 = vector.shape_cast %get3A_1617 : vector<1x16xf32> to vector<16xf32>
        %swap3A_1619 = arith.index_cast %scan3A_1614 : i32 to index
        %swap3A_1620 = arith.constant 0 : index
        %swap3A_1621 = tpu.vector_load %arg8[%swap3A_1619, %swap3A_1620] {strides = array<i32>} : memref<896x16xf32, #tpu.memory_space<vmem>>, vector<1x16xf32>,
        %swap3A_1622 = vector.shape_cast %swap3A_1621 : vector<1x16xf32> to vector<16xf32>
        %swap3A_1623 = vector.shape_cast %get3A_1618 : vector<16xf32> to vector<1x16xf32>
        tpu.vector_store %arg8[%swap3A_1619, %swap3A_1620], %swap3A_1623 {add = true, strides = array<i32>} : memref<896x16xf32, #tpu.memory_space<vmem>>, vector<1x16xf32>,
        %scan3A_1624 = arith.constant 3 : i32
        %scan3A_1625 = arith.addi %scan3A_1594, %scan3A_1624 : i32
        %get3A_1626 = arith.index_cast %scan3A_1625 : i32 to index
        %get3A_1627 = arith.constant 0 : index
        %get3A_1628 = tpu.vector_load %arg7[%get3A_1626, %get3A_1627] {strides = array<i32>} : memref<896x16xf32, #tpu.memory_space<vmem>>, vector<1x16xf32>,
        %get3A_1629 = vector.shape_cast %get3A_1628 : vector<1x16xf32> to vector<16xf32>
        %swap3A_1630 = arith.index_cast %scan3A_1625 : i32 to index
        %swap3A_1631 = arith.constant 0 : index
        %swap3A_1632 = tpu.vector_load %arg8[%swap3A_1630, %swap3A_1631] {strides = array<i32>} : memref<896x16xf32, #tpu.memory_space<vmem>>, vector<1x16xf32>,
        %swap3A_1633 = vector.shape_cast %swap3A_1632 : vector<1x16xf32> to vector<16xf32>
        %swap3A_1634 = vector.shape_cast %get3A_1629 : vector<16xf32> to vector<1x16xf32>
        tpu.vector_store %arg8[%swap3A_1630, %swap3A_1631], %swap3A_1634 {add = true, strides = array<i32>} : memref<896x16xf32, #tpu.memory_space<vmem>>, vector<1x16xf32>,
        %scan3A_1635 = arith.constant 4 : i32
        %scan3A_1636 = arith.addi %scan3A_1594, %scan3A_1635 : i32
        %get3A_1637 = arith.index_cast %scan3A_1636 : i32 to index
        %get3A_1638 = arith.constant 0 : index
        %get3A_1639 = tpu.vector_load %arg7[%get3A_1637, %get3A_1638] {strides = array<i32>} : memref<896x16xf32, #tpu.memory_space<vmem>>, vector<1x16xf32>,
        %get3A_1640 = vector.shape_cast %get3A_1639 : vector<1x16xf32> to vector<16xf32>
        %swap3A_1641 = arith.index_cast %scan3A_1636 : i32 to index
        %swap3A_1642 = arith.constant 0 : index
        %swap3A_1643 = tpu.vector_load %arg8[%swap3A_1641, %swap3A_1642] {strides = array<i32>} : memref<896x16xf32, #tpu.memory_space<vmem>>, vector<1x16xf32>,
        %swap3A_1644 = vector.shape_cast %swap3A_1643 : vector<1x16xf32> to vector<16xf32>
        %swap3A_1645 = vector.shape_cast %get3A_1640 : vector<16xf32> to vector<1x16xf32>
        tpu.vector_store %arg8[%swap3A_1641, %swap3A_1642], %swap3A_1645 {add = true, strides = array<i32>} : memref<896x16xf32, #tpu.memory_space<vmem>>, vector<1x16xf32>,
        %scan3A_1646 = arith.constant 5 : i32
        %scan3A_1647 = arith.addi %scan3A_1594, %scan3A_1646 : i32
        %get3A_1648 = arith.index_cast %scan3A_1647 : i32 to index
        %get3A_1649 = arith.constant 0 : index
        %get3A_1650 = tpu.vector_load %arg7[%get3A_1648, %get3A_1649] {strides = array<i32>} : memref<896x16xf32, #tpu.memory_space<vmem>>, vector<1x16xf32>,
        %get3A_1651 = vector.shape_cast %get3A_1650 : vector<1x16xf32> to vector<16xf32>
        %swap3A_1652 = arith.index_cast %scan3A_1647 : i32 to index
        %swap3A_1653 = arith.constant 0 : index
        %swap3A_1654 = tpu.vector_load %arg8[%swap3A_1652, %swap3A_1653] {strides = array<i32>} : memref<896x16xf32, #tpu.memory_space<vmem>>, vector<1x16xf32>,
        %swap3A_1655 = vector.shape_cast %swap3A_1654 : vector<1x16xf32> to vector<16xf32>
        %swap3A_1656 = vector.shape_cast %get3A_1651 : vector<16xf32> to vector<1x16xf32>
        tpu.vector_store %arg8[%swap3A_1652, %swap3A_1653], %swap3A_1656 {add = true, strides = array<i32>} : memref<896x16xf32, #tpu.memory_space<vmem>>, vector<1x16xf32>,
        %scan3A_1657 = arith.constant 6 : i32
        %scan3A_1658 = arith.addi %scan3A_1594, %scan3A_1657 : i32
        %get3A_1659 = arith.index_cast %scan3A_1658 : i32 to index
        %get3A_1660 = arith.constant 0 : index
        %get3A_1661 = tpu.vector_load %arg7[%get3A_1659, %get3A_1660] {strides = array<i32>} : memref<896x16xf32, #tpu.memory_space<vmem>>, vector<1x16xf32>,
        %get3A_1662 = vector.shape_cast %get3A_1661 : vector<1x16xf32> to vector<16xf32>
        %swap3A_1663 = arith.index_cast %scan3A_1658 : i32 to index
        %swap3A_1664 = arith.constant 0 : index
        %swap3A_1665 = tpu.vector_load %arg8[%swap3A_1663, %swap3A_1664] {strides = array<i32>} : memref<896x16xf32, #tpu.memory_space<vmem>>, vector<1x16xf32>,
        %swap3A_1666 = vector.shape_cast %swap3A_1665 : vector<1x16xf32> to vector<16xf32>
        %swap3A_1667 = vector.shape_cast %get3A_1662 : vector<16xf32> to vector<1x16xf32>
        tpu.vector_store %arg8[%swap3A_1663, %swap3A_1664], %swap3A_1667 {add = true, strides = array<i32>} : memref<896x16xf32, #tpu.memory_space<vmem>>, vector<1x16xf32>,
        %scan3A_1668 = arith.constant 7 : i32
        %scan3A_1669 = arith.addi %scan3A_1594, %scan3A_1668 : i32
        %get3A_1670 = arith.index_cast %scan3A_1669 : i32 to index
        %get3A_1671 = arith.constant 0 : index
        %get3A_1672 = tpu.vector_load %arg7[%get3A_1670, %get3A_1671] {strides = array<i32>} : memref<896x16xf32, #tpu.memory_space<vmem>>, vector<1x16xf32>,
        %get3A_1673 = vector.shape_cast %get3A_1672 : vector<1x16xf32> to vector<16xf32>
        %swap3A_1674 = arith.index_cast %scan3A_1669 : i32 to index
        %swap3A_1675 = arith.constant 0 : index
        %swap3A_1676 = tpu.vector_load %arg8[%swap3A_1674, %swap3A_1675] {strides = array<i32>} : memref<896x16xf32, #tpu.memory_space<vmem>>, vector<1x16xf32>,
        %swap3A_1677 = vector.shape_cast %swap3A_1676 : vector<1x16xf32> to vector<16xf32>
        %swap3A_1678 = vector.shape_cast %get3A_1673 : vector<16xf32> to vector<1x16xf32>
        tpu.vector_store %arg8[%swap3A_1674, %swap3A_1675], %swap3A_1678 {add = true, strides = array<i32>} : memref<896x16xf32, #tpu.memory_space<vmem>>, vector<1x16xf32>,
      }
      %scan3A_705 = arith.constant 896 : i32
      %dma_start3A_706 = arith.constant 0 : i32
      %dma_start3A_707 = arith.constant 0 : i32
      %dma_start3A_708 = tpu.memref_slice %arg7[%dma_start3A_706, %dma_start3A_707] : memref<896x16xf32, #tpu.memory_space<vmem>> -> memref<128x16xf32, #tpu.memory_space<vmem>>
      %dma_start3A_709 = arith.constant 4480 : i32
      %dma_start3A_710 = tpu.memref_slice %arg5[%dma_start3A_709] : memref<10752xi32, #tpu.memory_space<vmem>> -> memref<128xi32, #tpu.memory_space<vmem>>
      %dma_start3A_711 = arith.constant 0 : i32
      %dma_start3A_712 = arith.constant 0 : i32
      %dma_start3A_713 = tpu.memref_slice %arg2[%dma_start3A_711, %dma_start3A_712] : memref<3932160x16xf32, #tpu.memory_space<hbm>> -> memref<3932160x16xf32, #tpu.memory_space<hbm>>
      tpu.enqueue_indirect_dma source(%dma_start3A_713 : memref<3932160x16xf32, #tpu.memory_space<hbm>>) target(%dma_start3A_708 : memref<128x16xf32, #tpu.memory_space<vmem>>) offsets(%dma_start3A_710 : memref<128xi32, #tpu.memory_space<vmem>>) semaphore(%arg10 : memref<!tpu.dma_semaphore, #tpu.memory_space<semaphore_mem>>)
      %dma_start3A_714 = arith.constant 128 : i32
      %dma_start3A_715 = arith.constant 0 : i32
      %dma_start3A_716 = tpu.memref_slice %arg7[%dma_start3A_714, %dma_start3A_715] : memref<896x16xf32, #tpu.memory_space<vmem>> -> memref<128x16xf32, #tpu.memory_space<vmem>>
      %dma_start3A_717 = arith.constant 4608 : i32
      %dma_start3A_718 = tpu.memref_slice %arg5[%dma_start3A_717] : memref<10752xi32, #tpu.memory_space<vmem>> -> memref<128xi32, #tpu.memory_space<vmem>>
      %dma_start3A_719 = arith.constant 0 : i32
      %dma_start3A_720 = arith.constant 0 : i32
      %dma_start3A_721 = tpu.memref_slice %arg2[%dma_start3A_719, %dma_start3A_720] : memref<3932160x16xf32, #tpu.memory_space<hbm>> -> memref<3932160x16xf32, #tpu.memory_space<hbm>>
      tpu.enqueue_indirect_dma source(%dma_start3A_721 : memref<3932160x16xf32, #tpu.memory_space<hbm>>) target(%dma_start3A_716 : memref<128x16xf32, #tpu.memory_space<vmem>>) offsets(%dma_start3A_718 : memref<128xi32, #tpu.memory_space<vmem>>) semaphore(%arg10 : memref<!tpu.dma_semaphore, #tpu.memory_space<semaphore_mem>>)
      %dma_start3A_722 = arith.constant 256 : i32
      %dma_start3A_723 = arith.constant 0 : i32
      %dma_start3A_724 = tpu.memref_slice %arg7[%dma_start3A_722, %dma_start3A_723] : memref<896x16xf32, #tpu.memory_space<vmem>> -> memref<128x16xf32, #tpu.memory_space<vmem>>
      %dma_start3A_725 = arith.constant 4736 : i32
      %dma_start3A_726 = tpu.memref_slice %arg5[%dma_start3A_725] : memref<10752xi32, #tpu.memory_space<vmem>> -> memref<128xi32, #tpu.memory_space<vmem>>
      %dma_start3A_727 = arith.constant 0 : i32
      %dma_start3A_728 = arith.constant 0 : i32
      %dma_start3A_729 = tpu.memref_slice %arg2[%dma_start3A_727, %dma_start3A_728] : memref<3932160x16xf32, #tpu.memory_space<hbm>> -> memref<3932160x16xf32, #tpu.memory_space<hbm>>
      tpu.enqueue_indirect_dma source(%dma_start3A_729 : memref<3932160x16xf32, #tpu.memory_space<hbm>>) target(%dma_start3A_724 : memref<128x16xf32, #tpu.memory_space<vmem>>) offsets(%dma_start3A_726 : memref<128xi32, #tpu.memory_space<vmem>>) semaphore(%arg10 : memref<!tpu.dma_semaphore, #tpu.memory_space<semaphore_mem>>)
      %dma_start3A_730 = arith.constant 384 : i32
      %dma_start3A_731 = arith.constant 0 : i32
      %dma_start3A_732 = tpu.memref_slice %arg7[%dma_start3A_730, %dma_start3A_731] : memref<896x16xf32, #tpu.memory_space<vmem>> -> memref<128x16xf32, #tpu.memory_space<vmem>>
      %dma_start3A_733 = arith.constant 4864 : i32
      %dma_start3A_734 = tpu.memref_slice %arg5[%dma_start3A_733] : memref<10752xi32, #tpu.memory_space<vmem>> -> memref<128xi32, #tpu.memory_space<vmem>>
      %dma_start3A_735 = arith.constant 0 : i32
      %dma_start3A_736 = arith.constant 0 : i32
      %dma_start3A_737 = tpu.memref_slice %arg2[%dma_start3A_735, %dma_start3A_736] : memref<3932160x16xf32, #tpu.memory_space<hbm>> -> memref<3932160x16xf32, #tpu.memory_space<hbm>>
      tpu.enqueue_indirect_dma source(%dma_start3A_737 : memref<3932160x16xf32, #tpu.memory_space<hbm>>) target(%dma_start3A_732 : memref<128x16xf32, #tpu.memory_space<vmem>>) offsets(%dma_start3A_734 : memref<128xi32, #tpu.memory_space<vmem>>) semaphore(%arg10 : memref<!tpu.dma_semaphore, #tpu.memory_space<semaphore_mem>>)
      %dma_start3A_738 = arith.constant 512 : i32
      %dma_start3A_739 = arith.constant 0 : i32
      %dma_start3A_740 = tpu.memref_slice %arg7[%dma_start3A_738, %dma_start3A_739] : memref<896x16xf32, #tpu.memory_space<vmem>> -> memref<128x16xf32, #tpu.memory_space<vmem>>
      %dma_start3A_741 = arith.constant 4992 : i32
      %dma_start3A_742 = tpu.memref_slice %arg5[%dma_start3A_741] : memref<10752xi32, #tpu.memory_space<vmem>> -> memref<128xi32, #tpu.memory_space<vmem>>
      %dma_start3A_743 = arith.constant 0 : i32
      %dma_start3A_744 = arith.constant 0 : i32
      %dma_start3A_745 = tpu.memref_slice %arg2[%dma_start3A_743, %dma_start3A_744] : memref<3932160x16xf32, #tpu.memory_space<hbm>> -> memref<3932160x16xf32, #tpu.memory_space<hbm>>
      tpu.enqueue_indirect_dma source(%dma_start3A_745 : memref<3932160x16xf32, #tpu.memory_space<hbm>>) target(%dma_start3A_740 : memref<128x16xf32, #tpu.memory_space<vmem>>) offsets(%dma_start3A_742 : memref<128xi32, #tpu.memory_space<vmem>>) semaphore(%arg10 : memref<!tpu.dma_semaphore, #tpu.memory_space<semaphore_mem>>)
      %dma_start3A_746 = arith.constant 640 : i32
      %dma_start3A_747 = arith.constant 0 : i32
      %dma_start3A_748 = tpu.memref_slice %arg7[%dma_start3A_746, %dma_start3A_747] : memref<896x16xf32, #tpu.memory_space<vmem>> -> memref<128x16xf32, #tpu.memory_space<vmem>>
      %dma_start3A_749 = arith.constant 5120 : i32
      %dma_start3A_750 = tpu.memref_slice %arg5[%dma_start3A_749] : memref<10752xi32, #tpu.memory_space<vmem>> -> memref<128xi32, #tpu.memory_space<vmem>>
      %dma_start3A_751 = arith.constant 0 : i32
      %dma_start3A_752 = arith.constant 0 : i32
      %dma_start3A_753 = tpu.memref_slice %arg2[%dma_start3A_751, %dma_start3A_752] : memref<3932160x16xf32, #tpu.memory_space<hbm>> -> memref<3932160x16xf32, #tpu.memory_space<hbm>>
      tpu.enqueue_indirect_dma source(%dma_start3A_753 : memref<3932160x16xf32, #tpu.memory_space<hbm>>) target(%dma_start3A_748 : memref<128x16xf32, #tpu.memory_space<vmem>>) offsets(%dma_start3A_750 : memref<128xi32, #tpu.memory_space<vmem>>) semaphore(%arg10 : memref<!tpu.dma_semaphore, #tpu.memory_space<semaphore_mem>>)
      %dma_start3A_754 = arith.constant 768 : i32
      %dma_start3A_755 = arith.constant 0 : i32
      %dma_start3A_756 = tpu.memref_slice %arg7[%dma_start3A_754, %dma_start3A_755] : memref<896x16xf32, #tpu.memory_space<vmem>> -> memref<128x16xf32, #tpu.memory_space<vmem>>
      %dma_start3A_757 = arith.constant 5248 : i32
      %dma_start3A_758 = tpu.memref_slice %arg5[%dma_start3A_757] : memref<10752xi32, #tpu.memory_space<vmem>> -> memref<128xi32, #tpu.memory_space<vmem>>
      %dma_start3A_759 = arith.constant 0 : i32
      %dma_start3A_760 = arith.constant 0 : i32
      %dma_start3A_761 = tpu.memref_slice %arg2[%dma_start3A_759, %dma_start3A_760] : memref<3932160x16xf32, #tpu.memory_space<hbm>> -> memref<3932160x16xf32, #tpu.memory_space<hbm>>
      tpu.enqueue_indirect_dma source(%dma_start3A_761 : memref<3932160x16xf32, #tpu.memory_space<hbm>>) target(%dma_start3A_756 : memref<128x16xf32, #tpu.memory_space<vmem>>) offsets(%dma_start3A_758 : memref<128xi32, #tpu.memory_space<vmem>>) semaphore(%arg10 : memref<!tpu.dma_semaphore, #tpu.memory_space<semaphore_mem>>)
      %dma_wait3A_762 = arith.constant 0 : i32
      %dma_wait3A_763 = arith.constant 0 : i32
      %dma_wait3A_764 = tpu.memref_slice %arg6[%dma_wait3A_762, %dma_wait3A_763] : memref<896x16xf32, #tpu.memory_space<vmem>> -> memref<128x16xf32, #tpu.memory_space<vmem>>
      %dma_wait3A_765 = arith.constant 3584 : i32
      %dma_wait3A_766 = tpu.memref_slice %arg5[%dma_wait3A_765] : memref<10752xi32, #tpu.memory_space<vmem>> -> memref<128xi32, #tpu.memory_space<vmem>>
      %dma_wait3A_767 = arith.constant 0 : i32
      %dma_wait3A_768 = arith.constant 0 : i32
      %dma_wait3A_769 = tpu.memref_slice %arg2[%dma_wait3A_767, %dma_wait3A_768] : memref<3932160x16xf32, #tpu.memory_space<hbm>> -> memref<3932160x16xf32, #tpu.memory_space<hbm>>
      tpu.wait_indirect_dma semaphore(%arg9 : memref<!tpu.dma_semaphore, #tpu.memory_space<semaphore_mem>>) src(%dma_wait3A_769 : memref<3932160x16xf32, #tpu.memory_space<hbm>>) dst(%dma_wait3A_764 : memref<128x16xf32, #tpu.memory_space<vmem>>)
      %dma_wait3A_770 = arith.constant 128 : i32
      %dma_wait3A_771 = arith.constant 0 : i32
      %dma_wait3A_772 = tpu.memref_slice %arg6[%dma_wait3A_770, %dma_wait3A_771] : memref<896x16xf32, #tpu.memory_space<vmem>> -> memref<128x16xf32, #tpu.memory_space<vmem>>
      %dma_wait3A_773 = arith.constant 3712 : i32
      %dma_wait3A_774 = tpu.memref_slice %arg5[%dma_wait3A_773] : memref<10752xi32, #tpu.memory_space<vmem>> -> memref<128xi32, #tpu.memory_space<vmem>>
      %dma_wait3A_775 = arith.constant 0 : i32
      %dma_wait3A_776 = arith.constant 0 : i32
      %dma_wait3A_777 = tpu.memref_slice %arg2[%dma_wait3A_775, %dma_wait3A_776] : memref<3932160x16xf32, #tpu.memory_space<hbm>> -> memref<3932160x16xf32, #tpu.memory_space<hbm>>
      tpu.wait_indirect_dma semaphore(%arg9 : memref<!tpu.dma_semaphore, #tpu.memory_space<semaphore_mem>>) src(%dma_wait3A_777 : memref<3932160x16xf32, #tpu.memory_space<hbm>>) dst(%dma_wait3A_772 : memref<128x16xf32, #tpu.memory_space<vmem>>)
      %dma_wait3A_778 = arith.constant 256 : i32
      %dma_wait3A_779 = arith.constant 0 : i32
      %dma_wait3A_780 = tpu.memref_slice %arg6[%dma_wait3A_778, %dma_wait3A_779] : memref<896x16xf32, #tpu.memory_space<vmem>> -> memref<128x16xf32, #tpu.memory_space<vmem>>
      %dma_wait3A_781 = arith.constant 3840 : i32
      %dma_wait3A_782 = tpu.memref_slice %arg5[%dma_wait3A_781] : memref<10752xi32, #tpu.memory_space<vmem>> -> memref<128xi32, #tpu.memory_space<vmem>>
      %dma_wait3A_783 = arith.constant 0 : i32
      %dma_wait3A_784 = arith.constant 0 : i32
      %dma_wait3A_785 = tpu.memref_slice %arg2[%dma_wait3A_783, %dma_wait3A_784] : memref<3932160x16xf32, #tpu.memory_space<hbm>> -> memref<3932160x16xf32, #tpu.memory_space<hbm>>
      tpu.wait_indirect_dma semaphore(%arg9 : memref<!tpu.dma_semaphore, #tpu.memory_space<semaphore_mem>>) src(%dma_wait3A_785 : memref<3932160x16xf32, #tpu.memory_space<hbm>>) dst(%dma_wait3A_780 : memref<128x16xf32, #tpu.memory_space<vmem>>)
      %dma_wait3A_786 = arith.constant 384 : i32
      %dma_wait3A_787 = arith.constant 0 : i32
      %dma_wait3A_788 = tpu.memref_slice %arg6[%dma_wait3A_786, %dma_wait3A_787] : memref<896x16xf32, #tpu.memory_space<vmem>> -> memref<128x16xf32, #tpu.memory_space<vmem>>
      %dma_wait3A_789 = arith.constant 3968 : i32
      %dma_wait3A_790 = tpu.memref_slice %arg5[%dma_wait3A_789] : memref<10752xi32, #tpu.memory_space<vmem>> -> memref<128xi32, #tpu.memory_space<vmem>>
      %dma_wait3A_791 = arith.constant 0 : i32
      %dma_wait3A_792 = arith.constant 0 : i32
      %dma_wait3A_793 = tpu.memref_slice %arg2[%dma_wait3A_791, %dma_wait3A_792] : memref<3932160x16xf32, #tpu.memory_space<hbm>> -> memref<3932160x16xf32, #tpu.memory_space<hbm>>
      tpu.wait_indirect_dma semaphore(%arg9 : memref<!tpu.dma_semaphore, #tpu.memory_space<semaphore_mem>>) src(%dma_wait3A_793 : memref<3932160x16xf32, #tpu.memory_space<hbm>>) dst(%dma_wait3A_788 : memref<128x16xf32, #tpu.memory_space<vmem>>)
      %dma_wait3A_794 = arith.constant 512 : i32
      %dma_wait3A_795 = arith.constant 0 : i32
      %dma_wait3A_796 = tpu.memref_slice %arg6[%dma_wait3A_794, %dma_wait3A_795] : memref<896x16xf32, #tpu.memory_space<vmem>> -> memref<128x16xf32, #tpu.memory_space<vmem>>
      %dma_wait3A_797 = arith.constant 4096 : i32
      %dma_wait3A_798 = tpu.memref_slice %arg5[%dma_wait3A_797] : memref<10752xi32, #tpu.memory_space<vmem>> -> memref<128xi32, #tpu.memory_space<vmem>>
      %dma_wait3A_799 = arith.constant 0 : i32
      %dma_wait3A_800 = arith.constant 0 : i32
      %dma_wait3A_801 = tpu.memref_slice %arg2[%dma_wait3A_799, %dma_wait3A_800] : memref<3932160x16xf32, #tpu.memory_space<hbm>> -> memref<3932160x16xf32, #tpu.memory_space<hbm>>
      tpu.wait_indirect_dma semaphore(%arg9 : memref<!tpu.dma_semaphore, #tpu.memory_space<semaphore_mem>>) src(%dma_wait3A_801 : memref<3932160x16xf32, #tpu.memory_space<hbm>>) dst(%dma_wait3A_796 : memref<128x16xf32, #tpu.memory_space<vmem>>)
      %dma_wait3A_802 = arith.constant 640 : i32
      %dma_wait3A_803 = arith.constant 0 : i32
      %dma_wait3A_804 = tpu.memref_slice %arg6[%dma_wait3A_802, %dma_wait3A_803] : memref<896x16xf32, #tpu.memory_space<vmem>> -> memref<128x16xf32, #tpu.memory_space<vmem>>
      %dma_wait3A_805 = arith.constant 4224 : i32
      %dma_wait3A_806 = tpu.memref_slice %arg5[%dma_wait3A_805] : memref<10752xi32, #tpu.memory_space<vmem>> -> memref<128xi32, #tpu.memory_space<vmem>>
      %dma_wait3A_807 = arith.constant 0 : i32
      %dma_wait3A_808 = arith.constant 0 : i32
      %dma_wait3A_809 = tpu.memref_slice %arg2[%dma_wait3A_807, %dma_wait3A_808] : memref<3932160x16xf32, #tpu.memory_space<hbm>> -> memref<3932160x16xf32, #tpu.memory_space<hbm>>
      tpu.wait_indirect_dma semaphore(%arg9 : memref<!tpu.dma_semaphore, #tpu.memory_space<semaphore_mem>>) src(%dma_wait3A_809 : memref<3932160x16xf32, #tpu.memory_space<hbm>>) dst(%dma_wait3A_804 : memref<128x16xf32, #tpu.memory_space<vmem>>)
      %dma_wait3A_810 = arith.constant 768 : i32
      %dma_wait3A_811 = arith.constant 0 : i32
      %dma_wait3A_812 = tpu.memref_slice %arg6[%dma_wait3A_810, %dma_wait3A_811] : memref<896x16xf32, #tpu.memory_space<vmem>> -> memref<128x16xf32, #tpu.memory_space<vmem>>
      %dma_wait3A_813 = arith.constant 4352 : i32
      %dma_wait3A_814 = tpu.memref_slice %arg5[%dma_wait3A_813] : memref<10752xi32, #tpu.memory_space<vmem>> -> memref<128xi32, #tpu.memory_space<vmem>>
      %dma_wait3A_815 = arith.constant 0 : i32
      %dma_wait3A_816 = arith.constant 0 : i32
      %dma_wait3A_817 = tpu.memref_slice %arg2[%dma_wait3A_815, %dma_wait3A_816] : memref<3932160x16xf32, #tpu.memory_space<hbm>> -> memref<3932160x16xf32, #tpu.memory_space<hbm>>
      tpu.wait_indirect_dma semaphore(%arg9 : memref<!tpu.dma_semaphore, #tpu.memory_space<semaphore_mem>>) src(%dma_wait3A_817 : memref<3932160x16xf32, #tpu.memory_space<hbm>>) dst(%dma_wait3A_812 : memref<128x16xf32, #tpu.memory_space<vmem>>)
      %scan3A_818 = arith.constant 0 : i32
      %scan3A_819 = arith.constant 0 : i32
      %scan3A_820 = arith.constant 896 : i32
      %scan3A_821 = arith.addi %scan3A_819, %scan3A_820 : i32
      %scan3A_822 = arith.constant 8 : i32
      scf.for %scan3A_1594 = %scan3A_819 to %scan3A_821 step %scan3A_822  : i32 {
        %get3A = arith.index_cast %scan3A_1594 : i32 to index
        %get3A_1595 = arith.constant 0 : index
        %get3A_1596 = tpu.vector_load %arg6[%get3A, %get3A_1595] {strides = array<i32>} : memref<896x16xf32, #tpu.memory_space<vmem>>, vector<1x16xf32>,
        %get3A_1597 = vector.shape_cast %get3A_1596 : vector<1x16xf32> to vector<16xf32>
        %swap3A = arith.index_cast %scan3A_1594 : i32 to index
        %swap3A_1598 = arith.constant 0 : index
        %swap3A_1599 = tpu.vector_load %arg8[%swap3A, %swap3A_1598] {strides = array<i32>} : memref<896x16xf32, #tpu.memory_space<vmem>>, vector<1x16xf32>,
        %swap3A_1600 = vector.shape_cast %swap3A_1599 : vector<1x16xf32> to vector<16xf32>
        %swap3A_1601 = vector.shape_cast %get3A_1597 : vector<16xf32> to vector<1x16xf32>
        tpu.vector_store %arg8[%swap3A, %swap3A_1598], %swap3A_1601 {add = true, strides = array<i32>} : memref<896x16xf32, #tpu.memory_space<vmem>>, vector<1x16xf32>,
        %scan3A_1602 = arith.constant 1 : i32
        %scan3A_1603 = arith.addi %scan3A_1594, %scan3A_1602 : i32
        %get3A_1604 = arith.index_cast %scan3A_1603 : i32 to index
        %get3A_1605 = arith.constant 0 : index
        %get3A_1606 = tpu.vector_load %arg6[%get3A_1604, %get3A_1605] {strides = array<i32>} : memref<896x16xf32, #tpu.memory_space<vmem>>, vector<1x16xf32>,
        %get3A_1607 = vector.shape_cast %get3A_1606 : vector<1x16xf32> to vector<16xf32>
        %swap3A_1608 = arith.index_cast %scan3A_1603 : i32 to index
        %swap3A_1609 = arith.constant 0 : index
        %swap3A_1610 = tpu.vector_load %arg8[%swap3A_1608, %swap3A_1609] {strides = array<i32>} : memref<896x16xf32, #tpu.memory_space<vmem>>, vector<1x16xf32>,
        %swap3A_1611 = vector.shape_cast %swap3A_1610 : vector<1x16xf32> to vector<16xf32>
        %swap3A_1612 = vector.shape_cast %get3A_1607 : vector<16xf32> to vector<1x16xf32>
        tpu.vector_store %arg8[%swap3A_1608, %swap3A_1609], %swap3A_1612 {add = true, strides = array<i32>} : memref<896x16xf32, #tpu.memory_space<vmem>>, vector<1x16xf32>,
        %scan3A_1613 = arith.constant 2 : i32
        %scan3A_1614 = arith.addi %scan3A_1594, %scan3A_1613 : i32
        %get3A_1615 = arith.index_cast %scan3A_1614 : i32 to index
        %get3A_1616 = arith.constant 0 : index
        %get3A_1617 = tpu.vector_load %arg6[%get3A_1615, %get3A_1616] {strides = array<i32>} : memref<896x16xf32, #tpu.memory_space<vmem>>, vector<1x16xf32>,
        %get3A_1618 = vector.shape_cast %get3A_1617 : vector<1x16xf32> to vector<16xf32>
        %swap3A_1619 = arith.index_cast %scan3A_1614 : i32 to index
        %swap3A_1620 = arith.constant 0 : index
        %swap3A_1621 = tpu.vector_load %arg8[%swap3A_1619, %swap3A_1620] {strides = array<i32>} : memref<896x16xf32, #tpu.memory_space<vmem>>, vector<1x16xf32>,
        %swap3A_1622 = vector.shape_cast %swap3A_1621 : vector<1x16xf32> to vector<16xf32>
        %swap3A_1623 = vector.shape_cast %get3A_1618 : vector<16xf32> to vector<1x16xf32>
        tpu.vector_store %arg8[%swap3A_1619, %swap3A_1620], %swap3A_1623 {add = true, strides = array<i32>} : memref<896x16xf32, #tpu.memory_space<vmem>>, vector<1x16xf32>,
        %scan3A_1624 = arith.constant 3 : i32
        %scan3A_1625 = arith.addi %scan3A_1594, %scan3A_1624 : i32
        %get3A_1626 = arith.index_cast %scan3A_1625 : i32 to index
        %get3A_1627 = arith.constant 0 : index
        %get3A_1628 = tpu.vector_load %arg6[%get3A_1626, %get3A_1627] {strides = array<i32>} : memref<896x16xf32, #tpu.memory_space<vmem>>, vector<1x16xf32>,
        %get3A_1629 = vector.shape_cast %get3A_1628 : vector<1x16xf32> to vector<16xf32>
        %swap3A_1630 = arith.index_cast %scan3A_1625 : i32 to index
        %swap3A_1631 = arith.constant 0 : index
        %swap3A_1632 = tpu.vector_load %arg8[%swap3A_1630, %swap3A_1631] {strides = array<i32>} : memref<896x16xf32, #tpu.memory_space<vmem>>, vector<1x16xf32>,
        %swap3A_1633 = vector.shape_cast %swap3A_1632 : vector<1x16xf32> to vector<16xf32>
        %swap3A_1634 = vector.shape_cast %get3A_1629 : vector<16xf32> to vector<1x16xf32>
        tpu.vector_store %arg8[%swap3A_1630, %swap3A_1631], %swap3A_1634 {add = true, strides = array<i32>} : memref<896x16xf32, #tpu.memory_space<vmem>>, vector<1x16xf32>,
        %scan3A_1635 = arith.constant 4 : i32
        %scan3A_1636 = arith.addi %scan3A_1594, %scan3A_1635 : i32
        %get3A_1637 = arith.index_cast %scan3A_1636 : i32 to index
        %get3A_1638 = arith.constant 0 : index
        %get3A_1639 = tpu.vector_load %arg6[%get3A_1637, %get3A_1638] {strides = array<i32>} : memref<896x16xf32, #tpu.memory_space<vmem>>, vector<1x16xf32>,
        %get3A_1640 = vector.shape_cast %get3A_1639 : vector<1x16xf32> to vector<16xf32>
        %swap3A_1641 = arith.index_cast %scan3A_1636 : i32 to index
        %swap3A_1642 = arith.constant 0 : index
        %swap3A_1643 = tpu.vector_load %arg8[%swap3A_1641, %swap3A_1642] {strides = array<i32>} : memref<896x16xf32, #tpu.memory_space<vmem>>, vector<1x16xf32>,
        %swap3A_1644 = vector.shape_cast %swap3A_1643 : vector<1x16xf32> to vector<16xf32>
        %swap3A_1645 = vector.shape_cast %get3A_1640 : vector<16xf32> to vector<1x16xf32>
        tpu.vector_store %arg8[%swap3A_1641, %swap3A_1642], %swap3A_1645 {add = true, strides = array<i32>} : memref<896x16xf32, #tpu.memory_space<vmem>>, vector<1x16xf32>,
        %scan3A_1646 = arith.constant 5 : i32
        %scan3A_1647 = arith.addi %scan3A_1594, %scan3A_1646 : i32
        %get3A_1648 = arith.index_cast %scan3A_1647 : i32 to index
        %get3A_1649 = arith.constant 0 : index
        %get3A_1650 = tpu.vector_load %arg6[%get3A_1648, %get3A_1649] {strides = array<i32>} : memref<896x16xf32, #tpu.memory_space<vmem>>, vector<1x16xf32>,
        %get3A_1651 = vector.shape_cast %get3A_1650 : vector<1x16xf32> to vector<16xf32>
        %swap3A_1652 = arith.index_cast %scan3A_1647 : i32 to index
        %swap3A_1653 = arith.constant 0 : index
        %swap3A_1654 = tpu.vector_load %arg8[%swap3A_1652, %swap3A_1653] {strides = array<i32>} : memref<896x16xf32, #tpu.memory_space<vmem>>, vector<1x16xf32>,
        %swap3A_1655 = vector.shape_cast %swap3A_1654 : vector<1x16xf32> to vector<16xf32>
        %swap3A_1656 = vector.shape_cast %get3A_1651 : vector<16xf32> to vector<1x16xf32>
        tpu.vector_store %arg8[%swap3A_1652, %swap3A_1653], %swap3A_1656 {add = true, strides = array<i32>} : memref<896x16xf32, #tpu.memory_space<vmem>>, vector<1x16xf32>,
        %scan3A_1657 = arith.constant 6 : i32
        %scan3A_1658 = arith.addi %scan3A_1594, %scan3A_1657 : i32
        %get3A_1659 = arith.index_cast %scan3A_1658 : i32 to index
        %get3A_1660 = arith.constant 0 : index
        %get3A_1661 = tpu.vector_load %arg6[%get3A_1659, %get3A_1660] {strides = array<i32>} : memref<896x16xf32, #tpu.memory_space<vmem>>, vector<1x16xf32>,
        %get3A_1662 = vector.shape_cast %get3A_1661 : vector<1x16xf32> to vector<16xf32>
        %swap3A_1663 = arith.index_cast %scan3A_1658 : i32 to index
        %swap3A_1664 = arith.constant 0 : index
        %swap3A_1665 = tpu.vector_load %arg8[%swap3A_1663, %swap3A_1664] {strides = array<i32>} : memref<896x16xf32, #tpu.memory_space<vmem>>, vector<1x16xf32>,
        %swap3A_1666 = vector.shape_cast %swap3A_1665 : vector<1x16xf32> to vector<16xf32>
        %swap3A_1667 = vector.shape_cast %get3A_1662 : vector<16xf32> to vector<1x16xf32>
        tpu.vector_store %arg8[%swap3A_1663, %swap3A_1664], %swap3A_1667 {add = true, strides = array<i32>} : memref<896x16xf32, #tpu.memory_space<vmem>>, vector<1x16xf32>,
        %scan3A_1668 = arith.constant 7 : i32
        %scan3A_1669 = arith.addi %scan3A_1594, %scan3A_1668 : i32
        %get3A_1670 = arith.index_cast %scan3A_1669 : i32 to index
        %get3A_1671 = arith.constant 0 : index
        %get3A_1672 = tpu.vector_load %arg6[%get3A_1670, %get3A_1671] {strides = array<i32>} : memref<896x16xf32, #tpu.memory_space<vmem>>, vector<1x16xf32>,
        %get3A_1673 = vector.shape_cast %get3A_1672 : vector<1x16xf32> to vector<16xf32>
        %swap3A_1674 = arith.index_cast %scan3A_1669 : i32 to index
        %swap3A_1675 = arith.constant 0 : index
        %swap3A_1676 = tpu.vector_load %arg8[%swap3A_1674, %swap3A_1675] {strides = array<i32>} : memref<896x16xf32, #tpu.memory_space<vmem>>, vector<1x16xf32>,
        %swap3A_1677 = vector.shape_cast %swap3A_1676 : vector<1x16xf32> to vector<16xf32>
        %swap3A_1678 = vector.shape_cast %get3A_1673 : vector<16xf32> to vector<1x16xf32>
        tpu.vector_store %arg8[%swap3A_1674, %swap3A_1675], %swap3A_1678 {add = true, strides = array<i32>} : memref<896x16xf32, #tpu.memory_space<vmem>>, vector<1x16xf32>,
      }
      %scan3A_823 = arith.constant 896 : i32
      %dma_start3A_824 = arith.constant 0 : i32
      %dma_start3A_825 = arith.constant 0 : i32
      %dma_start3A_826 = tpu.memref_slice %arg6[%dma_start3A_824, %dma_start3A_825] : memref<896x16xf32, #tpu.memory_space<vmem>> -> memref<128x16xf32, #tpu.memory_space<vmem>>
      %dma_start3A_827 = arith.constant 5376 : i32
      %dma_start3A_828 = tpu.memref_slice %arg5[%dma_start3A_827] : memref<10752xi32, #tpu.memory_space<vmem>> -> memref<128xi32, #tpu.memory_space<vmem>>
      %dma_start3A_829 = arith.constant 0 : i32
      %dma_start3A_830 = arith.constant 0 : i32
      %dma_start3A_831 = tpu.memref_slice %arg2[%dma_start3A_829, %dma_start3A_830] : memref<3932160x16xf32, #tpu.memory_space<hbm>> -> memref<3932160x16xf32, #tpu.memory_space<hbm>>
      tpu.enqueue_indirect_dma source(%dma_start3A_831 : memref<3932160x16xf32, #tpu.memory_space<hbm>>) target(%dma_start3A_826 : memref<128x16xf32, #tpu.memory_space<vmem>>) offsets(%dma_start3A_828 : memref<128xi32, #tpu.memory_space<vmem>>) semaphore(%arg9 : memref<!tpu.dma_semaphore, #tpu.memory_space<semaphore_mem>>)
      %dma_start3A_832 = arith.constant 128 : i32
      %dma_start3A_833 = arith.constant 0 : i32
      %dma_start3A_834 = tpu.memref_slice %arg6[%dma_start3A_832, %dma_start3A_833] : memref<896x16xf32, #tpu.memory_space<vmem>> -> memref<128x16xf32, #tpu.memory_space<vmem>>
      %dma_start3A_835 = arith.constant 5504 : i32
      %dma_start3A_836 = tpu.memref_slice %arg5[%dma_start3A_835] : memref<10752xi32, #tpu.memory_space<vmem>> -> memref<128xi32, #tpu.memory_space<vmem>>
      %dma_start3A_837 = arith.constant 0 : i32
      %dma_start3A_838 = arith.constant 0 : i32
      %dma_start3A_839 = tpu.memref_slice %arg2[%dma_start3A_837, %dma_start3A_838] : memref<3932160x16xf32, #tpu.memory_space<hbm>> -> memref<3932160x16xf32, #tpu.memory_space<hbm>>
      tpu.enqueue_indirect_dma source(%dma_start3A_839 : memref<3932160x16xf32, #tpu.memory_space<hbm>>) target(%dma_start3A_834 : memref<128x16xf32, #tpu.memory_space<vmem>>) offsets(%dma_start3A_836 : memref<128xi32, #tpu.memory_space<vmem>>) semaphore(%arg9 : memref<!tpu.dma_semaphore, #tpu.memory_space<semaphore_mem>>)
      %dma_start3A_840 = arith.constant 256 : i32
      %dma_start3A_841 = arith.constant 0 : i32
      %dma_start3A_842 = tpu.memref_slice %arg6[%dma_start3A_840, %dma_start3A_841] : memref<896x16xf32, #tpu.memory_space<vmem>> -> memref<128x16xf32, #tpu.memory_space<vmem>>
      %dma_start3A_843 = arith.constant 5632 : i32
      %dma_start3A_844 = tpu.memref_slice %arg5[%dma_start3A_843] : memref<10752xi32, #tpu.memory_space<vmem>> -> memref<128xi32, #tpu.memory_space<vmem>>
      %dma_start3A_845 = arith.constant 0 : i32
      %dma_start3A_846 = arith.constant 0 : i32
      %dma_start3A_847 = tpu.memref_slice %arg2[%dma_start3A_845, %dma_start3A_846] : memref<3932160x16xf32, #tpu.memory_space<hbm>> -> memref<3932160x16xf32, #tpu.memory_space<hbm>>
      tpu.enqueue_indirect_dma source(%dma_start3A_847 : memref<3932160x16xf32, #tpu.memory_space<hbm>>) target(%dma_start3A_842 : memref<128x16xf32, #tpu.memory_space<vmem>>) offsets(%dma_start3A_844 : memref<128xi32, #tpu.memory_space<vmem>>) semaphore(%arg9 : memref<!tpu.dma_semaphore, #tpu.memory_space<semaphore_mem>>)
      %dma_start3A_848 = arith.constant 384 : i32
      %dma_start3A_849 = arith.constant 0 : i32
      %dma_start3A_850 = tpu.memref_slice %arg6[%dma_start3A_848, %dma_start3A_849] : memref<896x16xf32, #tpu.memory_space<vmem>> -> memref<128x16xf32, #tpu.memory_space<vmem>>
      %dma_start3A_851 = arith.constant 5760 : i32
      %dma_start3A_852 = tpu.memref_slice %arg5[%dma_start3A_851] : memref<10752xi32, #tpu.memory_space<vmem>> -> memref<128xi32, #tpu.memory_space<vmem>>
      %dma_start3A_853 = arith.constant 0 : i32
      %dma_start3A_854 = arith.constant 0 : i32
      %dma_start3A_855 = tpu.memref_slice %arg2[%dma_start3A_853, %dma_start3A_854] : memref<3932160x16xf32, #tpu.memory_space<hbm>> -> memref<3932160x16xf32, #tpu.memory_space<hbm>>
      tpu.enqueue_indirect_dma source(%dma_start3A_855 : memref<3932160x16xf32, #tpu.memory_space<hbm>>) target(%dma_start3A_850 : memref<128x16xf32, #tpu.memory_space<vmem>>) offsets(%dma_start3A_852 : memref<128xi32, #tpu.memory_space<vmem>>) semaphore(%arg9 : memref<!tpu.dma_semaphore, #tpu.memory_space<semaphore_mem>>)
      %dma_start3A_856 = arith.constant 512 : i32
      %dma_start3A_857 = arith.constant 0 : i32
      %dma_start3A_858 = tpu.memref_slice %arg6[%dma_start3A_856, %dma_start3A_857] : memref<896x16xf32, #tpu.memory_space<vmem>> -> memref<128x16xf32, #tpu.memory_space<vmem>>
      %dma_start3A_859 = arith.constant 5888 : i32
      %dma_start3A_860 = tpu.memref_slice %arg5[%dma_start3A_859] : memref<10752xi32, #tpu.memory_space<vmem>> -> memref<128xi32, #tpu.memory_space<vmem>>
      %dma_start3A_861 = arith.constant 0 : i32
      %dma_start3A_862 = arith.constant 0 : i32
      %dma_start3A_863 = tpu.memref_slice %arg2[%dma_start3A_861, %dma_start3A_862] : memref<3932160x16xf32, #tpu.memory_space<hbm>> -> memref<3932160x16xf32, #tpu.memory_space<hbm>>
      tpu.enqueue_indirect_dma source(%dma_start3A_863 : memref<3932160x16xf32, #tpu.memory_space<hbm>>) target(%dma_start3A_858 : memref<128x16xf32, #tpu.memory_space<vmem>>) offsets(%dma_start3A_860 : memref<128xi32, #tpu.memory_space<vmem>>) semaphore(%arg9 : memref<!tpu.dma_semaphore, #tpu.memory_space<semaphore_mem>>)
      %dma_start3A_864 = arith.constant 640 : i32
      %dma_start3A_865 = arith.constant 0 : i32
      %dma_start3A_866 = tpu.memref_slice %arg6[%dma_start3A_864, %dma_start3A_865] : memref<896x16xf32, #tpu.memory_space<vmem>> -> memref<128x16xf32, #tpu.memory_space<vmem>>
      %dma_start3A_867 = arith.constant 6016 : i32
      %dma_start3A_868 = tpu.memref_slice %arg5[%dma_start3A_867] : memref<10752xi32, #tpu.memory_space<vmem>> -> memref<128xi32, #tpu.memory_space<vmem>>
      %dma_start3A_869 = arith.constant 0 : i32
      %dma_start3A_870 = arith.constant 0 : i32
      %dma_start3A_871 = tpu.memref_slice %arg2[%dma_start3A_869, %dma_start3A_870] : memref<3932160x16xf32, #tpu.memory_space<hbm>> -> memref<3932160x16xf32, #tpu.memory_space<hbm>>
      tpu.enqueue_indirect_dma source(%dma_start3A_871 : memref<3932160x16xf32, #tpu.memory_space<hbm>>) target(%dma_start3A_866 : memref<128x16xf32, #tpu.memory_space<vmem>>) offsets(%dma_start3A_868 : memref<128xi32, #tpu.memory_space<vmem>>) semaphore(%arg9 : memref<!tpu.dma_semaphore, #tpu.memory_space<semaphore_mem>>)
      %dma_start3A_872 = arith.constant 768 : i32
      %dma_start3A_873 = arith.constant 0 : i32
      %dma_start3A_874 = tpu.memref_slice %arg6[%dma_start3A_872, %dma_start3A_873] : memref<896x16xf32, #tpu.memory_space<vmem>> -> memref<128x16xf32, #tpu.memory_space<vmem>>
      %dma_start3A_875 = arith.constant 6144 : i32
      %dma_start3A_876 = tpu.memref_slice %arg5[%dma_start3A_875] : memref<10752xi32, #tpu.memory_space<vmem>> -> memref<128xi32, #tpu.memory_space<vmem>>
      %dma_start3A_877 = arith.constant 0 : i32
      %dma_start3A_878 = arith.constant 0 : i32
      %dma_start3A_879 = tpu.memref_slice %arg2[%dma_start3A_877, %dma_start3A_878] : memref<3932160x16xf32, #tpu.memory_space<hbm>> -> memref<3932160x16xf32, #tpu.memory_space<hbm>>
      tpu.enqueue_indirect_dma source(%dma_start3A_879 : memref<3932160x16xf32, #tpu.memory_space<hbm>>) target(%dma_start3A_874 : memref<128x16xf32, #tpu.memory_space<vmem>>) offsets(%dma_start3A_876 : memref<128xi32, #tpu.memory_space<vmem>>) semaphore(%arg9 : memref<!tpu.dma_semaphore, #tpu.memory_space<semaphore_mem>>)
      %dma_wait3A_880 = arith.constant 0 : i32
      %dma_wait3A_881 = arith.constant 0 : i32
      %dma_wait3A_882 = tpu.memref_slice %arg7[%dma_wait3A_880, %dma_wait3A_881] : memref<896x16xf32, #tpu.memory_space<vmem>> -> memref<128x16xf32, #tpu.memory_space<vmem>>
      %dma_wait3A_883 = arith.constant 4480 : i32
      %dma_wait3A_884 = tpu.memref_slice %arg5[%dma_wait3A_883] : memref<10752xi32, #tpu.memory_space<vmem>> -> memref<128xi32, #tpu.memory_space<vmem>>
      %dma_wait3A_885 = arith.constant 0 : i32
      %dma_wait3A_886 = arith.constant 0 : i32
      %dma_wait3A_887 = tpu.memref_slice %arg2[%dma_wait3A_885, %dma_wait3A_886] : memref<3932160x16xf32, #tpu.memory_space<hbm>> -> memref<3932160x16xf32, #tpu.memory_space<hbm>>
      tpu.wait_indirect_dma semaphore(%arg10 : memref<!tpu.dma_semaphore, #tpu.memory_space<semaphore_mem>>) src(%dma_wait3A_887 : memref<3932160x16xf32, #tpu.memory_space<hbm>>) dst(%dma_wait3A_882 : memref<128x16xf32, #tpu.memory_space<vmem>>)
      %dma_wait3A_888 = arith.constant 128 : i32
      %dma_wait3A_889 = arith.constant 0 : i32
      %dma_wait3A_890 = tpu.memref_slice %arg7[%dma_wait3A_888, %dma_wait3A_889] : memref<896x16xf32, #tpu.memory_space<vmem>> -> memref<128x16xf32, #tpu.memory_space<vmem>>
      %dma_wait3A_891 = arith.constant 4608 : i32
      %dma_wait3A_892 = tpu.memref_slice %arg5[%dma_wait3A_891] : memref<10752xi32, #tpu.memory_space<vmem>> -> memref<128xi32, #tpu.memory_space<vmem>>
      %dma_wait3A_893 = arith.constant 0 : i32
      %dma_wait3A_894 = arith.constant 0 : i32
      %dma_wait3A_895 = tpu.memref_slice %arg2[%dma_wait3A_893, %dma_wait3A_894] : memref<3932160x16xf32, #tpu.memory_space<hbm>> -> memref<3932160x16xf32, #tpu.memory_space<hbm>>
      tpu.wait_indirect_dma semaphore(%arg10 : memref<!tpu.dma_semaphore, #tpu.memory_space<semaphore_mem>>) src(%dma_wait3A_895 : memref<3932160x16xf32, #tpu.memory_space<hbm>>) dst(%dma_wait3A_890 : memref<128x16xf32, #tpu.memory_space<vmem>>)
      %dma_wait3A_896 = arith.constant 256 : i32
      %dma_wait3A_897 = arith.constant 0 : i32
      %dma_wait3A_898 = tpu.memref_slice %arg7[%dma_wait3A_896, %dma_wait3A_897] : memref<896x16xf32, #tpu.memory_space<vmem>> -> memref<128x16xf32, #tpu.memory_space<vmem>>
      %dma_wait3A_899 = arith.constant 4736 : i32
      %dma_wait3A_900 = tpu.memref_slice %arg5[%dma_wait3A_899] : memref<10752xi32, #tpu.memory_space<vmem>> -> memref<128xi32, #tpu.memory_space<vmem>>
      %dma_wait3A_901 = arith.constant 0 : i32
      %dma_wait3A_902 = arith.constant 0 : i32
      %dma_wait3A_903 = tpu.memref_slice %arg2[%dma_wait3A_901, %dma_wait3A_902] : memref<3932160x16xf32, #tpu.memory_space<hbm>> -> memref<3932160x16xf32, #tpu.memory_space<hbm>>
      tpu.wait_indirect_dma semaphore(%arg10 : memref<!tpu.dma_semaphore, #tpu.memory_space<semaphore_mem>>) src(%dma_wait3A_903 : memref<3932160x16xf32, #tpu.memory_space<hbm>>) dst(%dma_wait3A_898 : memref<128x16xf32, #tpu.memory_space<vmem>>)
      %dma_wait3A_904 = arith.constant 384 : i32
      %dma_wait3A_905 = arith.constant 0 : i32
      %dma_wait3A_906 = tpu.memref_slice %arg7[%dma_wait3A_904, %dma_wait3A_905] : memref<896x16xf32, #tpu.memory_space<vmem>> -> memref<128x16xf32, #tpu.memory_space<vmem>>
      %dma_wait3A_907 = arith.constant 4864 : i32
      %dma_wait3A_908 = tpu.memref_slice %arg5[%dma_wait3A_907] : memref<10752xi32, #tpu.memory_space<vmem>> -> memref<128xi32, #tpu.memory_space<vmem>>
      %dma_wait3A_909 = arith.constant 0 : i32
      %dma_wait3A_910 = arith.constant 0 : i32
      %dma_wait3A_911 = tpu.memref_slice %arg2[%dma_wait3A_909, %dma_wait3A_910] : memref<3932160x16xf32, #tpu.memory_space<hbm>> -> memref<3932160x16xf32, #tpu.memory_space<hbm>>
      tpu.wait_indirect_dma semaphore(%arg10 : memref<!tpu.dma_semaphore, #tpu.memory_space<semaphore_mem>>) src(%dma_wait3A_911 : memref<3932160x16xf32, #tpu.memory_space<hbm>>) dst(%dma_wait3A_906 : memref<128x16xf32, #tpu.memory_space<vmem>>)
      %dma_wait3A_912 = arith.constant 512 : i32
      %dma_wait3A_913 = arith.constant 0 : i32
      %dma_wait3A_914 = tpu.memref_slice %arg7[%dma_wait3A_912, %dma_wait3A_913] : memref<896x16xf32, #tpu.memory_space<vmem>> -> memref<128x16xf32, #tpu.memory_space<vmem>>
      %dma_wait3A_915 = arith.constant 4992 : i32
      %dma_wait3A_916 = tpu.memref_slice %arg5[%dma_wait3A_915] : memref<10752xi32, #tpu.memory_space<vmem>> -> memref<128xi32, #tpu.memory_space<vmem>>
      %dma_wait3A_917 = arith.constant 0 : i32
      %dma_wait3A_918 = arith.constant 0 : i32
      %dma_wait3A_919 = tpu.memref_slice %arg2[%dma_wait3A_917, %dma_wait3A_918] : memref<3932160x16xf32, #tpu.memory_space<hbm>> -> memref<3932160x16xf32, #tpu.memory_space<hbm>>
      tpu.wait_indirect_dma semaphore(%arg10 : memref<!tpu.dma_semaphore, #tpu.memory_space<semaphore_mem>>) src(%dma_wait3A_919 : memref<3932160x16xf32, #tpu.memory_space<hbm>>) dst(%dma_wait3A_914 : memref<128x16xf32, #tpu.memory_space<vmem>>)
      %dma_wait3A_920 = arith.constant 640 : i32
      %dma_wait3A_921 = arith.constant 0 : i32
      %dma_wait3A_922 = tpu.memref_slice %arg7[%dma_wait3A_920, %dma_wait3A_921] : memref<896x16xf32, #tpu.memory_space<vmem>> -> memref<128x16xf32, #tpu.memory_space<vmem>>
      %dma_wait3A_923 = arith.constant 5120 : i32
      %dma_wait3A_924 = tpu.memref_slice %arg5[%dma_wait3A_923] : memref<10752xi32, #tpu.memory_space<vmem>> -> memref<128xi32, #tpu.memory_space<vmem>>
      %dma_wait3A_925 = arith.constant 0 : i32
      %dma_wait3A_926 = arith.constant 0 : i32
      %dma_wait3A_927 = tpu.memref_slice %arg2[%dma_wait3A_925, %dma_wait3A_926] : memref<3932160x16xf32, #tpu.memory_space<hbm>> -> memref<3932160x16xf32, #tpu.memory_space<hbm>>
      tpu.wait_indirect_dma semaphore(%arg10 : memref<!tpu.dma_semaphore, #tpu.memory_space<semaphore_mem>>) src(%dma_wait3A_927 : memref<3932160x16xf32, #tpu.memory_space<hbm>>) dst(%dma_wait3A_922 : memref<128x16xf32, #tpu.memory_space<vmem>>)
      %dma_wait3A_928 = arith.constant 768 : i32
      %dma_wait3A_929 = arith.constant 0 : i32
      %dma_wait3A_930 = tpu.memref_slice %arg7[%dma_wait3A_928, %dma_wait3A_929] : memref<896x16xf32, #tpu.memory_space<vmem>> -> memref<128x16xf32, #tpu.memory_space<vmem>>
      %dma_wait3A_931 = arith.constant 5248 : i32
      %dma_wait3A_932 = tpu.memref_slice %arg5[%dma_wait3A_931] : memref<10752xi32, #tpu.memory_space<vmem>> -> memref<128xi32, #tpu.memory_space<vmem>>
      %dma_wait3A_933 = arith.constant 0 : i32
      %dma_wait3A_934 = arith.constant 0 : i32
      %dma_wait3A_935 = tpu.memref_slice %arg2[%dma_wait3A_933, %dma_wait3A_934] : memref<3932160x16xf32, #tpu.memory_space<hbm>> -> memref<3932160x16xf32, #tpu.memory_space<hbm>>
      tpu.wait_indirect_dma semaphore(%arg10 : memref<!tpu.dma_semaphore, #tpu.memory_space<semaphore_mem>>) src(%dma_wait3A_935 : memref<3932160x16xf32, #tpu.memory_space<hbm>>) dst(%dma_wait3A_930 : memref<128x16xf32, #tpu.memory_space<vmem>>)
      %scan3A_936 = arith.constant 0 : i32
      %scan3A_937 = arith.constant 0 : i32
      %scan3A_938 = arith.constant 896 : i32
      %scan3A_939 = arith.addi %scan3A_937, %scan3A_938 : i32
      %scan3A_940 = arith.constant 8 : i32
      scf.for %scan3A_1594 = %scan3A_937 to %scan3A_939 step %scan3A_940  : i32 {
        %get3A = arith.index_cast %scan3A_1594 : i32 to index
        %get3A_1595 = arith.constant 0 : index
        %get3A_1596 = tpu.vector_load %arg7[%get3A, %get3A_1595] {strides = array<i32>} : memref<896x16xf32, #tpu.memory_space<vmem>>, vector<1x16xf32>,
        %get3A_1597 = vector.shape_cast %get3A_1596 : vector<1x16xf32> to vector<16xf32>
        %swap3A = arith.index_cast %scan3A_1594 : i32 to index
        %swap3A_1598 = arith.constant 0 : index
        %swap3A_1599 = tpu.vector_load %arg8[%swap3A, %swap3A_1598] {strides = array<i32>} : memref<896x16xf32, #tpu.memory_space<vmem>>, vector<1x16xf32>,
        %swap3A_1600 = vector.shape_cast %swap3A_1599 : vector<1x16xf32> to vector<16xf32>
        %swap3A_1601 = vector.shape_cast %get3A_1597 : vector<16xf32> to vector<1x16xf32>
        tpu.vector_store %arg8[%swap3A, %swap3A_1598], %swap3A_1601 {add = true, strides = array<i32>} : memref<896x16xf32, #tpu.memory_space<vmem>>, vector<1x16xf32>,
        %scan3A_1602 = arith.constant 1 : i32
        %scan3A_1603 = arith.addi %scan3A_1594, %scan3A_1602 : i32
        %get3A_1604 = arith.index_cast %scan3A_1603 : i32 to index
        %get3A_1605 = arith.constant 0 : index
        %get3A_1606 = tpu.vector_load %arg7[%get3A_1604, %get3A_1605] {strides = array<i32>} : memref<896x16xf32, #tpu.memory_space<vmem>>, vector<1x16xf32>,
        %get3A_1607 = vector.shape_cast %get3A_1606 : vector<1x16xf32> to vector<16xf32>
        %swap3A_1608 = arith.index_cast %scan3A_1603 : i32 to index
        %swap3A_1609 = arith.constant 0 : index
        %swap3A_1610 = tpu.vector_load %arg8[%swap3A_1608, %swap3A_1609] {strides = array<i32>} : memref<896x16xf32, #tpu.memory_space<vmem>>, vector<1x16xf32>,
        %swap3A_1611 = vector.shape_cast %swap3A_1610 : vector<1x16xf32> to vector<16xf32>
        %swap3A_1612 = vector.shape_cast %get3A_1607 : vector<16xf32> to vector<1x16xf32>
        tpu.vector_store %arg8[%swap3A_1608, %swap3A_1609], %swap3A_1612 {add = true, strides = array<i32>} : memref<896x16xf32, #tpu.memory_space<vmem>>, vector<1x16xf32>,
        %scan3A_1613 = arith.constant 2 : i32
        %scan3A_1614 = arith.addi %scan3A_1594, %scan3A_1613 : i32
        %get3A_1615 = arith.index_cast %scan3A_1614 : i32 to index
        %get3A_1616 = arith.constant 0 : index
        %get3A_1617 = tpu.vector_load %arg7[%get3A_1615, %get3A_1616] {strides = array<i32>} : memref<896x16xf32, #tpu.memory_space<vmem>>, vector<1x16xf32>,
        %get3A_1618 = vector.shape_cast %get3A_1617 : vector<1x16xf32> to vector<16xf32>
        %swap3A_1619 = arith.index_cast %scan3A_1614 : i32 to index
        %swap3A_1620 = arith.constant 0 : index
        %swap3A_1621 = tpu.vector_load %arg8[%swap3A_1619, %swap3A_1620] {strides = array<i32>} : memref<896x16xf32, #tpu.memory_space<vmem>>, vector<1x16xf32>,
        %swap3A_1622 = vector.shape_cast %swap3A_1621 : vector<1x16xf32> to vector<16xf32>
        %swap3A_1623 = vector.shape_cast %get3A_1618 : vector<16xf32> to vector<1x16xf32>
        tpu.vector_store %arg8[%swap3A_1619, %swap3A_1620], %swap3A_1623 {add = true, strides = array<i32>} : memref<896x16xf32, #tpu.memory_space<vmem>>, vector<1x16xf32>,
        %scan3A_1624 = arith.constant 3 : i32
        %scan3A_1625 = arith.addi %scan3A_1594, %scan3A_1624 : i32
        %get3A_1626 = arith.index_cast %scan3A_1625 : i32 to index
        %get3A_1627 = arith.constant 0 : index
        %get3A_1628 = tpu.vector_load %arg7[%get3A_1626, %get3A_1627] {strides = array<i32>} : memref<896x16xf32, #tpu.memory_space<vmem>>, vector<1x16xf32>,
        %get3A_1629 = vector.shape_cast %get3A_1628 : vector<1x16xf32> to vector<16xf32>
        %swap3A_1630 = arith.index_cast %scan3A_1625 : i32 to index
        %swap3A_1631 = arith.constant 0 : index
        %swap3A_1632 = tpu.vector_load %arg8[%swap3A_1630, %swap3A_1631] {strides = array<i32>} : memref<896x16xf32, #tpu.memory_space<vmem>>, vector<1x16xf32>,
        %swap3A_1633 = vector.shape_cast %swap3A_1632 : vector<1x16xf32> to vector<16xf32>
        %swap3A_1634 = vector.shape_cast %get3A_1629 : vector<16xf32> to vector<1x16xf32>
        tpu.vector_store %arg8[%swap3A_1630, %swap3A_1631], %swap3A_1634 {add = true, strides = array<i32>} : memref<896x16xf32, #tpu.memory_space<vmem>>, vector<1x16xf32>,
        %scan3A_1635 = arith.constant 4 : i32
        %scan3A_1636 = arith.addi %scan3A_1594, %scan3A_1635 : i32
        %get3A_1637 = arith.index_cast %scan3A_1636 : i32 to index
        %get3A_1638 = arith.constant 0 : index
        %get3A_1639 = tpu.vector_load %arg7[%get3A_1637, %get3A_1638] {strides = array<i32>} : memref<896x16xf32, #tpu.memory_space<vmem>>, vector<1x16xf32>,
        %get3A_1640 = vector.shape_cast %get3A_1639 : vector<1x16xf32> to vector<16xf32>
        %swap3A_1641 = arith.index_cast %scan3A_1636 : i32 to index
        %swap3A_1642 = arith.constant 0 : index
        %swap3A_1643 = tpu.vector_load %arg8[%swap3A_1641, %swap3A_1642] {strides = array<i32>} : memref<896x16xf32, #tpu.memory_space<vmem>>, vector<1x16xf32>,
        %swap3A_1644 = vector.shape_cast %swap3A_1643 : vector<1x16xf32> to vector<16xf32>
        %swap3A_1645 = vector.shape_cast %get3A_1640 : vector<16xf32> to vector<1x16xf32>
        tpu.vector_store %arg8[%swap3A_1641, %swap3A_1642], %swap3A_1645 {add = true, strides = array<i32>} : memref<896x16xf32, #tpu.memory_space<vmem>>, vector<1x16xf32>,
        %scan3A_1646 = arith.constant 5 : i32
        %scan3A_1647 = arith.addi %scan3A_1594, %scan3A_1646 : i32
        %get3A_1648 = arith.index_cast %scan3A_1647 : i32 to index
        %get3A_1649 = arith.constant 0 : index
        %get3A_1650 = tpu.vector_load %arg7[%get3A_1648, %get3A_1649] {strides = array<i32>} : memref<896x16xf32, #tpu.memory_space<vmem>>, vector<1x16xf32>,
        %get3A_1651 = vector.shape_cast %get3A_1650 : vector<1x16xf32> to vector<16xf32>
        %swap3A_1652 = arith.index_cast %scan3A_1647 : i32 to index
        %swap3A_1653 = arith.constant 0 : index
        %swap3A_1654 = tpu.vector_load %arg8[%swap3A_1652, %swap3A_1653] {strides = array<i32>} : memref<896x16xf32, #tpu.memory_space<vmem>>, vector<1x16xf32>,
        %swap3A_1655 = vector.shape_cast %swap3A_1654 : vector<1x16xf32> to vector<16xf32>
        %swap3A_1656 = vector.shape_cast %get3A_1651 : vector<16xf32> to vector<1x16xf32>
        tpu.vector_store %arg8[%swap3A_1652, %swap3A_1653], %swap3A_1656 {add = true, strides = array<i32>} : memref<896x16xf32, #tpu.memory_space<vmem>>, vector<1x16xf32>,
        %scan3A_1657 = arith.constant 6 : i32
        %scan3A_1658 = arith.addi %scan3A_1594, %scan3A_1657 : i32
        %get3A_1659 = arith.index_cast %scan3A_1658 : i32 to index
        %get3A_1660 = arith.constant 0 : index
        %get3A_1661 = tpu.vector_load %arg7[%get3A_1659, %get3A_1660] {strides = array<i32>} : memref<896x16xf32, #tpu.memory_space<vmem>>, vector<1x16xf32>,
        %get3A_1662 = vector.shape_cast %get3A_1661 : vector<1x16xf32> to vector<16xf32>
        %swap3A_1663 = arith.index_cast %scan3A_1658 : i32 to index
        %swap3A_1664 = arith.constant 0 : index
        %swap3A_1665 = tpu.vector_load %arg8[%swap3A_1663, %swap3A_1664] {strides = array<i32>} : memref<896x16xf32, #tpu.memory_space<vmem>>, vector<1x16xf32>,
        %swap3A_1666 = vector.shape_cast %swap3A_1665 : vector<1x16xf32> to vector<16xf32>
        %swap3A_1667 = vector.shape_cast %get3A_1662 : vector<16xf32> to vector<1x16xf32>
        tpu.vector_store %arg8[%swap3A_1663, %swap3A_1664], %swap3A_1667 {add = true, strides = array<i32>} : memref<896x16xf32, #tpu.memory_space<vmem>>, vector<1x16xf32>,
        %scan3A_1668 = arith.constant 7 : i32
        %scan3A_1669 = arith.addi %scan3A_1594, %scan3A_1668 : i32
        %get3A_1670 = arith.index_cast %scan3A_1669 : i32 to index
        %get3A_1671 = arith.constant 0 : index
        %get3A_1672 = tpu.vector_load %arg7[%get3A_1670, %get3A_1671] {strides = array<i32>} : memref<896x16xf32, #tpu.memory_space<vmem>>, vector<1x16xf32>,
        %get3A_1673 = vector.shape_cast %get3A_1672 : vector<1x16xf32> to vector<16xf32>
        %swap3A_1674 = arith.index_cast %scan3A_1669 : i32 to index
        %swap3A_1675 = arith.constant 0 : index
        %swap3A_1676 = tpu.vector_load %arg8[%swap3A_1674, %swap3A_1675] {strides = array<i32>} : memref<896x16xf32, #tpu.memory_space<vmem>>, vector<1x16xf32>,
        %swap3A_1677 = vector.shape_cast %swap3A_1676 : vector<1x16xf32> to vector<16xf32>
        %swap3A_1678 = vector.shape_cast %get3A_1673 : vector<16xf32> to vector<1x16xf32>
        tpu.vector_store %arg8[%swap3A_1674, %swap3A_1675], %swap3A_1678 {add = true, strides = array<i32>} : memref<896x16xf32, #tpu.memory_space<vmem>>, vector<1x16xf32>,
      }
      %scan3A_941 = arith.constant 896 : i32
      %dma_start3A_942 = arith.constant 0 : i32
      %dma_start3A_943 = arith.constant 0 : i32
      %dma_start3A_944 = tpu.memref_slice %arg7[%dma_start3A_942, %dma_start3A_943] : memref<896x16xf32, #tpu.memory_space<vmem>> -> memref<128x16xf32, #tpu.memory_space<vmem>>
      %dma_start3A_945 = arith.constant 6272 : i32
      %dma_start3A_946 = tpu.memref_slice %arg5[%dma_start3A_945] : memref<10752xi32, #tpu.memory_space<vmem>> -> memref<128xi32, #tpu.memory_space<vmem>>
      %dma_start3A_947 = arith.constant 0 : i32
      %dma_start3A_948 = arith.constant 0 : i32
      %dma_start3A_949 = tpu.memref_slice %arg2[%dma_start3A_947, %dma_start3A_948] : memref<3932160x16xf32, #tpu.memory_space<hbm>> -> memref<3932160x16xf32, #tpu.memory_space<hbm>>
      tpu.enqueue_indirect_dma source(%dma_start3A_949 : memref<3932160x16xf32, #tpu.memory_space<hbm>>) target(%dma_start3A_944 : memref<128x16xf32, #tpu.memory_space<vmem>>) offsets(%dma_start3A_946 : memref<128xi32, #tpu.memory_space<vmem>>) semaphore(%arg10 : memref<!tpu.dma_semaphore, #tpu.memory_space<semaphore_mem>>)
      %dma_start3A_950 = arith.constant 128 : i32
      %dma_start3A_951 = arith.constant 0 : i32
      %dma_start3A_952 = tpu.memref_slice %arg7[%dma_start3A_950, %dma_start3A_951] : memref<896x16xf32, #tpu.memory_space<vmem>> -> memref<128x16xf32, #tpu.memory_space<vmem>>
      %dma_start3A_953 = arith.constant 6400 : i32
      %dma_start3A_954 = tpu.memref_slice %arg5[%dma_start3A_953] : memref<10752xi32, #tpu.memory_space<vmem>> -> memref<128xi32, #tpu.memory_space<vmem>>
      %dma_start3A_955 = arith.constant 0 : i32
      %dma_start3A_956 = arith.constant 0 : i32
      %dma_start3A_957 = tpu.memref_slice %arg2[%dma_start3A_955, %dma_start3A_956] : memref<3932160x16xf32, #tpu.memory_space<hbm>> -> memref<3932160x16xf32, #tpu.memory_space<hbm>>
      tpu.enqueue_indirect_dma source(%dma_start3A_957 : memref<3932160x16xf32, #tpu.memory_space<hbm>>) target(%dma_start3A_952 : memref<128x16xf32, #tpu.memory_space<vmem>>) offsets(%dma_start3A_954 : memref<128xi32, #tpu.memory_space<vmem>>) semaphore(%arg10 : memref<!tpu.dma_semaphore, #tpu.memory_space<semaphore_mem>>)
      %dma_start3A_958 = arith.constant 256 : i32
      %dma_start3A_959 = arith.constant 0 : i32
      %dma_start3A_960 = tpu.memref_slice %arg7[%dma_start3A_958, %dma_start3A_959] : memref<896x16xf32, #tpu.memory_space<vmem>> -> memref<128x16xf32, #tpu.memory_space<vmem>>
      %dma_start3A_961 = arith.constant 6528 : i32
      %dma_start3A_962 = tpu.memref_slice %arg5[%dma_start3A_961] : memref<10752xi32, #tpu.memory_space<vmem>> -> memref<128xi32, #tpu.memory_space<vmem>>
      %dma_start3A_963 = arith.constant 0 : i32
      %dma_start3A_964 = arith.constant 0 : i32
      %dma_start3A_965 = tpu.memref_slice %arg2[%dma_start3A_963, %dma_start3A_964] : memref<3932160x16xf32, #tpu.memory_space<hbm>> -> memref<3932160x16xf32, #tpu.memory_space<hbm>>
      tpu.enqueue_indirect_dma source(%dma_start3A_965 : memref<3932160x16xf32, #tpu.memory_space<hbm>>) target(%dma_start3A_960 : memref<128x16xf32, #tpu.memory_space<vmem>>) offsets(%dma_start3A_962 : memref<128xi32, #tpu.memory_space<vmem>>) semaphore(%arg10 : memref<!tpu.dma_semaphore, #tpu.memory_space<semaphore_mem>>)
      %dma_start3A_966 = arith.constant 384 : i32
      %dma_start3A_967 = arith.constant 0 : i32
      %dma_start3A_968 = tpu.memref_slice %arg7[%dma_start3A_966, %dma_start3A_967] : memref<896x16xf32, #tpu.memory_space<vmem>> -> memref<128x16xf32, #tpu.memory_space<vmem>>
      %dma_start3A_969 = arith.constant 6656 : i32
      %dma_start3A_970 = tpu.memref_slice %arg5[%dma_start3A_969] : memref<10752xi32, #tpu.memory_space<vmem>> -> memref<128xi32, #tpu.memory_space<vmem>>
      %dma_start3A_971 = arith.constant 0 : i32
      %dma_start3A_972 = arith.constant 0 : i32
      %dma_start3A_973 = tpu.memref_slice %arg2[%dma_start3A_971, %dma_start3A_972] : memref<3932160x16xf32, #tpu.memory_space<hbm>> -> memref<3932160x16xf32, #tpu.memory_space<hbm>>
      tpu.enqueue_indirect_dma source(%dma_start3A_973 : memref<3932160x16xf32, #tpu.memory_space<hbm>>) target(%dma_start3A_968 : memref<128x16xf32, #tpu.memory_space<vmem>>) offsets(%dma_start3A_970 : memref<128xi32, #tpu.memory_space<vmem>>) semaphore(%arg10 : memref<!tpu.dma_semaphore, #tpu.memory_space<semaphore_mem>>)
      %dma_start3A_974 = arith.constant 512 : i32
      %dma_start3A_975 = arith.constant 0 : i32
      %dma_start3A_976 = tpu.memref_slice %arg7[%dma_start3A_974, %dma_start3A_975] : memref<896x16xf32, #tpu.memory_space<vmem>> -> memref<128x16xf32, #tpu.memory_space<vmem>>
      %dma_start3A_977 = arith.constant 6784 : i32
      %dma_start3A_978 = tpu.memref_slice %arg5[%dma_start3A_977] : memref<10752xi32, #tpu.memory_space<vmem>> -> memref<128xi32, #tpu.memory_space<vmem>>
      %dma_start3A_979 = arith.constant 0 : i32
      %dma_start3A_980 = arith.constant 0 : i32
      %dma_start3A_981 = tpu.memref_slice %arg2[%dma_start3A_979, %dma_start3A_980] : memref<3932160x16xf32, #tpu.memory_space<hbm>> -> memref<3932160x16xf32, #tpu.memory_space<hbm>>
      tpu.enqueue_indirect_dma source(%dma_start3A_981 : memref<3932160x16xf32, #tpu.memory_space<hbm>>) target(%dma_start3A_976 : memref<128x16xf32, #tpu.memory_space<vmem>>) offsets(%dma_start3A_978 : memref<128xi32, #tpu.memory_space<vmem>>) semaphore(%arg10 : memref<!tpu.dma_semaphore, #tpu.memory_space<semaphore_mem>>)
      %dma_start3A_982 = arith.constant 640 : i32
      %dma_start3A_983 = arith.constant 0 : i32
      %dma_start3A_984 = tpu.memref_slice %arg7[%dma_start3A_982, %dma_start3A_983] : memref<896x16xf32, #tpu.memory_space<vmem>> -> memref<128x16xf32, #tpu.memory_space<vmem>>
      %dma_start3A_985 = arith.constant 6912 : i32
      %dma_start3A_986 = tpu.memref_slice %arg5[%dma_start3A_985] : memref<10752xi32, #tpu.memory_space<vmem>> -> memref<128xi32, #tpu.memory_space<vmem>>
      %dma_start3A_987 = arith.constant 0 : i32
      %dma_start3A_988 = arith.constant 0 : i32
      %dma_start3A_989 = tpu.memref_slice %arg2[%dma_start3A_987, %dma_start3A_988] : memref<3932160x16xf32, #tpu.memory_space<hbm>> -> memref<3932160x16xf32, #tpu.memory_space<hbm>>
      tpu.enqueue_indirect_dma source(%dma_start3A_989 : memref<3932160x16xf32, #tpu.memory_space<hbm>>) target(%dma_start3A_984 : memref<128x16xf32, #tpu.memory_space<vmem>>) offsets(%dma_start3A_986 : memref<128xi32, #tpu.memory_space<vmem>>) semaphore(%arg10 : memref<!tpu.dma_semaphore, #tpu.memory_space<semaphore_mem>>)
      %dma_start3A_990 = arith.constant 768 : i32
      %dma_start3A_991 = arith.constant 0 : i32
      %dma_start3A_992 = tpu.memref_slice %arg7[%dma_start3A_990, %dma_start3A_991] : memref<896x16xf32, #tpu.memory_space<vmem>> -> memref<128x16xf32, #tpu.memory_space<vmem>>
      %dma_start3A_993 = arith.constant 7040 : i32
      %dma_start3A_994 = tpu.memref_slice %arg5[%dma_start3A_993] : memref<10752xi32, #tpu.memory_space<vmem>> -> memref<128xi32, #tpu.memory_space<vmem>>
      %dma_start3A_995 = arith.constant 0 : i32
      %dma_start3A_996 = arith.constant 0 : i32
      %dma_start3A_997 = tpu.memref_slice %arg2[%dma_start3A_995, %dma_start3A_996] : memref<3932160x16xf32, #tpu.memory_space<hbm>> -> memref<3932160x16xf32, #tpu.memory_space<hbm>>
      tpu.enqueue_indirect_dma source(%dma_start3A_997 : memref<3932160x16xf32, #tpu.memory_space<hbm>>) target(%dma_start3A_992 : memref<128x16xf32, #tpu.memory_space<vmem>>) offsets(%dma_start3A_994 : memref<128xi32, #tpu.memory_space<vmem>>) semaphore(%arg10 : memref<!tpu.dma_semaphore, #tpu.memory_space<semaphore_mem>>)
      %dma_wait3A_998 = arith.constant 0 : i32
      %dma_wait3A_999 = arith.constant 0 : i32
      %dma_wait3A_1000 = tpu.memref_slice %arg6[%dma_wait3A_998, %dma_wait3A_999] : memref<896x16xf32, #tpu.memory_space<vmem>> -> memref<128x16xf32, #tpu.memory_space<vmem>>
      %dma_wait3A_1001 = arith.constant 5376 : i32
      %dma_wait3A_1002 = tpu.memref_slice %arg5[%dma_wait3A_1001] : memref<10752xi32, #tpu.memory_space<vmem>> -> memref<128xi32, #tpu.memory_space<vmem>>
      %dma_wait3A_1003 = arith.constant 0 : i32
      %dma_wait3A_1004 = arith.constant 0 : i32
      %dma_wait3A_1005 = tpu.memref_slice %arg2[%dma_wait3A_1003, %dma_wait3A_1004] : memref<3932160x16xf32, #tpu.memory_space<hbm>> -> memref<3932160x16xf32, #tpu.memory_space<hbm>>
      tpu.wait_indirect_dma semaphore(%arg9 : memref<!tpu.dma_semaphore, #tpu.memory_space<semaphore_mem>>) src(%dma_wait3A_1005 : memref<3932160x16xf32, #tpu.memory_space<hbm>>) dst(%dma_wait3A_1000 : memref<128x16xf32, #tpu.memory_space<vmem>>)
      %dma_wait3A_1006 = arith.constant 128 : i32
      %dma_wait3A_1007 = arith.constant 0 : i32
      %dma_wait3A_1008 = tpu.memref_slice %arg6[%dma_wait3A_1006, %dma_wait3A_1007] : memref<896x16xf32, #tpu.memory_space<vmem>> -> memref<128x16xf32, #tpu.memory_space<vmem>>
      %dma_wait3A_1009 = arith.constant 5504 : i32
      %dma_wait3A_1010 = tpu.memref_slice %arg5[%dma_wait3A_1009] : memref<10752xi32, #tpu.memory_space<vmem>> -> memref<128xi32, #tpu.memory_space<vmem>>
      %dma_wait3A_1011 = arith.constant 0 : i32
      %dma_wait3A_1012 = arith.constant 0 : i32
      %dma_wait3A_1013 = tpu.memref_slice %arg2[%dma_wait3A_1011, %dma_wait3A_1012] : memref<3932160x16xf32, #tpu.memory_space<hbm>> -> memref<3932160x16xf32, #tpu.memory_space<hbm>>
      tpu.wait_indirect_dma semaphore(%arg9 : memref<!tpu.dma_semaphore, #tpu.memory_space<semaphore_mem>>) src(%dma_wait3A_1013 : memref<3932160x16xf32, #tpu.memory_space<hbm>>) dst(%dma_wait3A_1008 : memref<128x16xf32, #tpu.memory_space<vmem>>)
      %dma_wait3A_1014 = arith.constant 256 : i32
      %dma_wait3A_1015 = arith.constant 0 : i32
      %dma_wait3A_1016 = tpu.memref_slice %arg6[%dma_wait3A_1014, %dma_wait3A_1015] : memref<896x16xf32, #tpu.memory_space<vmem>> -> memref<128x16xf32, #tpu.memory_space<vmem>>
      %dma_wait3A_1017 = arith.constant 5632 : i32
      %dma_wait3A_1018 = tpu.memref_slice %arg5[%dma_wait3A_1017] : memref<10752xi32, #tpu.memory_space<vmem>> -> memref<128xi32, #tpu.memory_space<vmem>>
      %dma_wait3A_1019 = arith.constant 0 : i32
      %dma_wait3A_1020 = arith.constant 0 : i32
      %dma_wait3A_1021 = tpu.memref_slice %arg2[%dma_wait3A_1019, %dma_wait3A_1020] : memref<3932160x16xf32, #tpu.memory_space<hbm>> -> memref<3932160x16xf32, #tpu.memory_space<hbm>>
      tpu.wait_indirect_dma semaphore(%arg9 : memref<!tpu.dma_semaphore, #tpu.memory_space<semaphore_mem>>) src(%dma_wait3A_1021 : memref<3932160x16xf32, #tpu.memory_space<hbm>>) dst(%dma_wait3A_1016 : memref<128x16xf32, #tpu.memory_space<vmem>>)
      %dma_wait3A_1022 = arith.constant 384 : i32
      %dma_wait3A_1023 = arith.constant 0 : i32
      %dma_wait3A_1024 = tpu.memref_slice %arg6[%dma_wait3A_1022, %dma_wait3A_1023] : memref<896x16xf32, #tpu.memory_space<vmem>> -> memref<128x16xf32, #tpu.memory_space<vmem>>
      %dma_wait3A_1025 = arith.constant 5760 : i32
      %dma_wait3A_1026 = tpu.memref_slice %arg5[%dma_wait3A_1025] : memref<10752xi32, #tpu.memory_space<vmem>> -> memref<128xi32, #tpu.memory_space<vmem>>
      %dma_wait3A_1027 = arith.constant 0 : i32
      %dma_wait3A_1028 = arith.constant 0 : i32
      %dma_wait3A_1029 = tpu.memref_slice %arg2[%dma_wait3A_1027, %dma_wait3A_1028] : memref<3932160x16xf32, #tpu.memory_space<hbm>> -> memref<3932160x16xf32, #tpu.memory_space<hbm>>
      tpu.wait_indirect_dma semaphore(%arg9 : memref<!tpu.dma_semaphore, #tpu.memory_space<semaphore_mem>>) src(%dma_wait3A_1029 : memref<3932160x16xf32, #tpu.memory_space<hbm>>) dst(%dma_wait3A_1024 : memref<128x16xf32, #tpu.memory_space<vmem>>)
      %dma_wait3A_1030 = arith.constant 512 : i32
      %dma_wait3A_1031 = arith.constant 0 : i32
      %dma_wait3A_1032 = tpu.memref_slice %arg6[%dma_wait3A_1030, %dma_wait3A_1031] : memref<896x16xf32, #tpu.memory_space<vmem>> -> memref<128x16xf32, #tpu.memory_space<vmem>>
      %dma_wait3A_1033 = arith.constant 5888 : i32
      %dma_wait3A_1034 = tpu.memref_slice %arg5[%dma_wait3A_1033] : memref<10752xi32, #tpu.memory_space<vmem>> -> memref<128xi32, #tpu.memory_space<vmem>>
      %dma_wait3A_1035 = arith.constant 0 : i32
      %dma_wait3A_1036 = arith.constant 0 : i32
      %dma_wait3A_1037 = tpu.memref_slice %arg2[%dma_wait3A_1035, %dma_wait3A_1036] : memref<3932160x16xf32, #tpu.memory_space<hbm>> -> memref<3932160x16xf32, #tpu.memory_space<hbm>>
      tpu.wait_indirect_dma semaphore(%arg9 : memref<!tpu.dma_semaphore, #tpu.memory_space<semaphore_mem>>) src(%dma_wait3A_1037 : memref<3932160x16xf32, #tpu.memory_space<hbm>>) dst(%dma_wait3A_1032 : memref<128x16xf32, #tpu.memory_space<vmem>>)
      %dma_wait3A_1038 = arith.constant 640 : i32
      %dma_wait3A_1039 = arith.constant 0 : i32
      %dma_wait3A_1040 = tpu.memref_slice %arg6[%dma_wait3A_1038, %dma_wait3A_1039] : memref<896x16xf32, #tpu.memory_space<vmem>> -> memref<128x16xf32, #tpu.memory_space<vmem>>
      %dma_wait3A_1041 = arith.constant 6016 : i32
      %dma_wait3A_1042 = tpu.memref_slice %arg5[%dma_wait3A_1041] : memref<10752xi32, #tpu.memory_space<vmem>> -> memref<128xi32, #tpu.memory_space<vmem>>
      %dma_wait3A_1043 = arith.constant 0 : i32
      %dma_wait3A_1044 = arith.constant 0 : i32
      %dma_wait3A_1045 = tpu.memref_slice %arg2[%dma_wait3A_1043, %dma_wait3A_1044] : memref<3932160x16xf32, #tpu.memory_space<hbm>> -> memref<3932160x16xf32, #tpu.memory_space<hbm>>
      tpu.wait_indirect_dma semaphore(%arg9 : memref<!tpu.dma_semaphore, #tpu.memory_space<semaphore_mem>>) src(%dma_wait3A_1045 : memref<3932160x16xf32, #tpu.memory_space<hbm>>) dst(%dma_wait3A_1040 : memref<128x16xf32, #tpu.memory_space<vmem>>)
      %dma_wait3A_1046 = arith.constant 768 : i32
      %dma_wait3A_1047 = arith.constant 0 : i32
      %dma_wait3A_1048 = tpu.memref_slice %arg6[%dma_wait3A_1046, %dma_wait3A_1047] : memref<896x16xf32, #tpu.memory_space<vmem>> -> memref<128x16xf32, #tpu.memory_space<vmem>>
      %dma_wait3A_1049 = arith.constant 6144 : i32
      %dma_wait3A_1050 = tpu.memref_slice %arg5[%dma_wait3A_1049] : memref<10752xi32, #tpu.memory_space<vmem>> -> memref<128xi32, #tpu.memory_space<vmem>>
      %dma_wait3A_1051 = arith.constant 0 : i32
      %dma_wait3A_1052 = arith.constant 0 : i32
      %dma_wait3A_1053 = tpu.memref_slice %arg2[%dma_wait3A_1051, %dma_wait3A_1052] : memref<3932160x16xf32, #tpu.memory_space<hbm>> -> memref<3932160x16xf32, #tpu.memory_space<hbm>>
      tpu.wait_indirect_dma semaphore(%arg9 : memref<!tpu.dma_semaphore, #tpu.memory_space<semaphore_mem>>) src(%dma_wait3A_1053 : memref<3932160x16xf32, #tpu.memory_space<hbm>>) dst(%dma_wait3A_1048 : memref<128x16xf32, #tpu.memory_space<vmem>>)
      %scan3A_1054 = arith.constant 0 : i32
      %scan3A_1055 = arith.constant 0 : i32
      %scan3A_1056 = arith.constant 896 : i32
      %scan3A_1057 = arith.addi %scan3A_1055, %scan3A_1056 : i32
      %scan3A_1058 = arith.constant 8 : i32
      scf.for %scan3A_1594 = %scan3A_1055 to %scan3A_1057 step %scan3A_1058  : i32 {
        %get3A = arith.index_cast %scan3A_1594 : i32 to index
        %get3A_1595 = arith.constant 0 : index
        %get3A_1596 = tpu.vector_load %arg6[%get3A, %get3A_1595] {strides = array<i32>} : memref<896x16xf32, #tpu.memory_space<vmem>>, vector<1x16xf32>,
        %get3A_1597 = vector.shape_cast %get3A_1596 : vector<1x16xf32> to vector<16xf32>
        %swap3A = arith.index_cast %scan3A_1594 : i32 to index
        %swap3A_1598 = arith.constant 0 : index
        %swap3A_1599 = tpu.vector_load %arg8[%swap3A, %swap3A_1598] {strides = array<i32>} : memref<896x16xf32, #tpu.memory_space<vmem>>, vector<1x16xf32>,
        %swap3A_1600 = vector.shape_cast %swap3A_1599 : vector<1x16xf32> to vector<16xf32>
        %swap3A_1601 = vector.shape_cast %get3A_1597 : vector<16xf32> to vector<1x16xf32>
        tpu.vector_store %arg8[%swap3A, %swap3A_1598], %swap3A_1601 {add = true, strides = array<i32>} : memref<896x16xf32, #tpu.memory_space<vmem>>, vector<1x16xf32>,
        %scan3A_1602 = arith.constant 1 : i32
        %scan3A_1603 = arith.addi %scan3A_1594, %scan3A_1602 : i32
        %get3A_1604 = arith.index_cast %scan3A_1603 : i32 to index
        %get3A_1605 = arith.constant 0 : index
        %get3A_1606 = tpu.vector_load %arg6[%get3A_1604, %get3A_1605] {strides = array<i32>} : memref<896x16xf32, #tpu.memory_space<vmem>>, vector<1x16xf32>,
        %get3A_1607 = vector.shape_cast %get3A_1606 : vector<1x16xf32> to vector<16xf32>
        %swap3A_1608 = arith.index_cast %scan3A_1603 : i32 to index
        %swap3A_1609 = arith.constant 0 : index
        %swap3A_1610 = tpu.vector_load %arg8[%swap3A_1608, %swap3A_1609] {strides = array<i32>} : memref<896x16xf32, #tpu.memory_space<vmem>>, vector<1x16xf32>,
        %swap3A_1611 = vector.shape_cast %swap3A_1610 : vector<1x16xf32> to vector<16xf32>
        %swap3A_1612 = vector.shape_cast %get3A_1607 : vector<16xf32> to vector<1x16xf32>
        tpu.vector_store %arg8[%swap3A_1608, %swap3A_1609], %swap3A_1612 {add = true, strides = array<i32>} : memref<896x16xf32, #tpu.memory_space<vmem>>, vector<1x16xf32>,
        %scan3A_1613 = arith.constant 2 : i32
        %scan3A_1614 = arith.addi %scan3A_1594, %scan3A_1613 : i32
        %get3A_1615 = arith.index_cast %scan3A_1614 : i32 to index
        %get3A_1616 = arith.constant 0 : index
        %get3A_1617 = tpu.vector_load %arg6[%get3A_1615, %get3A_1616] {strides = array<i32>} : memref<896x16xf32, #tpu.memory_space<vmem>>, vector<1x16xf32>,
        %get3A_1618 = vector.shape_cast %get3A_1617 : vector<1x16xf32> to vector<16xf32>
        %swap3A_1619 = arith.index_cast %scan3A_1614 : i32 to index
        %swap3A_1620 = arith.constant 0 : index
        %swap3A_1621 = tpu.vector_load %arg8[%swap3A_1619, %swap3A_1620] {strides = array<i32>} : memref<896x16xf32, #tpu.memory_space<vmem>>, vector<1x16xf32>,
        %swap3A_1622 = vector.shape_cast %swap3A_1621 : vector<1x16xf32> to vector<16xf32>
        %swap3A_1623 = vector.shape_cast %get3A_1618 : vector<16xf32> to vector<1x16xf32>
        tpu.vector_store %arg8[%swap3A_1619, %swap3A_1620], %swap3A_1623 {add = true, strides = array<i32>} : memref<896x16xf32, #tpu.memory_space<vmem>>, vector<1x16xf32>,
        %scan3A_1624 = arith.constant 3 : i32
        %scan3A_1625 = arith.addi %scan3A_1594, %scan3A_1624 : i32
        %get3A_1626 = arith.index_cast %scan3A_1625 : i32 to index
        %get3A_1627 = arith.constant 0 : index
        %get3A_1628 = tpu.vector_load %arg6[%get3A_1626, %get3A_1627] {strides = array<i32>} : memref<896x16xf32, #tpu.memory_space<vmem>>, vector<1x16xf32>,
        %get3A_1629 = vector.shape_cast %get3A_1628 : vector<1x16xf32> to vector<16xf32>
        %swap3A_1630 = arith.index_cast %scan3A_1625 : i32 to index
        %swap3A_1631 = arith.constant 0 : index
        %swap3A_1632 = tpu.vector_load %arg8[%swap3A_1630, %swap3A_1631] {strides = array<i32>} : memref<896x16xf32, #tpu.memory_space<vmem>>, vector<1x16xf32>,
        %swap3A_1633 = vector.shape_cast %swap3A_1632 : vector<1x16xf32> to vector<16xf32>
        %swap3A_1634 = vector.shape_cast %get3A_1629 : vector<16xf32> to vector<1x16xf32>
        tpu.vector_store %arg8[%swap3A_1630, %swap3A_1631], %swap3A_1634 {add = true, strides = array<i32>} : memref<896x16xf32, #tpu.memory_space<vmem>>, vector<1x16xf32>,
        %scan3A_1635 = arith.constant 4 : i32
        %scan3A_1636 = arith.addi %scan3A_1594, %scan3A_1635 : i32
        %get3A_1637 = arith.index_cast %scan3A_1636 : i32 to index
        %get3A_1638 = arith.constant 0 : index
        %get3A_1639 = tpu.vector_load %arg6[%get3A_1637, %get3A_1638] {strides = array<i32>} : memref<896x16xf32, #tpu.memory_space<vmem>>, vector<1x16xf32>,
        %get3A_1640 = vector.shape_cast %get3A_1639 : vector<1x16xf32> to vector<16xf32>
        %swap3A_1641 = arith.index_cast %scan3A_1636 : i32 to index
        %swap3A_1642 = arith.constant 0 : index
        %swap3A_1643 = tpu.vector_load %arg8[%swap3A_1641, %swap3A_1642] {strides = array<i32>} : memref<896x16xf32, #tpu.memory_space<vmem>>, vector<1x16xf32>,
        %swap3A_1644 = vector.shape_cast %swap3A_1643 : vector<1x16xf32> to vector<16xf32>
        %swap3A_1645 = vector.shape_cast %get3A_1640 : vector<16xf32> to vector<1x16xf32>
        tpu.vector_store %arg8[%swap3A_1641, %swap3A_1642], %swap3A_1645 {add = true, strides = array<i32>} : memref<896x16xf32, #tpu.memory_space<vmem>>, vector<1x16xf32>,
        %scan3A_1646 = arith.constant 5 : i32
        %scan3A_1647 = arith.addi %scan3A_1594, %scan3A_1646 : i32
        %get3A_1648 = arith.index_cast %scan3A_1647 : i32 to index
        %get3A_1649 = arith.constant 0 : index
        %get3A_1650 = tpu.vector_load %arg6[%get3A_1648, %get3A_1649] {strides = array<i32>} : memref<896x16xf32, #tpu.memory_space<vmem>>, vector<1x16xf32>,
        %get3A_1651 = vector.shape_cast %get3A_1650 : vector<1x16xf32> to vector<16xf32>
        %swap3A_1652 = arith.index_cast %scan3A_1647 : i32 to index
        %swap3A_1653 = arith.constant 0 : index
        %swap3A_1654 = tpu.vector_load %arg8[%swap3A_1652, %swap3A_1653] {strides = array<i32>} : memref<896x16xf32, #tpu.memory_space<vmem>>, vector<1x16xf32>,
        %swap3A_1655 = vector.shape_cast %swap3A_1654 : vector<1x16xf32> to vector<16xf32>
        %swap3A_1656 = vector.shape_cast %get3A_1651 : vector<16xf32> to vector<1x16xf32>
        tpu.vector_store %arg8[%swap3A_1652, %swap3A_1653], %swap3A_1656 {add = true, strides = array<i32>} : memref<896x16xf32, #tpu.memory_space<vmem>>, vector<1x16xf32>,
        %scan3A_1657 = arith.constant 6 : i32
        %scan3A_1658 = arith.addi %scan3A_1594, %scan3A_1657 : i32
        %get3A_1659 = arith.index_cast %scan3A_1658 : i32 to index
        %get3A_1660 = arith.constant 0 : index
        %get3A_1661 = tpu.vector_load %arg6[%get3A_1659, %get3A_1660] {strides = array<i32>} : memref<896x16xf32, #tpu.memory_space<vmem>>, vector<1x16xf32>,
        %get3A_1662 = vector.shape_cast %get3A_1661 : vector<1x16xf32> to vector<16xf32>
        %swap3A_1663 = arith.index_cast %scan3A_1658 : i32 to index
        %swap3A_1664 = arith.constant 0 : index
        %swap3A_1665 = tpu.vector_load %arg8[%swap3A_1663, %swap3A_1664] {strides = array<i32>} : memref<896x16xf32, #tpu.memory_space<vmem>>, vector<1x16xf32>,
        %swap3A_1666 = vector.shape_cast %swap3A_1665 : vector<1x16xf32> to vector<16xf32>
        %swap3A_1667 = vector.shape_cast %get3A_1662 : vector<16xf32> to vector<1x16xf32>
        tpu.vector_store %arg8[%swap3A_1663, %swap3A_1664], %swap3A_1667 {add = true, strides = array<i32>} : memref<896x16xf32, #tpu.memory_space<vmem>>, vector<1x16xf32>,
        %scan3A_1668 = arith.constant 7 : i32
        %scan3A_1669 = arith.addi %scan3A_1594, %scan3A_1668 : i32
        %get3A_1670 = arith.index_cast %scan3A_1669 : i32 to index
        %get3A_1671 = arith.constant 0 : index
        %get3A_1672 = tpu.vector_load %arg6[%get3A_1670, %get3A_1671] {strides = array<i32>} : memref<896x16xf32, #tpu.memory_space<vmem>>, vector<1x16xf32>,
        %get3A_1673 = vector.shape_cast %get3A_1672 : vector<1x16xf32> to vector<16xf32>
        %swap3A_1674 = arith.index_cast %scan3A_1669 : i32 to index
        %swap3A_1675 = arith.constant 0 : index
        %swap3A_1676 = tpu.vector_load %arg8[%swap3A_1674, %swap3A_1675] {strides = array<i32>} : memref<896x16xf32, #tpu.memory_space<vmem>>, vector<1x16xf32>,
        %swap3A_1677 = vector.shape_cast %swap3A_1676 : vector<1x16xf32> to vector<16xf32>
        %swap3A_1678 = vector.shape_cast %get3A_1673 : vector<16xf32> to vector<1x16xf32>
        tpu.vector_store %arg8[%swap3A_1674, %swap3A_1675], %swap3A_1678 {add = true, strides = array<i32>} : memref<896x16xf32, #tpu.memory_space<vmem>>, vector<1x16xf32>,
      }
      %scan3A_1059 = arith.constant 896 : i32
      %dma_start3A_1060 = arith.constant 0 : i32
      %dma_start3A_1061 = arith.constant 0 : i32
      %dma_start3A_1062 = tpu.memref_slice %arg6[%dma_start3A_1060, %dma_start3A_1061] : memref<896x16xf32, #tpu.memory_space<vmem>> -> memref<128x16xf32, #tpu.memory_space<vmem>>
      %dma_start3A_1063 = arith.constant 7168 : i32
      %dma_start3A_1064 = tpu.memref_slice %arg5[%dma_start3A_1063] : memref<10752xi32, #tpu.memory_space<vmem>> -> memref<128xi32, #tpu.memory_space<vmem>>
      %dma_start3A_1065 = arith.constant 0 : i32
      %dma_start3A_1066 = arith.constant 0 : i32
      %dma_start3A_1067 = tpu.memref_slice %arg2[%dma_start3A_1065, %dma_start3A_1066] : memref<3932160x16xf32, #tpu.memory_space<hbm>> -> memref<3932160x16xf32, #tpu.memory_space<hbm>>
      tpu.enqueue_indirect_dma source(%dma_start3A_1067 : memref<3932160x16xf32, #tpu.memory_space<hbm>>) target(%dma_start3A_1062 : memref<128x16xf32, #tpu.memory_space<vmem>>) offsets(%dma_start3A_1064 : memref<128xi32, #tpu.memory_space<vmem>>) semaphore(%arg9 : memref<!tpu.dma_semaphore, #tpu.memory_space<semaphore_mem>>)
      %dma_start3A_1068 = arith.constant 128 : i32
      %dma_start3A_1069 = arith.constant 0 : i32
      %dma_start3A_1070 = tpu.memref_slice %arg6[%dma_start3A_1068, %dma_start3A_1069] : memref<896x16xf32, #tpu.memory_space<vmem>> -> memref<128x16xf32, #tpu.memory_space<vmem>>
      %dma_start3A_1071 = arith.constant 7296 : i32
      %dma_start3A_1072 = tpu.memref_slice %arg5[%dma_start3A_1071] : memref<10752xi32, #tpu.memory_space<vmem>> -> memref<128xi32, #tpu.memory_space<vmem>>
      %dma_start3A_1073 = arith.constant 0 : i32
      %dma_start3A_1074 = arith.constant 0 : i32
      %dma_start3A_1075 = tpu.memref_slice %arg2[%dma_start3A_1073, %dma_start3A_1074] : memref<3932160x16xf32, #tpu.memory_space<hbm>> -> memref<3932160x16xf32, #tpu.memory_space<hbm>>
      tpu.enqueue_indirect_dma source(%dma_start3A_1075 : memref<3932160x16xf32, #tpu.memory_space<hbm>>) target(%dma_start3A_1070 : memref<128x16xf32, #tpu.memory_space<vmem>>) offsets(%dma_start3A_1072 : memref<128xi32, #tpu.memory_space<vmem>>) semaphore(%arg9 : memref<!tpu.dma_semaphore, #tpu.memory_space<semaphore_mem>>)
      %dma_start3A_1076 = arith.constant 256 : i32
      %dma_start3A_1077 = arith.constant 0 : i32
      %dma_start3A_1078 = tpu.memref_slice %arg6[%dma_start3A_1076, %dma_start3A_1077] : memref<896x16xf32, #tpu.memory_space<vmem>> -> memref<128x16xf32, #tpu.memory_space<vmem>>
      %dma_start3A_1079 = arith.constant 7424 : i32
      %dma_start3A_1080 = tpu.memref_slice %arg5[%dma_start3A_1079] : memref<10752xi32, #tpu.memory_space<vmem>> -> memref<128xi32, #tpu.memory_space<vmem>>
      %dma_start3A_1081 = arith.constant 0 : i32
      %dma_start3A_1082 = arith.constant 0 : i32
      %dma_start3A_1083 = tpu.memref_slice %arg2[%dma_start3A_1081, %dma_start3A_1082] : memref<3932160x16xf32, #tpu.memory_space<hbm>> -> memref<3932160x16xf32, #tpu.memory_space<hbm>>
      tpu.enqueue_indirect_dma source(%dma_start3A_1083 : memref<3932160x16xf32, #tpu.memory_space<hbm>>) target(%dma_start3A_1078 : memref<128x16xf32, #tpu.memory_space<vmem>>) offsets(%dma_start3A_1080 : memref<128xi32, #tpu.memory_space<vmem>>) semaphore(%arg9 : memref<!tpu.dma_semaphore, #tpu.memory_space<semaphore_mem>>)
      %dma_start3A_1084 = arith.constant 384 : i32
      %dma_start3A_1085 = arith.constant 0 : i32
      %dma_start3A_1086 = tpu.memref_slice %arg6[%dma_start3A_1084, %dma_start3A_1085] : memref<896x16xf32, #tpu.memory_space<vmem>> -> memref<128x16xf32, #tpu.memory_space<vmem>>
      %dma_start3A_1087 = arith.constant 7552 : i32
      %dma_start3A_1088 = tpu.memref_slice %arg5[%dma_start3A_1087] : memref<10752xi32, #tpu.memory_space<vmem>> -> memref<128xi32, #tpu.memory_space<vmem>>
      %dma_start3A_1089 = arith.constant 0 : i32
      %dma_start3A_1090 = arith.constant 0 : i32
      %dma_start3A_1091 = tpu.memref_slice %arg2[%dma_start3A_1089, %dma_start3A_1090] : memref<3932160x16xf32, #tpu.memory_space<hbm>> -> memref<3932160x16xf32, #tpu.memory_space<hbm>>
      tpu.enqueue_indirect_dma source(%dma_start3A_1091 : memref<3932160x16xf32, #tpu.memory_space<hbm>>) target(%dma_start3A_1086 : memref<128x16xf32, #tpu.memory_space<vmem>>) offsets(%dma_start3A_1088 : memref<128xi32, #tpu.memory_space<vmem>>) semaphore(%arg9 : memref<!tpu.dma_semaphore, #tpu.memory_space<semaphore_mem>>)
      %dma_start3A_1092 = arith.constant 512 : i32
      %dma_start3A_1093 = arith.constant 0 : i32
      %dma_start3A_1094 = tpu.memref_slice %arg6[%dma_start3A_1092, %dma_start3A_1093] : memref<896x16xf32, #tpu.memory_space<vmem>> -> memref<128x16xf32, #tpu.memory_space<vmem>>
      %dma_start3A_1095 = arith.constant 7680 : i32
      %dma_start3A_1096 = tpu.memref_slice %arg5[%dma_start3A_1095] : memref<10752xi32, #tpu.memory_space<vmem>> -> memref<128xi32, #tpu.memory_space<vmem>>
      %dma_start3A_1097 = arith.constant 0 : i32
      %dma_start3A_1098 = arith.constant 0 : i32
      %dma_start3A_1099 = tpu.memref_slice %arg2[%dma_start3A_1097, %dma_start3A_1098] : memref<3932160x16xf32, #tpu.memory_space<hbm>> -> memref<3932160x16xf32, #tpu.memory_space<hbm>>
      tpu.enqueue_indirect_dma source(%dma_start3A_1099 : memref<3932160x16xf32, #tpu.memory_space<hbm>>) target(%dma_start3A_1094 : memref<128x16xf32, #tpu.memory_space<vmem>>) offsets(%dma_start3A_1096 : memref<128xi32, #tpu.memory_space<vmem>>) semaphore(%arg9 : memref<!tpu.dma_semaphore, #tpu.memory_space<semaphore_mem>>)
      %dma_start3A_1100 = arith.constant 640 : i32
      %dma_start3A_1101 = arith.constant 0 : i32
      %dma_start3A_1102 = tpu.memref_slice %arg6[%dma_start3A_1100, %dma_start3A_1101] : memref<896x16xf32, #tpu.memory_space<vmem>> -> memref<128x16xf32, #tpu.memory_space<vmem>>
      %dma_start3A_1103 = arith.constant 7808 : i32
      %dma_start3A_1104 = tpu.memref_slice %arg5[%dma_start3A_1103] : memref<10752xi32, #tpu.memory_space<vmem>> -> memref<128xi32, #tpu.memory_space<vmem>>
      %dma_start3A_1105 = arith.constant 0 : i32
      %dma_start3A_1106 = arith.constant 0 : i32
      %dma_start3A_1107 = tpu.memref_slice %arg2[%dma_start3A_1105, %dma_start3A_1106] : memref<3932160x16xf32, #tpu.memory_space<hbm>> -> memref<3932160x16xf32, #tpu.memory_space<hbm>>
      tpu.enqueue_indirect_dma source(%dma_start3A_1107 : memref<3932160x16xf32, #tpu.memory_space<hbm>>) target(%dma_start3A_1102 : memref<128x16xf32, #tpu.memory_space<vmem>>) offsets(%dma_start3A_1104 : memref<128xi32, #tpu.memory_space<vmem>>) semaphore(%arg9 : memref<!tpu.dma_semaphore, #tpu.memory_space<semaphore_mem>>)
      %dma_start3A_1108 = arith.constant 768 : i32
      %dma_start3A_1109 = arith.constant 0 : i32
      %dma_start3A_1110 = tpu.memref_slice %arg6[%dma_start3A_1108, %dma_start3A_1109] : memref<896x16xf32, #tpu.memory_space<vmem>> -> memref<128x16xf32, #tpu.memory_space<vmem>>
      %dma_start3A_1111 = arith.constant 7936 : i32
      %dma_start3A_1112 = tpu.memref_slice %arg5[%dma_start3A_1111] : memref<10752xi32, #tpu.memory_space<vmem>> -> memref<128xi32, #tpu.memory_space<vmem>>
      %dma_start3A_1113 = arith.constant 0 : i32
      %dma_start3A_1114 = arith.constant 0 : i32
      %dma_start3A_1115 = tpu.memref_slice %arg2[%dma_start3A_1113, %dma_start3A_1114] : memref<3932160x16xf32, #tpu.memory_space<hbm>> -> memref<3932160x16xf32, #tpu.memory_space<hbm>>
      tpu.enqueue_indirect_dma source(%dma_start3A_1115 : memref<3932160x16xf32, #tpu.memory_space<hbm>>) target(%dma_start3A_1110 : memref<128x16xf32, #tpu.memory_space<vmem>>) offsets(%dma_start3A_1112 : memref<128xi32, #tpu.memory_space<vmem>>) semaphore(%arg9 : memref<!tpu.dma_semaphore, #tpu.memory_space<semaphore_mem>>)
      %dma_wait3A_1116 = arith.constant 0 : i32
      %dma_wait3A_1117 = arith.constant 0 : i32
      %dma_wait3A_1118 = tpu.memref_slice %arg7[%dma_wait3A_1116, %dma_wait3A_1117] : memref<896x16xf32, #tpu.memory_space<vmem>> -> memref<128x16xf32, #tpu.memory_space<vmem>>
      %dma_wait3A_1119 = arith.constant 6272 : i32
      %dma_wait3A_1120 = tpu.memref_slice %arg5[%dma_wait3A_1119] : memref<10752xi32, #tpu.memory_space<vmem>> -> memref<128xi32, #tpu.memory_space<vmem>>
      %dma_wait3A_1121 = arith.constant 0 : i32
      %dma_wait3A_1122 = arith.constant 0 : i32
      %dma_wait3A_1123 = tpu.memref_slice %arg2[%dma_wait3A_1121, %dma_wait3A_1122] : memref<3932160x16xf32, #tpu.memory_space<hbm>> -> memref<3932160x16xf32, #tpu.memory_space<hbm>>
      tpu.wait_indirect_dma semaphore(%arg10 : memref<!tpu.dma_semaphore, #tpu.memory_space<semaphore_mem>>) src(%dma_wait3A_1123 : memref<3932160x16xf32, #tpu.memory_space<hbm>>) dst(%dma_wait3A_1118 : memref<128x16xf32, #tpu.memory_space<vmem>>)
      %dma_wait3A_1124 = arith.constant 128 : i32
      %dma_wait3A_1125 = arith.constant 0 : i32
      %dma_wait3A_1126 = tpu.memref_slice %arg7[%dma_wait3A_1124, %dma_wait3A_1125] : memref<896x16xf32, #tpu.memory_space<vmem>> -> memref<128x16xf32, #tpu.memory_space<vmem>>
      %dma_wait3A_1127 = arith.constant 6400 : i32
      %dma_wait3A_1128 = tpu.memref_slice %arg5[%dma_wait3A_1127] : memref<10752xi32, #tpu.memory_space<vmem>> -> memref<128xi32, #tpu.memory_space<vmem>>
      %dma_wait3A_1129 = arith.constant 0 : i32
      %dma_wait3A_1130 = arith.constant 0 : i32
      %dma_wait3A_1131 = tpu.memref_slice %arg2[%dma_wait3A_1129, %dma_wait3A_1130] : memref<3932160x16xf32, #tpu.memory_space<hbm>> -> memref<3932160x16xf32, #tpu.memory_space<hbm>>
      tpu.wait_indirect_dma semaphore(%arg10 : memref<!tpu.dma_semaphore, #tpu.memory_space<semaphore_mem>>) src(%dma_wait3A_1131 : memref<3932160x16xf32, #tpu.memory_space<hbm>>) dst(%dma_wait3A_1126 : memref<128x16xf32, #tpu.memory_space<vmem>>)
      %dma_wait3A_1132 = arith.constant 256 : i32
      %dma_wait3A_1133 = arith.constant 0 : i32
      %dma_wait3A_1134 = tpu.memref_slice %arg7[%dma_wait3A_1132, %dma_wait3A_1133] : memref<896x16xf32, #tpu.memory_space<vmem>> -> memref<128x16xf32, #tpu.memory_space<vmem>>
      %dma_wait3A_1135 = arith.constant 6528 : i32
      %dma_wait3A_1136 = tpu.memref_slice %arg5[%dma_wait3A_1135] : memref<10752xi32, #tpu.memory_space<vmem>> -> memref<128xi32, #tpu.memory_space<vmem>>
      %dma_wait3A_1137 = arith.constant 0 : i32
      %dma_wait3A_1138 = arith.constant 0 : i32
      %dma_wait3A_1139 = tpu.memref_slice %arg2[%dma_wait3A_1137, %dma_wait3A_1138] : memref<3932160x16xf32, #tpu.memory_space<hbm>> -> memref<3932160x16xf32, #tpu.memory_space<hbm>>
      tpu.wait_indirect_dma semaphore(%arg10 : memref<!tpu.dma_semaphore, #tpu.memory_space<semaphore_mem>>) src(%dma_wait3A_1139 : memref<3932160x16xf32, #tpu.memory_space<hbm>>) dst(%dma_wait3A_1134 : memref<128x16xf32, #tpu.memory_space<vmem>>)
      %dma_wait3A_1140 = arith.constant 384 : i32
      %dma_wait3A_1141 = arith.constant 0 : i32
      %dma_wait3A_1142 = tpu.memref_slice %arg7[%dma_wait3A_1140, %dma_wait3A_1141] : memref<896x16xf32, #tpu.memory_space<vmem>> -> memref<128x16xf32, #tpu.memory_space<vmem>>
      %dma_wait3A_1143 = arith.constant 6656 : i32
      %dma_wait3A_1144 = tpu.memref_slice %arg5[%dma_wait3A_1143] : memref<10752xi32, #tpu.memory_space<vmem>> -> memref<128xi32, #tpu.memory_space<vmem>>
      %dma_wait3A_1145 = arith.constant 0 : i32
      %dma_wait3A_1146 = arith.constant 0 : i32
      %dma_wait3A_1147 = tpu.memref_slice %arg2[%dma_wait3A_1145, %dma_wait3A_1146] : memref<3932160x16xf32, #tpu.memory_space<hbm>> -> memref<3932160x16xf32, #tpu.memory_space<hbm>>
      tpu.wait_indirect_dma semaphore(%arg10 : memref<!tpu.dma_semaphore, #tpu.memory_space<semaphore_mem>>) src(%dma_wait3A_1147 : memref<3932160x16xf32, #tpu.memory_space<hbm>>) dst(%dma_wait3A_1142 : memref<128x16xf32, #tpu.memory_space<vmem>>)
      %dma_wait3A_1148 = arith.constant 512 : i32
      %dma_wait3A_1149 = arith.constant 0 : i32
      %dma_wait3A_1150 = tpu.memref_slice %arg7[%dma_wait3A_1148, %dma_wait3A_1149] : memref<896x16xf32, #tpu.memory_space<vmem>> -> memref<128x16xf32, #tpu.memory_space<vmem>>
      %dma_wait3A_1151 = arith.constant 6784 : i32
      %dma_wait3A_1152 = tpu.memref_slice %arg5[%dma_wait3A_1151] : memref<10752xi32, #tpu.memory_space<vmem>> -> memref<128xi32, #tpu.memory_space<vmem>>
      %dma_wait3A_1153 = arith.constant 0 : i32
      %dma_wait3A_1154 = arith.constant 0 : i32
      %dma_wait3A_1155 = tpu.memref_slice %arg2[%dma_wait3A_1153, %dma_wait3A_1154] : memref<3932160x16xf32, #tpu.memory_space<hbm>> -> memref<3932160x16xf32, #tpu.memory_space<hbm>>
      tpu.wait_indirect_dma semaphore(%arg10 : memref<!tpu.dma_semaphore, #tpu.memory_space<semaphore_mem>>) src(%dma_wait3A_1155 : memref<3932160x16xf32, #tpu.memory_space<hbm>>) dst(%dma_wait3A_1150 : memref<128x16xf32, #tpu.memory_space<vmem>>)
      %dma_wait3A_1156 = arith.constant 640 : i32
      %dma_wait3A_1157 = arith.constant 0 : i32
      %dma_wait3A_1158 = tpu.memref_slice %arg7[%dma_wait3A_1156, %dma_wait3A_1157] : memref<896x16xf32, #tpu.memory_space<vmem>> -> memref<128x16xf32, #tpu.memory_space<vmem>>
      %dma_wait3A_1159 = arith.constant 6912 : i32
      %dma_wait3A_1160 = tpu.memref_slice %arg5[%dma_wait3A_1159] : memref<10752xi32, #tpu.memory_space<vmem>> -> memref<128xi32, #tpu.memory_space<vmem>>
      %dma_wait3A_1161 = arith.constant 0 : i32
      %dma_wait3A_1162 = arith.constant 0 : i32
      %dma_wait3A_1163 = tpu.memref_slice %arg2[%dma_wait3A_1161, %dma_wait3A_1162] : memref<3932160x16xf32, #tpu.memory_space<hbm>> -> memref<3932160x16xf32, #tpu.memory_space<hbm>>
      tpu.wait_indirect_dma semaphore(%arg10 : memref<!tpu.dma_semaphore, #tpu.memory_space<semaphore_mem>>) src(%dma_wait3A_1163 : memref<3932160x16xf32, #tpu.memory_space<hbm>>) dst(%dma_wait3A_1158 : memref<128x16xf32, #tpu.memory_space<vmem>>)
      %dma_wait3A_1164 = arith.constant 768 : i32
      %dma_wait3A_1165 = arith.constant 0 : i32
      %dma_wait3A_1166 = tpu.memref_slice %arg7[%dma_wait3A_1164, %dma_wait3A_1165] : memref<896x16xf32, #tpu.memory_space<vmem>> -> memref<128x16xf32, #tpu.memory_space<vmem>>
      %dma_wait3A_1167 = arith.constant 7040 : i32
      %dma_wait3A_1168 = tpu.memref_slice %arg5[%dma_wait3A_1167] : memref<10752xi32, #tpu.memory_space<vmem>> -> memref<128xi32, #tpu.memory_space<vmem>>
      %dma_wait3A_1169 = arith.constant 0 : i32
      %dma_wait3A_1170 = arith.constant 0 : i32
      %dma_wait3A_1171 = tpu.memref_slice %arg2[%dma_wait3A_1169, %dma_wait3A_1170] : memref<3932160x16xf32, #tpu.memory_space<hbm>> -> memref<3932160x16xf32, #tpu.memory_space<hbm>>
      tpu.wait_indirect_dma semaphore(%arg10 : memref<!tpu.dma_semaphore, #tpu.memory_space<semaphore_mem>>) src(%dma_wait3A_1171 : memref<3932160x16xf32, #tpu.memory_space<hbm>>) dst(%dma_wait3A_1166 : memref<128x16xf32, #tpu.memory_space<vmem>>)
      %scan3A_1172 = arith.constant 0 : i32
      %scan3A_1173 = arith.constant 0 : i32
      %scan3A_1174 = arith.constant 896 : i32
      %scan3A_1175 = arith.addi %scan3A_1173, %scan3A_1174 : i32
      %scan3A_1176 = arith.constant 8 : i32
      scf.for %scan3A_1594 = %scan3A_1173 to %scan3A_1175 step %scan3A_1176  : i32 {
        %get3A = arith.index_cast %scan3A_1594 : i32 to index
        %get3A_1595 = arith.constant 0 : index
        %get3A_1596 = tpu.vector_load %arg7[%get3A, %get3A_1595] {strides = array<i32>} : memref<896x16xf32, #tpu.memory_space<vmem>>, vector<1x16xf32>,
        %get3A_1597 = vector.shape_cast %get3A_1596 : vector<1x16xf32> to vector<16xf32>
        %swap3A = arith.index_cast %scan3A_1594 : i32 to index
        %swap3A_1598 = arith.constant 0 : index
        %swap3A_1599 = tpu.vector_load %arg8[%swap3A, %swap3A_1598] {strides = array<i32>} : memref<896x16xf32, #tpu.memory_space<vmem>>, vector<1x16xf32>,
        %swap3A_1600 = vector.shape_cast %swap3A_1599 : vector<1x16xf32> to vector<16xf32>
        %swap3A_1601 = vector.shape_cast %get3A_1597 : vector<16xf32> to vector<1x16xf32>
        tpu.vector_store %arg8[%swap3A, %swap3A_1598], %swap3A_1601 {add = true, strides = array<i32>} : memref<896x16xf32, #tpu.memory_space<vmem>>, vector<1x16xf32>,
        %scan3A_1602 = arith.constant 1 : i32
        %scan3A_1603 = arith.addi %scan3A_1594, %scan3A_1602 : i32
        %get3A_1604 = arith.index_cast %scan3A_1603 : i32 to index
        %get3A_1605 = arith.constant 0 : index
        %get3A_1606 = tpu.vector_load %arg7[%get3A_1604, %get3A_1605] {strides = array<i32>} : memref<896x16xf32, #tpu.memory_space<vmem>>, vector<1x16xf32>,
        %get3A_1607 = vector.shape_cast %get3A_1606 : vector<1x16xf32> to vector<16xf32>
        %swap3A_1608 = arith.index_cast %scan3A_1603 : i32 to index
        %swap3A_1609 = arith.constant 0 : index
        %swap3A_1610 = tpu.vector_load %arg8[%swap3A_1608, %swap3A_1609] {strides = array<i32>} : memref<896x16xf32, #tpu.memory_space<vmem>>, vector<1x16xf32>,
        %swap3A_1611 = vector.shape_cast %swap3A_1610 : vector<1x16xf32> to vector<16xf32>
        %swap3A_1612 = vector.shape_cast %get3A_1607 : vector<16xf32> to vector<1x16xf32>
        tpu.vector_store %arg8[%swap3A_1608, %swap3A_1609], %swap3A_1612 {add = true, strides = array<i32>} : memref<896x16xf32, #tpu.memory_space<vmem>>, vector<1x16xf32>,
        %scan3A_1613 = arith.constant 2 : i32
        %scan3A_1614 = arith.addi %scan3A_1594, %scan3A_1613 : i32
        %get3A_1615 = arith.index_cast %scan3A_1614 : i32 to index
        %get3A_1616 = arith.constant 0 : index
        %get3A_1617 = tpu.vector_load %arg7[%get3A_1615, %get3A_1616] {strides = array<i32>} : memref<896x16xf32, #tpu.memory_space<vmem>>, vector<1x16xf32>,
        %get3A_1618 = vector.shape_cast %get3A_1617 : vector<1x16xf32> to vector<16xf32>
        %swap3A_1619 = arith.index_cast %scan3A_1614 : i32 to index
        %swap3A_1620 = arith.constant 0 : index
        %swap3A_1621 = tpu.vector_load %arg8[%swap3A_1619, %swap3A_1620] {strides = array<i32>} : memref<896x16xf32, #tpu.memory_space<vmem>>, vector<1x16xf32>,
        %swap3A_1622 = vector.shape_cast %swap3A_1621 : vector<1x16xf32> to vector<16xf32>
        %swap3A_1623 = vector.shape_cast %get3A_1618 : vector<16xf32> to vector<1x16xf32>
        tpu.vector_store %arg8[%swap3A_1619, %swap3A_1620], %swap3A_1623 {add = true, strides = array<i32>} : memref<896x16xf32, #tpu.memory_space<vmem>>, vector<1x16xf32>,
        %scan3A_1624 = arith.constant 3 : i32
        %scan3A_1625 = arith.addi %scan3A_1594, %scan3A_1624 : i32
        %get3A_1626 = arith.index_cast %scan3A_1625 : i32 to index
        %get3A_1627 = arith.constant 0 : index
        %get3A_1628 = tpu.vector_load %arg7[%get3A_1626, %get3A_1627] {strides = array<i32>} : memref<896x16xf32, #tpu.memory_space<vmem>>, vector<1x16xf32>,
        %get3A_1629 = vector.shape_cast %get3A_1628 : vector<1x16xf32> to vector<16xf32>
        %swap3A_1630 = arith.index_cast %scan3A_1625 : i32 to index
        %swap3A_1631 = arith.constant 0 : index
        %swap3A_1632 = tpu.vector_load %arg8[%swap3A_1630, %swap3A_1631] {strides = array<i32>} : memref<896x16xf32, #tpu.memory_space<vmem>>, vector<1x16xf32>,
        %swap3A_1633 = vector.shape_cast %swap3A_1632 : vector<1x16xf32> to vector<16xf32>
        %swap3A_1634 = vector.shape_cast %get3A_1629 : vector<16xf32> to vector<1x16xf32>
        tpu.vector_store %arg8[%swap3A_1630, %swap3A_1631], %swap3A_1634 {add = true, strides = array<i32>} : memref<896x16xf32, #tpu.memory_space<vmem>>, vector<1x16xf32>,
        %scan3A_1635 = arith.constant 4 : i32
        %scan3A_1636 = arith.addi %scan3A_1594, %scan3A_1635 : i32
        %get3A_1637 = arith.index_cast %scan3A_1636 : i32 to index
        %get3A_1638 = arith.constant 0 : index
        %get3A_1639 = tpu.vector_load %arg7[%get3A_1637, %get3A_1638] {strides = array<i32>} : memref<896x16xf32, #tpu.memory_space<vmem>>, vector<1x16xf32>,
        %get3A_1640 = vector.shape_cast %get3A_1639 : vector<1x16xf32> to vector<16xf32>
        %swap3A_1641 = arith.index_cast %scan3A_1636 : i32 to index
        %swap3A_1642 = arith.constant 0 : index
        %swap3A_1643 = tpu.vector_load %arg8[%swap3A_1641, %swap3A_1642] {strides = array<i32>} : memref<896x16xf32, #tpu.memory_space<vmem>>, vector<1x16xf32>,
        %swap3A_1644 = vector.shape_cast %swap3A_1643 : vector<1x16xf32> to vector<16xf32>
        %swap3A_1645 = vector.shape_cast %get3A_1640 : vector<16xf32> to vector<1x16xf32>
        tpu.vector_store %arg8[%swap3A_1641, %swap3A_1642], %swap3A_1645 {add = true, strides = array<i32>} : memref<896x16xf32, #tpu.memory_space<vmem>>, vector<1x16xf32>,
        %scan3A_1646 = arith.constant 5 : i32
        %scan3A_1647 = arith.addi %scan3A_1594, %scan3A_1646 : i32
        %get3A_1648 = arith.index_cast %scan3A_1647 : i32 to index
        %get3A_1649 = arith.constant 0 : index
        %get3A_1650 = tpu.vector_load %arg7[%get3A_1648, %get3A_1649] {strides = array<i32>} : memref<896x16xf32, #tpu.memory_space<vmem>>, vector<1x16xf32>,
        %get3A_1651 = vector.shape_cast %get3A_1650 : vector<1x16xf32> to vector<16xf32>
        %swap3A_1652 = arith.index_cast %scan3A_1647 : i32 to index
        %swap3A_1653 = arith.constant 0 : index
        %swap3A_1654 = tpu.vector_load %arg8[%swap3A_1652, %swap3A_1653] {strides = array<i32>} : memref<896x16xf32, #tpu.memory_space<vmem>>, vector<1x16xf32>,
        %swap3A_1655 = vector.shape_cast %swap3A_1654 : vector<1x16xf32> to vector<16xf32>
        %swap3A_1656 = vector.shape_cast %get3A_1651 : vector<16xf32> to vector<1x16xf32>
        tpu.vector_store %arg8[%swap3A_1652, %swap3A_1653], %swap3A_1656 {add = true, strides = array<i32>} : memref<896x16xf32, #tpu.memory_space<vmem>>, vector<1x16xf32>,
        %scan3A_1657 = arith.constant 6 : i32
        %scan3A_1658 = arith.addi %scan3A_1594, %scan3A_1657 : i32
        %get3A_1659 = arith.index_cast %scan3A_1658 : i32 to index
        %get3A_1660 = arith.constant 0 : index
        %get3A_1661 = tpu.vector_load %arg7[%get3A_1659, %get3A_1660] {strides = array<i32>} : memref<896x16xf32, #tpu.memory_space<vmem>>, vector<1x16xf32>,
        %get3A_1662 = vector.shape_cast %get3A_1661 : vector<1x16xf32> to vector<16xf32>
        %swap3A_1663 = arith.index_cast %scan3A_1658 : i32 to index
        %swap3A_1664 = arith.constant 0 : index
        %swap3A_1665 = tpu.vector_load %arg8[%swap3A_1663, %swap3A_1664] {strides = array<i32>} : memref<896x16xf32, #tpu.memory_space<vmem>>, vector<1x16xf32>,
        %swap3A_1666 = vector.shape_cast %swap3A_1665 : vector<1x16xf32> to vector<16xf32>
        %swap3A_1667 = vector.shape_cast %get3A_1662 : vector<16xf32> to vector<1x16xf32>
        tpu.vector_store %arg8[%swap3A_1663, %swap3A_1664], %swap3A_1667 {add = true, strides = array<i32>} : memref<896x16xf32, #tpu.memory_space<vmem>>, vector<1x16xf32>,
        %scan3A_1668 = arith.constant 7 : i32
        %scan3A_1669 = arith.addi %scan3A_1594, %scan3A_1668 : i32
        %get3A_1670 = arith.index_cast %scan3A_1669 : i32 to index
        %get3A_1671 = arith.constant 0 : index
        %get3A_1672 = tpu.vector_load %arg7[%get3A_1670, %get3A_1671] {strides = array<i32>} : memref<896x16xf32, #tpu.memory_space<vmem>>, vector<1x16xf32>,
        %get3A_1673 = vector.shape_cast %get3A_1672 : vector<1x16xf32> to vector<16xf32>
        %swap3A_1674 = arith.index_cast %scan3A_1669 : i32 to index
        %swap3A_1675 = arith.constant 0 : index
        %swap3A_1676 = tpu.vector_load %arg8[%swap3A_1674, %swap3A_1675] {strides = array<i32>} : memref<896x16xf32, #tpu.memory_space<vmem>>, vector<1x16xf32>,
        %swap3A_1677 = vector.shape_cast %swap3A_1676 : vector<1x16xf32> to vector<16xf32>
        %swap3A_1678 = vector.shape_cast %get3A_1673 : vector<16xf32> to vector<1x16xf32>
        tpu.vector_store %arg8[%swap3A_1674, %swap3A_1675], %swap3A_1678 {add = true, strides = array<i32>} : memref<896x16xf32, #tpu.memory_space<vmem>>, vector<1x16xf32>,
      }
      %scan3A_1177 = arith.constant 896 : i32
      %dma_start3A_1178 = arith.constant 0 : i32
      %dma_start3A_1179 = arith.constant 0 : i32
      %dma_start3A_1180 = tpu.memref_slice %arg7[%dma_start3A_1178, %dma_start3A_1179] : memref<896x16xf32, #tpu.memory_space<vmem>> -> memref<128x16xf32, #tpu.memory_space<vmem>>
      %dma_start3A_1181 = arith.constant 8064 : i32
      %dma_start3A_1182 = tpu.memref_slice %arg5[%dma_start3A_1181] : memref<10752xi32, #tpu.memory_space<vmem>> -> memref<128xi32, #tpu.memory_space<vmem>>
      %dma_start3A_1183 = arith.constant 0 : i32
      %dma_start3A_1184 = arith.constant 0 : i32
      %dma_start3A_1185 = tpu.memref_slice %arg2[%dma_start3A_1183, %dma_start3A_1184] : memref<3932160x16xf32, #tpu.memory_space<hbm>> -> memref<3932160x16xf32, #tpu.memory_space<hbm>>
      tpu.enqueue_indirect_dma source(%dma_start3A_1185 : memref<3932160x16xf32, #tpu.memory_space<hbm>>) target(%dma_start3A_1180 : memref<128x16xf32, #tpu.memory_space<vmem>>) offsets(%dma_start3A_1182 : memref<128xi32, #tpu.memory_space<vmem>>) semaphore(%arg10 : memref<!tpu.dma_semaphore, #tpu.memory_space<semaphore_mem>>)
      %dma_start3A_1186 = arith.constant 128 : i32
      %dma_start3A_1187 = arith.constant 0 : i32
      %dma_start3A_1188 = tpu.memref_slice %arg7[%dma_start3A_1186, %dma_start3A_1187] : memref<896x16xf32, #tpu.memory_space<vmem>> -> memref<128x16xf32, #tpu.memory_space<vmem>>
      %dma_start3A_1189 = arith.constant 8192 : i32
      %dma_start3A_1190 = tpu.memref_slice %arg5[%dma_start3A_1189] : memref<10752xi32, #tpu.memory_space<vmem>> -> memref<128xi32, #tpu.memory_space<vmem>>
      %dma_start3A_1191 = arith.constant 0 : i32
      %dma_start3A_1192 = arith.constant 0 : i32
      %dma_start3A_1193 = tpu.memref_slice %arg2[%dma_start3A_1191, %dma_start3A_1192] : memref<3932160x16xf32, #tpu.memory_space<hbm>> -> memref<3932160x16xf32, #tpu.memory_space<hbm>>
      tpu.enqueue_indirect_dma source(%dma_start3A_1193 : memref<3932160x16xf32, #tpu.memory_space<hbm>>) target(%dma_start3A_1188 : memref<128x16xf32, #tpu.memory_space<vmem>>) offsets(%dma_start3A_1190 : memref<128xi32, #tpu.memory_space<vmem>>) semaphore(%arg10 : memref<!tpu.dma_semaphore, #tpu.memory_space<semaphore_mem>>)
      %dma_start3A_1194 = arith.constant 256 : i32
      %dma_start3A_1195 = arith.constant 0 : i32
      %dma_start3A_1196 = tpu.memref_slice %arg7[%dma_start3A_1194, %dma_start3A_1195] : memref<896x16xf32, #tpu.memory_space<vmem>> -> memref<128x16xf32, #tpu.memory_space<vmem>>
      %dma_start3A_1197 = arith.constant 8320 : i32
      %dma_start3A_1198 = tpu.memref_slice %arg5[%dma_start3A_1197] : memref<10752xi32, #tpu.memory_space<vmem>> -> memref<128xi32, #tpu.memory_space<vmem>>
      %dma_start3A_1199 = arith.constant 0 : i32
      %dma_start3A_1200 = arith.constant 0 : i32
      %dma_start3A_1201 = tpu.memref_slice %arg2[%dma_start3A_1199, %dma_start3A_1200] : memref<3932160x16xf32, #tpu.memory_space<hbm>> -> memref<3932160x16xf32, #tpu.memory_space<hbm>>
      tpu.enqueue_indirect_dma source(%dma_start3A_1201 : memref<3932160x16xf32, #tpu.memory_space<hbm>>) target(%dma_start3A_1196 : memref<128x16xf32, #tpu.memory_space<vmem>>) offsets(%dma_start3A_1198 : memref<128xi32, #tpu.memory_space<vmem>>) semaphore(%arg10 : memref<!tpu.dma_semaphore, #tpu.memory_space<semaphore_mem>>)
      %dma_start3A_1202 = arith.constant 384 : i32
      %dma_start3A_1203 = arith.constant 0 : i32
      %dma_start3A_1204 = tpu.memref_slice %arg7[%dma_start3A_1202, %dma_start3A_1203] : memref<896x16xf32, #tpu.memory_space<vmem>> -> memref<128x16xf32, #tpu.memory_space<vmem>>
      %dma_start3A_1205 = arith.constant 8448 : i32
      %dma_start3A_1206 = tpu.memref_slice %arg5[%dma_start3A_1205] : memref<10752xi32, #tpu.memory_space<vmem>> -> memref<128xi32, #tpu.memory_space<vmem>>
      %dma_start3A_1207 = arith.constant 0 : i32
      %dma_start3A_1208 = arith.constant 0 : i32
      %dma_start3A_1209 = tpu.memref_slice %arg2[%dma_start3A_1207, %dma_start3A_1208] : memref<3932160x16xf32, #tpu.memory_space<hbm>> -> memref<3932160x16xf32, #tpu.memory_space<hbm>>
      tpu.enqueue_indirect_dma source(%dma_start3A_1209 : memref<3932160x16xf32, #tpu.memory_space<hbm>>) target(%dma_start3A_1204 : memref<128x16xf32, #tpu.memory_space<vmem>>) offsets(%dma_start3A_1206 : memref<128xi32, #tpu.memory_space<vmem>>) semaphore(%arg10 : memref<!tpu.dma_semaphore, #tpu.memory_space<semaphore_mem>>)
      %dma_start3A_1210 = arith.constant 512 : i32
      %dma_start3A_1211 = arith.constant 0 : i32
      %dma_start3A_1212 = tpu.memref_slice %arg7[%dma_start3A_1210, %dma_start3A_1211] : memref<896x16xf32, #tpu.memory_space<vmem>> -> memref<128x16xf32, #tpu.memory_space<vmem>>
      %dma_start3A_1213 = arith.constant 8576 : i32
      %dma_start3A_1214 = tpu.memref_slice %arg5[%dma_start3A_1213] : memref<10752xi32, #tpu.memory_space<vmem>> -> memref<128xi32, #tpu.memory_space<vmem>>
      %dma_start3A_1215 = arith.constant 0 : i32
      %dma_start3A_1216 = arith.constant 0 : i32
      %dma_start3A_1217 = tpu.memref_slice %arg2[%dma_start3A_1215, %dma_start3A_1216] : memref<3932160x16xf32, #tpu.memory_space<hbm>> -> memref<3932160x16xf32, #tpu.memory_space<hbm>>
      tpu.enqueue_indirect_dma source(%dma_start3A_1217 : memref<3932160x16xf32, #tpu.memory_space<hbm>>) target(%dma_start3A_1212 : memref<128x16xf32, #tpu.memory_space<vmem>>) offsets(%dma_start3A_1214 : memref<128xi32, #tpu.memory_space<vmem>>) semaphore(%arg10 : memref<!tpu.dma_semaphore, #tpu.memory_space<semaphore_mem>>)
      %dma_start3A_1218 = arith.constant 640 : i32
      %dma_start3A_1219 = arith.constant 0 : i32
      %dma_start3A_1220 = tpu.memref_slice %arg7[%dma_start3A_1218, %dma_start3A_1219] : memref<896x16xf32, #tpu.memory_space<vmem>> -> memref<128x16xf32, #tpu.memory_space<vmem>>
      %dma_start3A_1221 = arith.constant 8704 : i32
      %dma_start3A_1222 = tpu.memref_slice %arg5[%dma_start3A_1221] : memref<10752xi32, #tpu.memory_space<vmem>> -> memref<128xi32, #tpu.memory_space<vmem>>
      %dma_start3A_1223 = arith.constant 0 : i32
      %dma_start3A_1224 = arith.constant 0 : i32
      %dma_start3A_1225 = tpu.memref_slice %arg2[%dma_start3A_1223, %dma_start3A_1224] : memref<3932160x16xf32, #tpu.memory_space<hbm>> -> memref<3932160x16xf32, #tpu.memory_space<hbm>>
      tpu.enqueue_indirect_dma source(%dma_start3A_1225 : memref<3932160x16xf32, #tpu.memory_space<hbm>>) target(%dma_start3A_1220 : memref<128x16xf32, #tpu.memory_space<vmem>>) offsets(%dma_start3A_1222 : memref<128xi32, #tpu.memory_space<vmem>>) semaphore(%arg10 : memref<!tpu.dma_semaphore, #tpu.memory_space<semaphore_mem>>)
      %dma_start3A_1226 = arith.constant 768 : i32
      %dma_start3A_1227 = arith.constant 0 : i32
      %dma_start3A_1228 = tpu.memref_slice %arg7[%dma_start3A_1226, %dma_start3A_1227] : memref<896x16xf32, #tpu.memory_space<vmem>> -> memref<128x16xf32, #tpu.memory_space<vmem>>
      %dma_start3A_1229 = arith.constant 8832 : i32
      %dma_start3A_1230 = tpu.memref_slice %arg5[%dma_start3A_1229] : memref<10752xi32, #tpu.memory_space<vmem>> -> memref<128xi32, #tpu.memory_space<vmem>>
      %dma_start3A_1231 = arith.constant 0 : i32
      %dma_start3A_1232 = arith.constant 0 : i32
      %dma_start3A_1233 = tpu.memref_slice %arg2[%dma_start3A_1231, %dma_start3A_1232] : memref<3932160x16xf32, #tpu.memory_space<hbm>> -> memref<3932160x16xf32, #tpu.memory_space<hbm>>
      tpu.enqueue_indirect_dma source(%dma_start3A_1233 : memref<3932160x16xf32, #tpu.memory_space<hbm>>) target(%dma_start3A_1228 : memref<128x16xf32, #tpu.memory_space<vmem>>) offsets(%dma_start3A_1230 : memref<128xi32, #tpu.memory_space<vmem>>) semaphore(%arg10 : memref<!tpu.dma_semaphore, #tpu.memory_space<semaphore_mem>>)
      %dma_wait3A_1234 = arith.constant 0 : i32
      %dma_wait3A_1235 = arith.constant 0 : i32
      %dma_wait3A_1236 = tpu.memref_slice %arg6[%dma_wait3A_1234, %dma_wait3A_1235] : memref<896x16xf32, #tpu.memory_space<vmem>> -> memref<128x16xf32, #tpu.memory_space<vmem>>
      %dma_wait3A_1237 = arith.constant 7168 : i32
      %dma_wait3A_1238 = tpu.memref_slice %arg5[%dma_wait3A_1237] : memref<10752xi32, #tpu.memory_space<vmem>> -> memref<128xi32, #tpu.memory_space<vmem>>
      %dma_wait3A_1239 = arith.constant 0 : i32
      %dma_wait3A_1240 = arith.constant 0 : i32
      %dma_wait3A_1241 = tpu.memref_slice %arg2[%dma_wait3A_1239, %dma_wait3A_1240] : memref<3932160x16xf32, #tpu.memory_space<hbm>> -> memref<3932160x16xf32, #tpu.memory_space<hbm>>
      tpu.wait_indirect_dma semaphore(%arg9 : memref<!tpu.dma_semaphore, #tpu.memory_space<semaphore_mem>>) src(%dma_wait3A_1241 : memref<3932160x16xf32, #tpu.memory_space<hbm>>) dst(%dma_wait3A_1236 : memref<128x16xf32, #tpu.memory_space<vmem>>)
      %dma_wait3A_1242 = arith.constant 128 : i32
      %dma_wait3A_1243 = arith.constant 0 : i32
      %dma_wait3A_1244 = tpu.memref_slice %arg6[%dma_wait3A_1242, %dma_wait3A_1243] : memref<896x16xf32, #tpu.memory_space<vmem>> -> memref<128x16xf32, #tpu.memory_space<vmem>>
      %dma_wait3A_1245 = arith.constant 7296 : i32
      %dma_wait3A_1246 = tpu.memref_slice %arg5[%dma_wait3A_1245] : memref<10752xi32, #tpu.memory_space<vmem>> -> memref<128xi32, #tpu.memory_space<vmem>>
      %dma_wait3A_1247 = arith.constant 0 : i32
      %dma_wait3A_1248 = arith.constant 0 : i32
      %dma_wait3A_1249 = tpu.memref_slice %arg2[%dma_wait3A_1247, %dma_wait3A_1248] : memref<3932160x16xf32, #tpu.memory_space<hbm>> -> memref<3932160x16xf32, #tpu.memory_space<hbm>>
      tpu.wait_indirect_dma semaphore(%arg9 : memref<!tpu.dma_semaphore, #tpu.memory_space<semaphore_mem>>) src(%dma_wait3A_1249 : memref<3932160x16xf32, #tpu.memory_space<hbm>>) dst(%dma_wait3A_1244 : memref<128x16xf32, #tpu.memory_space<vmem>>)
      %dma_wait3A_1250 = arith.constant 256 : i32
      %dma_wait3A_1251 = arith.constant 0 : i32
      %dma_wait3A_1252 = tpu.memref_slice %arg6[%dma_wait3A_1250, %dma_wait3A_1251] : memref<896x16xf32, #tpu.memory_space<vmem>> -> memref<128x16xf32, #tpu.memory_space<vmem>>
      %dma_wait3A_1253 = arith.constant 7424 : i32
      %dma_wait3A_1254 = tpu.memref_slice %arg5[%dma_wait3A_1253] : memref<10752xi32, #tpu.memory_space<vmem>> -> memref<128xi32, #tpu.memory_space<vmem>>
      %dma_wait3A_1255 = arith.constant 0 : i32
      %dma_wait3A_1256 = arith.constant 0 : i32
      %dma_wait3A_1257 = tpu.memref_slice %arg2[%dma_wait3A_1255, %dma_wait3A_1256] : memref<3932160x16xf32, #tpu.memory_space<hbm>> -> memref<3932160x16xf32, #tpu.memory_space<hbm>>
      tpu.wait_indirect_dma semaphore(%arg9 : memref<!tpu.dma_semaphore, #tpu.memory_space<semaphore_mem>>) src(%dma_wait3A_1257 : memref<3932160x16xf32, #tpu.memory_space<hbm>>) dst(%dma_wait3A_1252 : memref<128x16xf32, #tpu.memory_space<vmem>>)
      %dma_wait3A_1258 = arith.constant 384 : i32
      %dma_wait3A_1259 = arith.constant 0 : i32
      %dma_wait3A_1260 = tpu.memref_slice %arg6[%dma_wait3A_1258, %dma_wait3A_1259] : memref<896x16xf32, #tpu.memory_space<vmem>> -> memref<128x16xf32, #tpu.memory_space<vmem>>
      %dma_wait3A_1261 = arith.constant 7552 : i32
      %dma_wait3A_1262 = tpu.memref_slice %arg5[%dma_wait3A_1261] : memref<10752xi32, #tpu.memory_space<vmem>> -> memref<128xi32, #tpu.memory_space<vmem>>
      %dma_wait3A_1263 = arith.constant 0 : i32
      %dma_wait3A_1264 = arith.constant 0 : i32
      %dma_wait3A_1265 = tpu.memref_slice %arg2[%dma_wait3A_1263, %dma_wait3A_1264] : memref<3932160x16xf32, #tpu.memory_space<hbm>> -> memref<3932160x16xf32, #tpu.memory_space<hbm>>
      tpu.wait_indirect_dma semaphore(%arg9 : memref<!tpu.dma_semaphore, #tpu.memory_space<semaphore_mem>>) src(%dma_wait3A_1265 : memref<3932160x16xf32, #tpu.memory_space<hbm>>) dst(%dma_wait3A_1260 : memref<128x16xf32, #tpu.memory_space<vmem>>)
      %dma_wait3A_1266 = arith.constant 512 : i32
      %dma_wait3A_1267 = arith.constant 0 : i32
      %dma_wait3A_1268 = tpu.memref_slice %arg6[%dma_wait3A_1266, %dma_wait3A_1267] : memref<896x16xf32, #tpu.memory_space<vmem>> -> memref<128x16xf32, #tpu.memory_space<vmem>>
      %dma_wait3A_1269 = arith.constant 7680 : i32
      %dma_wait3A_1270 = tpu.memref_slice %arg5[%dma_wait3A_1269] : memref<10752xi32, #tpu.memory_space<vmem>> -> memref<128xi32, #tpu.memory_space<vmem>>
      %dma_wait3A_1271 = arith.constant 0 : i32
      %dma_wait3A_1272 = arith.constant 0 : i32
      %dma_wait3A_1273 = tpu.memref_slice %arg2[%dma_wait3A_1271, %dma_wait3A_1272] : memref<3932160x16xf32, #tpu.memory_space<hbm>> -> memref<3932160x16xf32, #tpu.memory_space<hbm>>
      tpu.wait_indirect_dma semaphore(%arg9 : memref<!tpu.dma_semaphore, #tpu.memory_space<semaphore_mem>>) src(%dma_wait3A_1273 : memref<3932160x16xf32, #tpu.memory_space<hbm>>) dst(%dma_wait3A_1268 : memref<128x16xf32, #tpu.memory_space<vmem>>)
      %dma_wait3A_1274 = arith.constant 640 : i32
      %dma_wait3A_1275 = arith.constant 0 : i32
      %dma_wait3A_1276 = tpu.memref_slice %arg6[%dma_wait3A_1274, %dma_wait3A_1275] : memref<896x16xf32, #tpu.memory_space<vmem>> -> memref<128x16xf32, #tpu.memory_space<vmem>>
      %dma_wait3A_1277 = arith.constant 7808 : i32
      %dma_wait3A_1278 = tpu.memref_slice %arg5[%dma_wait3A_1277] : memref<10752xi32, #tpu.memory_space<vmem>> -> memref<128xi32, #tpu.memory_space<vmem>>
      %dma_wait3A_1279 = arith.constant 0 : i32
      %dma_wait3A_1280 = arith.constant 0 : i32
      %dma_wait3A_1281 = tpu.memref_slice %arg2[%dma_wait3A_1279, %dma_wait3A_1280] : memref<3932160x16xf32, #tpu.memory_space<hbm>> -> memref<3932160x16xf32, #tpu.memory_space<hbm>>
      tpu.wait_indirect_dma semaphore(%arg9 : memref<!tpu.dma_semaphore, #tpu.memory_space<semaphore_mem>>) src(%dma_wait3A_1281 : memref<3932160x16xf32, #tpu.memory_space<hbm>>) dst(%dma_wait3A_1276 : memref<128x16xf32, #tpu.memory_space<vmem>>)
      %dma_wait3A_1282 = arith.constant 768 : i32
      %dma_wait3A_1283 = arith.constant 0 : i32
      %dma_wait3A_1284 = tpu.memref_slice %arg6[%dma_wait3A_1282, %dma_wait3A_1283] : memref<896x16xf32, #tpu.memory_space<vmem>> -> memref<128x16xf32, #tpu.memory_space<vmem>>
      %dma_wait3A_1285 = arith.constant 7936 : i32
      %dma_wait3A_1286 = tpu.memref_slice %arg5[%dma_wait3A_1285] : memref<10752xi32, #tpu.memory_space<vmem>> -> memref<128xi32, #tpu.memory_space<vmem>>
      %dma_wait3A_1287 = arith.constant 0 : i32
      %dma_wait3A_1288 = arith.constant 0 : i32
      %dma_wait3A_1289 = tpu.memref_slice %arg2[%dma_wait3A_1287, %dma_wait3A_1288] : memref<3932160x16xf32, #tpu.memory_space<hbm>> -> memref<3932160x16xf32, #tpu.memory_space<hbm>>
      tpu.wait_indirect_dma semaphore(%arg9 : memref<!tpu.dma_semaphore, #tpu.memory_space<semaphore_mem>>) src(%dma_wait3A_1289 : memref<3932160x16xf32, #tpu.memory_space<hbm>>) dst(%dma_wait3A_1284 : memref<128x16xf32, #tpu.memory_space<vmem>>)
      %scan3A_1290 = arith.constant 0 : i32
      %scan3A_1291 = arith.constant 0 : i32
      %scan3A_1292 = arith.constant 896 : i32
      %scan3A_1293 = arith.addi %scan3A_1291, %scan3A_1292 : i32
      %scan3A_1294 = arith.constant 8 : i32
      scf.for %scan3A_1594 = %scan3A_1291 to %scan3A_1293 step %scan3A_1294  : i32 {
        %get3A = arith.index_cast %scan3A_1594 : i32 to index
        %get3A_1595 = arith.constant 0 : index
        %get3A_1596 = tpu.vector_load %arg6[%get3A, %get3A_1595] {strides = array<i32>} : memref<896x16xf32, #tpu.memory_space<vmem>>, vector<1x16xf32>,
        %get3A_1597 = vector.shape_cast %get3A_1596 : vector<1x16xf32> to vector<16xf32>
        %swap3A = arith.index_cast %scan3A_1594 : i32 to index
        %swap3A_1598 = arith.constant 0 : index
        %swap3A_1599 = tpu.vector_load %arg8[%swap3A, %swap3A_1598] {strides = array<i32>} : memref<896x16xf32, #tpu.memory_space<vmem>>, vector<1x16xf32>,
        %swap3A_1600 = vector.shape_cast %swap3A_1599 : vector<1x16xf32> to vector<16xf32>
        %swap3A_1601 = vector.shape_cast %get3A_1597 : vector<16xf32> to vector<1x16xf32>
        tpu.vector_store %arg8[%swap3A, %swap3A_1598], %swap3A_1601 {add = true, strides = array<i32>} : memref<896x16xf32, #tpu.memory_space<vmem>>, vector<1x16xf32>,
        %scan3A_1602 = arith.constant 1 : i32
        %scan3A_1603 = arith.addi %scan3A_1594, %scan3A_1602 : i32
        %get3A_1604 = arith.index_cast %scan3A_1603 : i32 to index
        %get3A_1605 = arith.constant 0 : index
        %get3A_1606 = tpu.vector_load %arg6[%get3A_1604, %get3A_1605] {strides = array<i32>} : memref<896x16xf32, #tpu.memory_space<vmem>>, vector<1x16xf32>,
        %get3A_1607 = vector.shape_cast %get3A_1606 : vector<1x16xf32> to vector<16xf32>
        %swap3A_1608 = arith.index_cast %scan3A_1603 : i32 to index
        %swap3A_1609 = arith.constant 0 : index
        %swap3A_1610 = tpu.vector_load %arg8[%swap3A_1608, %swap3A_1609] {strides = array<i32>} : memref<896x16xf32, #tpu.memory_space<vmem>>, vector<1x16xf32>,
        %swap3A_1611 = vector.shape_cast %swap3A_1610 : vector<1x16xf32> to vector<16xf32>
        %swap3A_1612 = vector.shape_cast %get3A_1607 : vector<16xf32> to vector<1x16xf32>
        tpu.vector_store %arg8[%swap3A_1608, %swap3A_1609], %swap3A_1612 {add = true, strides = array<i32>} : memref<896x16xf32, #tpu.memory_space<vmem>>, vector<1x16xf32>,
        %scan3A_1613 = arith.constant 2 : i32
        %scan3A_1614 = arith.addi %scan3A_1594, %scan3A_1613 : i32
        %get3A_1615 = arith.index_cast %scan3A_1614 : i32 to index
        %get3A_1616 = arith.constant 0 : index
        %get3A_1617 = tpu.vector_load %arg6[%get3A_1615, %get3A_1616] {strides = array<i32>} : memref<896x16xf32, #tpu.memory_space<vmem>>, vector<1x16xf32>,
        %get3A_1618 = vector.shape_cast %get3A_1617 : vector<1x16xf32> to vector<16xf32>
        %swap3A_1619 = arith.index_cast %scan3A_1614 : i32 to index
        %swap3A_1620 = arith.constant 0 : index
        %swap3A_1621 = tpu.vector_load %arg8[%swap3A_1619, %swap3A_1620] {strides = array<i32>} : memref<896x16xf32, #tpu.memory_space<vmem>>, vector<1x16xf32>,
        %swap3A_1622 = vector.shape_cast %swap3A_1621 : vector<1x16xf32> to vector<16xf32>
        %swap3A_1623 = vector.shape_cast %get3A_1618 : vector<16xf32> to vector<1x16xf32>
        tpu.vector_store %arg8[%swap3A_1619, %swap3A_1620], %swap3A_1623 {add = true, strides = array<i32>} : memref<896x16xf32, #tpu.memory_space<vmem>>, vector<1x16xf32>,
        %scan3A_1624 = arith.constant 3 : i32
        %scan3A_1625 = arith.addi %scan3A_1594, %scan3A_1624 : i32
        %get3A_1626 = arith.index_cast %scan3A_1625 : i32 to index
        %get3A_1627 = arith.constant 0 : index
        %get3A_1628 = tpu.vector_load %arg6[%get3A_1626, %get3A_1627] {strides = array<i32>} : memref<896x16xf32, #tpu.memory_space<vmem>>, vector<1x16xf32>,
        %get3A_1629 = vector.shape_cast %get3A_1628 : vector<1x16xf32> to vector<16xf32>
        %swap3A_1630 = arith.index_cast %scan3A_1625 : i32 to index
        %swap3A_1631 = arith.constant 0 : index
        %swap3A_1632 = tpu.vector_load %arg8[%swap3A_1630, %swap3A_1631] {strides = array<i32>} : memref<896x16xf32, #tpu.memory_space<vmem>>, vector<1x16xf32>,
        %swap3A_1633 = vector.shape_cast %swap3A_1632 : vector<1x16xf32> to vector<16xf32>
        %swap3A_1634 = vector.shape_cast %get3A_1629 : vector<16xf32> to vector<1x16xf32>
        tpu.vector_store %arg8[%swap3A_1630, %swap3A_1631], %swap3A_1634 {add = true, strides = array<i32>} : memref<896x16xf32, #tpu.memory_space<vmem>>, vector<1x16xf32>,
        %scan3A_1635 = arith.constant 4 : i32
        %scan3A_1636 = arith.addi %scan3A_1594, %scan3A_1635 : i32
        %get3A_1637 = arith.index_cast %scan3A_1636 : i32 to index
        %get3A_1638 = arith.constant 0 : index
        %get3A_1639 = tpu.vector_load %arg6[%get3A_1637, %get3A_1638] {strides = array<i32>} : memref<896x16xf32, #tpu.memory_space<vmem>>, vector<1x16xf32>,
        %get3A_1640 = vector.shape_cast %get3A_1639 : vector<1x16xf32> to vector<16xf32>
        %swap3A_1641 = arith.index_cast %scan3A_1636 : i32 to index
        %swap3A_1642 = arith.constant 0 : index
        %swap3A_1643 = tpu.vector_load %arg8[%swap3A_1641, %swap3A_1642] {strides = array<i32>} : memref<896x16xf32, #tpu.memory_space<vmem>>, vector<1x16xf32>,
        %swap3A_1644 = vector.shape_cast %swap3A_1643 : vector<1x16xf32> to vector<16xf32>
        %swap3A_1645 = vector.shape_cast %get3A_1640 : vector<16xf32> to vector<1x16xf32>
        tpu.vector_store %arg8[%swap3A_1641, %swap3A_1642], %swap3A_1645 {add = true, strides = array<i32>} : memref<896x16xf32, #tpu.memory_space<vmem>>, vector<1x16xf32>,
        %scan3A_1646 = arith.constant 5 : i32
        %scan3A_1647 = arith.addi %scan3A_1594, %scan3A_1646 : i32
        %get3A_1648 = arith.index_cast %scan3A_1647 : i32 to index
        %get3A_1649 = arith.constant 0 : index
        %get3A_1650 = tpu.vector_load %arg6[%get3A_1648, %get3A_1649] {strides = array<i32>} : memref<896x16xf32, #tpu.memory_space<vmem>>, vector<1x16xf32>,
        %get3A_1651 = vector.shape_cast %get3A_1650 : vector<1x16xf32> to vector<16xf32>
        %swap3A_1652 = arith.index_cast %scan3A_1647 : i32 to index
        %swap3A_1653 = arith.constant 0 : index
        %swap3A_1654 = tpu.vector_load %arg8[%swap3A_1652, %swap3A_1653] {strides = array<i32>} : memref<896x16xf32, #tpu.memory_space<vmem>>, vector<1x16xf32>,
        %swap3A_1655 = vector.shape_cast %swap3A_1654 : vector<1x16xf32> to vector<16xf32>
        %swap3A_1656 = vector.shape_cast %get3A_1651 : vector<16xf32> to vector<1x16xf32>
        tpu.vector_store %arg8[%swap3A_1652, %swap3A_1653], %swap3A_1656 {add = true, strides = array<i32>} : memref<896x16xf32, #tpu.memory_space<vmem>>, vector<1x16xf32>,
        %scan3A_1657 = arith.constant 6 : i32
        %scan3A_1658 = arith.addi %scan3A_1594, %scan3A_1657 : i32
        %get3A_1659 = arith.index_cast %scan3A_1658 : i32 to index
        %get3A_1660 = arith.constant 0 : index
        %get3A_1661 = tpu.vector_load %arg6[%get3A_1659, %get3A_1660] {strides = array<i32>} : memref<896x16xf32, #tpu.memory_space<vmem>>, vector<1x16xf32>,
        %get3A_1662 = vector.shape_cast %get3A_1661 : vector<1x16xf32> to vector<16xf32>
        %swap3A_1663 = arith.index_cast %scan3A_1658 : i32 to index
        %swap3A_1664 = arith.constant 0 : index
        %swap3A_1665 = tpu.vector_load %arg8[%swap3A_1663, %swap3A_1664] {strides = array<i32>} : memref<896x16xf32, #tpu.memory_space<vmem>>, vector<1x16xf32>,
        %swap3A_1666 = vector.shape_cast %swap3A_1665 : vector<1x16xf32> to vector<16xf32>
        %swap3A_1667 = vector.shape_cast %get3A_1662 : vector<16xf32> to vector<1x16xf32>
        tpu.vector_store %arg8[%swap3A_1663, %swap3A_1664], %swap3A_1667 {add = true, strides = array<i32>} : memref<896x16xf32, #tpu.memory_space<vmem>>, vector<1x16xf32>,
        %scan3A_1668 = arith.constant 7 : i32
        %scan3A_1669 = arith.addi %scan3A_1594, %scan3A_1668 : i32
        %get3A_1670 = arith.index_cast %scan3A_1669 : i32 to index
        %get3A_1671 = arith.constant 0 : index
        %get3A_1672 = tpu.vector_load %arg6[%get3A_1670, %get3A_1671] {strides = array<i32>} : memref<896x16xf32, #tpu.memory_space<vmem>>, vector<1x16xf32>,
        %get3A_1673 = vector.shape_cast %get3A_1672 : vector<1x16xf32> to vector<16xf32>
        %swap3A_1674 = arith.index_cast %scan3A_1669 : i32 to index
        %swap3A_1675 = arith.constant 0 : index
        %swap3A_1676 = tpu.vector_load %arg8[%swap3A_1674, %swap3A_1675] {strides = array<i32>} : memref<896x16xf32, #tpu.memory_space<vmem>>, vector<1x16xf32>,
        %swap3A_1677 = vector.shape_cast %swap3A_1676 : vector<1x16xf32> to vector<16xf32>
        %swap3A_1678 = vector.shape_cast %get3A_1673 : vector<16xf32> to vector<1x16xf32>
        tpu.vector_store %arg8[%swap3A_1674, %swap3A_1675], %swap3A_1678 {add = true, strides = array<i32>} : memref<896x16xf32, #tpu.memory_space<vmem>>, vector<1x16xf32>,
      }
      %scan3A_1295 = arith.constant 896 : i32
      %dma_start3A_1296 = arith.constant 0 : i32
      %dma_start3A_1297 = arith.constant 0 : i32
      %dma_start3A_1298 = tpu.memref_slice %arg6[%dma_start3A_1296, %dma_start3A_1297] : memref<896x16xf32, #tpu.memory_space<vmem>> -> memref<128x16xf32, #tpu.memory_space<vmem>>
      %dma_start3A_1299 = arith.constant 8960 : i32
      %dma_start3A_1300 = tpu.memref_slice %arg5[%dma_start3A_1299] : memref<10752xi32, #tpu.memory_space<vmem>> -> memref<128xi32, #tpu.memory_space<vmem>>
      %dma_start3A_1301 = arith.constant 0 : i32
      %dma_start3A_1302 = arith.constant 0 : i32
      %dma_start3A_1303 = tpu.memref_slice %arg2[%dma_start3A_1301, %dma_start3A_1302] : memref<3932160x16xf32, #tpu.memory_space<hbm>> -> memref<3932160x16xf32, #tpu.memory_space<hbm>>
      tpu.enqueue_indirect_dma source(%dma_start3A_1303 : memref<3932160x16xf32, #tpu.memory_space<hbm>>) target(%dma_start3A_1298 : memref<128x16xf32, #tpu.memory_space<vmem>>) offsets(%dma_start3A_1300 : memref<128xi32, #tpu.memory_space<vmem>>) semaphore(%arg9 : memref<!tpu.dma_semaphore, #tpu.memory_space<semaphore_mem>>)
      %dma_start3A_1304 = arith.constant 128 : i32
      %dma_start3A_1305 = arith.constant 0 : i32
      %dma_start3A_1306 = tpu.memref_slice %arg6[%dma_start3A_1304, %dma_start3A_1305] : memref<896x16xf32, #tpu.memory_space<vmem>> -> memref<128x16xf32, #tpu.memory_space<vmem>>
      %dma_start3A_1307 = arith.constant 9088 : i32
      %dma_start3A_1308 = tpu.memref_slice %arg5[%dma_start3A_1307] : memref<10752xi32, #tpu.memory_space<vmem>> -> memref<128xi32, #tpu.memory_space<vmem>>
      %dma_start3A_1309 = arith.constant 0 : i32
      %dma_start3A_1310 = arith.constant 0 : i32
      %dma_start3A_1311 = tpu.memref_slice %arg2[%dma_start3A_1309, %dma_start3A_1310] : memref<3932160x16xf32, #tpu.memory_space<hbm>> -> memref<3932160x16xf32, #tpu.memory_space<hbm>>
      tpu.enqueue_indirect_dma source(%dma_start3A_1311 : memref<3932160x16xf32, #tpu.memory_space<hbm>>) target(%dma_start3A_1306 : memref<128x16xf32, #tpu.memory_space<vmem>>) offsets(%dma_start3A_1308 : memref<128xi32, #tpu.memory_space<vmem>>) semaphore(%arg9 : memref<!tpu.dma_semaphore, #tpu.memory_space<semaphore_mem>>)
      %dma_start3A_1312 = arith.constant 256 : i32
      %dma_start3A_1313 = arith.constant 0 : i32
      %dma_start3A_1314 = tpu.memref_slice %arg6[%dma_start3A_1312, %dma_start3A_1313] : memref<896x16xf32, #tpu.memory_space<vmem>> -> memref<128x16xf32, #tpu.memory_space<vmem>>
      %dma_start3A_1315 = arith.constant 9216 : i32
      %dma_start3A_1316 = tpu.memref_slice %arg5[%dma_start3A_1315] : memref<10752xi32, #tpu.memory_space<vmem>> -> memref<128xi32, #tpu.memory_space<vmem>>
      %dma_start3A_1317 = arith.constant 0 : i32
      %dma_start3A_1318 = arith.constant 0 : i32
      %dma_start3A_1319 = tpu.memref_slice %arg2[%dma_start3A_1317, %dma_start3A_1318] : memref<3932160x16xf32, #tpu.memory_space<hbm>> -> memref<3932160x16xf32, #tpu.memory_space<hbm>>
      tpu.enqueue_indirect_dma source(%dma_start3A_1319 : memref<3932160x16xf32, #tpu.memory_space<hbm>>) target(%dma_start3A_1314 : memref<128x16xf32, #tpu.memory_space<vmem>>) offsets(%dma_start3A_1316 : memref<128xi32, #tpu.memory_space<vmem>>) semaphore(%arg9 : memref<!tpu.dma_semaphore, #tpu.memory_space<semaphore_mem>>)
      %dma_start3A_1320 = arith.constant 384 : i32
      %dma_start3A_1321 = arith.constant 0 : i32
      %dma_start3A_1322 = tpu.memref_slice %arg6[%dma_start3A_1320, %dma_start3A_1321] : memref<896x16xf32, #tpu.memory_space<vmem>> -> memref<128x16xf32, #tpu.memory_space<vmem>>
      %dma_start3A_1323 = arith.constant 9344 : i32
      %dma_start3A_1324 = tpu.memref_slice %arg5[%dma_start3A_1323] : memref<10752xi32, #tpu.memory_space<vmem>> -> memref<128xi32, #tpu.memory_space<vmem>>
      %dma_start3A_1325 = arith.constant 0 : i32
      %dma_start3A_1326 = arith.constant 0 : i32
      %dma_start3A_1327 = tpu.memref_slice %arg2[%dma_start3A_1325, %dma_start3A_1326] : memref<3932160x16xf32, #tpu.memory_space<hbm>> -> memref<3932160x16xf32, #tpu.memory_space<hbm>>
      tpu.enqueue_indirect_dma source(%dma_start3A_1327 : memref<3932160x16xf32, #tpu.memory_space<hbm>>) target(%dma_start3A_1322 : memref<128x16xf32, #tpu.memory_space<vmem>>) offsets(%dma_start3A_1324 : memref<128xi32, #tpu.memory_space<vmem>>) semaphore(%arg9 : memref<!tpu.dma_semaphore, #tpu.memory_space<semaphore_mem>>)
      %dma_start3A_1328 = arith.constant 512 : i32
      %dma_start3A_1329 = arith.constant 0 : i32
      %dma_start3A_1330 = tpu.memref_slice %arg6[%dma_start3A_1328, %dma_start3A_1329] : memref<896x16xf32, #tpu.memory_space<vmem>> -> memref<128x16xf32, #tpu.memory_space<vmem>>
      %dma_start3A_1331 = arith.constant 9472 : i32
      %dma_start3A_1332 = tpu.memref_slice %arg5[%dma_start3A_1331] : memref<10752xi32, #tpu.memory_space<vmem>> -> memref<128xi32, #tpu.memory_space<vmem>>
      %dma_start3A_1333 = arith.constant 0 : i32
      %dma_start3A_1334 = arith.constant 0 : i32
      %dma_start3A_1335 = tpu.memref_slice %arg2[%dma_start3A_1333, %dma_start3A_1334] : memref<3932160x16xf32, #tpu.memory_space<hbm>> -> memref<3932160x16xf32, #tpu.memory_space<hbm>>
      tpu.enqueue_indirect_dma source(%dma_start3A_1335 : memref<3932160x16xf32, #tpu.memory_space<hbm>>) target(%dma_start3A_1330 : memref<128x16xf32, #tpu.memory_space<vmem>>) offsets(%dma_start3A_1332 : memref<128xi32, #tpu.memory_space<vmem>>) semaphore(%arg9 : memref<!tpu.dma_semaphore, #tpu.memory_space<semaphore_mem>>)
      %dma_start3A_1336 = arith.constant 640 : i32
      %dma_start3A_1337 = arith.constant 0 : i32
      %dma_start3A_1338 = tpu.memref_slice %arg6[%dma_start3A_1336, %dma_start3A_1337] : memref<896x16xf32, #tpu.memory_space<vmem>> -> memref<128x16xf32, #tpu.memory_space<vmem>>
      %dma_start3A_1339 = arith.constant 9600 : i32
      %dma_start3A_1340 = tpu.memref_slice %arg5[%dma_start3A_1339] : memref<10752xi32, #tpu.memory_space<vmem>> -> memref<128xi32, #tpu.memory_space<vmem>>
      %dma_start3A_1341 = arith.constant 0 : i32
      %dma_start3A_1342 = arith.constant 0 : i32
      %dma_start3A_1343 = tpu.memref_slice %arg2[%dma_start3A_1341, %dma_start3A_1342] : memref<3932160x16xf32, #tpu.memory_space<hbm>> -> memref<3932160x16xf32, #tpu.memory_space<hbm>>
      tpu.enqueue_indirect_dma source(%dma_start3A_1343 : memref<3932160x16xf32, #tpu.memory_space<hbm>>) target(%dma_start3A_1338 : memref<128x16xf32, #tpu.memory_space<vmem>>) offsets(%dma_start3A_1340 : memref<128xi32, #tpu.memory_space<vmem>>) semaphore(%arg9 : memref<!tpu.dma_semaphore, #tpu.memory_space<semaphore_mem>>)
      %dma_start3A_1344 = arith.constant 768 : i32
      %dma_start3A_1345 = arith.constant 0 : i32
      %dma_start3A_1346 = tpu.memref_slice %arg6[%dma_start3A_1344, %dma_start3A_1345] : memref<896x16xf32, #tpu.memory_space<vmem>> -> memref<128x16xf32, #tpu.memory_space<vmem>>
      %dma_start3A_1347 = arith.constant 9728 : i32
      %dma_start3A_1348 = tpu.memref_slice %arg5[%dma_start3A_1347] : memref<10752xi32, #tpu.memory_space<vmem>> -> memref<128xi32, #tpu.memory_space<vmem>>
      %dma_start3A_1349 = arith.constant 0 : i32
      %dma_start3A_1350 = arith.constant 0 : i32
      %dma_start3A_1351 = tpu.memref_slice %arg2[%dma_start3A_1349, %dma_start3A_1350] : memref<3932160x16xf32, #tpu.memory_space<hbm>> -> memref<3932160x16xf32, #tpu.memory_space<hbm>>
      tpu.enqueue_indirect_dma source(%dma_start3A_1351 : memref<3932160x16xf32, #tpu.memory_space<hbm>>) target(%dma_start3A_1346 : memref<128x16xf32, #tpu.memory_space<vmem>>) offsets(%dma_start3A_1348 : memref<128xi32, #tpu.memory_space<vmem>>) semaphore(%arg9 : memref<!tpu.dma_semaphore, #tpu.memory_space<semaphore_mem>>)
      %dma_wait3A_1352 = arith.constant 0 : i32
      %dma_wait3A_1353 = arith.constant 0 : i32
      %dma_wait3A_1354 = tpu.memref_slice %arg7[%dma_wait3A_1352, %dma_wait3A_1353] : memref<896x16xf32, #tpu.memory_space<vmem>> -> memref<128x16xf32, #tpu.memory_space<vmem>>
      %dma_wait3A_1355 = arith.constant 8064 : i32
      %dma_wait3A_1356 = tpu.memref_slice %arg5[%dma_wait3A_1355] : memref<10752xi32, #tpu.memory_space<vmem>> -> memref<128xi32, #tpu.memory_space<vmem>>
      %dma_wait3A_1357 = arith.constant 0 : i32
      %dma_wait3A_1358 = arith.constant 0 : i32
      %dma_wait3A_1359 = tpu.memref_slice %arg2[%dma_wait3A_1357, %dma_wait3A_1358] : memref<3932160x16xf32, #tpu.memory_space<hbm>> -> memref<3932160x16xf32, #tpu.memory_space<hbm>>
      tpu.wait_indirect_dma semaphore(%arg10 : memref<!tpu.dma_semaphore, #tpu.memory_space<semaphore_mem>>) src(%dma_wait3A_1359 : memref<3932160x16xf32, #tpu.memory_space<hbm>>) dst(%dma_wait3A_1354 : memref<128x16xf32, #tpu.memory_space<vmem>>)
      %dma_wait3A_1360 = arith.constant 128 : i32
      %dma_wait3A_1361 = arith.constant 0 : i32
      %dma_wait3A_1362 = tpu.memref_slice %arg7[%dma_wait3A_1360, %dma_wait3A_1361] : memref<896x16xf32, #tpu.memory_space<vmem>> -> memref<128x16xf32, #tpu.memory_space<vmem>>
      %dma_wait3A_1363 = arith.constant 8192 : i32
      %dma_wait3A_1364 = tpu.memref_slice %arg5[%dma_wait3A_1363] : memref<10752xi32, #tpu.memory_space<vmem>> -> memref<128xi32, #tpu.memory_space<vmem>>
      %dma_wait3A_1365 = arith.constant 0 : i32
      %dma_wait3A_1366 = arith.constant 0 : i32
      %dma_wait3A_1367 = tpu.memref_slice %arg2[%dma_wait3A_1365, %dma_wait3A_1366] : memref<3932160x16xf32, #tpu.memory_space<hbm>> -> memref<3932160x16xf32, #tpu.memory_space<hbm>>
      tpu.wait_indirect_dma semaphore(%arg10 : memref<!tpu.dma_semaphore, #tpu.memory_space<semaphore_mem>>) src(%dma_wait3A_1367 : memref<3932160x16xf32, #tpu.memory_space<hbm>>) dst(%dma_wait3A_1362 : memref<128x16xf32, #tpu.memory_space<vmem>>)
      %dma_wait3A_1368 = arith.constant 256 : i32
      %dma_wait3A_1369 = arith.constant 0 : i32
      %dma_wait3A_1370 = tpu.memref_slice %arg7[%dma_wait3A_1368, %dma_wait3A_1369] : memref<896x16xf32, #tpu.memory_space<vmem>> -> memref<128x16xf32, #tpu.memory_space<vmem>>
      %dma_wait3A_1371 = arith.constant 8320 : i32
      %dma_wait3A_1372 = tpu.memref_slice %arg5[%dma_wait3A_1371] : memref<10752xi32, #tpu.memory_space<vmem>> -> memref<128xi32, #tpu.memory_space<vmem>>
      %dma_wait3A_1373 = arith.constant 0 : i32
      %dma_wait3A_1374 = arith.constant 0 : i32
      %dma_wait3A_1375 = tpu.memref_slice %arg2[%dma_wait3A_1373, %dma_wait3A_1374] : memref<3932160x16xf32, #tpu.memory_space<hbm>> -> memref<3932160x16xf32, #tpu.memory_space<hbm>>
      tpu.wait_indirect_dma semaphore(%arg10 : memref<!tpu.dma_semaphore, #tpu.memory_space<semaphore_mem>>) src(%dma_wait3A_1375 : memref<3932160x16xf32, #tpu.memory_space<hbm>>) dst(%dma_wait3A_1370 : memref<128x16xf32, #tpu.memory_space<vmem>>)
      %dma_wait3A_1376 = arith.constant 384 : i32
      %dma_wait3A_1377 = arith.constant 0 : i32
      %dma_wait3A_1378 = tpu.memref_slice %arg7[%dma_wait3A_1376, %dma_wait3A_1377] : memref<896x16xf32, #tpu.memory_space<vmem>> -> memref<128x16xf32, #tpu.memory_space<vmem>>
      %dma_wait3A_1379 = arith.constant 8448 : i32
      %dma_wait3A_1380 = tpu.memref_slice %arg5[%dma_wait3A_1379] : memref<10752xi32, #tpu.memory_space<vmem>> -> memref<128xi32, #tpu.memory_space<vmem>>
      %dma_wait3A_1381 = arith.constant 0 : i32
      %dma_wait3A_1382 = arith.constant 0 : i32
      %dma_wait3A_1383 = tpu.memref_slice %arg2[%dma_wait3A_1381, %dma_wait3A_1382] : memref<3932160x16xf32, #tpu.memory_space<hbm>> -> memref<3932160x16xf32, #tpu.memory_space<hbm>>
      tpu.wait_indirect_dma semaphore(%arg10 : memref<!tpu.dma_semaphore, #tpu.memory_space<semaphore_mem>>) src(%dma_wait3A_1383 : memref<3932160x16xf32, #tpu.memory_space<hbm>>) dst(%dma_wait3A_1378 : memref<128x16xf32, #tpu.memory_space<vmem>>)
      %dma_wait3A_1384 = arith.constant 512 : i32
      %dma_wait3A_1385 = arith.constant 0 : i32
      %dma_wait3A_1386 = tpu.memref_slice %arg7[%dma_wait3A_1384, %dma_wait3A_1385] : memref<896x16xf32, #tpu.memory_space<vmem>> -> memref<128x16xf32, #tpu.memory_space<vmem>>
      %dma_wait3A_1387 = arith.constant 8576 : i32
      %dma_wait3A_1388 = tpu.memref_slice %arg5[%dma_wait3A_1387] : memref<10752xi32, #tpu.memory_space<vmem>> -> memref<128xi32, #tpu.memory_space<vmem>>
      %dma_wait3A_1389 = arith.constant 0 : i32
      %dma_wait3A_1390 = arith.constant 0 : i32
      %dma_wait3A_1391 = tpu.memref_slice %arg2[%dma_wait3A_1389, %dma_wait3A_1390] : memref<3932160x16xf32, #tpu.memory_space<hbm>> -> memref<3932160x16xf32, #tpu.memory_space<hbm>>
      tpu.wait_indirect_dma semaphore(%arg10 : memref<!tpu.dma_semaphore, #tpu.memory_space<semaphore_mem>>) src(%dma_wait3A_1391 : memref<3932160x16xf32, #tpu.memory_space<hbm>>) dst(%dma_wait3A_1386 : memref<128x16xf32, #tpu.memory_space<vmem>>)
      %dma_wait3A_1392 = arith.constant 640 : i32
      %dma_wait3A_1393 = arith.constant 0 : i32
      %dma_wait3A_1394 = tpu.memref_slice %arg7[%dma_wait3A_1392, %dma_wait3A_1393] : memref<896x16xf32, #tpu.memory_space<vmem>> -> memref<128x16xf32, #tpu.memory_space<vmem>>
      %dma_wait3A_1395 = arith.constant 8704 : i32
      %dma_wait3A_1396 = tpu.memref_slice %arg5[%dma_wait3A_1395] : memref<10752xi32, #tpu.memory_space<vmem>> -> memref<128xi32, #tpu.memory_space<vmem>>
      %dma_wait3A_1397 = arith.constant 0 : i32
      %dma_wait3A_1398 = arith.constant 0 : i32
      %dma_wait3A_1399 = tpu.memref_slice %arg2[%dma_wait3A_1397, %dma_wait3A_1398] : memref<3932160x16xf32, #tpu.memory_space<hbm>> -> memref<3932160x16xf32, #tpu.memory_space<hbm>>
      tpu.wait_indirect_dma semaphore(%arg10 : memref<!tpu.dma_semaphore, #tpu.memory_space<semaphore_mem>>) src(%dma_wait3A_1399 : memref<3932160x16xf32, #tpu.memory_space<hbm>>) dst(%dma_wait3A_1394 : memref<128x16xf32, #tpu.memory_space<vmem>>)
      %dma_wait3A_1400 = arith.constant 768 : i32
      %dma_wait3A_1401 = arith.constant 0 : i32
      %dma_wait3A_1402 = tpu.memref_slice %arg7[%dma_wait3A_1400, %dma_wait3A_1401] : memref<896x16xf32, #tpu.memory_space<vmem>> -> memref<128x16xf32, #tpu.memory_space<vmem>>
      %dma_wait3A_1403 = arith.constant 8832 : i32
      %dma_wait3A_1404 = tpu.memref_slice %arg5[%dma_wait3A_1403] : memref<10752xi32, #tpu.memory_space<vmem>> -> memref<128xi32, #tpu.memory_space<vmem>>
      %dma_wait3A_1405 = arith.constant 0 : i32
      %dma_wait3A_1406 = arith.constant 0 : i32
      %dma_wait3A_1407 = tpu.memref_slice %arg2[%dma_wait3A_1405, %dma_wait3A_1406] : memref<3932160x16xf32, #tpu.memory_space<hbm>> -> memref<3932160x16xf32, #tpu.memory_space<hbm>>
      tpu.wait_indirect_dma semaphore(%arg10 : memref<!tpu.dma_semaphore, #tpu.memory_space<semaphore_mem>>) src(%dma_wait3A_1407 : memref<3932160x16xf32, #tpu.memory_space<hbm>>) dst(%dma_wait3A_1402 : memref<128x16xf32, #tpu.memory_space<vmem>>)
      %scan3A_1408 = arith.constant 0 : i32
      %scan3A_1409 = arith.constant 0 : i32
      %scan3A_1410 = arith.constant 896 : i32
      %scan3A_1411 = arith.addi %scan3A_1409, %scan3A_1410 : i32
      %scan3A_1412 = arith.constant 8 : i32
      scf.for %scan3A_1594 = %scan3A_1409 to %scan3A_1411 step %scan3A_1412  : i32 {
        %get3A = arith.index_cast %scan3A_1594 : i32 to index
        %get3A_1595 = arith.constant 0 : index
        %get3A_1596 = tpu.vector_load %arg7[%get3A, %get3A_1595] {strides = array<i32>} : memref<896x16xf32, #tpu.memory_space<vmem>>, vector<1x16xf32>,
        %get3A_1597 = vector.shape_cast %get3A_1596 : vector<1x16xf32> to vector<16xf32>
        %swap3A = arith.index_cast %scan3A_1594 : i32 to index
        %swap3A_1598 = arith.constant 0 : index
        %swap3A_1599 = tpu.vector_load %arg8[%swap3A, %swap3A_1598] {strides = array<i32>} : memref<896x16xf32, #tpu.memory_space<vmem>>, vector<1x16xf32>,
        %swap3A_1600 = vector.shape_cast %swap3A_1599 : vector<1x16xf32> to vector<16xf32>
        %swap3A_1601 = vector.shape_cast %get3A_1597 : vector<16xf32> to vector<1x16xf32>
        tpu.vector_store %arg8[%swap3A, %swap3A_1598], %swap3A_1601 {add = true, strides = array<i32>} : memref<896x16xf32, #tpu.memory_space<vmem>>, vector<1x16xf32>,
        %scan3A_1602 = arith.constant 1 : i32
        %scan3A_1603 = arith.addi %scan3A_1594, %scan3A_1602 : i32
        %get3A_1604 = arith.index_cast %scan3A_1603 : i32 to index
        %get3A_1605 = arith.constant 0 : index
        %get3A_1606 = tpu.vector_load %arg7[%get3A_1604, %get3A_1605] {strides = array<i32>} : memref<896x16xf32, #tpu.memory_space<vmem>>, vector<1x16xf32>,
        %get3A_1607 = vector.shape_cast %get3A_1606 : vector<1x16xf32> to vector<16xf32>
        %swap3A_1608 = arith.index_cast %scan3A_1603 : i32 to index
        %swap3A_1609 = arith.constant 0 : index
        %swap3A_1610 = tpu.vector_load %arg8[%swap3A_1608, %swap3A_1609] {strides = array<i32>} : memref<896x16xf32, #tpu.memory_space<vmem>>, vector<1x16xf32>,
        %swap3A_1611 = vector.shape_cast %swap3A_1610 : vector<1x16xf32> to vector<16xf32>
        %swap3A_1612 = vector.shape_cast %get3A_1607 : vector<16xf32> to vector<1x16xf32>
        tpu.vector_store %arg8[%swap3A_1608, %swap3A_1609], %swap3A_1612 {add = true, strides = array<i32>} : memref<896x16xf32, #tpu.memory_space<vmem>>, vector<1x16xf32>,
        %scan3A_1613 = arith.constant 2 : i32
        %scan3A_1614 = arith.addi %scan3A_1594, %scan3A_1613 : i32
        %get3A_1615 = arith.index_cast %scan3A_1614 : i32 to index
        %get3A_1616 = arith.constant 0 : index
        %get3A_1617 = tpu.vector_load %arg7[%get3A_1615, %get3A_1616] {strides = array<i32>} : memref<896x16xf32, #tpu.memory_space<vmem>>, vector<1x16xf32>,
        %get3A_1618 = vector.shape_cast %get3A_1617 : vector<1x16xf32> to vector<16xf32>
        %swap3A_1619 = arith.index_cast %scan3A_1614 : i32 to index
        %swap3A_1620 = arith.constant 0 : index
        %swap3A_1621 = tpu.vector_load %arg8[%swap3A_1619, %swap3A_1620] {strides = array<i32>} : memref<896x16xf32, #tpu.memory_space<vmem>>, vector<1x16xf32>,
        %swap3A_1622 = vector.shape_cast %swap3A_1621 : vector<1x16xf32> to vector<16xf32>
        %swap3A_1623 = vector.shape_cast %get3A_1618 : vector<16xf32> to vector<1x16xf32>
        tpu.vector_store %arg8[%swap3A_1619, %swap3A_1620], %swap3A_1623 {add = true, strides = array<i32>} : memref<896x16xf32, #tpu.memory_space<vmem>>, vector<1x16xf32>,
        %scan3A_1624 = arith.constant 3 : i32
        %scan3A_1625 = arith.addi %scan3A_1594, %scan3A_1624 : i32
        %get3A_1626 = arith.index_cast %scan3A_1625 : i32 to index
        %get3A_1627 = arith.constant 0 : index
        %get3A_1628 = tpu.vector_load %arg7[%get3A_1626, %get3A_1627] {strides = array<i32>} : memref<896x16xf32, #tpu.memory_space<vmem>>, vector<1x16xf32>,
        %get3A_1629 = vector.shape_cast %get3A_1628 : vector<1x16xf32> to vector<16xf32>
        %swap3A_1630 = arith.index_cast %scan3A_1625 : i32 to index
        %swap3A_1631 = arith.constant 0 : index
        %swap3A_1632 = tpu.vector_load %arg8[%swap3A_1630, %swap3A_1631] {strides = array<i32>} : memref<896x16xf32, #tpu.memory_space<vmem>>, vector<1x16xf32>,
        %swap3A_1633 = vector.shape_cast %swap3A_1632 : vector<1x16xf32> to vector<16xf32>
        %swap3A_1634 = vector.shape_cast %get3A_1629 : vector<16xf32> to vector<1x16xf32>
        tpu.vector_store %arg8[%swap3A_1630, %swap3A_1631], %swap3A_1634 {add = true, strides = array<i32>} : memref<896x16xf32, #tpu.memory_space<vmem>>, vector<1x16xf32>,
        %scan3A_1635 = arith.constant 4 : i32
        %scan3A_1636 = arith.addi %scan3A_1594, %scan3A_1635 : i32
        %get3A_1637 = arith.index_cast %scan3A_1636 : i32 to index
        %get3A_1638 = arith.constant 0 : index
        %get3A_1639 = tpu.vector_load %arg7[%get3A_1637, %get3A_1638] {strides = array<i32>} : memref<896x16xf32, #tpu.memory_space<vmem>>, vector<1x16xf32>,
        %get3A_1640 = vector.shape_cast %get3A_1639 : vector<1x16xf32> to vector<16xf32>
        %swap3A_1641 = arith.index_cast %scan3A_1636 : i32 to index
        %swap3A_1642 = arith.constant 0 : index
        %swap3A_1643 = tpu.vector_load %arg8[%swap3A_1641, %swap3A_1642] {strides = array<i32>} : memref<896x16xf32, #tpu.memory_space<vmem>>, vector<1x16xf32>,
        %swap3A_1644 = vector.shape_cast %swap3A_1643 : vector<1x16xf32> to vector<16xf32>
        %swap3A_1645 = vector.shape_cast %get3A_1640 : vector<16xf32> to vector<1x16xf32>
        tpu.vector_store %arg8[%swap3A_1641, %swap3A_1642], %swap3A_1645 {add = true, strides = array<i32>} : memref<896x16xf32, #tpu.memory_space<vmem>>, vector<1x16xf32>,
        %scan3A_1646 = arith.constant 5 : i32
        %scan3A_1647 = arith.addi %scan3A_1594, %scan3A_1646 : i32
        %get3A_1648 = arith.index_cast %scan3A_1647 : i32 to index
        %get3A_1649 = arith.constant 0 : index
        %get3A_1650 = tpu.vector_load %arg7[%get3A_1648, %get3A_1649] {strides = array<i32>} : memref<896x16xf32, #tpu.memory_space<vmem>>, vector<1x16xf32>,
        %get3A_1651 = vector.shape_cast %get3A_1650 : vector<1x16xf32> to vector<16xf32>
        %swap3A_1652 = arith.index_cast %scan3A_1647 : i32 to index
        %swap3A_1653 = arith.constant 0 : index
        %swap3A_1654 = tpu.vector_load %arg8[%swap3A_1652, %swap3A_1653] {strides = array<i32>} : memref<896x16xf32, #tpu.memory_space<vmem>>, vector<1x16xf32>,
        %swap3A_1655 = vector.shape_cast %swap3A_1654 : vector<1x16xf32> to vector<16xf32>
        %swap3A_1656 = vector.shape_cast %get3A_1651 : vector<16xf32> to vector<1x16xf32>
        tpu.vector_store %arg8[%swap3A_1652, %swap3A_1653], %swap3A_1656 {add = true, strides = array<i32>} : memref<896x16xf32, #tpu.memory_space<vmem>>, vector<1x16xf32>,
        %scan3A_1657 = arith.constant 6 : i32
        %scan3A_1658 = arith.addi %scan3A_1594, %scan3A_1657 : i32
        %get3A_1659 = arith.index_cast %scan3A_1658 : i32 to index
        %get3A_1660 = arith.constant 0 : index
        %get3A_1661 = tpu.vector_load %arg7[%get3A_1659, %get3A_1660] {strides = array<i32>} : memref<896x16xf32, #tpu.memory_space<vmem>>, vector<1x16xf32>,
        %get3A_1662 = vector.shape_cast %get3A_1661 : vector<1x16xf32> to vector<16xf32>
        %swap3A_1663 = arith.index_cast %scan3A_1658 : i32 to index
        %swap3A_1664 = arith.constant 0 : index
        %swap3A_1665 = tpu.vector_load %arg8[%swap3A_1663, %swap3A_1664] {strides = array<i32>} : memref<896x16xf32, #tpu.memory_space<vmem>>, vector<1x16xf32>,
        %swap3A_1666 = vector.shape_cast %swap3A_1665 : vector<1x16xf32> to vector<16xf32>
        %swap3A_1667 = vector.shape_cast %get3A_1662 : vector<16xf32> to vector<1x16xf32>
        tpu.vector_store %arg8[%swap3A_1663, %swap3A_1664], %swap3A_1667 {add = true, strides = array<i32>} : memref<896x16xf32, #tpu.memory_space<vmem>>, vector<1x16xf32>,
        %scan3A_1668 = arith.constant 7 : i32
        %scan3A_1669 = arith.addi %scan3A_1594, %scan3A_1668 : i32
        %get3A_1670 = arith.index_cast %scan3A_1669 : i32 to index
        %get3A_1671 = arith.constant 0 : index
        %get3A_1672 = tpu.vector_load %arg7[%get3A_1670, %get3A_1671] {strides = array<i32>} : memref<896x16xf32, #tpu.memory_space<vmem>>, vector<1x16xf32>,
        %get3A_1673 = vector.shape_cast %get3A_1672 : vector<1x16xf32> to vector<16xf32>
        %swap3A_1674 = arith.index_cast %scan3A_1669 : i32 to index
        %swap3A_1675 = arith.constant 0 : index
        %swap3A_1676 = tpu.vector_load %arg8[%swap3A_1674, %swap3A_1675] {strides = array<i32>} : memref<896x16xf32, #tpu.memory_space<vmem>>, vector<1x16xf32>,
        %swap3A_1677 = vector.shape_cast %swap3A_1676 : vector<1x16xf32> to vector<16xf32>
        %swap3A_1678 = vector.shape_cast %get3A_1673 : vector<16xf32> to vector<1x16xf32>
        tpu.vector_store %arg8[%swap3A_1674, %swap3A_1675], %swap3A_1678 {add = true, strides = array<i32>} : memref<896x16xf32, #tpu.memory_space<vmem>>, vector<1x16xf32>,
      }
      %scan3A_1413 = arith.constant 896 : i32
      %dma_start3A_1414 = arith.constant 0 : i32
      %dma_start3A_1415 = arith.constant 0 : i32
      %dma_start3A_1416 = tpu.memref_slice %arg7[%dma_start3A_1414, %dma_start3A_1415] : memref<896x16xf32, #tpu.memory_space<vmem>> -> memref<128x16xf32, #tpu.memory_space<vmem>>
      %dma_start3A_1417 = arith.constant 9856 : i32
      %dma_start3A_1418 = tpu.memref_slice %arg5[%dma_start3A_1417] : memref<10752xi32, #tpu.memory_space<vmem>> -> memref<128xi32, #tpu.memory_space<vmem>>
      %dma_start3A_1419 = arith.constant 0 : i32
      %dma_start3A_1420 = arith.constant 0 : i32
      %dma_start3A_1421 = tpu.memref_slice %arg2[%dma_start3A_1419, %dma_start3A_1420] : memref<3932160x16xf32, #tpu.memory_space<hbm>> -> memref<3932160x16xf32, #tpu.memory_space<hbm>>
      tpu.enqueue_indirect_dma source(%dma_start3A_1421 : memref<3932160x16xf32, #tpu.memory_space<hbm>>) target(%dma_start3A_1416 : memref<128x16xf32, #tpu.memory_space<vmem>>) offsets(%dma_start3A_1418 : memref<128xi32, #tpu.memory_space<vmem>>) semaphore(%arg10 : memref<!tpu.dma_semaphore, #tpu.memory_space<semaphore_mem>>)
      %dma_start3A_1422 = arith.constant 128 : i32
      %dma_start3A_1423 = arith.constant 0 : i32
      %dma_start3A_1424 = tpu.memref_slice %arg7[%dma_start3A_1422, %dma_start3A_1423] : memref<896x16xf32, #tpu.memory_space<vmem>> -> memref<128x16xf32, #tpu.memory_space<vmem>>
      %dma_start3A_1425 = arith.constant 9984 : i32
      %dma_start3A_1426 = tpu.memref_slice %arg5[%dma_start3A_1425] : memref<10752xi32, #tpu.memory_space<vmem>> -> memref<128xi32, #tpu.memory_space<vmem>>
      %dma_start3A_1427 = arith.constant 0 : i32
      %dma_start3A_1428 = arith.constant 0 : i32
      %dma_start3A_1429 = tpu.memref_slice %arg2[%dma_start3A_1427, %dma_start3A_1428] : memref<3932160x16xf32, #tpu.memory_space<hbm>> -> memref<3932160x16xf32, #tpu.memory_space<hbm>>
      tpu.enqueue_indirect_dma source(%dma_start3A_1429 : memref<3932160x16xf32, #tpu.memory_space<hbm>>) target(%dma_start3A_1424 : memref<128x16xf32, #tpu.memory_space<vmem>>) offsets(%dma_start3A_1426 : memref<128xi32, #tpu.memory_space<vmem>>) semaphore(%arg10 : memref<!tpu.dma_semaphore, #tpu.memory_space<semaphore_mem>>)
      %dma_start3A_1430 = arith.constant 256 : i32
      %dma_start3A_1431 = arith.constant 0 : i32
      %dma_start3A_1432 = tpu.memref_slice %arg7[%dma_start3A_1430, %dma_start3A_1431] : memref<896x16xf32, #tpu.memory_space<vmem>> -> memref<128x16xf32, #tpu.memory_space<vmem>>
      %dma_start3A_1433 = arith.constant 10112 : i32
      %dma_start3A_1434 = tpu.memref_slice %arg5[%dma_start3A_1433] : memref<10752xi32, #tpu.memory_space<vmem>> -> memref<128xi32, #tpu.memory_space<vmem>>
      %dma_start3A_1435 = arith.constant 0 : i32
      %dma_start3A_1436 = arith.constant 0 : i32
      %dma_start3A_1437 = tpu.memref_slice %arg2[%dma_start3A_1435, %dma_start3A_1436] : memref<3932160x16xf32, #tpu.memory_space<hbm>> -> memref<3932160x16xf32, #tpu.memory_space<hbm>>
      tpu.enqueue_indirect_dma source(%dma_start3A_1437 : memref<3932160x16xf32, #tpu.memory_space<hbm>>) target(%dma_start3A_1432 : memref<128x16xf32, #tpu.memory_space<vmem>>) offsets(%dma_start3A_1434 : memref<128xi32, #tpu.memory_space<vmem>>) semaphore(%arg10 : memref<!tpu.dma_semaphore, #tpu.memory_space<semaphore_mem>>)
      %dma_start3A_1438 = arith.constant 384 : i32
      %dma_start3A_1439 = arith.constant 0 : i32
      %dma_start3A_1440 = tpu.memref_slice %arg7[%dma_start3A_1438, %dma_start3A_1439] : memref<896x16xf32, #tpu.memory_space<vmem>> -> memref<128x16xf32, #tpu.memory_space<vmem>>
      %dma_start3A_1441 = arith.constant 10240 : i32
      %dma_start3A_1442 = tpu.memref_slice %arg5[%dma_start3A_1441] : memref<10752xi32, #tpu.memory_space<vmem>> -> memref<128xi32, #tpu.memory_space<vmem>>
      %dma_start3A_1443 = arith.constant 0 : i32
      %dma_start3A_1444 = arith.constant 0 : i32
      %dma_start3A_1445 = tpu.memref_slice %arg2[%dma_start3A_1443, %dma_start3A_1444] : memref<3932160x16xf32, #tpu.memory_space<hbm>> -> memref<3932160x16xf32, #tpu.memory_space<hbm>>
      tpu.enqueue_indirect_dma source(%dma_start3A_1445 : memref<3932160x16xf32, #tpu.memory_space<hbm>>) target(%dma_start3A_1440 : memref<128x16xf32, #tpu.memory_space<vmem>>) offsets(%dma_start3A_1442 : memref<128xi32, #tpu.memory_space<vmem>>) semaphore(%arg10 : memref<!tpu.dma_semaphore, #tpu.memory_space<semaphore_mem>>)
      %dma_start3A_1446 = arith.constant 512 : i32
      %dma_start3A_1447 = arith.constant 0 : i32
      %dma_start3A_1448 = tpu.memref_slice %arg7[%dma_start3A_1446, %dma_start3A_1447] : memref<896x16xf32, #tpu.memory_space<vmem>> -> memref<128x16xf32, #tpu.memory_space<vmem>>
      %dma_start3A_1449 = arith.constant 10368 : i32
      %dma_start3A_1450 = tpu.memref_slice %arg5[%dma_start3A_1449] : memref<10752xi32, #tpu.memory_space<vmem>> -> memref<128xi32, #tpu.memory_space<vmem>>
      %dma_start3A_1451 = arith.constant 0 : i32
      %dma_start3A_1452 = arith.constant 0 : i32
      %dma_start3A_1453 = tpu.memref_slice %arg2[%dma_start3A_1451, %dma_start3A_1452] : memref<3932160x16xf32, #tpu.memory_space<hbm>> -> memref<3932160x16xf32, #tpu.memory_space<hbm>>
      tpu.enqueue_indirect_dma source(%dma_start3A_1453 : memref<3932160x16xf32, #tpu.memory_space<hbm>>) target(%dma_start3A_1448 : memref<128x16xf32, #tpu.memory_space<vmem>>) offsets(%dma_start3A_1450 : memref<128xi32, #tpu.memory_space<vmem>>) semaphore(%arg10 : memref<!tpu.dma_semaphore, #tpu.memory_space<semaphore_mem>>)
      %dma_start3A_1454 = arith.constant 640 : i32
      %dma_start3A_1455 = arith.constant 0 : i32
      %dma_start3A_1456 = tpu.memref_slice %arg7[%dma_start3A_1454, %dma_start3A_1455] : memref<896x16xf32, #tpu.memory_space<vmem>> -> memref<128x16xf32, #tpu.memory_space<vmem>>
      %dma_start3A_1457 = arith.constant 10496 : i32
      %dma_start3A_1458 = tpu.memref_slice %arg5[%dma_start3A_1457] : memref<10752xi32, #tpu.memory_space<vmem>> -> memref<128xi32, #tpu.memory_space<vmem>>
      %dma_start3A_1459 = arith.constant 0 : i32
      %dma_start3A_1460 = arith.constant 0 : i32
      %dma_start3A_1461 = tpu.memref_slice %arg2[%dma_start3A_1459, %dma_start3A_1460] : memref<3932160x16xf32, #tpu.memory_space<hbm>> -> memref<3932160x16xf32, #tpu.memory_space<hbm>>
      tpu.enqueue_indirect_dma source(%dma_start3A_1461 : memref<3932160x16xf32, #tpu.memory_space<hbm>>) target(%dma_start3A_1456 : memref<128x16xf32, #tpu.memory_space<vmem>>) offsets(%dma_start3A_1458 : memref<128xi32, #tpu.memory_space<vmem>>) semaphore(%arg10 : memref<!tpu.dma_semaphore, #tpu.memory_space<semaphore_mem>>)
      %dma_start3A_1462 = arith.constant 768 : i32
      %dma_start3A_1463 = arith.constant 0 : i32
      %dma_start3A_1464 = tpu.memref_slice %arg7[%dma_start3A_1462, %dma_start3A_1463] : memref<896x16xf32, #tpu.memory_space<vmem>> -> memref<128x16xf32, #tpu.memory_space<vmem>>
      %dma_start3A_1465 = arith.constant 10624 : i32
      %dma_start3A_1466 = tpu.memref_slice %arg5[%dma_start3A_1465] : memref<10752xi32, #tpu.memory_space<vmem>> -> memref<128xi32, #tpu.memory_space<vmem>>
      %dma_start3A_1467 = arith.constant 0 : i32
      %dma_start3A_1468 = arith.constant 0 : i32
      %dma_start3A_1469 = tpu.memref_slice %arg2[%dma_start3A_1467, %dma_start3A_1468] : memref<3932160x16xf32, #tpu.memory_space<hbm>> -> memref<3932160x16xf32, #tpu.memory_space<hbm>>
      tpu.enqueue_indirect_dma source(%dma_start3A_1469 : memref<3932160x16xf32, #tpu.memory_space<hbm>>) target(%dma_start3A_1464 : memref<128x16xf32, #tpu.memory_space<vmem>>) offsets(%dma_start3A_1466 : memref<128xi32, #tpu.memory_space<vmem>>) semaphore(%arg10 : memref<!tpu.dma_semaphore, #tpu.memory_space<semaphore_mem>>)
      %dma_wait3A_1470 = arith.constant 0 : i32
      %dma_wait3A_1471 = arith.constant 0 : i32
      %dma_wait3A_1472 = tpu.memref_slice %arg6[%dma_wait3A_1470, %dma_wait3A_1471] : memref<896x16xf32, #tpu.memory_space<vmem>> -> memref<128x16xf32, #tpu.memory_space<vmem>>
      %dma_wait3A_1473 = arith.constant 8960 : i32
      %dma_wait3A_1474 = tpu.memref_slice %arg5[%dma_wait3A_1473] : memref<10752xi32, #tpu.memory_space<vmem>> -> memref<128xi32, #tpu.memory_space<vmem>>
      %dma_wait3A_1475 = arith.constant 0 : i32
      %dma_wait3A_1476 = arith.constant 0 : i32
      %dma_wait3A_1477 = tpu.memref_slice %arg2[%dma_wait3A_1475, %dma_wait3A_1476] : memref<3932160x16xf32, #tpu.memory_space<hbm>> -> memref<3932160x16xf32, #tpu.memory_space<hbm>>
      tpu.wait_indirect_dma semaphore(%arg9 : memref<!tpu.dma_semaphore, #tpu.memory_space<semaphore_mem>>) src(%dma_wait3A_1477 : memref<3932160x16xf32, #tpu.memory_space<hbm>>) dst(%dma_wait3A_1472 : memref<128x16xf32, #tpu.memory_space<vmem>>)
      %dma_wait3A_1478 = arith.constant 128 : i32
      %dma_wait3A_1479 = arith.constant 0 : i32
      %dma_wait3A_1480 = tpu.memref_slice %arg6[%dma_wait3A_1478, %dma_wait3A_1479] : memref<896x16xf32, #tpu.memory_space<vmem>> -> memref<128x16xf32, #tpu.memory_space<vmem>>
      %dma_wait3A_1481 = arith.constant 9088 : i32
      %dma_wait3A_1482 = tpu.memref_slice %arg5[%dma_wait3A_1481] : memref<10752xi32, #tpu.memory_space<vmem>> -> memref<128xi32, #tpu.memory_space<vmem>>
      %dma_wait3A_1483 = arith.constant 0 : i32
      %dma_wait3A_1484 = arith.constant 0 : i32
      %dma_wait3A_1485 = tpu.memref_slice %arg2[%dma_wait3A_1483, %dma_wait3A_1484] : memref<3932160x16xf32, #tpu.memory_space<hbm>> -> memref<3932160x16xf32, #tpu.memory_space<hbm>>
      tpu.wait_indirect_dma semaphore(%arg9 : memref<!tpu.dma_semaphore, #tpu.memory_space<semaphore_mem>>) src(%dma_wait3A_1485 : memref<3932160x16xf32, #tpu.memory_space<hbm>>) dst(%dma_wait3A_1480 : memref<128x16xf32, #tpu.memory_space<vmem>>)
      %dma_wait3A_1486 = arith.constant 256 : i32
      %dma_wait3A_1487 = arith.constant 0 : i32
      %dma_wait3A_1488 = tpu.memref_slice %arg6[%dma_wait3A_1486, %dma_wait3A_1487] : memref<896x16xf32, #tpu.memory_space<vmem>> -> memref<128x16xf32, #tpu.memory_space<vmem>>
      %dma_wait3A_1489 = arith.constant 9216 : i32
      %dma_wait3A_1490 = tpu.memref_slice %arg5[%dma_wait3A_1489] : memref<10752xi32, #tpu.memory_space<vmem>> -> memref<128xi32, #tpu.memory_space<vmem>>
      %dma_wait3A_1491 = arith.constant 0 : i32
      %dma_wait3A_1492 = arith.constant 0 : i32
      %dma_wait3A_1493 = tpu.memref_slice %arg2[%dma_wait3A_1491, %dma_wait3A_1492] : memref<3932160x16xf32, #tpu.memory_space<hbm>> -> memref<3932160x16xf32, #tpu.memory_space<hbm>>
      tpu.wait_indirect_dma semaphore(%arg9 : memref<!tpu.dma_semaphore, #tpu.memory_space<semaphore_mem>>) src(%dma_wait3A_1493 : memref<3932160x16xf32, #tpu.memory_space<hbm>>) dst(%dma_wait3A_1488 : memref<128x16xf32, #tpu.memory_space<vmem>>)
      %dma_wait3A_1494 = arith.constant 384 : i32
      %dma_wait3A_1495 = arith.constant 0 : i32
      %dma_wait3A_1496 = tpu.memref_slice %arg6[%dma_wait3A_1494, %dma_wait3A_1495] : memref<896x16xf32, #tpu.memory_space<vmem>> -> memref<128x16xf32, #tpu.memory_space<vmem>>
      %dma_wait3A_1497 = arith.constant 9344 : i32
      %dma_wait3A_1498 = tpu.memref_slice %arg5[%dma_wait3A_1497] : memref<10752xi32, #tpu.memory_space<vmem>> -> memref<128xi32, #tpu.memory_space<vmem>>
      %dma_wait3A_1499 = arith.constant 0 : i32
      %dma_wait3A_1500 = arith.constant 0 : i32
      %dma_wait3A_1501 = tpu.memref_slice %arg2[%dma_wait3A_1499, %dma_wait3A_1500] : memref<3932160x16xf32, #tpu.memory_space<hbm>> -> memref<3932160x16xf32, #tpu.memory_space<hbm>>
      tpu.wait_indirect_dma semaphore(%arg9 : memref<!tpu.dma_semaphore, #tpu.memory_space<semaphore_mem>>) src(%dma_wait3A_1501 : memref<3932160x16xf32, #tpu.memory_space<hbm>>) dst(%dma_wait3A_1496 : memref<128x16xf32, #tpu.memory_space<vmem>>)
      %dma_wait3A_1502 = arith.constant 512 : i32
      %dma_wait3A_1503 = arith.constant 0 : i32
      %dma_wait3A_1504 = tpu.memref_slice %arg6[%dma_wait3A_1502, %dma_wait3A_1503] : memref<896x16xf32, #tpu.memory_space<vmem>> -> memref<128x16xf32, #tpu.memory_space<vmem>>
      %dma_wait3A_1505 = arith.constant 9472 : i32
      %dma_wait3A_1506 = tpu.memref_slice %arg5[%dma_wait3A_1505] : memref<10752xi32, #tpu.memory_space<vmem>> -> memref<128xi32, #tpu.memory_space<vmem>>
      %dma_wait3A_1507 = arith.constant 0 : i32
      %dma_wait3A_1508 = arith.constant 0 : i32
      %dma_wait3A_1509 = tpu.memref_slice %arg2[%dma_wait3A_1507, %dma_wait3A_1508] : memref<3932160x16xf32, #tpu.memory_space<hbm>> -> memref<3932160x16xf32, #tpu.memory_space<hbm>>
      tpu.wait_indirect_dma semaphore(%arg9 : memref<!tpu.dma_semaphore, #tpu.memory_space<semaphore_mem>>) src(%dma_wait3A_1509 : memref<3932160x16xf32, #tpu.memory_space<hbm>>) dst(%dma_wait3A_1504 : memref<128x16xf32, #tpu.memory_space<vmem>>)
      %dma_wait3A_1510 = arith.constant 640 : i32
      %dma_wait3A_1511 = arith.constant 0 : i32
      %dma_wait3A_1512 = tpu.memref_slice %arg6[%dma_wait3A_1510, %dma_wait3A_1511] : memref<896x16xf32, #tpu.memory_space<vmem>> -> memref<128x16xf32, #tpu.memory_space<vmem>>
      %dma_wait3A_1513 = arith.constant 9600 : i32
      %dma_wait3A_1514 = tpu.memref_slice %arg5[%dma_wait3A_1513] : memref<10752xi32, #tpu.memory_space<vmem>> -> memref<128xi32, #tpu.memory_space<vmem>>
      %dma_wait3A_1515 = arith.constant 0 : i32
      %dma_wait3A_1516 = arith.constant 0 : i32
      %dma_wait3A_1517 = tpu.memref_slice %arg2[%dma_wait3A_1515, %dma_wait3A_1516] : memref<3932160x16xf32, #tpu.memory_space<hbm>> -> memref<3932160x16xf32, #tpu.memory_space<hbm>>
      tpu.wait_indirect_dma semaphore(%arg9 : memref<!tpu.dma_semaphore, #tpu.memory_space<semaphore_mem>>) src(%dma_wait3A_1517 : memref<3932160x16xf32, #tpu.memory_space<hbm>>) dst(%dma_wait3A_1512 : memref<128x16xf32, #tpu.memory_space<vmem>>)
      %dma_wait3A_1518 = arith.constant 768 : i32
      %dma_wait3A_1519 = arith.constant 0 : i32
      %dma_wait3A_1520 = tpu.memref_slice %arg6[%dma_wait3A_1518, %dma_wait3A_1519] : memref<896x16xf32, #tpu.memory_space<vmem>> -> memref<128x16xf32, #tpu.memory_space<vmem>>
      %dma_wait3A_1521 = arith.constant 9728 : i32
      %dma_wait3A_1522 = tpu.memref_slice %arg5[%dma_wait3A_1521] : memref<10752xi32, #tpu.memory_space<vmem>> -> memref<128xi32, #tpu.memory_space<vmem>>
      %dma_wait3A_1523 = arith.constant 0 : i32
      %dma_wait3A_1524 = arith.constant 0 : i32
      %dma_wait3A_1525 = tpu.memref_slice %arg2[%dma_wait3A_1523, %dma_wait3A_1524] : memref<3932160x16xf32, #tpu.memory_space<hbm>> -> memref<3932160x16xf32, #tpu.memory_space<hbm>>
      tpu.wait_indirect_dma semaphore(%arg9 : memref<!tpu.dma_semaphore, #tpu.memory_space<semaphore_mem>>) src(%dma_wait3A_1525 : memref<3932160x16xf32, #tpu.memory_space<hbm>>) dst(%dma_wait3A_1520 : memref<128x16xf32, #tpu.memory_space<vmem>>)
      %scan3A_1526 = arith.constant 0 : i32
      %scan3A_1527 = arith.constant 0 : i32
      %scan3A_1528 = arith.constant 896 : i32
      %scan3A_1529 = arith.addi %scan3A_1527, %scan3A_1528 : i32
      %scan3A_1530 = arith.constant 8 : i32
      scf.for %scan3A_1594 = %scan3A_1527 to %scan3A_1529 step %scan3A_1530  : i32 {
        %get3A = arith.index_cast %scan3A_1594 : i32 to index
        %get3A_1595 = arith.constant 0 : index
        %get3A_1596 = tpu.vector_load %arg6[%get3A, %get3A_1595] {strides = array<i32>} : memref<896x16xf32, #tpu.memory_space<vmem>>, vector<1x16xf32>,
        %get3A_1597 = vector.shape_cast %get3A_1596 : vector<1x16xf32> to vector<16xf32>
        %swap3A = arith.index_cast %scan3A_1594 : i32 to index
        %swap3A_1598 = arith.constant 0 : index
        %swap3A_1599 = tpu.vector_load %arg8[%swap3A, %swap3A_1598] {strides = array<i32>} : memref<896x16xf32, #tpu.memory_space<vmem>>, vector<1x16xf32>,
        %swap3A_1600 = vector.shape_cast %swap3A_1599 : vector<1x16xf32> to vector<16xf32>
        %swap3A_1601 = vector.shape_cast %get3A_1597 : vector<16xf32> to vector<1x16xf32>
        tpu.vector_store %arg8[%swap3A, %swap3A_1598], %swap3A_1601 {add = true, strides = array<i32>} : memref<896x16xf32, #tpu.memory_space<vmem>>, vector<1x16xf32>,
        %scan3A_1602 = arith.constant 1 : i32
        %scan3A_1603 = arith.addi %scan3A_1594, %scan3A_1602 : i32
        %get3A_1604 = arith.index_cast %scan3A_1603 : i32 to index
        %get3A_1605 = arith.constant 0 : index
        %get3A_1606 = tpu.vector_load %arg6[%get3A_1604, %get3A_1605] {strides = array<i32>} : memref<896x16xf32, #tpu.memory_space<vmem>>, vector<1x16xf32>,
        %get3A_1607 = vector.shape_cast %get3A_1606 : vector<1x16xf32> to vector<16xf32>
        %swap3A_1608 = arith.index_cast %scan3A_1603 : i32 to index
        %swap3A_1609 = arith.constant 0 : index
        %swap3A_1610 = tpu.vector_load %arg8[%swap3A_1608, %swap3A_1609] {strides = array<i32>} : memref<896x16xf32, #tpu.memory_space<vmem>>, vector<1x16xf32>,
        %swap3A_1611 = vector.shape_cast %swap3A_1610 : vector<1x16xf32> to vector<16xf32>
        %swap3A_1612 = vector.shape_cast %get3A_1607 : vector<16xf32> to vector<1x16xf32>
        tpu.vector_store %arg8[%swap3A_1608, %swap3A_1609], %swap3A_1612 {add = true, strides = array<i32>} : memref<896x16xf32, #tpu.memory_space<vmem>>, vector<1x16xf32>,
        %scan3A_1613 = arith.constant 2 : i32
        %scan3A_1614 = arith.addi %scan3A_1594, %scan3A_1613 : i32
        %get3A_1615 = arith.index_cast %scan3A_1614 : i32 to index
        %get3A_1616 = arith.constant 0 : index
        %get3A_1617 = tpu.vector_load %arg6[%get3A_1615, %get3A_1616] {strides = array<i32>} : memref<896x16xf32, #tpu.memory_space<vmem>>, vector<1x16xf32>,
        %get3A_1618 = vector.shape_cast %get3A_1617 : vector<1x16xf32> to vector<16xf32>
        %swap3A_1619 = arith.index_cast %scan3A_1614 : i32 to index
        %swap3A_1620 = arith.constant 0 : index
        %swap3A_1621 = tpu.vector_load %arg8[%swap3A_1619, %swap3A_1620] {strides = array<i32>} : memref<896x16xf32, #tpu.memory_space<vmem>>, vector<1x16xf32>,
        %swap3A_1622 = vector.shape_cast %swap3A_1621 : vector<1x16xf32> to vector<16xf32>
        %swap3A_1623 = vector.shape_cast %get3A_1618 : vector<16xf32> to vector<1x16xf32>
        tpu.vector_store %arg8[%swap3A_1619, %swap3A_1620], %swap3A_1623 {add = true, strides = array<i32>} : memref<896x16xf32, #tpu.memory_space<vmem>>, vector<1x16xf32>,
        %scan3A_1624 = arith.constant 3 : i32
        %scan3A_1625 = arith.addi %scan3A_1594, %scan3A_1624 : i32
        %get3A_1626 = arith.index_cast %scan3A_1625 : i32 to index
        %get3A_1627 = arith.constant 0 : index
        %get3A_1628 = tpu.vector_load %arg6[%get3A_1626, %get3A_1627] {strides = array<i32>} : memref<896x16xf32, #tpu.memory_space<vmem>>, vector<1x16xf32>,
        %get3A_1629 = vector.shape_cast %get3A_1628 : vector<1x16xf32> to vector<16xf32>
        %swap3A_1630 = arith.index_cast %scan3A_1625 : i32 to index
        %swap3A_1631 = arith.constant 0 : index
        %swap3A_1632 = tpu.vector_load %arg8[%swap3A_1630, %swap3A_1631] {strides = array<i32>} : memref<896x16xf32, #tpu.memory_space<vmem>>, vector<1x16xf32>,
        %swap3A_1633 = vector.shape_cast %swap3A_1632 : vector<1x16xf32> to vector<16xf32>
        %swap3A_1634 = vector.shape_cast %get3A_1629 : vector<16xf32> to vector<1x16xf32>
        tpu.vector_store %arg8[%swap3A_1630, %swap3A_1631], %swap3A_1634 {add = true, strides = array<i32>} : memref<896x16xf32, #tpu.memory_space<vmem>>, vector<1x16xf32>,
        %scan3A_1635 = arith.constant 4 : i32
        %scan3A_1636 = arith.addi %scan3A_1594, %scan3A_1635 : i32
        %get3A_1637 = arith.index_cast %scan3A_1636 : i32 to index
        %get3A_1638 = arith.constant 0 : index
        %get3A_1639 = tpu.vector_load %arg6[%get3A_1637, %get3A_1638] {strides = array<i32>} : memref<896x16xf32, #tpu.memory_space<vmem>>, vector<1x16xf32>,
        %get3A_1640 = vector.shape_cast %get3A_1639 : vector<1x16xf32> to vector<16xf32>
        %swap3A_1641 = arith.index_cast %scan3A_1636 : i32 to index
        %swap3A_1642 = arith.constant 0 : index
        %swap3A_1643 = tpu.vector_load %arg8[%swap3A_1641, %swap3A_1642] {strides = array<i32>} : memref<896x16xf32, #tpu.memory_space<vmem>>, vector<1x16xf32>,
        %swap3A_1644 = vector.shape_cast %swap3A_1643 : vector<1x16xf32> to vector<16xf32>
        %swap3A_1645 = vector.shape_cast %get3A_1640 : vector<16xf32> to vector<1x16xf32>
        tpu.vector_store %arg8[%swap3A_1641, %swap3A_1642], %swap3A_1645 {add = true, strides = array<i32>} : memref<896x16xf32, #tpu.memory_space<vmem>>, vector<1x16xf32>,
        %scan3A_1646 = arith.constant 5 : i32
        %scan3A_1647 = arith.addi %scan3A_1594, %scan3A_1646 : i32
        %get3A_1648 = arith.index_cast %scan3A_1647 : i32 to index
        %get3A_1649 = arith.constant 0 : index
        %get3A_1650 = tpu.vector_load %arg6[%get3A_1648, %get3A_1649] {strides = array<i32>} : memref<896x16xf32, #tpu.memory_space<vmem>>, vector<1x16xf32>,
        %get3A_1651 = vector.shape_cast %get3A_1650 : vector<1x16xf32> to vector<16xf32>
        %swap3A_1652 = arith.index_cast %scan3A_1647 : i32 to index
        %swap3A_1653 = arith.constant 0 : index
        %swap3A_1654 = tpu.vector_load %arg8[%swap3A_1652, %swap3A_1653] {strides = array<i32>} : memref<896x16xf32, #tpu.memory_space<vmem>>, vector<1x16xf32>,
        %swap3A_1655 = vector.shape_cast %swap3A_1654 : vector<1x16xf32> to vector<16xf32>
        %swap3A_1656 = vector.shape_cast %get3A_1651 : vector<16xf32> to vector<1x16xf32>
        tpu.vector_store %arg8[%swap3A_1652, %swap3A_1653], %swap3A_1656 {add = true, strides = array<i32>} : memref<896x16xf32, #tpu.memory_space<vmem>>, vector<1x16xf32>,
        %scan3A_1657 = arith.constant 6 : i32
        %scan3A_1658 = arith.addi %scan3A_1594, %scan3A_1657 : i32
        %get3A_1659 = arith.index_cast %scan3A_1658 : i32 to index
        %get3A_1660 = arith.constant 0 : index
        %get3A_1661 = tpu.vector_load %arg6[%get3A_1659, %get3A_1660] {strides = array<i32>} : memref<896x16xf32, #tpu.memory_space<vmem>>, vector<1x16xf32>,
        %get3A_1662 = vector.shape_cast %get3A_1661 : vector<1x16xf32> to vector<16xf32>
        %swap3A_1663 = arith.index_cast %scan3A_1658 : i32 to index
        %swap3A_1664 = arith.constant 0 : index
        %swap3A_1665 = tpu.vector_load %arg8[%swap3A_1663, %swap3A_1664] {strides = array<i32>} : memref<896x16xf32, #tpu.memory_space<vmem>>, vector<1x16xf32>,
        %swap3A_1666 = vector.shape_cast %swap3A_1665 : vector<1x16xf32> to vector<16xf32>
        %swap3A_1667 = vector.shape_cast %get3A_1662 : vector<16xf32> to vector<1x16xf32>
        tpu.vector_store %arg8[%swap3A_1663, %swap3A_1664], %swap3A_1667 {add = true, strides = array<i32>} : memref<896x16xf32, #tpu.memory_space<vmem>>, vector<1x16xf32>,
        %scan3A_1668 = arith.constant 7 : i32
        %scan3A_1669 = arith.addi %scan3A_1594, %scan3A_1668 : i32
        %get3A_1670 = arith.index_cast %scan3A_1669 : i32 to index
        %get3A_1671 = arith.constant 0 : index
        %get3A_1672 = tpu.vector_load %arg6[%get3A_1670, %get3A_1671] {strides = array<i32>} : memref<896x16xf32, #tpu.memory_space<vmem>>, vector<1x16xf32>,
        %get3A_1673 = vector.shape_cast %get3A_1672 : vector<1x16xf32> to vector<16xf32>
        %swap3A_1674 = arith.index_cast %scan3A_1669 : i32 to index
        %swap3A_1675 = arith.constant 0 : index
        %swap3A_1676 = tpu.vector_load %arg8[%swap3A_1674, %swap3A_1675] {strides = array<i32>} : memref<896x16xf32, #tpu.memory_space<vmem>>, vector<1x16xf32>,
        %swap3A_1677 = vector.shape_cast %swap3A_1676 : vector<1x16xf32> to vector<16xf32>
        %swap3A_1678 = vector.shape_cast %get3A_1673 : vector<16xf32> to vector<1x16xf32>
        tpu.vector_store %arg8[%swap3A_1674, %swap3A_1675], %swap3A_1678 {add = true, strides = array<i32>} : memref<896x16xf32, #tpu.memory_space<vmem>>, vector<1x16xf32>,
      }
      %scan3A_1531 = arith.constant 896 : i32
      %dma_wait3A_1532 = arith.constant 0 : i32
      %dma_wait3A_1533 = arith.constant 0 : i32
      %dma_wait3A_1534 = tpu.memref_slice %arg7[%dma_wait3A_1532, %dma_wait3A_1533] : memref<896x16xf32, #tpu.memory_space<vmem>> -> memref<128x16xf32, #tpu.memory_space<vmem>>
      %dma_wait3A_1535 = arith.constant 9856 : i32
      %dma_wait3A_1536 = tpu.memref_slice %arg5[%dma_wait3A_1535] : memref<10752xi32, #tpu.memory_space<vmem>> -> memref<128xi32, #tpu.memory_space<vmem>>
      %dma_wait3A_1537 = arith.constant 0 : i32
      %dma_wait3A_1538 = arith.constant 0 : i32
      %dma_wait3A_1539 = tpu.memref_slice %arg2[%dma_wait3A_1537, %dma_wait3A_1538] : memref<3932160x16xf32, #tpu.memory_space<hbm>> -> memref<3932160x16xf32, #tpu.memory_space<hbm>>
      tpu.wait_indirect_dma semaphore(%arg10 : memref<!tpu.dma_semaphore, #tpu.memory_space<semaphore_mem>>) src(%dma_wait3A_1539 : memref<3932160x16xf32, #tpu.memory_space<hbm>>) dst(%dma_wait3A_1534 : memref<128x16xf32, #tpu.memory_space<vmem>>)
      %dma_wait3A_1540 = arith.constant 128 : i32
      %dma_wait3A_1541 = arith.constant 0 : i32
      %dma_wait3A_1542 = tpu.memref_slice %arg7[%dma_wait3A_1540, %dma_wait3A_1541] : memref<896x16xf32, #tpu.memory_space<vmem>> -> memref<128x16xf32, #tpu.memory_space<vmem>>
      %dma_wait3A_1543 = arith.constant 9984 : i32
      %dma_wait3A_1544 = tpu.memref_slice %arg5[%dma_wait3A_1543] : memref<10752xi32, #tpu.memory_space<vmem>> -> memref<128xi32, #tpu.memory_space<vmem>>
      %dma_wait3A_1545 = arith.constant 0 : i32
      %dma_wait3A_1546 = arith.constant 0 : i32
      %dma_wait3A_1547 = tpu.memref_slice %arg2[%dma_wait3A_1545, %dma_wait3A_1546] : memref<3932160x16xf32, #tpu.memory_space<hbm>> -> memref<3932160x16xf32, #tpu.memory_space<hbm>>
      tpu.wait_indirect_dma semaphore(%arg10 : memref<!tpu.dma_semaphore, #tpu.memory_space<semaphore_mem>>) src(%dma_wait3A_1547 : memref<3932160x16xf32, #tpu.memory_space<hbm>>) dst(%dma_wait3A_1542 : memref<128x16xf32, #tpu.memory_space<vmem>>)
      %dma_wait3A_1548 = arith.constant 256 : i32
      %dma_wait3A_1549 = arith.constant 0 : i32
      %dma_wait3A_1550 = tpu.memref_slice %arg7[%dma_wait3A_1548, %dma_wait3A_1549] : memref<896x16xf32, #tpu.memory_space<vmem>> -> memref<128x16xf32, #tpu.memory_space<vmem>>
      %dma_wait3A_1551 = arith.constant 10112 : i32
      %dma_wait3A_1552 = tpu.memref_slice %arg5[%dma_wait3A_1551] : memref<10752xi32, #tpu.memory_space<vmem>> -> memref<128xi32, #tpu.memory_space<vmem>>
      %dma_wait3A_1553 = arith.constant 0 : i32
      %dma_wait3A_1554 = arith.constant 0 : i32
      %dma_wait3A_1555 = tpu.memref_slice %arg2[%dma_wait3A_1553, %dma_wait3A_1554] : memref<3932160x16xf32, #tpu.memory_space<hbm>> -> memref<3932160x16xf32, #tpu.memory_space<hbm>>
      tpu.wait_indirect_dma semaphore(%arg10 : memref<!tpu.dma_semaphore, #tpu.memory_space<semaphore_mem>>) src(%dma_wait3A_1555 : memref<3932160x16xf32, #tpu.memory_space<hbm>>) dst(%dma_wait3A_1550 : memref<128x16xf32, #tpu.memory_space<vmem>>)
      %dma_wait3A_1556 = arith.constant 384 : i32
      %dma_wait3A_1557 = arith.constant 0 : i32
      %dma_wait3A_1558 = tpu.memref_slice %arg7[%dma_wait3A_1556, %dma_wait3A_1557] : memref<896x16xf32, #tpu.memory_space<vmem>> -> memref<128x16xf32, #tpu.memory_space<vmem>>
      %dma_wait3A_1559 = arith.constant 10240 : i32
      %dma_wait3A_1560 = tpu.memref_slice %arg5[%dma_wait3A_1559] : memref<10752xi32, #tpu.memory_space<vmem>> -> memref<128xi32, #tpu.memory_space<vmem>>
      %dma_wait3A_1561 = arith.constant 0 : i32
      %dma_wait3A_1562 = arith.constant 0 : i32
      %dma_wait3A_1563 = tpu.memref_slice %arg2[%dma_wait3A_1561, %dma_wait3A_1562] : memref<3932160x16xf32, #tpu.memory_space<hbm>> -> memref<3932160x16xf32, #tpu.memory_space<hbm>>
      tpu.wait_indirect_dma semaphore(%arg10 : memref<!tpu.dma_semaphore, #tpu.memory_space<semaphore_mem>>) src(%dma_wait3A_1563 : memref<3932160x16xf32, #tpu.memory_space<hbm>>) dst(%dma_wait3A_1558 : memref<128x16xf32, #tpu.memory_space<vmem>>)
      %dma_wait3A_1564 = arith.constant 512 : i32
      %dma_wait3A_1565 = arith.constant 0 : i32
      %dma_wait3A_1566 = tpu.memref_slice %arg7[%dma_wait3A_1564, %dma_wait3A_1565] : memref<896x16xf32, #tpu.memory_space<vmem>> -> memref<128x16xf32, #tpu.memory_space<vmem>>
      %dma_wait3A_1567 = arith.constant 10368 : i32
      %dma_wait3A_1568 = tpu.memref_slice %arg5[%dma_wait3A_1567] : memref<10752xi32, #tpu.memory_space<vmem>> -> memref<128xi32, #tpu.memory_space<vmem>>
      %dma_wait3A_1569 = arith.constant 0 : i32
      %dma_wait3A_1570 = arith.constant 0 : i32
      %dma_wait3A_1571 = tpu.memref_slice %arg2[%dma_wait3A_1569, %dma_wait3A_1570] : memref<3932160x16xf32, #tpu.memory_space<hbm>> -> memref<3932160x16xf32, #tpu.memory_space<hbm>>
      tpu.wait_indirect_dma semaphore(%arg10 : memref<!tpu.dma_semaphore, #tpu.memory_space<semaphore_mem>>) src(%dma_wait3A_1571 : memref<3932160x16xf32, #tpu.memory_space<hbm>>) dst(%dma_wait3A_1566 : memref<128x16xf32, #tpu.memory_space<vmem>>)
      %dma_wait3A_1572 = arith.constant 640 : i32
      %dma_wait3A_1573 = arith.constant 0 : i32
      %dma_wait3A_1574 = tpu.memref_slice %arg7[%dma_wait3A_1572, %dma_wait3A_1573] : memref<896x16xf32, #tpu.memory_space<vmem>> -> memref<128x16xf32, #tpu.memory_space<vmem>>
      %dma_wait3A_1575 = arith.constant 10496 : i32
      %dma_wait3A_1576 = tpu.memref_slice %arg5[%dma_wait3A_1575] : memref<10752xi32, #tpu.memory_space<vmem>> -> memref<128xi32, #tpu.memory_space<vmem>>
      %dma_wait3A_1577 = arith.constant 0 : i32
      %dma_wait3A_1578 = arith.constant 0 : i32
      %dma_wait3A_1579 = tpu.memref_slice %arg2[%dma_wait3A_1577, %dma_wait3A_1578] : memref<3932160x16xf32, #tpu.memory_space<hbm>> -> memref<3932160x16xf32, #tpu.memory_space<hbm>>
      tpu.wait_indirect_dma semaphore(%arg10 : memref<!tpu.dma_semaphore, #tpu.memory_space<semaphore_mem>>) src(%dma_wait3A_1579 : memref<3932160x16xf32, #tpu.memory_space<hbm>>) dst(%dma_wait3A_1574 : memref<128x16xf32, #tpu.memory_space<vmem>>)
      %dma_wait3A_1580 = arith.constant 768 : i32
      %dma_wait3A_1581 = arith.constant 0 : i32
      %dma_wait3A_1582 = tpu.memref_slice %arg7[%dma_wait3A_1580, %dma_wait3A_1581] : memref<896x16xf32, #tpu.memory_space<vmem>> -> memref<128x16xf32, #tpu.memory_space<vmem>>
      %dma_wait3A_1583 = arith.constant 10624 : i32
      %dma_wait3A_1584 = tpu.memref_slice %arg5[%dma_wait3A_1583] : memref<10752xi32, #tpu.memory_space<vmem>> -> memref<128xi32, #tpu.memory_space<vmem>>
      %dma_wait3A_1585 = arith.constant 0 : i32
      %dma_wait3A_1586 = arith.constant 0 : i32
      %dma_wait3A_1587 = tpu.memref_slice %arg2[%dma_wait3A_1585, %dma_wait3A_1586] : memref<3932160x16xf32, #tpu.memory_space<hbm>> -> memref<3932160x16xf32, #tpu.memory_space<hbm>>
      tpu.wait_indirect_dma semaphore(%arg10 : memref<!tpu.dma_semaphore, #tpu.memory_space<semaphore_mem>>) src(%dma_wait3A_1587 : memref<3932160x16xf32, #tpu.memory_space<hbm>>) dst(%dma_wait3A_1582 : memref<128x16xf32, #tpu.memory_space<vmem>>)
      %scan3A_1588 = arith.constant 0 : i32
      %scan3A_1589 = arith.constant 0 : i32
      %scan3A_1590 = arith.constant 896 : i32
      %scan3A_1591 = arith.addi %scan3A_1589, %scan3A_1590 : i32
      %scan3A_1592 = arith.constant 8 : i32
      scf.for %scan3A_1594 = %scan3A_1589 to %scan3A_1591 step %scan3A_1592  : i32 {
        %get3A = arith.index_cast %scan3A_1594 : i32 to index
        %get3A_1595 = arith.constant 0 : index
        %get3A_1596 = tpu.vector_load %arg7[%get3A, %get3A_1595] {strides = array<i32>} : memref<896x16xf32, #tpu.memory_space<vmem>>, vector<1x16xf32>,
        %get3A_1597 = vector.shape_cast %get3A_1596 : vector<1x16xf32> to vector<16xf32>
        %swap3A = arith.index_cast %scan3A_1594 : i32 to index
        %swap3A_1598 = arith.constant 0 : index
        %swap3A_1599 = tpu.vector_load %arg8[%swap3A, %swap3A_1598] {strides = array<i32>} : memref<896x16xf32, #tpu.memory_space<vmem>>, vector<1x16xf32>,
        %swap3A_1600 = vector.shape_cast %swap3A_1599 : vector<1x16xf32> to vector<16xf32>
        %swap3A_1601 = vector.shape_cast %get3A_1597 : vector<16xf32> to vector<1x16xf32>
        tpu.vector_store %arg8[%swap3A, %swap3A_1598], %swap3A_1601 {add = true, strides = array<i32>} : memref<896x16xf32, #tpu.memory_space<vmem>>, vector<1x16xf32>,
        %scan3A_1602 = arith.constant 1 : i32
        %scan3A_1603 = arith.addi %scan3A_1594, %scan3A_1602 : i32
        %get3A_1604 = arith.index_cast %scan3A_1603 : i32 to index
        %get3A_1605 = arith.constant 0 : index
        %get3A_1606 = tpu.vector_load %arg7[%get3A_1604, %get3A_1605] {strides = array<i32>} : memref<896x16xf32, #tpu.memory_space<vmem>>, vector<1x16xf32>,
        %get3A_1607 = vector.shape_cast %get3A_1606 : vector<1x16xf32> to vector<16xf32>
        %swap3A_1608 = arith.index_cast %scan3A_1603 : i32 to index
        %swap3A_1609 = arith.constant 0 : index
        %swap3A_1610 = tpu.vector_load %arg8[%swap3A_1608, %swap3A_1609] {strides = array<i32>} : memref<896x16xf32, #tpu.memory_space<vmem>>, vector<1x16xf32>,
        %swap3A_1611 = vector.shape_cast %swap3A_1610 : vector<1x16xf32> to vector<16xf32>
        %swap3A_1612 = vector.shape_cast %get3A_1607 : vector<16xf32> to vector<1x16xf32>
        tpu.vector_store %arg8[%swap3A_1608, %swap3A_1609], %swap3A_1612 {add = true, strides = array<i32>} : memref<896x16xf32, #tpu.memory_space<vmem>>, vector<1x16xf32>,
        %scan3A_1613 = arith.constant 2 : i32
        %scan3A_1614 = arith.addi %scan3A_1594, %scan3A_1613 : i32
        %get3A_1615 = arith.index_cast %scan3A_1614 : i32 to index
        %get3A_1616 = arith.constant 0 : index
        %get3A_1617 = tpu.vector_load %arg7[%get3A_1615, %get3A_1616] {strides = array<i32>} : memref<896x16xf32, #tpu.memory_space<vmem>>, vector<1x16xf32>,
        %get3A_1618 = vector.shape_cast %get3A_1617 : vector<1x16xf32> to vector<16xf32>
        %swap3A_1619 = arith.index_cast %scan3A_1614 : i32 to index
        %swap3A_1620 = arith.constant 0 : index
        %swap3A_1621 = tpu.vector_load %arg8[%swap3A_1619, %swap3A_1620] {strides = array<i32>} : memref<896x16xf32, #tpu.memory_space<vmem>>, vector<1x16xf32>,
        %swap3A_1622 = vector.shape_cast %swap3A_1621 : vector<1x16xf32> to vector<16xf32>
        %swap3A_1623 = vector.shape_cast %get3A_1618 : vector<16xf32> to vector<1x16xf32>
        tpu.vector_store %arg8[%swap3A_1619, %swap3A_1620], %swap3A_1623 {add = true, strides = array<i32>} : memref<896x16xf32, #tpu.memory_space<vmem>>, vector<1x16xf32>,
        %scan3A_1624 = arith.constant 3 : i32
        %scan3A_1625 = arith.addi %scan3A_1594, %scan3A_1624 : i32
        %get3A_1626 = arith.index_cast %scan3A_1625 : i32 to index
        %get3A_1627 = arith.constant 0 : index
        %get3A_1628 = tpu.vector_load %arg7[%get3A_1626, %get3A_1627] {strides = array<i32>} : memref<896x16xf32, #tpu.memory_space<vmem>>, vector<1x16xf32>,
        %get3A_1629 = vector.shape_cast %get3A_1628 : vector<1x16xf32> to vector<16xf32>
        %swap3A_1630 = arith.index_cast %scan3A_1625 : i32 to index
        %swap3A_1631 = arith.constant 0 : index
        %swap3A_1632 = tpu.vector_load %arg8[%swap3A_1630, %swap3A_1631] {strides = array<i32>} : memref<896x16xf32, #tpu.memory_space<vmem>>, vector<1x16xf32>,
        %swap3A_1633 = vector.shape_cast %swap3A_1632 : vector<1x16xf32> to vector<16xf32>
        %swap3A_1634 = vector.shape_cast %get3A_1629 : vector<16xf32> to vector<1x16xf32>
        tpu.vector_store %arg8[%swap3A_1630, %swap3A_1631], %swap3A_1634 {add = true, strides = array<i32>} : memref<896x16xf32, #tpu.memory_space<vmem>>, vector<1x16xf32>,
        %scan3A_1635 = arith.constant 4 : i32
        %scan3A_1636 = arith.addi %scan3A_1594, %scan3A_1635 : i32
        %get3A_1637 = arith.index_cast %scan3A_1636 : i32 to index
        %get3A_1638 = arith.constant 0 : index
        %get3A_1639 = tpu.vector_load %arg7[%get3A_1637, %get3A_1638] {strides = array<i32>} : memref<896x16xf32, #tpu.memory_space<vmem>>, vector<1x16xf32>,
        %get3A_1640 = vector.shape_cast %get3A_1639 : vector<1x16xf32> to vector<16xf32>
        %swap3A_1641 = arith.index_cast %scan3A_1636 : i32 to index
        %swap3A_1642 = arith.constant 0 : index
        %swap3A_1643 = tpu.vector_load %arg8[%swap3A_1641, %swap3A_1642] {strides = array<i32>} : memref<896x16xf32, #tpu.memory_space<vmem>>, vector<1x16xf32>,
        %swap3A_1644 = vector.shape_cast %swap3A_1643 : vector<1x16xf32> to vector<16xf32>
        %swap3A_1645 = vector.shape_cast %get3A_1640 : vector<16xf32> to vector<1x16xf32>
        tpu.vector_store %arg8[%swap3A_1641, %swap3A_1642], %swap3A_1645 {add = true, strides = array<i32>} : memref<896x16xf32, #tpu.memory_space<vmem>>, vector<1x16xf32>,
        %scan3A_1646 = arith.constant 5 : i32
        %scan3A_1647 = arith.addi %scan3A_1594, %scan3A_1646 : i32
        %get3A_1648 = arith.index_cast %scan3A_1647 : i32 to index
        %get3A_1649 = arith.constant 0 : index
        %get3A_1650 = tpu.vector_load %arg7[%get3A_1648, %get3A_1649] {strides = array<i32>} : memref<896x16xf32, #tpu.memory_space<vmem>>, vector<1x16xf32>,
        %get3A_1651 = vector.shape_cast %get3A_1650 : vector<1x16xf32> to vector<16xf32>
        %swap3A_1652 = arith.index_cast %scan3A_1647 : i32 to index
        %swap3A_1653 = arith.constant 0 : index
        %swap3A_1654 = tpu.vector_load %arg8[%swap3A_1652, %swap3A_1653] {strides = array<i32>} : memref<896x16xf32, #tpu.memory_space<vmem>>, vector<1x16xf32>,
        %swap3A_1655 = vector.shape_cast %swap3A_1654 : vector<1x16xf32> to vector<16xf32>
        %swap3A_1656 = vector.shape_cast %get3A_1651 : vector<16xf32> to vector<1x16xf32>
        tpu.vector_store %arg8[%swap3A_1652, %swap3A_1653], %swap3A_1656 {add = true, strides = array<i32>} : memref<896x16xf32, #tpu.memory_space<vmem>>, vector<1x16xf32>,
        %scan3A_1657 = arith.constant 6 : i32
        %scan3A_1658 = arith.addi %scan3A_1594, %scan3A_1657 : i32
        %get3A_1659 = arith.index_cast %scan3A_1658 : i32 to index
        %get3A_1660 = arith.constant 0 : index
        %get3A_1661 = tpu.vector_load %arg7[%get3A_1659, %get3A_1660] {strides = array<i32>} : memref<896x16xf32, #tpu.memory_space<vmem>>, vector<1x16xf32>,
        %get3A_1662 = vector.shape_cast %get3A_1661 : vector<1x16xf32> to vector<16xf32>
        %swap3A_1663 = arith.index_cast %scan3A_1658 : i32 to index
        %swap3A_1664 = arith.constant 0 : index
        %swap3A_1665 = tpu.vector_load %arg8[%swap3A_1663, %swap3A_1664] {strides = array<i32>} : memref<896x16xf32, #tpu.memory_space<vmem>>, vector<1x16xf32>,
        %swap3A_1666 = vector.shape_cast %swap3A_1665 : vector<1x16xf32> to vector<16xf32>
        %swap3A_1667 = vector.shape_cast %get3A_1662 : vector<16xf32> to vector<1x16xf32>
        tpu.vector_store %arg8[%swap3A_1663, %swap3A_1664], %swap3A_1667 {add = true, strides = array<i32>} : memref<896x16xf32, #tpu.memory_space<vmem>>, vector<1x16xf32>,
        %scan3A_1668 = arith.constant 7 : i32
        %scan3A_1669 = arith.addi %scan3A_1594, %scan3A_1668 : i32
        %get3A_1670 = arith.index_cast %scan3A_1669 : i32 to index
        %get3A_1671 = arith.constant 0 : index
        %get3A_1672 = tpu.vector_load %arg7[%get3A_1670, %get3A_1671] {strides = array<i32>} : memref<896x16xf32, #tpu.memory_space<vmem>>, vector<1x16xf32>,
        %get3A_1673 = vector.shape_cast %get3A_1672 : vector<1x16xf32> to vector<16xf32>
        %swap3A_1674 = arith.index_cast %scan3A_1669 : i32 to index
        %swap3A_1675 = arith.constant 0 : index
        %swap3A_1676 = tpu.vector_load %arg8[%swap3A_1674, %swap3A_1675] {strides = array<i32>} : memref<896x16xf32, #tpu.memory_space<vmem>>, vector<1x16xf32>,
        %swap3A_1677 = vector.shape_cast %swap3A_1676 : vector<1x16xf32> to vector<16xf32>
        %swap3A_1678 = vector.shape_cast %get3A_1673 : vector<16xf32> to vector<1x16xf32>
        tpu.vector_store %arg8[%swap3A_1674, %swap3A_1675], %swap3A_1678 {add = true, strides = array<i32>} : memref<896x16xf32, #tpu.memory_space<vmem>>, vector<1x16xf32>,
      }
      %scan3A_1593 = arith.constant 896 : i32
      "tpu.region"() ({
        %run_scoped3A = tpu.sem_alloc : memref<!tpu.dma_semaphore, #tpu.memory_space<semaphore_mem>>
        %dma_start3A_1594 = arith.constant 0 : i32
        %dma_start3A_1595 = tpu.memref_slice %arg4[%add3A_11, %dma_start3A_1594] : memref<143360x16xf32, #tpu.memory_space<hbm>> -> memref<896x16xf32, #tpu.memory_space<hbm>>
        %dma_start3A_1596 = arith.constant 0 : i32
        %dma_start3A_1597 = tpu.memref_slice %arg4[%add3A_11, %dma_start3A_1596] : memref<143360x16xf32, #tpu.memory_space<hbm>> -> memref<896x16xf32, #tpu.memory_space<hbm>>
        tpu.enqueue_dma source(%arg8 : memref<896x16xf32, #tpu.memory_space<vmem>>) target(%dma_start3A_1597 : memref<896x16xf32, #tpu.memory_space<hbm>>) target_semaphore(%run_scoped3A : memref<!tpu.dma_semaphore, #tpu.memory_space<semaphore_mem>>)
        %dma_wait3A_1598 = arith.constant 0 : i32
        %dma_wait3A_1599 = tpu.memref_slice %arg4[%add3A_11, %dma_wait3A_1598] : memref<143360x16xf32, #tpu.memory_space<hbm>> -> memref<896x16xf32, #tpu.memory_space<hbm>>
        %dma_wait3A_1600 = arith.constant 0 : i32
        %dma_wait3A_1601 = tpu.memref_slice %arg4[%add3A_11, %dma_wait3A_1600] : memref<143360x16xf32, #tpu.memory_space<hbm>> -> memref<896x16xf32, #tpu.memory_space<hbm>>
        tpu.wait_dma2 semaphore(%run_scoped3A : memref<!tpu.dma_semaphore, #tpu.memory_space<semaphore_mem>>) src(%arg8 : memref<896x16xf32, #tpu.memory_space<vmem>>) dst(%dma_wait3A_1601 : memref<896x16xf32, #tpu.memory_space<hbm>>)
        tpu.yield
      }) : () -> ()
    }
    %scan3A_5 = arith.constant 5 : i32
    return
  }
}

</mosaic_0001>

<sc_bundles>
// kernel: kernel.3.cloned.1.call-start
scs
__scs_entry_jumppad:
0x0: {  	(pc) =	sbr.rel $0x88, $3  }
0x1: {  	(tag) =	ssettag $0x0;
	lr =	simm.s32 $0x1  }
0x2: {  	[smem:$0x3F9E] =	sst lr;
	_ =	strace $0xD0000000  }
0x3: {  	_ = 	snop  }
0x4: {  	_ = 	snop  }
0x5: {  	_ = 	snop  }
0x6: {  	_ = 	snop  }
0x7: {  	_ = 	snop  }
__scs_overlays_trampoline_lowered:
0x8: {  	[smem:$0x3FAD] =	sst s0  }
0x9: {  	[smem:$0x3FAE] =	sst s1  }
0xa: {  	[smem:$0x3FAF] =	sst s2  }
0xb: {  	[smem:$0x3FB0] =	sst s3  }
0xc: {  	[smem:$0x3FB1] =	sst s4  }
0xd: {  	[smem:$0x3FB2] =	sst s5  }
0xe: {  	[smem:$0x3FB3] =	sst s6  }
0xf: {  	[smem:$0x3FB4] =	sst s7  }
0x10: {  	[smem:$0x3FB5] =	sst s8  }
0x11: {  	[smem:$0x3FB6] =	sst s9;
	s0 =	simm.s32 @!p0 $0x0  }
0x12: {  	s1 =	sld [smem:$0x3F9C];
	s0 =	simm.s32 @p0 $0x1  }
0x13: {  	[smem:$0x3FB7] =	sst s0;
	s0 =	simm.s32 @!p1 $0x0  }
0x14: {  	s2 =	sld [smem:$0x3F9B];
	s0 =	simm.s32 @p1 $0x1  }
0x15: {  	[smem:$0x3FB8] =	sst s0;
	s0 =	simm.s32 @!p2 $0x0  }
0x16: {  	s3 =	sld [smem:$0x3FDB];
	s0 =	simm.s32 @p2 $0x1  }
0x17: {  	s4 =	simm.s32 $0x1BF5;
	[smem:$0x3FBA] =	sst s0  }
0x18: {  	s0 =	sld [smem:$0x3F9D];
	_ =	swait.ge [sflag:s4], $0x0  }
0x19: {  	s7 =	sld [smem:$0x3F9E]  }
0x1a: {  	s8 =	sadd.s32 $0xFFFFE003, lr  }
0x1b: {  	s9 =	sadd.s32 $0xFFFFFEF7, lr;
	s5 =	simm.s32 $0xFFFFFFFF;
	p2 =	slt.u32 s8, $0xFFFFF086  }
0x1c: {  	p1 =	slt.u32 s9, $0xF7A;
	s5 =	simm.s32 @!p2 $0x0  }
0x1d: {  	s5 =	simm.s32 @p1 $0x1;
	p0 =	seq.s32 s7, s2  }
0x1e: {  	s7 =	smul.u32 @!p0 $0xF7A, s2;
	p2 =	seq.s32 @!p0 s5, $0x0  }
0x1f: {  	s9 =	smul.u32 $0xF7A, s1;
	s8 =	simm.s32 @!p0 $0x1BF5;
	p2 =	por !p2, p0  }
0x20: {  	[sflag:s8] =	ssyncset.s32 @!p0 $0xFFFFF086;
	s6 =	sadd.s32 @!p0 s3, s7;
	s7 =	simm.s32 @!p0 $0x108  }
0x21: {  	s3 =	sadd.s32 s3, s9;
	s6 =	sadd.s32 @!p0 $0x88, s6;
	s7 =	simm.s32 @p2 $0x1082  }
0x22: {  	[simem:s7], [sflag:s8] =	dma.local @!p0 [hbm:s6], $0xF7A  }
0x23: {  	s9 =	sor.u32 $0xD0000000, s2;
	s6 =	simm.s32 $0x108;
	_ =	swait.ge @!p0 [sflag:s8], $0x0  }
0x24: {  	s3 =	sadd.s32 $0x88, s3;
	s6 =	simm.s32 @!p1 $0x1082;
	[sflag:s4] =	ssyncset.s32 $0xFFFFF086  }
0x25: {  	[simem:s6], [sflag:s4] =	dma.local [hbm:s3], $0xF7A  }
0x26: {  	[smem:$0x3F9E] =	sst s1;
	(tag) =	ssettag s2;
	_ =	strace s9  }
0x27: {  	s1 =	sld [smem:$0x3FAE]  }
0x28: {  	s2 =	sld [smem:$0x3FAF]  }
0x29: {  	s4 =	sld [smem:$0x3FB1]  }
0x2a: {  	p0 =	seq.s32 s5, $0x0;
	s5 =	sld [smem:$0x3FB2]  }
0x2b: {  	s6 =	sld [smem:$0x3FB3]  }
0x2c: {  	s7 =	sld [smem:$0x3FB4]  }
0x2d: {  	s3 =	simm.s32 $0x108;
	s8 =	sld [smem:$0x3FB5]  }
0x2e: {  	s3 =	simm.s32 @!p0 $0x1082;
	s9 =	sld [smem:$0x3FB6]  }
0x2f: {  	lr =	sadd.s32 s0, s3;
	s0 =	sld [smem:$0x3FAD]  }
0x30: {  	s3 =	sld [smem:$0x3FB0]  }
0x31: {  	[smem:$0x3FB9] =	sst s10  }
0x32: {  	s10 =	sld [smem:$0x3FB7];
	_ =	sdelay $0x3  }
0x33: {  	p0 =	seq.s32 s10, $0x1;
	s10 =	sld [smem:$0x3FB9];
	_ =	sdelay $0x3  }
0x34: {  	[smem:$0x3FB9] =	sst s10  }
0x35: {  	s10 =	sld [smem:$0x3FB8];
	_ =	sdelay $0x3  }
0x36: {  	p1 =	seq.s32 s10, $0x1;
	s10 =	sld [smem:$0x3FB9];
	_ =	sdelay $0x3  }
0x37: {  	[smem:$0x3FB9] =	sst s10  }
0x38: {  	s10 =	sld [smem:$0x3FBA]  }
0x39: {  	_ = 	snop;
	(pc) =	sbr.ind lr, $3  }
0x3a: {  	_ = 	snop  }
0x3b: {  	_ = 	snop  }
0x3c: {  	p2 =	seq.s32 s10, $0x1;
	s10 =	sld [smem:$0x3FB9]  }
0x3d: {  	_ =	shalt  }
0x3e: {  	_ =	shalt  }
0x3f: {  	_ =	shalt  }
0x40: {  	_ =	shalt  }
0x41: {  	_ =	shalt  }
0x42: {  	_ =	shalt  }
0x43: {  	_ =	shalt  }
0x44: {  	_ =	shalt  }
0x45: {  	_ =	shalt  }
0x46: {  	_ =	shalt  }
0x47: {  	_ =	shalt  }
0x48: {  	_ =	shalt  }
0x49: {  	_ =	shalt  }
0x4a: {  	_ =	shalt  }
0x4b: {  	_ =	shalt  }
0x4c: {  	_ =	shalt  }
0x4d: {  	_ =	shalt  }
0x4e: {  	_ =	shalt  }
0x4f: {  	_ =	shalt  }
0x50: {  	_ =	shalt  }
0x51: {  	_ =	shalt  }
0x52: {  	_ =	shalt  }
0x53: {  	_ =	shalt  }
0x54: {  	_ =	shalt  }
0x55: {  	_ =	shalt  }
0x56: {  	_ =	shalt  }
0x57: {  	_ =	shalt  }
0x58: {  	_ =	shalt  }
0x59: {  	_ =	shalt  }
0x5a: {  	_ =	shalt  }
0x5b: {  	_ =	shalt  }
0x5c: {  	_ =	shalt  }
0x5d: {  	_ =	shalt  }
0x5e: {  	_ =	shalt  }
0x5f: {  	_ =	shalt  }
0x60: {  	_ =	shalt  }
0x61: {  	_ =	shalt  }
0x62: {  	_ =	shalt  }
0x63: {  	_ =	shalt  }
0x64: {  	_ =	shalt  }
0x65: {  	_ =	shalt  }
0x66: {  	_ =	shalt  }
0x67: {  	_ =	shalt  }
0x68: {  	_ =	shalt  }
0x69: {  	_ =	shalt  }
0x6a: {  	_ =	shalt  }
0x6b: {  	_ =	shalt  }
0x6c: {  	_ =	shalt  }
0x6d: {  	_ =	shalt  }
0x6e: {  	_ =	shalt  }
0x6f: {  	_ =	shalt  }
0x70: {  	_ =	shalt  }
0x71: {  	_ =	shalt  }
0x72: {  	_ =	shalt  }
0x73: {  	_ =	shalt  }
0x74: {  	_ =	shalt  }
0x75: {  	_ =	shalt  }
0x76: {  	_ =	shalt  }
0x77: {  	_ =	shalt  }
0x78: {  	_ =	shalt  }
0x79: {  	_ =	shalt  }
0x7a: {  	_ =	shalt  }
0x7b: {  	_ =	shalt  }
0x7c: {  	_ =	shalt  }
0x7d: {  	_ =	shalt  }
0x7e: {  	_ =	shalt  }
0x7f: {  	_ =	shalt  }
0x80: {  	_ =	shalt  }
0x81: {  	_ =	shalt  }
0x82: {  	_ =	shalt  }
0x83: {  	_ =	shalt  }
0x84: {  	_ =	shalt  }
0x85: {  	_ =	shalt  }
0x86: {  	_ =	shalt  }
0x87: {  	_ =	shalt  }
.Lfunc_end0:
.L_simem_size_0:
called_computation.1_lowered:
.L_overlay_start_0:
0x88: {  	s2 =	sld [smem:$0x3FD9]  }
0x89: {  	s3 =	sld [smem:$0x3FFE];
	_ =	sdelay $0x1  }
0x8a: {  	s1 =	srdreg.scid  }
0x8b: {  	s0 =	sand.u32 $0x1, s1  }
0x8c: {  	s17 =	sshll.u32 s0, $0xA;
	s2 =	sadd.s32 s3, s2  }
0x8d: {  	s2 =	sadd.s32 s2, s17  }
0x8e: {  	[smem:$0x3FC5] =	sst s2  }
0x8f: {  	_ = 	snop  }
0x90: {  	s2 =	sld [smem:$0x3FD0];
	(tm) =	ssettm $0x1  }
0x91: {  	s18 =	sld [smem:$0x3FFB];
	_ =	sdelay $0x3  }
0x92: {  	_ =	strace s18  }
0x93: {  	s3 =	sld [smem:$0x3FFC];
	_ =	sdelay $0x3  }
0x94: {  	_ =	strace s3  }
0x95: {  	s3 =	sld [smem:$0x3FFD];
	_ =	sdelay $0x3  }
0x96: {  	_ =	strace s3  }
0x97: {  	_ =	strace $0x8FFFFFFF  }
0x98: {  	s19 =	sld [smem:$0x3FDB];
	_ =	sdelay $0x1  }
0x99: {  	s4 =	simm.s32 $_scs_section_size  }
0x9a: {  	s5 =	simm.s32 $_size__tile_overlayer_lowered;
	s6 =	simm.s32 $_tile_overlayer_lowered  }
0x9b: {  	s22 =	simm.s32 $0x1BFF;
	s21 =	sshll.u32 s6, $0x1;
	s3 =	sadd.s32 s4, s19  }
0x9c: {  	s7 =	simm.s32 $0x0;
	s20 =	sshll.u32 s5, $0x1;
	s5 =	sadd.s32 s21, s3  }
0x9d: {  	[timem:s7], [sflag:s22] =	dma.local [hbm:s5], s20  }
0x9e: {  	_ =	swait.ge [sflag:s22], s20  }
0x9f: {  	s4 =	ssub.s32 $0x0, s20;
	[sflag:s22] =	ssyncset.done $0x0  }
0xa0: {  	[sflag:s22] =	ssyncadd.s32 s4;
	_ =	sdelay $0x1  }
0xa1: {  	s23 =	simm.s32 $0x1B8B  }
0xa2: {  	_ =	swait.ge [sflag:s23], $0x1  }
0xa3: {  	[sflag:s23] =	ssyncset.done $0x0  }
0xa4: {  	s25 =	simm.s32 $0x1B8E;
	s24 =	sld [smem:$0x3FFE];
	[sflag:s23] =	ssyncadd.s32 $0xFFFFFFFF  }
0xa5: {  	s26 =	simm.s32 $execute0_lowered;
	[smem:$0x3FD2] =	sst s25  }
0xa6: {  	s5 =	sshll.u32 s26, $0x1;
	_ =	strace $0x80000049;
	[dreg:$0x1] =	wrdreg $0xFFFFFFFF  }
0xa7: {  	s28 =	simm.s32 $_size_execute0_lowered;
	s3 =	sadd.s32 s3, s5;
	[dreg:$0x0] =	wrdreg $0x0  }
0xa8: {  	s5 =	sshll.u32 s28, $0x1;
	[dreg:$0x2] =	wrdreg s3  }
0xa9: {  	[dreg:$0x3] =	wrdreg s5  }
0xaa: {  	[dreg:$0x4] =	wrdreg $0xC0  }
0xab: {  	_ =	task [dreg:s7], $0x5FFFF  }
0xac: {  	[dreg:$0x1] =	wrdreg $0xFFFFFFFF  }
0xad: {  	[dreg:$0x0] =	wrdreg $0x60  }
0xae: {  	[dreg:$0x2] =	wrdreg s24  }
0xaf: {  	[dreg:$0x3] =	wrdreg s2  }
0xb0: {  	[dreg:$0x4] =	wrdreg $0x9  }
0xb1: {  	_ =	task.clear_ibuf [dreg:s7], $0x5FFFF;
	_ =	strace $0x90000049  }
0xb2: {  	s29 =	simm.s32 $0x9;
	_ =	strace $0x8000004B  }
0xb3: {  	_ =	swait.ge [sflag:s29], $0x1  }
0xb4: {  	[sflag:s29] =	ssyncadd.s32 $0xFFFFFFFF  }
0xb5: {  	_ =	strace $0x9000004B  }
0xb6: {  	_ =	sfence  }
0xb7: {  	s30 =	sld [smem:$0x0];
	_ =	sdelay $0x2  }
0xb8: {  	s31 =	sshll.u32 s1, $0xD;
	s1 =	sshrl.u32 s1, $0x2  }
0xb9: {  	s3 =	sand.u32 $0x4000, s31;
	s1 =	sadd.s32 s1, s30  }
0xba: {  	s0 =	sor.u32 s3, s0;
	s1 =	sshll.u32 s1, $0x11  }
0xbb: {  	s0 =	sor.u32 s1, s0  }
0xbc: {  	s0 =	sadd.s32 $0x8F2B, s0  }
0xbd: {  	[sflag:s0] =	ssyncadd.remote.s32 $0x1  }
0xbe: {  	_ =	sfence.sel $0xFFFF  }
0xbf: {  	[dreg:$0x0] =	wrdreg $0xFFFFFFFF;
	(pc) =	sbr.abs _section_cstart, $3  }
0xc0: {  	[dreg:$0x1] =	wrdreg $0xFFFFFFFF  }
0xc1: {  	_ =	task.clear_ibuf [dreg:s7], $0x2FFFF;
	_ =	strace $0x9FFFFFFF  }
0xc2: {  	(tm) =	ssettm $0x7FFFFFFF  }
0xc3: {  	_ =	shalt  }
tec
execute0_lowered:
.L_overlay_start_1:
0x0: {  	(tag) =	ssettag $0x1  }
0x1: {  	s0 =	rddreg [dreg:$0x0]  }
0x2: {  	s1 =	srdreg.scid;
	s3 =	simm.s32 $0x0;
	s4 =	stileid.u32  }
0x3: {  	s14 =	simm.s32 $0x1880;
	s15 =	simm.s32 $0x1C00;
	s16 =	simm.s32 $0x1F80  }
0x4: {  	s17 =	simm.s32 $0x2300;
	s18 =	simm.s32 $0x2680;
	s19 =	simm.s32 $0x1  }
0x5: {  	s20 =	simm.s32 $0x80;
	s21 =	simm.s32 $0x2A00;
	s22 =	simm.s32 $0x3200  }
0x6: {  	s24 =	simm.s32 $0x3A00;
	s29 =	simm.s32 $0x4A00;
	s31 =	simm.s32 $0x5200  }
0x7: {  	s7 =	simm.s32 $0x6200;
	s23 =	simm.s32 $0x6A00;
	s28 =	simm.s32 $0x7200  }
0x8: {  	s30 =	simm.s32 $0x9200;
	s9 =	simm.s32 $0x0;
	s1 =	sand.u32 $0x1, s1  }
0x9: {  	[smem:$0x7FF] =	sst s3;
	s6 =	sshll.u32 s4, $0x1;
	s4 =	sadd.s32 $0xE00, s0  }
0xa: {  	s0 =	sadd.s32 $0x3C00E00, s0;
	s2 =	ssub.s32 $0x2, s1;
	_ =	strace $0x8000004A  }
0xb: {  	s1 =	sor.u32 s1, s6;
	[dreg:$0x3] =	wrdreg s0;
	s0 =	simm.s32 $0x7A00  }
0xc: {  	s6 =	simm.s32 $0x3;
	s5 =	sshrl.u32 s2, $0x1;
	s25 =	smul.u32 $0x1180, s1  }
0xd: {  	s1 =	simm.s32 $0x8A00;
	s2 =	ssub.s32 s2, s5;
	s5 =	simm.s32 $0x2  }
0xe: {  	[dreg:$0x4] =	wrdreg s25;
	s26 =	smax.u32 s2, $0x1;
	s2 =	simm.s32 $0x5A00  }
0xf: {  	s25 =	simm.s32 $0x8200;
	[dreg:$0x5] =	wrdreg s26;
	s26 =	simm.s32 $0x4200  }
.LBB2_1:
0x10: {  	[dreg:$0x6] =	wrdreg s9;
	s8 =	simm.s32 $0x0  }
.LBB2_2:
0x11: {  	s9 =	smul.u32 $0x380, s8  }
0x12: {  	s10 =	rddreg [dreg:$0x4]  }
0x13: {  	s9 =	sadd.s32 s10, s9  }
0x14: {  	s11 =	rddreg [dreg:$0x3];
	s10 =	sshrl.u32 s9, $0x3  }
0x15: {  	s10 =	sadd.s32 s11, s10  }
0x16: {  	[tilespmem:s3], [sflag:$0x1] =	stream.linear.gather [hbm4b:s10+s3], $0x380, $0x38;
	[tilespmem:$0xD200] =	vst v63  }
0x17: {  	s12 =	simm.s32 $0x380;
	s11 =	sadd.s32 $0x4600, s10  }
0x18: {  	[tilespmem:s12], [sflag:$0x1] =	stream.linear.gather [hbm4b:s11+s3], $0x380, $0x38;
	[tilespmem:$0xD200] =	vst v63  }
0x19: {  	s13 =	simm.s32 $0x700;
	s11 =	sadd.s32 $0x8C00, s10  }
0x1a: {  	[tilespmem:s13], [sflag:$0x1] =	stream.linear.gather [hbm4b:s11+s3], $0x380, $0x38;
	[tilespmem:$0xD200] =	vst v63  }
0x1b: {  	s11 =	sadd.s32 $0xD200, s10;
	s13 =	simm.s32 $0xA80  }
0x1c: {  	[tilespmem:s13], [sflag:$0x1] =	stream.linear.gather [hbm4b:s11+s3], $0x380, $0x38;
	[tilespmem:$0xD200] =	vst v63  }
0x1d: {  	s11 =	sadd.s32 $0x11800, s10;
	s13 =	simm.s32 $0xE00  }
0x1e: {  	[tilespmem:s13], [sflag:$0x1] =	stream.linear.gather [hbm4b:s11+s3], $0x380, $0x38;
	[tilespmem:$0xD200] =	vst v63  }
0x1f: {  	s11 =	sadd.s32 $0x15E00, s10;
	s13 =	simm.s32 $0x1180  }
0x20: {  	[tilespmem:s13], [sflag:$0x1] =	stream.linear.gather [hbm4b:s11+s3], $0x380, $0x38;
	[tilespmem:$0xD200] =	vst v63  }
0x21: {  	s11 =	sadd.s32 $0x1A400, s10;
	s13 =	simm.s32 $0x1500  }
0x22: {  	[tilespmem:s13], [sflag:$0x1] =	stream.linear.gather [hbm4b:s11+s3], $0x380, $0x38;
	[tilespmem:$0xD200] =	vst v63  }
0x23: {  	s13 =	sadd.s32 $0x1EA00, s10  }
0x24: {  	[tilespmem:s14], [sflag:$0x1] =	stream.linear.gather [hbm4b:s13+s3], $0x380, $0x38;
	[tilespmem:$0xD200] =	vst v63  }
0x25: {  	s13 =	sadd.s32 $0x23000, s10  }
0x26: {  	[tilespmem:s15], [sflag:$0x1] =	stream.linear.gather [hbm4b:s13+s3], $0x380, $0x38;
	[tilespmem:$0xD200] =	vst v63  }
0x27: {  	s13 =	sadd.s32 $0x27600, s10  }
0x28: {  	[tilespmem:s16], [sflag:$0x1] =	stream.linear.gather [hbm4b:s13+s3], $0x380, $0x38;
	[tilespmem:$0xD200] =	vst v63  }
0x29: {  	s13 =	sadd.s32 $0x2BC00, s10  }
0x2a: {  	[tilespmem:s17], [sflag:$0x1] =	stream.linear.gather [hbm4b:s13+s3], $0x380, $0x38;
	[tilespmem:$0xD200] =	vst v63  }
0x2b: {  	s10 =	sadd.s32 $0x30200, s10  }
0x2c: {  	[tilespmem:s18], [sflag:$0x1] =	stream.linear.gather [hbm4b:s10+s3], $0x380, $0x38;
	[tilespmem:$0xD200] =	vst v63  }
0x2d: {  	_ =	swait.ge [sflag:s19], $0x380  }
0x2e: {  	[sflag:s19] =	ssyncset.done $0x0  }
0x2f: {  	[sflag:s19] =	ssyncadd.s32 $0xFFFFFC80  }
0x30: {  	_ =	swait.ge [sflag:s19], $0x380  }
0x31: {  	[sflag:s19] =	ssyncset.done $0x0  }
0x32: {  	[sflag:s19] =	ssyncadd.s32 $0xFFFFFC80  }
0x33: {  	_ =	swait.ge [sflag:s19], $0x380  }
0x34: {  	[sflag:s19] =	ssyncset.done $0x0  }
0x35: {  	[sflag:s19] =	ssyncadd.s32 $0xFFFFFC80  }
0x36: {  	_ =	swait.ge [sflag:s19], $0x380  }
0x37: {  	[sflag:s19] =	ssyncset.done $0x0  }
0x38: {  	[sflag:s19] =	ssyncadd.s32 $0xFFFFFC80  }
0x39: {  	_ =	swait.ge [sflag:s19], $0x380  }
0x3a: {  	[sflag:s19] =	ssyncset.done $0x0  }
0x3b: {  	[sflag:s19] =	ssyncadd.s32 $0xFFFFFC80  }
0x3c: {  	_ =	swait.ge [sflag:s19], $0x380  }
0x3d: {  	[sflag:s19] =	ssyncset.done $0x0  }
0x3e: {  	[sflag:s19] =	ssyncadd.s32 $0xFFFFFC80  }
0x3f: {  	_ =	swait.ge [sflag:s19], $0x380  }
0x40: {  	[sflag:s19] =	ssyncset.done $0x0  }
0x41: {  	[sflag:s19] =	ssyncadd.s32 $0xFFFFFC80  }
0x42: {  	_ =	swait.ge [sflag:s19], $0x380  }
0x43: {  	[sflag:s19] =	ssyncset.done $0x0  }
0x44: {  	[sflag:s19] =	ssyncadd.s32 $0xFFFFFC80  }
0x45: {  	_ =	swait.ge [sflag:s19], $0x380  }
0x46: {  	[sflag:s19] =	ssyncset.done $0x0  }
0x47: {  	[sflag:s19] =	ssyncadd.s32 $0xFFFFFC80  }
0x48: {  	_ =	swait.ge [sflag:s19], $0x380  }
0x49: {  	[sflag:s19] =	ssyncset.done $0x0  }
0x4a: {  	[sflag:s19] =	ssyncadd.s32 $0xFFFFFC80  }
0x4b: {  	_ =	swait.ge [sflag:s19], $0x380  }
0x4c: {  	[sflag:s19] =	ssyncset.done $0x0  }
0x4d: {  	[sflag:s19] =	ssyncadd.s32 $0xFFFFFC80  }
0x4e: {  	_ =	swait.ge [sflag:s19], $0x380  }
0x4f: {  	[sflag:s19] =	ssyncset.done $0x0  }
0x50: {  	[sflag:s19] =	ssyncadd.s32 $0xFFFFFC80  }
0x51: {  	[tilespmem:s21], [sflag:$0x1] =	stream.indirect.gather [hbm4b:s4+s20], $0x10, s3, s20, $0xb8;
	[tilespmem:$0xD200] =	vst v63  }
0x52: {  	_ = 	snop  }
0x53: {  	[tilespmem:s22], [sflag:$0x1] =	stream.indirect.gather [hbm4b:s4+s20], $0x10, s20, s20, $0xb8;
	[tilespmem:$0xD200] =	vst v63  }
0x54: {  	s11 =	simm.s32 $0x100  }
0x55: {  	[tilespmem:s24], [sflag:$0x1] =	stream.indirect.gather [hbm4b:s4+s20], $0x10, s11, s20, $0xb8;
	[tilespmem:$0xD200] =	vst v63  }
0x56: {  	s13 =	simm.s32 $0x180  }
0x57: {  	[tilespmem:s26], [sflag:$0x1] =	stream.indirect.gather [hbm4b:s4+s20], $0x10, s13, s20, $0xb8;
	[tilespmem:$0xD200] =	vst v63  }
0x58: {  	s11 =	simm.s32 $0x200  }
0x59: {  	[tilespmem:s29], [sflag:$0x1] =	stream.indirect.gather [hbm4b:s4+s20], $0x10, s11, s20, $0xb8;
	[tilespmem:$0xD200] =	vst v63  }
0x5a: {  	s13 =	simm.s32 $0x280  }
0x5b: {  	[tilespmem:s31], [sflag:$0x1] =	stream.indirect.gather [hbm4b:s4+s20], $0x10, s13, s20, $0xb8;
	[tilespmem:$0xD200] =	vst v63  }
0x5c: {  	s11 =	simm.s32 $0x300  }
0x5d: {  	[tilespmem:s2], [sflag:$0x1] =	stream.indirect.gather [hbm4b:s4+s20], $0x10, s11, s20, $0xb8;
	[tilespmem:$0xD200] =	vst v63  }
0x5e: {  	_ = 	snop  }
0x5f: {  	[tilespmem:s7], [sflag:$0x2] =	stream.indirect.gather [hbm4b:s4+s20], $0x10, s12, s20, $0xb8;
	[tilespmem:$0xD200] =	vst v63  }
0x60: {  	s13 =	simm.s32 $0x400  }
0x61: {  	[tilespmem:s23], [sflag:$0x2] =	stream.indirect.gather [hbm4b:s4+s20], $0x10, s13, s20, $0xb8;
	[tilespmem:$0xD200] =	vst v63  }
0x62: {  	s11 =	simm.s32 $0x480  }
0x63: {  	[tilespmem:s28], [sflag:$0x2] =	stream.indirect.gather [hbm4b:s4+s20], $0x10, s11, s20, $0xb8;
	[tilespmem:$0xD200] =	vst v63  }
0x64: {  	s12 =	simm.s32 $0x500  }
0x65: {  	[tilespmem:s0], [sflag:$0x2] =	stream.indirect.gather [hbm4b:s4+s20], $0x10, s12, s20, $0xb8;
	[tilespmem:$0xD200] =	vst v63  }
0x66: {  	s13 =	simm.s32 $0x580  }
0x67: {  	[tilespmem:s25], [sflag:$0x2] =	stream.indirect.gather [hbm4b:s4+s20], $0x10, s13, s20, $0xb8;
	[tilespmem:$0xD200] =	vst v63  }
0x68: {  	s11 =	simm.s32 $0x600  }
0x69: {  	[tilespmem:s1], [sflag:$0x2] =	stream.indirect.gather [hbm4b:s4+s20], $0x10, s11, s20, $0xb8;
	[tilespmem:$0xD200] =	vst v63  }
0x6a: {  	s12 =	simm.s32 $0x680  }
0x6b: {  	[tilespmem:s30], [sflag:$0x2] =	stream.indirect.gather [hbm4b:s4+s20], $0x10, s12, s20, $0xb8;
	[tilespmem:$0xD200] =	vst v63  }
0x6c: {  	_ =	swait.ge [sflag:s19], $0x800  }
0x6d: {  	[sflag:s19] =	ssyncset.done $0x0  }
0x6e: {  	[sflag:s19] =	ssyncadd.s32 $0xFFFFF800  }
0x6f: {  	_ =	swait.ge [sflag:s19], $0x800  }
0x70: {  	[sflag:s19] =	ssyncset.done $0x0  }
0x71: {  	[sflag:s19] =	ssyncadd.s32 $0xFFFFF800  }
0x72: {  	_ =	swait.ge [sflag:s19], $0x800  }
0x73: {  	[sflag:s19] =	ssyncset.done $0x0  }
0x74: {  	[sflag:s19] =	ssyncadd.s32 $0xFFFFF800  }
0x75: {  	_ =	swait.ge [sflag:s19], $0x800  }
0x76: {  	[sflag:s19] =	ssyncset.done $0x0  }
0x77: {  	[sflag:s19] =	ssyncadd.s32 $0xFFFFF800  }
0x78: {  	_ =	swait.ge [sflag:s19], $0x800  }
0x79: {  	[sflag:s19] =	ssyncset.done $0x0  }
0x7a: {  	[sflag:s19] =	ssyncadd.s32 $0xFFFFF800  }
0x7b: {  	_ =	swait.ge [sflag:s19], $0x800  }
0x7c: {  	[sflag:s19] =	ssyncset.done $0x0  }
0x7d: {  	[sflag:s19] =	ssyncadd.s32 $0xFFFFF800  }
0x7e: {  	_ =	swait.ge [sflag:s19], $0x800  }
0x7f: {  	[sflag:s19] =	ssyncset.done $0x0  }
0x80: {  	s13 =	simm.s32 $0x2A40;
	[sflag:s19] =	ssyncadd.s32 $0xFFFFF800  }
0x81: {  	v0 =	vld [tilespmem:s13+$0xFFFFFFC0];
	_ =	sdelay $0x3  }
0x82: {  	s10 =	simm.s32 $0x9A40  }
0x83: {  	[tilespmem:s10+$0xFFFFFFC0] =	vst v0  }
0x84: {  	v0 =	vld [tilespmem:s13+$0xFFFFFFD0];
	_ =	sdelay $0x4  }
0x85: {  	[tilespmem:s10+$0xFFFFFFD0] =	vst v0  }
0x86: {  	v0 =	vld [tilespmem:s13+$0xFFFFFFE0];
	_ =	sdelay $0x4  }
0x87: {  	[tilespmem:s10+$0xFFFFFFE0] =	vst v0  }
0x88: {  	v0 =	vld [tilespmem:s13+$0xFFFFFFF0];
	_ =	sdelay $0x4  }
0x89: {  	[tilespmem:s10+$0xFFFFFFF0] =	vst v0  }
0x8a: {  	v0 =	vld [tilespmem:s13+$0x0];
	_ =	sdelay $0x4  }
0x8b: {  	[tilespmem:s10+$0x0] =	vst v0  }
0x8c: {  	v0 =	vld [tilespmem:s13+$0x10];
	_ =	sdelay $0x4  }
0x8d: {  	[tilespmem:s10+$0x10] =	vst v0  }
0x8e: {  	v0 =	vld [tilespmem:s13+$0x20];
	_ =	sdelay $0x4  }
0x8f: {  	[tilespmem:s10+$0x20] =	vst v0  }
0x90: {  	v0 =	vld [tilespmem:s13+$0x30];
	_ =	sdelay $0x4  }
0x91: {  	s11 =	simm.s32 $0x0;
	s12 =	simm.s32 $0x2AC0;
	[tilespmem:s10+$0x30] =	vst v0  }
.LBB2_3:
0x92: {  	v0 =	vld [tilespmem:s12+$0xFFFFFFC0];
	s11 =	sadd.s32 $0x8, s11  }
0x93: {  	p0 =	slt.u32 s11, $0x378;
	_ =	sdelay $0x2  }
0x94: {  	s10 =	sadd.s32 $0x80, s10  }
0x95: {  	[tilespmem:s10+$0xFFFFFFC0] =	vst v0  }
0x96: {  	v0 =	vld [tilespmem:s12+$0xFFFFFFD0];
	_ =	sdelay $0x4  }
0x97: {  	[tilespmem:s10+$0xFFFFFFD0] =	vst v0  }
0x98: {  	v0 =	vld [tilespmem:s12+$0xFFFFFFE0];
	_ =	sdelay $0x4  }
0x99: {  	[tilespmem:s10+$0xFFFFFFE0] =	vst v0  }
0x9a: {  	v0 =	vld [tilespmem:s12+$0xFFFFFFF0];
	_ =	sdelay $0x4  }
0x9b: {  	[tilespmem:s10+$0xFFFFFFF0] =	vst v0  }
0x9c: {  	v0 =	vld [tilespmem:s12+$0x0];
	_ =	sdelay $0x4  }
0x9d: {  	[tilespmem:s10+$0x0] =	vst v0  }
0x9e: {  	v0 =	vld [tilespmem:s12+$0x10];
	_ =	sdelay $0x4  }
0x9f: {  	[tilespmem:s10+$0x10] =	vst v0  }
0xa0: {  	v0 =	vld [tilespmem:s12+$0x20];
	_ =	sdelay $0x4  }
0xa1: {  	[tilespmem:s10+$0x20] =	vst v0  }
0xa2: {  	v0 =	vld [tilespmem:s12+$0x30]  }
.Ltmp0:
0xa3: {  	(pc) =	sbr.rel @p0 .LBB2_3-.Ltmp0, $2  }
0xa4: {  	_ =	sdelay $0x2  }
0xa5: {  	s12 =	sadd.s32 $0x80, s12;
	[tilespmem:s10+$0x30] =	vst v0  }
0xa6: {  	s10 =	simm.s32 $0x700  }
0xa7: {  	[tilespmem:s21], [sflag:$0x1] =	stream.indirect.gather [hbm4b:s4+s20], $0x10, s10, s20, $0xb8;
	[tilespmem:$0xD200] =	vst v63  }
0xa8: {  	s11 =	simm.s32 $0x780  }
0xa9: {  	[tilespmem:s22], [sflag:$0x1] =	stream.indirect.gather [hbm4b:s4+s20], $0x10, s11, s20, $0xb8;
	[tilespmem:$0xD200] =	vst v63  }
0xaa: {  	s12 =	simm.s32 $0x800  }
0xab: {  	[tilespmem:s24], [sflag:$0x1] =	stream.indirect.gather [hbm4b:s4+s20], $0x10, s12, s20, $0xb8;
	[tilespmem:$0xD200] =	vst v63  }
0xac: {  	s13 =	simm.s32 $0x880  }
0xad: {  	[tilespmem:s26], [sflag:$0x1] =	stream.indirect.gather [hbm4b:s4+s20], $0x10, s13, s20, $0xb8;
	[tilespmem:$0xD200] =	vst v63  }
0xae: {  	s11 =	simm.s32 $0x900  }
0xaf: {  	[tilespmem:s29], [sflag:$0x1] =	stream.indirect.gather [hbm4b:s4+s20], $0x10, s11, s20, $0xb8;
	[tilespmem:$0xD200] =	vst v63  }
0xb0: {  	s12 =	simm.s32 $0x980  }
0xb1: {  	[tilespmem:s31], [sflag:$0x1] =	stream.indirect.gather [hbm4b:s4+s20], $0x10, s12, s20, $0xb8;
	[tilespmem:$0xD200] =	vst v63  }
0xb2: {  	s13 =	simm.s32 $0xA00  }
0xb3: {  	[tilespmem:s2], [sflag:$0x1] =	stream.indirect.gather [hbm4b:s4+s20], $0x10, s13, s20, $0xb8;
	[tilespmem:$0xD200] =	vst v63  }
0xb4: {  	_ =	swait.ge [sflag:s5], $0x800  }
0xb5: {  	[sflag:s5] =	ssyncset.done $0x0  }
0xb6: {  	[sflag:s5] =	ssyncadd.s32 $0xFFFFF800  }
0xb7: {  	_ =	swait.ge [sflag:s5], $0x800  }
0xb8: {  	[sflag:s5] =	ssyncset.done $0x0  }
0xb9: {  	[sflag:s5] =	ssyncadd.s32 $0xFFFFF800  }
0xba: {  	_ =	swait.ge [sflag:s5], $0x800  }
0xbb: {  	[sflag:s5] =	ssyncset.done $0x0  }
0xbc: {  	[sflag:s5] =	ssyncadd.s32 $0xFFFFF800  }
0xbd: {  	_ =	swait.ge [sflag:s5], $0x800  }
0xbe: {  	[sflag:s5] =	ssyncset.done $0x0  }
0xbf: {  	[sflag:s5] =	ssyncadd.s32 $0xFFFFF800  }
0xc0: {  	_ =	swait.ge [sflag:s5], $0x800  }
0xc1: {  	[sflag:s5] =	ssyncset.done $0x0  }
0xc2: {  	[sflag:s5] =	ssyncadd.s32 $0xFFFFF800  }
0xc3: {  	_ =	swait.ge [sflag:s5], $0x800  }
0xc4: {  	[sflag:s5] =	ssyncset.done $0x0  }
0xc5: {  	[sflag:s5] =	ssyncadd.s32 $0xFFFFF800  }
0xc6: {  	_ =	swait.ge [sflag:s5], $0x800  }
0xc7: {  	[sflag:s5] =	ssyncset.done $0x0  }
0xc8: {  	s10 =	simm.s32 $0x0;
	[sflag:s5] =	ssyncadd.s32 $0xFFFFF800  }
0xc9: {  	v0 =	vld [tilespmem:s10+$0x6270]  }
0xca: {  	v1 =	vld [tilespmem:s10+$0x6200]  }
0xcb: {  	v2 =	vld [tilespmem:s10+$0x6210]  }
0xcc: {  	v3 =	vld [tilespmem:s10+$0x6220]  }
0xcd: {  	v4 =	vld [tilespmem:s10+$0x6230]  }
0xce: {  	v5 =	vld [tilespmem:s10+$0x6240]  }
0xcf: {  	v6 =	vld [tilespmem:s10+$0x6250]  }
0xd0: {  	[tilespmem:s10+$0x9A70] =	vst.add.f32.msk $0xffff, v0  }
0xd1: {  	v0 =	vld [tilespmem:s10+$0x6260]  }
0xd2: {  	[tilespmem:s10+$0x9A00] =	vst.add.f32.msk $0xffff, v1  }
0xd3: {  	[tilespmem:s10+$0x9A10] =	vst.add.f32.msk $0xffff, v2  }
0xd4: {  	[tilespmem:s10+$0x9A20] =	vst.add.f32.msk $0xffff, v3  }
0xd5: {  	[tilespmem:s10+$0x9A30] =	vst.add.f32.msk $0xffff, v4  }
0xd6: {  	[tilespmem:s10+$0x9A40] =	vst.add.f32.msk $0xffff, v5  }
0xd7: {  	s11 =	simm.s32 $0x0;
	s12 =	simm.s32 $0x200;
	[tilespmem:s10+$0x9A50] =	vst.add.f32.msk $0xffff, v6  }
.LBB2_5:
0xd8: {  	s11 =	sadd.s32 $0x8, s11;
	[tilespmem:s10+$0x9A60] =	vst.add.f32.msk $0xffff, v0;
	s10 =	sshra.s32 s12, $0x2  }
0xd9: {  	v0 =	vld [tilespmem:s10+$0x6270];
	p0 =	slt.u32 s11, $0x378  }
0xda: {  	v1 =	vld [tilespmem:s10+$0x6200]  }
0xdb: {  	v2 =	vld [tilespmem:s10+$0x6210]  }
0xdc: {  	v3 =	vld [tilespmem:s10+$0x6220]  }
0xdd: {  	v4 =	vld [tilespmem:s10+$0x6230]  }
0xde: {  	[tilespmem:s10+$0x9A70] =	vst.add.f32.msk $0xffff, v0  }
0xdf: {  	v5 =	vld [tilespmem:s10+$0x6240]  }
0xe0: {  	v6 =	vld [tilespmem:s10+$0x6250]  }
0xe1: {  	v0 =	vld [tilespmem:s10+$0x6260]  }
0xe2: {  	[tilespmem:s10+$0x9A00] =	vst.add.f32.msk $0xffff, v1  }
.Ltmp1:
0xe3: {  	[tilespmem:s10+$0x9A10] =	vst.add.f32.msk $0xffff, v2;
	(pc) =	sbr.rel @p0 .LBB2_5-.Ltmp1, $4  }
0xe4: {  	[tilespmem:s10+$0x9A20] =	vst.add.f32.msk $0xffff, v3  }
0xe5: {  	[tilespmem:s10+$0x9A30] =	vst.add.f32.msk $0xffff, v4  }
0xe6: {  	[tilespmem:s10+$0x9A40] =	vst.add.f32.msk $0xffff, v5  }
0xe7: {  	s12 =	sadd.s32 $0x200, s12;
	[tilespmem:s10+$0x9A50] =	vst.add.f32.msk $0xffff, v6  }
0xe8: {  	[tilespmem:s10+$0x9A60] =	vst.add.f32.msk $0xffff, v0;
	s13 =	simm.s32 $0xA80  }
0xe9: {  	[tilespmem:s7], [sflag:$0x2] =	stream.indirect.gather [hbm4b:s4+s20], $0x10, s13, s20, $0xb8;
	[tilespmem:$0xD200] =	vst v63  }
0xea: {  	s11 =	simm.s32 $0xB00  }
0xeb: {  	[tilespmem:s23], [sflag:$0x2] =	stream.indirect.gather [hbm4b:s4+s20], $0x10, s11, s20, $0xb8;
	[tilespmem:$0xD200] =	vst v63  }
0xec: {  	s12 =	simm.s32 $0xB80  }
0xed: {  	[tilespmem:s28], [sflag:$0x2] =	stream.indirect.gather [hbm4b:s4+s20], $0x10, s12, s20, $0xb8;
	[tilespmem:$0xD200] =	vst v63  }
0xee: {  	s13 =	simm.s32 $0xC00  }
0xef: {  	[tilespmem:s0], [sflag:$0x2] =	stream.indirect.gather [hbm4b:s4+s20], $0x10, s13, s20, $0xb8;
	[tilespmem:$0xD200] =	vst v63  }
0xf0: {  	s11 =	simm.s32 $0xC80  }
0xf1: {  	[tilespmem:s25], [sflag:$0x2] =	stream.indirect.gather [hbm4b:s4+s20], $0x10, s11, s20, $0xb8;
	[tilespmem:$0xD200] =	vst v63  }
0xf2: {  	s12 =	simm.s32 $0xD00  }
0xf3: {  	[tilespmem:s1], [sflag:$0x2] =	stream.indirect.gather [hbm4b:s4+s20], $0x10, s12, s20, $0xb8;
	[tilespmem:$0xD200] =	vst v63  }
0xf4: {  	s13 =	simm.s32 $0xD80  }
0xf5: {  	[tilespmem:s30], [sflag:$0x2] =	stream.indirect.gather [hbm4b:s4+s20], $0x10, s13, s20, $0xb8;
	[tilespmem:$0xD200] =	vst v63  }
0xf6: {  	_ =	swait.ge [sflag:s19], $0x800  }
0xf7: {  	[sflag:s19] =	ssyncset.done $0x0  }
0xf8: {  	[sflag:s19] =	ssyncadd.s32 $0xFFFFF800  }
0xf9: {  	_ =	swait.ge [sflag:s19], $0x800  }
0xfa: {  	[sflag:s19] =	ssyncset.done $0x0  }
0xfb: {  	[sflag:s19] =	ssyncadd.s32 $0xFFFFF800  }
0xfc: {  	_ =	swait.ge [sflag:s19], $0x800  }
0xfd: {  	[sflag:s19] =	ssyncset.done $0x0  }
0xfe: {  	[sflag:s19] =	ssyncadd.s32 $0xFFFFF800  }
0xff: {  	_ =	swait.ge [sflag:s19], $0x800  }
0x100: {  	[sflag:s19] =	ssyncset.done $0x0  }
0x101: {  	[sflag:s19] =	ssyncadd.s32 $0xFFFFF800  }
0x102: {  	_ =	swait.ge [sflag:s19], $0x800  }
0x103: {  	[sflag:s19] =	ssyncset.done $0x0  }
0x104: {  	[sflag:s19] =	ssyncadd.s32 $0xFFFFF800  }
0x105: {  	_ =	swait.ge [sflag:s19], $0x800  }
0x106: {  	[sflag:s19] =	ssyncset.done $0x0  }
0x107: {  	[sflag:s19] =	ssyncadd.s32 $0xFFFFF800  }
0x108: {  	_ =	swait.ge [sflag:s19], $0x800  }
0x109: {  	[sflag:s19] =	ssyncset.done $0x0  }
0x10a: {  	s10 =	simm.s32 $0x0;
	[sflag:s19] =	ssyncadd.s32 $0xFFFFF800  }
0x10b: {  	v0 =	vld [tilespmem:s10+$0x2A70]  }
0x10c: {  	v1 =	vld [tilespmem:s10+$0x2A00]  }
0x10d: {  	v2 =	vld [tilespmem:s10+$0x2A10]  }
0x10e: {  	v3 =	vld [tilespmem:s10+$0x2A20]  }
0x10f: {  	v4 =	vld [tilespmem:s10+$0x2A30]  }
0x110: {  	v5 =	vld [tilespmem:s10+$0x2A40]  }
0x111: {  	v6 =	vld [tilespmem:s10+$0x2A50]  }
0x112: {  	[tilespmem:s10+$0x9A70] =	vst.add.f32.msk $0xffff, v0  }
0x113: {  	v0 =	vld [tilespmem:s10+$0x2A60]  }
0x114: {  	[tilespmem:s10+$0x9A00] =	vst.add.f32.msk $0xffff, v1  }
0x115: {  	[tilespmem:s10+$0x9A10] =	vst.add.f32.msk $0xffff, v2  }
0x116: {  	[tilespmem:s10+$0x9A20] =	vst.add.f32.msk $0xffff, v3  }
0x117: {  	[tilespmem:s10+$0x9A30] =	vst.add.f32.msk $0xffff, v4  }
0x118: {  	[tilespmem:s10+$0x9A40] =	vst.add.f32.msk $0xffff, v5  }
0x119: {  	s11 =	simm.s32 $0x0;
	s12 =	simm.s32 $0x200;
	[tilespmem:s10+$0x9A50] =	vst.add.f32.msk $0xffff, v6  }
.LBB2_7:
0x11a: {  	s11 =	sadd.s32 $0x8, s11;
	[tilespmem:s10+$0x9A60] =	vst.add.f32.msk $0xffff, v0;
	s10 =	sshra.s32 s12, $0x2  }
0x11b: {  	v0 =	vld [tilespmem:s10+$0x2A70];
	p0 =	slt.u32 s11, $0x378  }
0x11c: {  	v1 =	vld [tilespmem:s10+$0x2A00]  }
0x11d: {  	v2 =	vld [tilespmem:s10+$0x2A10]  }
0x11e: {  	v3 =	vld [tilespmem:s10+$0x2A20]  }
0x11f: {  	v4 =	vld [tilespmem:s10+$0x2A30]  }
0x120: {  	[tilespmem:s10+$0x9A70] =	vst.add.f32.msk $0xffff, v0  }
0x121: {  	v5 =	vld [tilespmem:s10+$0x2A40]  }
0x122: {  	v6 =	vld [tilespmem:s10+$0x2A50]  }
0x123: {  	v0 =	vld [tilespmem:s10+$0x2A60]  }
0x124: {  	[tilespmem:s10+$0x9A00] =	vst.add.f32.msk $0xffff, v1  }
.Ltmp2:
0x125: {  	[tilespmem:s10+$0x9A10] =	vst.add.f32.msk $0xffff, v2;
	(pc) =	sbr.rel @p0 .LBB2_7-.Ltmp2, $4  }
0x126: {  	[tilespmem:s10+$0x9A20] =	vst.add.f32.msk $0xffff, v3  }
0x127: {  	[tilespmem:s10+$0x9A30] =	vst.add.f32.msk $0xffff, v4  }
0x128: {  	[tilespmem:s10+$0x9A40] =	vst.add.f32.msk $0xffff, v5  }
0x129: {  	s12 =	sadd.s32 $0x200, s12;
	[tilespmem:s10+$0x9A50] =	vst.add.f32.msk $0xffff, v6  }
0x12a: {  	[tilespmem:s10+$0x9A60] =	vst.add.f32.msk $0xffff, v0;
	s13 =	simm.s32 $0xE00  }
0x12b: {  	[tilespmem:s21], [sflag:$0x1] =	stream.indirect.gather [hbm4b:s4+s20], $0x10, s13, s20, $0xb8;
	[tilespmem:$0xD200] =	vst v63  }
0x12c: {  	s11 =	simm.s32 $0xE80  }
0x12d: {  	[tilespmem:s22], [sflag:$0x1] =	stream.indirect.gather [hbm4b:s4+s20], $0x10, s11, s20, $0xb8;
	[tilespmem:$0xD200] =	vst v63  }
0x12e: {  	s12 =	simm.s32 $0xF00  }
0x12f: {  	[tilespmem:s24], [sflag:$0x1] =	stream.indirect.gather [hbm4b:s4+s20], $0x10, s12, s20, $0xb8;
	[tilespmem:$0xD200] =	vst v63  }
0x130: {  	s13 =	simm.s32 $0xF80  }
0x131: {  	[tilespmem:s26], [sflag:$0x1] =	stream.indirect.gather [hbm4b:s4+s20], $0x10, s13, s20, $0xb8;
	[tilespmem:$0xD200] =	vst v63  }
0x132: {  	s11 =	simm.s32 $0x1000  }
0x133: {  	[tilespmem:s29], [sflag:$0x1] =	stream.indirect.gather [hbm4b:s4+s20], $0x10, s11, s20, $0xb8;
	[tilespmem:$0xD200] =	vst v63  }
0x134: {  	s12 =	simm.s32 $0x1080  }
0x135: {  	[tilespmem:s31], [sflag:$0x1] =	stream.indirect.gather [hbm4b:s4+s20], $0x10, s12, s20, $0xb8;
	[tilespmem:$0xD200] =	vst v63  }
0x136: {  	s13 =	simm.s32 $0x1100  }
0x137: {  	[tilespmem:s2], [sflag:$0x1] =	stream.indirect.gather [hbm4b:s4+s20], $0x10, s13, s20, $0xb8;
	[tilespmem:$0xD200] =	vst v63  }
0x138: {  	_ =	swait.ge [sflag:s5], $0x800  }
0x139: {  	[sflag:s5] =	ssyncset.done $0x0  }
0x13a: {  	[sflag:s5] =	ssyncadd.s32 $0xFFFFF800  }
0x13b: {  	_ =	swait.ge [sflag:s5], $0x800  }
0x13c: {  	[sflag:s5] =	ssyncset.done $0x0  }
0x13d: {  	[sflag:s5] =	ssyncadd.s32 $0xFFFFF800  }
0x13e: {  	_ =	swait.ge [sflag:s5], $0x800  }
0x13f: {  	[sflag:s5] =	ssyncset.done $0x0  }
0x140: {  	[sflag:s5] =	ssyncadd.s32 $0xFFFFF800  }
0x141: {  	_ =	swait.ge [sflag:s5], $0x800  }
0x142: {  	[sflag:s5] =	ssyncset.done $0x0  }
0x143: {  	[sflag:s5] =	ssyncadd.s32 $0xFFFFF800  }
0x144: {  	_ =	swait.ge [sflag:s5], $0x800  }
0x145: {  	[sflag:s5] =	ssyncset.done $0x0  }
0x146: {  	[sflag:s5] =	ssyncadd.s32 $0xFFFFF800  }
0x147: {  	_ =	swait.ge [sflag:s5], $0x800  }
0x148: {  	[sflag:s5] =	ssyncset.done $0x0  }
0x149: {  	[sflag:s5] =	ssyncadd.s32 $0xFFFFF800  }
0x14a: {  	_ =	swait.ge [sflag:s5], $0x800  }
0x14b: {  	[sflag:s5] =	ssyncset.done $0x0  }
0x14c: {  	s10 =	simm.s32 $0x0;
	[sflag:s5] =	ssyncadd.s32 $0xFFFFF800  }
0x14d: {  	v0 =	vld [tilespmem:s10+$0x6270]  }
0x14e: {  	v1 =	vld [tilespmem:s10+$0x6200]  }
0x14f: {  	v2 =	vld [tilespmem:s10+$0x6210]  }
0x150: {  	v3 =	vld [tilespmem:s10+$0x6220]  }
0x151: {  	v4 =	vld [tilespmem:s10+$0x6230]  }
0x152: {  	v5 =	vld [tilespmem:s10+$0x6240]  }
0x153: {  	v6 =	vld [tilespmem:s10+$0x6250]  }
0x154: {  	[tilespmem:s10+$0x9A70] =	vst.add.f32.msk $0xffff, v0  }
0x155: {  	v0 =	vld [tilespmem:s10+$0x6260]  }
0x156: {  	[tilespmem:s10+$0x9A00] =	vst.add.f32.msk $0xffff, v1  }
0x157: {  	[tilespmem:s10+$0x9A10] =	vst.add.f32.msk $0xffff, v2  }
0x158: {  	[tilespmem:s10+$0x9A20] =	vst.add.f32.msk $0xffff, v3  }
0x159: {  	[tilespmem:s10+$0x9A30] =	vst.add.f32.msk $0xffff, v4  }
0x15a: {  	[tilespmem:s10+$0x9A40] =	vst.add.f32.msk $0xffff, v5  }
0x15b: {  	s11 =	simm.s32 $0x0;
	s12 =	simm.s32 $0x200;
	[tilespmem:s10+$0x9A50] =	vst.add.f32.msk $0xffff, v6  }
.LBB2_9:
0x15c: {  	s11 =	sadd.s32 $0x8, s11;
	[tilespmem:s10+$0x9A60] =	vst.add.f32.msk $0xffff, v0;
	s10 =	sshra.s32 s12, $0x2  }
0x15d: {  	v0 =	vld [tilespmem:s10+$0x6270];
	p0 =	slt.u32 s11, $0x378  }
0x15e: {  	v1 =	vld [tilespmem:s10+$0x6200]  }
0x15f: {  	v2 =	vld [tilespmem:s10+$0x6210]  }
0x160: {  	v3 =	vld [tilespmem:s10+$0x6220]  }
0x161: {  	v4 =	vld [tilespmem:s10+$0x6230]  }
0x162: {  	[tilespmem:s10+$0x9A70] =	vst.add.f32.msk $0xffff, v0  }
0x163: {  	v5 =	vld [tilespmem:s10+$0x6240]  }
0x164: {  	v6 =	vld [tilespmem:s10+$0x6250]  }
0x165: {  	v0 =	vld [tilespmem:s10+$0x6260]  }
0x166: {  	[tilespmem:s10+$0x9A00] =	vst.add.f32.msk $0xffff, v1  }
.Ltmp3:
0x167: {  	[tilespmem:s10+$0x9A10] =	vst.add.f32.msk $0xffff, v2;
	(pc) =	sbr.rel @p0 .LBB2_9-.Ltmp3, $4  }
0x168: {  	[tilespmem:s10+$0x9A20] =	vst.add.f32.msk $0xffff, v3  }
0x169: {  	[tilespmem:s10+$0x9A30] =	vst.add.f32.msk $0xffff, v4  }
0x16a: {  	[tilespmem:s10+$0x9A40] =	vst.add.f32.msk $0xffff, v5  }
0x16b: {  	s12 =	sadd.s32 $0x200, s12;
	[tilespmem:s10+$0x9A50] =	vst.add.f32.msk $0xffff, v6  }
0x16c: {  	[tilespmem:s10+$0x9A60] =	vst.add.f32.msk $0xffff, v0;
	s13 =	simm.s32 $0x1180  }
0x16d: {  	[tilespmem:s7], [sflag:$0x2] =	stream.indirect.gather [hbm4b:s4+s20], $0x10, s13, s20, $0xb8;
	[tilespmem:$0xD200] =	vst v63  }
0x16e: {  	s11 =	simm.s32 $0x1200  }
0x16f: {  	[tilespmem:s23], [sflag:$0x2] =	stream.indirect.gather [hbm4b:s4+s20], $0x10, s11, s20, $0xb8;
	[tilespmem:$0xD200] =	vst v63  }
0x170: {  	s12 =	simm.s32 $0x1280  }
0x171: {  	[tilespmem:s28], [sflag:$0x2] =	stream.indirect.gather [hbm4b:s4+s20], $0x10, s12, s20, $0xb8;
	[tilespmem:$0xD200] =	vst v63  }
0x172: {  	s13 =	simm.s32 $0x1300  }
0x173: {  	[tilespmem:s0], [sflag:$0x2] =	stream.indirect.gather [hbm4b:s4+s20], $0x10, s13, s20, $0xb8;
	[tilespmem:$0xD200] =	vst v63  }
0x174: {  	s11 =	simm.s32 $0x1380  }
0x175: {  	[tilespmem:s25], [sflag:$0x2] =	stream.indirect.gather [hbm4b:s4+s20], $0x10, s11, s20, $0xb8;
	[tilespmem:$0xD200] =	vst v63  }
0x176: {  	s12 =	simm.s32 $0x1400  }
0x177: {  	[tilespmem:s1], [sflag:$0x2] =	stream.indirect.gather [hbm4b:s4+s20], $0x10, s12, s20, $0xb8;
	[tilespmem:$0xD200] =	vst v63  }
0x178: {  	s13 =	simm.s32 $0x1480  }
0x179: {  	[tilespmem:s30], [sflag:$0x2] =	stream.indirect.gather [hbm4b:s4+s20], $0x10, s13, s20, $0xb8;
	[tilespmem:$0xD200] =	vst v63  }
0x17a: {  	_ =	swait.ge [sflag:s19], $0x800  }
0x17b: {  	[sflag:s19] =	ssyncset.done $0x0  }
0x17c: {  	[sflag:s19] =	ssyncadd.s32 $0xFFFFF800  }
0x17d: {  	_ =	swait.ge [sflag:s19], $0x800  }
0x17e: {  	[sflag:s19] =	ssyncset.done $0x0  }
0x17f: {  	[sflag:s19] =	ssyncadd.s32 $0xFFFFF800  }
0x180: {  	_ =	swait.ge [sflag:s19], $0x800  }
0x181: {  	[sflag:s19] =	ssyncset.done $0x0  }
0x182: {  	[sflag:s19] =	ssyncadd.s32 $0xFFFFF800  }
0x183: {  	_ =	swait.ge [sflag:s19], $0x800  }
0x184: {  	[sflag:s19] =	ssyncset.done $0x0  }
0x185: {  	[sflag:s19] =	ssyncadd.s32 $0xFFFFF800  }
0x186: {  	_ =	swait.ge [sflag:s19], $0x800  }
0x187: {  	[sflag:s19] =	ssyncset.done $0x0  }
0x188: {  	[sflag:s19] =	ssyncadd.s32 $0xFFFFF800  }
0x189: {  	_ =	swait.ge [sflag:s19], $0x800  }
0x18a: {  	[sflag:s19] =	ssyncset.done $0x0  }
0x18b: {  	[sflag:s19] =	ssyncadd.s32 $0xFFFFF800  }
0x18c: {  	_ =	swait.ge [sflag:s19], $0x800  }
0x18d: {  	[sflag:s19] =	ssyncset.done $0x0  }
0x18e: {  	s10 =	simm.s32 $0x0;
	[sflag:s19] =	ssyncadd.s32 $0xFFFFF800  }
0x18f: {  	v0 =	vld [tilespmem:s10+$0x2A70]  }
0x190: {  	v1 =	vld [tilespmem:s10+$0x2A00]  }
0x191: {  	v2 =	vld [tilespmem:s10+$0x2A10]  }
0x192: {  	v3 =	vld [tilespmem:s10+$0x2A20]  }
0x193: {  	v4 =	vld [tilespmem:s10+$0x2A30]  }
0x194: {  	v5 =	vld [tilespmem:s10+$0x2A40]  }
0x195: {  	v6 =	vld [tilespmem:s10+$0x2A50]  }
0x196: {  	[tilespmem:s10+$0x9A70] =	vst.add.f32.msk $0xffff, v0  }
0x197: {  	v0 =	vld [tilespmem:s10+$0x2A60]  }
0x198: {  	[tilespmem:s10+$0x9A00] =	vst.add.f32.msk $0xffff, v1  }
0x199: {  	[tilespmem:s10+$0x9A10] =	vst.add.f32.msk $0xffff, v2  }
0x19a: {  	[tilespmem:s10+$0x9A20] =	vst.add.f32.msk $0xffff, v3  }
0x19b: {  	[tilespmem:s10+$0x9A30] =	vst.add.f32.msk $0xffff, v4  }
0x19c: {  	[tilespmem:s10+$0x9A40] =	vst.add.f32.msk $0xffff, v5  }
0x19d: {  	s11 =	simm.s32 $0x0;
	s12 =	simm.s32 $0x200;
	[tilespmem:s10+$0x9A50] =	vst.add.f32.msk $0xffff, v6  }
.LBB2_11:
0x19e: {  	s11 =	sadd.s32 $0x8, s11;
	[tilespmem:s10+$0x9A60] =	vst.add.f32.msk $0xffff, v0;
	s10 =	sshra.s32 s12, $0x2  }
0x19f: {  	v0 =	vld [tilespmem:s10+$0x2A70];
	p0 =	slt.u32 s11, $0x378  }
0x1a0: {  	v1 =	vld [tilespmem:s10+$0x2A00]  }
0x1a1: {  	v2 =	vld [tilespmem:s10+$0x2A10]  }
0x1a2: {  	v3 =	vld [tilespmem:s10+$0x2A20]  }
0x1a3: {  	v4 =	vld [tilespmem:s10+$0x2A30]  }
0x1a4: {  	[tilespmem:s10+$0x9A70] =	vst.add.f32.msk $0xffff, v0  }
0x1a5: {  	v5 =	vld [tilespmem:s10+$0x2A40]  }
0x1a6: {  	v6 =	vld [tilespmem:s10+$0x2A50]  }
0x1a7: {  	v0 =	vld [tilespmem:s10+$0x2A60]  }
0x1a8: {  	[tilespmem:s10+$0x9A00] =	vst.add.f32.msk $0xffff, v1  }
.Ltmp4:
0x1a9: {  	[tilespmem:s10+$0x9A10] =	vst.add.f32.msk $0xffff, v2;
	(pc) =	sbr.rel @p0 .LBB2_11-.Ltmp4, $4  }
0x1aa: {  	[tilespmem:s10+$0x9A20] =	vst.add.f32.msk $0xffff, v3  }
0x1ab: {  	[tilespmem:s10+$0x9A30] =	vst.add.f32.msk $0xffff, v4  }
0x1ac: {  	[tilespmem:s10+$0x9A40] =	vst.add.f32.msk $0xffff, v5  }
0x1ad: {  	s12 =	sadd.s32 $0x200, s12;
	[tilespmem:s10+$0x9A50] =	vst.add.f32.msk $0xffff, v6  }
0x1ae: {  	[tilespmem:s10+$0x9A60] =	vst.add.f32.msk $0xffff, v0;
	s13 =	simm.s32 $0x1500  }
0x1af: {  	[tilespmem:s21], [sflag:$0x1] =	stream.indirect.gather [hbm4b:s4+s20], $0x10, s13, s20, $0xb8;
	[tilespmem:$0xD200] =	vst v63  }
0x1b0: {  	s11 =	simm.s32 $0x1580  }
0x1b1: {  	[tilespmem:s22], [sflag:$0x1] =	stream.indirect.gather [hbm4b:s4+s20], $0x10, s11, s20, $0xb8;
	[tilespmem:$0xD200] =	vst v63  }
0x1b2: {  	s12 =	simm.s32 $0x1600  }
0x1b3: {  	[tilespmem:s24], [sflag:$0x1] =	stream.indirect.gather [hbm4b:s4+s20], $0x10, s12, s20, $0xb8;
	[tilespmem:$0xD200] =	vst v63  }
0x1b4: {  	s13 =	simm.s32 $0x1680  }
0x1b5: {  	[tilespmem:s26], [sflag:$0x1] =	stream.indirect.gather [hbm4b:s4+s20], $0x10, s13, s20, $0xb8;
	[tilespmem:$0xD200] =	vst v63  }
0x1b6: {  	s11 =	simm.s32 $0x1700  }
0x1b7: {  	[tilespmem:s29], [sflag:$0x1] =	stream.indirect.gather [hbm4b:s4+s20], $0x10, s11, s20, $0xb8;
	[tilespmem:$0xD200] =	vst v63  }
0x1b8: {  	s12 =	simm.s32 $0x1780  }
0x1b9: {  	[tilespmem:s31], [sflag:$0x1] =	stream.indirect.gather [hbm4b:s4+s20], $0x10, s12, s20, $0xb8;
	[tilespmem:$0xD200] =	vst v63  }
0x1ba: {  	s13 =	simm.s32 $0x1800  }
0x1bb: {  	[tilespmem:s2], [sflag:$0x1] =	stream.indirect.gather [hbm4b:s4+s20], $0x10, s13, s20, $0xb8;
	[tilespmem:$0xD200] =	vst v63  }
0x1bc: {  	_ =	swait.ge [sflag:s5], $0x800  }
0x1bd: {  	[sflag:s5] =	ssyncset.done $0x0  }
0x1be: {  	[sflag:s5] =	ssyncadd.s32 $0xFFFFF800  }
0x1bf: {  	_ =	swait.ge [sflag:s5], $0x800  }
0x1c0: {  	[sflag:s5] =	ssyncset.done $0x0  }
0x1c1: {  	[sflag:s5] =	ssyncadd.s32 $0xFFFFF800  }
0x1c2: {  	_ =	swait.ge [sflag:s5], $0x800  }
0x1c3: {  	[sflag:s5] =	ssyncset.done $0x0  }
0x1c4: {  	[sflag:s5] =	ssyncadd.s32 $0xFFFFF800  }
0x1c5: {  	_ =	swait.ge [sflag:s5], $0x800  }
0x1c6: {  	[sflag:s5] =	ssyncset.done $0x0  }
0x1c7: {  	[sflag:s5] =	ssyncadd.s32 $0xFFFFF800  }
0x1c8: {  	_ =	swait.ge [sflag:s5], $0x800  }
0x1c9: {  	[sflag:s5] =	ssyncset.done $0x0  }
0x1ca: {  	[sflag:s5] =	ssyncadd.s32 $0xFFFFF800  }
0x1cb: {  	_ =	swait.ge [sflag:s5], $0x800  }
0x1cc: {  	[sflag:s5] =	ssyncset.done $0x0  }
0x1cd: {  	[sflag:s5] =	ssyncadd.s32 $0xFFFFF800  }
0x1ce: {  	_ =	swait.ge [sflag:s5], $0x800  }
0x1cf: {  	[sflag:s5] =	ssyncset.done $0x0  }
0x1d0: {  	s10 =	simm.s32 $0x0;
	[sflag:s5] =	ssyncadd.s32 $0xFFFFF800  }
0x1d1: {  	v0 =	vld [tilespmem:s10+$0x6270]  }
0x1d2: {  	v1 =	vld [tilespmem:s10+$0x6200]  }
0x1d3: {  	v2 =	vld [tilespmem:s10+$0x6210]  }
0x1d4: {  	v3 =	vld [tilespmem:s10+$0x6220]  }
0x1d5: {  	v4 =	vld [tilespmem:s10+$0x6230]  }
0x1d6: {  	v5 =	vld [tilespmem:s10+$0x6240]  }
0x1d7: {  	v6 =	vld [tilespmem:s10+$0x6250]  }
0x1d8: {  	[tilespmem:s10+$0x9A70] =	vst.add.f32.msk $0xffff, v0  }
0x1d9: {  	v0 =	vld [tilespmem:s10+$0x6260]  }
0x1da: {  	[tilespmem:s10+$0x9A00] =	vst.add.f32.msk $0xffff, v1  }
0x1db: {  	[tilespmem:s10+$0x9A10] =	vst.add.f32.msk $0xffff, v2  }
0x1dc: {  	[tilespmem:s10+$0x9A20] =	vst.add.f32.msk $0xffff, v3  }
0x1dd: {  	[tilespmem:s10+$0x9A30] =	vst.add.f32.msk $0xffff, v4  }
0x1de: {  	[tilespmem:s10+$0x9A40] =	vst.add.f32.msk $0xffff, v5  }
0x1df: {  	s11 =	simm.s32 $0x0;
	s12 =	simm.s32 $0x200;
	[tilespmem:s10+$0x9A50] =	vst.add.f32.msk $0xffff, v6  }
.LBB2_13:
0x1e0: {  	s11 =	sadd.s32 $0x8, s11;
	[tilespmem:s10+$0x9A60] =	vst.add.f32.msk $0xffff, v0;
	s10 =	sshra.s32 s12, $0x2  }
0x1e1: {  	v0 =	vld [tilespmem:s10+$0x6270];
	p0 =	slt.u32 s11, $0x378  }
0x1e2: {  	v1 =	vld [tilespmem:s10+$0x6200]  }
0x1e3: {  	v2 =	vld [tilespmem:s10+$0x6210]  }
0x1e4: {  	v3 =	vld [tilespmem:s10+$0x6220]  }
0x1e5: {  	v4 =	vld [tilespmem:s10+$0x6230]  }
0x1e6: {  	[tilespmem:s10+$0x9A70] =	vst.add.f32.msk $0xffff, v0  }
0x1e7: {  	v5 =	vld [tilespmem:s10+$0x6240]  }
0x1e8: {  	v6 =	vld [tilespmem:s10+$0x6250]  }
0x1e9: {  	v0 =	vld [tilespmem:s10+$0x6260]  }
0x1ea: {  	[tilespmem:s10+$0x9A00] =	vst.add.f32.msk $0xffff, v1  }
.Ltmp5:
0x1eb: {  	[tilespmem:s10+$0x9A10] =	vst.add.f32.msk $0xffff, v2;
	(pc) =	sbr.rel @p0 .LBB2_13-.Ltmp5, $4  }
0x1ec: {  	[tilespmem:s10+$0x9A20] =	vst.add.f32.msk $0xffff, v3  }
0x1ed: {  	[tilespmem:s10+$0x9A30] =	vst.add.f32.msk $0xffff, v4  }
0x1ee: {  	[tilespmem:s10+$0x9A40] =	vst.add.f32.msk $0xffff, v5  }
0x1ef: {  	s12 =	sadd.s32 $0x200, s12;
	[tilespmem:s10+$0x9A50] =	vst.add.f32.msk $0xffff, v6  }
0x1f0: {  	[tilespmem:s10+$0x9A60] =	vst.add.f32.msk $0xffff, v0  }
0x1f1: {  	[tilespmem:s7], [sflag:$0x2] =	stream.indirect.gather [hbm4b:s4+s20], $0x10, s14, s20, $0xb8;
	[tilespmem:$0xD200] =	vst v63  }
0x1f2: {  	s11 =	simm.s32 $0x1900  }
0x1f3: {  	[tilespmem:s23], [sflag:$0x2] =	stream.indirect.gather [hbm4b:s4+s20], $0x10, s11, s20, $0xb8;
	[tilespmem:$0xD200] =	vst v63  }
0x1f4: {  	s12 =	simm.s32 $0x1980  }
0x1f5: {  	[tilespmem:s28], [sflag:$0x2] =	stream.indirect.gather [hbm4b:s4+s20], $0x10, s12, s20, $0xb8;
	[tilespmem:$0xD200] =	vst v63  }
0x1f6: {  	s13 =	simm.s32 $0x1A00  }
0x1f7: {  	[tilespmem:s0], [sflag:$0x2] =	stream.indirect.gather [hbm4b:s4+s20], $0x10, s13, s20, $0xb8;
	[tilespmem:$0xD200] =	vst v63  }
0x1f8: {  	s11 =	simm.s32 $0x1A80  }
0x1f9: {  	[tilespmem:s25], [sflag:$0x2] =	stream.indirect.gather [hbm4b:s4+s20], $0x10, s11, s20, $0xb8;
	[tilespmem:$0xD200] =	vst v63  }
0x1fa: {  	s12 =	simm.s32 $0x1B00  }
0x1fb: {  	[tilespmem:s1], [sflag:$0x2] =	stream.indirect.gather [hbm4b:s4+s20], $0x10, s12, s20, $0xb8;
	[tilespmem:$0xD200] =	vst v63  }
0x1fc: {  	s13 =	simm.s32 $0x1B80  }
0x1fd: {  	[tilespmem:s30], [sflag:$0x2] =	stream.indirect.gather [hbm4b:s4+s20], $0x10, s13, s20, $0xb8;
	[tilespmem:$0xD200] =	vst v63  }
0x1fe: {  	_ =	swait.ge [sflag:s19], $0x800  }
0x1ff: {  	[sflag:s19] =	ssyncset.done $0x0  }
0x200: {  	[sflag:s19] =	ssyncadd.s32 $0xFFFFF800  }
0x201: {  	_ =	swait.ge [sflag:s19], $0x800  }
0x202: {  	[sflag:s19] =	ssyncset.done $0x0  }
0x203: {  	[sflag:s19] =	ssyncadd.s32 $0xFFFFF800  }
0x204: {  	_ =	swait.ge [sflag:s19], $0x800  }
0x205: {  	[sflag:s19] =	ssyncset.done $0x0  }
0x206: {  	[sflag:s19] =	ssyncadd.s32 $0xFFFFF800  }
0x207: {  	_ =	swait.ge [sflag:s19], $0x800  }
0x208: {  	[sflag:s19] =	ssyncset.done $0x0  }
0x209: {  	[sflag:s19] =	ssyncadd.s32 $0xFFFFF800  }
0x20a: {  	_ =	swait.ge [sflag:s19], $0x800  }
0x20b: {  	[sflag:s19] =	ssyncset.done $0x0  }
0x20c: {  	[sflag:s19] =	ssyncadd.s32 $0xFFFFF800  }
0x20d: {  	_ =	swait.ge [sflag:s19], $0x800  }
0x20e: {  	[sflag:s19] =	ssyncset.done $0x0  }
0x20f: {  	[sflag:s19] =	ssyncadd.s32 $0xFFFFF800  }
0x210: {  	_ =	swait.ge [sflag:s19], $0x800  }
0x211: {  	[sflag:s19] =	ssyncset.done $0x0  }
0x212: {  	s10 =	simm.s32 $0x0;
	[sflag:s19] =	ssyncadd.s32 $0xFFFFF800  }
0x213: {  	v0 =	vld [tilespmem:s10+$0x2A70]  }
0x214: {  	v1 =	vld [tilespmem:s10+$0x2A00]  }
0x215: {  	v2 =	vld [tilespmem:s10+$0x2A10]  }
0x216: {  	v3 =	vld [tilespmem:s10+$0x2A20]  }
0x217: {  	v4 =	vld [tilespmem:s10+$0x2A30]  }
0x218: {  	v5 =	vld [tilespmem:s10+$0x2A40]  }
0x219: {  	v6 =	vld [tilespmem:s10+$0x2A50]  }
0x21a: {  	[tilespmem:s10+$0x9A70] =	vst.add.f32.msk $0xffff, v0  }
0x21b: {  	v0 =	vld [tilespmem:s10+$0x2A60]  }
0x21c: {  	[tilespmem:s10+$0x9A00] =	vst.add.f32.msk $0xffff, v1  }
0x21d: {  	[tilespmem:s10+$0x9A10] =	vst.add.f32.msk $0xffff, v2  }
0x21e: {  	[tilespmem:s10+$0x9A20] =	vst.add.f32.msk $0xffff, v3  }
0x21f: {  	[tilespmem:s10+$0x9A30] =	vst.add.f32.msk $0xffff, v4  }
0x220: {  	[tilespmem:s10+$0x9A40] =	vst.add.f32.msk $0xffff, v5  }
0x221: {  	s11 =	simm.s32 $0x0;
	s12 =	simm.s32 $0x200;
	[tilespmem:s10+$0x9A50] =	vst.add.f32.msk $0xffff, v6  }
.LBB2_15:
0x222: {  	s11 =	sadd.s32 $0x8, s11;
	[tilespmem:s10+$0x9A60] =	vst.add.f32.msk $0xffff, v0;
	s10 =	sshra.s32 s12, $0x2  }
0x223: {  	v0 =	vld [tilespmem:s10+$0x2A70];
	p0 =	slt.u32 s11, $0x378  }
0x224: {  	v1 =	vld [tilespmem:s10+$0x2A00]  }
0x225: {  	v2 =	vld [tilespmem:s10+$0x2A10]  }
0x226: {  	v3 =	vld [tilespmem:s10+$0x2A20]  }
0x227: {  	v4 =	vld [tilespmem:s10+$0x2A30]  }
0x228: {  	[tilespmem:s10+$0x9A70] =	vst.add.f32.msk $0xffff, v0  }
0x229: {  	v5 =	vld [tilespmem:s10+$0x2A40]  }
0x22a: {  	v6 =	vld [tilespmem:s10+$0x2A50]  }
0x22b: {  	v0 =	vld [tilespmem:s10+$0x2A60]  }
0x22c: {  	[tilespmem:s10+$0x9A00] =	vst.add.f32.msk $0xffff, v1  }
.Ltmp6:
0x22d: {  	[tilespmem:s10+$0x9A10] =	vst.add.f32.msk $0xffff, v2;
	(pc) =	sbr.rel @p0 .LBB2_15-.Ltmp6, $4  }
0x22e: {  	[tilespmem:s10+$0x9A20] =	vst.add.f32.msk $0xffff, v3  }
0x22f: {  	[tilespmem:s10+$0x9A30] =	vst.add.f32.msk $0xffff, v4  }
0x230: {  	[tilespmem:s10+$0x9A40] =	vst.add.f32.msk $0xffff, v5  }
0x231: {  	s12 =	sadd.s32 $0x200, s12;
	[tilespmem:s10+$0x9A50] =	vst.add.f32.msk $0xffff, v6  }
0x232: {  	[tilespmem:s10+$0x9A60] =	vst.add.f32.msk $0xffff, v0  }
0x233: {  	[tilespmem:s21], [sflag:$0x1] =	stream.indirect.gather [hbm4b:s4+s20], $0x10, s15, s20, $0xb8;
	[tilespmem:$0xD200] =	vst v63  }
0x234: {  	s11 =	simm.s32 $0x1C80  }
0x235: {  	[tilespmem:s22], [sflag:$0x1] =	stream.indirect.gather [hbm4b:s4+s20], $0x10, s11, s20, $0xb8;
	[tilespmem:$0xD200] =	vst v63  }
0x236: {  	s12 =	simm.s32 $0x1D00  }
0x237: {  	[tilespmem:s24], [sflag:$0x1] =	stream.indirect.gather [hbm4b:s4+s20], $0x10, s12, s20, $0xb8;
	[tilespmem:$0xD200] =	vst v63  }
0x238: {  	s13 =	simm.s32 $0x1D80  }
0x239: {  	[tilespmem:s26], [sflag:$0x1] =	stream.indirect.gather [hbm4b:s4+s20], $0x10, s13, s20, $0xb8;
	[tilespmem:$0xD200] =	vst v63  }
0x23a: {  	s11 =	simm.s32 $0x1E00  }
0x23b: {  	[tilespmem:s29], [sflag:$0x1] =	stream.indirect.gather [hbm4b:s4+s20], $0x10, s11, s20, $0xb8;
	[tilespmem:$0xD200] =	vst v63  }
0x23c: {  	s12 =	simm.s32 $0x1E80  }
0x23d: {  	[tilespmem:s31], [sflag:$0x1] =	stream.indirect.gather [hbm4b:s4+s20], $0x10, s12, s20, $0xb8;
	[tilespmem:$0xD200] =	vst v63  }
0x23e: {  	s13 =	simm.s32 $0x1F00  }
0x23f: {  	[tilespmem:s2], [sflag:$0x1] =	stream.indirect.gather [hbm4b:s4+s20], $0x10, s13, s20, $0xb8;
	[tilespmem:$0xD200] =	vst v63  }
0x240: {  	_ =	swait.ge [sflag:s5], $0x800  }
0x241: {  	[sflag:s5] =	ssyncset.done $0x0  }
0x242: {  	[sflag:s5] =	ssyncadd.s32 $0xFFFFF800  }
0x243: {  	_ =	swait.ge [sflag:s5], $0x800  }
0x244: {  	[sflag:s5] =	ssyncset.done $0x0  }
0x245: {  	[sflag:s5] =	ssyncadd.s32 $0xFFFFF800  }
0x246: {  	_ =	swait.ge [sflag:s5], $0x800  }
0x247: {  	[sflag:s5] =	ssyncset.done $0x0  }
0x248: {  	[sflag:s5] =	ssyncadd.s32 $0xFFFFF800  }
0x249: {  	_ =	swait.ge [sflag:s5], $0x800  }
0x24a: {  	[sflag:s5] =	ssyncset.done $0x0  }
0x24b: {  	[sflag:s5] =	ssyncadd.s32 $0xFFFFF800  }
0x24c: {  	_ =	swait.ge [sflag:s5], $0x800  }
0x24d: {  	[sflag:s5] =	ssyncset.done $0x0  }
0x24e: {  	[sflag:s5] =	ssyncadd.s32 $0xFFFFF800  }
0x24f: {  	_ =	swait.ge [sflag:s5], $0x800  }
0x250: {  	[sflag:s5] =	ssyncset.done $0x0  }
0x251: {  	[sflag:s5] =	ssyncadd.s32 $0xFFFFF800  }
0x252: {  	_ =	swait.ge [sflag:s5], $0x800  }
0x253: {  	[sflag:s5] =	ssyncset.done $0x0  }
0x254: {  	s10 =	simm.s32 $0x0;
	[sflag:s5] =	ssyncadd.s32 $0xFFFFF800  }
0x255: {  	v0 =	vld [tilespmem:s10+$0x6270]  }
0x256: {  	v1 =	vld [tilespmem:s10+$0x6200]  }
0x257: {  	v2 =	vld [tilespmem:s10+$0x6210]  }
0x258: {  	v3 =	vld [tilespmem:s10+$0x6220]  }
0x259: {  	v4 =	vld [tilespmem:s10+$0x6230]  }
0x25a: {  	v5 =	vld [tilespmem:s10+$0x6240]  }
0x25b: {  	v6 =	vld [tilespmem:s10+$0x6250]  }
0x25c: {  	[tilespmem:s10+$0x9A70] =	vst.add.f32.msk $0xffff, v0  }
0x25d: {  	v0 =	vld [tilespmem:s10+$0x6260]  }
0x25e: {  	[tilespmem:s10+$0x9A00] =	vst.add.f32.msk $0xffff, v1  }
0x25f: {  	[tilespmem:s10+$0x9A10] =	vst.add.f32.msk $0xffff, v2  }
0x260: {  	[tilespmem:s10+$0x9A20] =	vst.add.f32.msk $0xffff, v3  }
0x261: {  	[tilespmem:s10+$0x9A30] =	vst.add.f32.msk $0xffff, v4  }
0x262: {  	[tilespmem:s10+$0x9A40] =	vst.add.f32.msk $0xffff, v5  }
0x263: {  	s11 =	simm.s32 $0x0;
	s12 =	simm.s32 $0x200;
	[tilespmem:s10+$0x9A50] =	vst.add.f32.msk $0xffff, v6  }
.LBB2_17:
0x264: {  	s11 =	sadd.s32 $0x8, s11;
	[tilespmem:s10+$0x9A60] =	vst.add.f32.msk $0xffff, v0;
	s10 =	sshra.s32 s12, $0x2  }
0x265: {  	v0 =	vld [tilespmem:s10+$0x6270];
	p0 =	slt.u32 s11, $0x378  }
0x266: {  	v1 =	vld [tilespmem:s10+$0x6200]  }
0x267: {  	v2 =	vld [tilespmem:s10+$0x6210]  }
0x268: {  	v3 =	vld [tilespmem:s10+$0x6220]  }
0x269: {  	v4 =	vld [tilespmem:s10+$0x6230]  }
0x26a: {  	[tilespmem:s10+$0x9A70] =	vst.add.f32.msk $0xffff, v0  }
0x26b: {  	v5 =	vld [tilespmem:s10+$0x6240]  }
0x26c: {  	v6 =	vld [tilespmem:s10+$0x6250]  }
0x26d: {  	v0 =	vld [tilespmem:s10+$0x6260]  }
0x26e: {  	[tilespmem:s10+$0x9A00] =	vst.add.f32.msk $0xffff, v1  }
.Ltmp7:
0x26f: {  	[tilespmem:s10+$0x9A10] =	vst.add.f32.msk $0xffff, v2;
	(pc) =	sbr.rel @p0 .LBB2_17-.Ltmp7, $4  }
0x270: {  	[tilespmem:s10+$0x9A20] =	vst.add.f32.msk $0xffff, v3  }
0x271: {  	[tilespmem:s10+$0x9A30] =	vst.add.f32.msk $0xffff, v4  }
0x272: {  	[tilespmem:s10+$0x9A40] =	vst.add.f32.msk $0xffff, v5  }
0x273: {  	s12 =	sadd.s32 $0x200, s12;
	[tilespmem:s10+$0x9A50] =	vst.add.f32.msk $0xffff, v6  }
0x274: {  	[tilespmem:s10+$0x9A60] =	vst.add.f32.msk $0xffff, v0  }
0x275: {  	[tilespmem:s7], [sflag:$0x2] =	stream.indirect.gather [hbm4b:s4+s20], $0x10, s16, s20, $0xb8;
	[tilespmem:$0xD200] =	vst v63  }
0x276: {  	s11 =	simm.s32 $0x2000  }
0x277: {  	[tilespmem:s23], [sflag:$0x2] =	stream.indirect.gather [hbm4b:s4+s20], $0x10, s11, s20, $0xb8;
	[tilespmem:$0xD200] =	vst v63  }
0x278: {  	s12 =	simm.s32 $0x2080  }
0x279: {  	[tilespmem:s28], [sflag:$0x2] =	stream.indirect.gather [hbm4b:s4+s20], $0x10, s12, s20, $0xb8;
	[tilespmem:$0xD200] =	vst v63  }
0x27a: {  	s13 =	simm.s32 $0x2100  }
0x27b: {  	[tilespmem:s0], [sflag:$0x2] =	stream.indirect.gather [hbm4b:s4+s20], $0x10, s13, s20, $0xb8;
	[tilespmem:$0xD200] =	vst v63  }
0x27c: {  	s11 =	simm.s32 $0x2180  }
0x27d: {  	[tilespmem:s25], [sflag:$0x2] =	stream.indirect.gather [hbm4b:s4+s20], $0x10, s11, s20, $0xb8;
	[tilespmem:$0xD200] =	vst v63  }
0x27e: {  	s12 =	simm.s32 $0x2200  }
0x27f: {  	[tilespmem:s1], [sflag:$0x2] =	stream.indirect.gather [hbm4b:s4+s20], $0x10, s12, s20, $0xb8;
	[tilespmem:$0xD200] =	vst v63  }
0x280: {  	s13 =	simm.s32 $0x2280  }
0x281: {  	[tilespmem:s30], [sflag:$0x2] =	stream.indirect.gather [hbm4b:s4+s20], $0x10, s13, s20, $0xb8;
	[tilespmem:$0xD200] =	vst v63  }
0x282: {  	_ =	swait.ge [sflag:s19], $0x800  }
0x283: {  	[sflag:s19] =	ssyncset.done $0x0  }
0x284: {  	[sflag:s19] =	ssyncadd.s32 $0xFFFFF800  }
0x285: {  	_ =	swait.ge [sflag:s19], $0x800  }
0x286: {  	[sflag:s19] =	ssyncset.done $0x0  }
0x287: {  	[sflag:s19] =	ssyncadd.s32 $0xFFFFF800  }
0x288: {  	_ =	swait.ge [sflag:s19], $0x800  }
0x289: {  	[sflag:s19] =	ssyncset.done $0x0  }
0x28a: {  	[sflag:s19] =	ssyncadd.s32 $0xFFFFF800  }
0x28b: {  	_ =	swait.ge [sflag:s19], $0x800  }
0x28c: {  	[sflag:s19] =	ssyncset.done $0x0  }
0x28d: {  	[sflag:s19] =	ssyncadd.s32 $0xFFFFF800  }
0x28e: {  	_ =	swait.ge [sflag:s19], $0x800  }
0x28f: {  	[sflag:s19] =	ssyncset.done $0x0  }
0x290: {  	[sflag:s19] =	ssyncadd.s32 $0xFFFFF800  }
0x291: {  	_ =	swait.ge [sflag:s19], $0x800  }
0x292: {  	[sflag:s19] =	ssyncset.done $0x0  }
0x293: {  	[sflag:s19] =	ssyncadd.s32 $0xFFFFF800  }
0x294: {  	_ =	swait.ge [sflag:s19], $0x800  }
0x295: {  	[sflag:s19] =	ssyncset.done $0x0  }
0x296: {  	s10 =	simm.s32 $0x0;
	[sflag:s19] =	ssyncadd.s32 $0xFFFFF800  }
0x297: {  	v0 =	vld [tilespmem:s10+$0x2A70]  }
0x298: {  	v1 =	vld [tilespmem:s10+$0x2A00]  }
0x299: {  	v2 =	vld [tilespmem:s10+$0x2A10]  }
0x29a: {  	v3 =	vld [tilespmem:s10+$0x2A20]  }
0x29b: {  	v4 =	vld [tilespmem:s10+$0x2A30]  }
0x29c: {  	v5 =	vld [tilespmem:s10+$0x2A40]  }
0x29d: {  	v6 =	vld [tilespmem:s10+$0x2A50]  }
0x29e: {  	[tilespmem:s10+$0x9A70] =	vst.add.f32.msk $0xffff, v0  }
0x29f: {  	v0 =	vld [tilespmem:s10+$0x2A60]  }
0x2a0: {  	[tilespmem:s10+$0x9A00] =	vst.add.f32.msk $0xffff, v1  }
0x2a1: {  	[tilespmem:s10+$0x9A10] =	vst.add.f32.msk $0xffff, v2  }
0x2a2: {  	[tilespmem:s10+$0x9A20] =	vst.add.f32.msk $0xffff, v3  }
0x2a3: {  	[tilespmem:s10+$0x9A30] =	vst.add.f32.msk $0xffff, v4  }
0x2a4: {  	[tilespmem:s10+$0x9A40] =	vst.add.f32.msk $0xffff, v5  }
0x2a5: {  	s11 =	simm.s32 $0x0;
	s12 =	simm.s32 $0x200;
	[tilespmem:s10+$0x9A50] =	vst.add.f32.msk $0xffff, v6  }
.LBB2_19:
0x2a6: {  	s11 =	sadd.s32 $0x8, s11;
	[tilespmem:s10+$0x9A60] =	vst.add.f32.msk $0xffff, v0;
	s10 =	sshra.s32 s12, $0x2  }
0x2a7: {  	v0 =	vld [tilespmem:s10+$0x2A70];
	p0 =	slt.u32 s11, $0x378  }
0x2a8: {  	v1 =	vld [tilespmem:s10+$0x2A00]  }
0x2a9: {  	v2 =	vld [tilespmem:s10+$0x2A10]  }
0x2aa: {  	v3 =	vld [tilespmem:s10+$0x2A20]  }
0x2ab: {  	v4 =	vld [tilespmem:s10+$0x2A30]  }
0x2ac: {  	[tilespmem:s10+$0x9A70] =	vst.add.f32.msk $0xffff, v0  }
0x2ad: {  	v5 =	vld [tilespmem:s10+$0x2A40]  }
0x2ae: {  	v6 =	vld [tilespmem:s10+$0x2A50]  }
0x2af: {  	v0 =	vld [tilespmem:s10+$0x2A60]  }
0x2b0: {  	[tilespmem:s10+$0x9A00] =	vst.add.f32.msk $0xffff, v1  }
.Ltmp8:
0x2b1: {  	[tilespmem:s10+$0x9A10] =	vst.add.f32.msk $0xffff, v2;
	(pc) =	sbr.rel @p0 .LBB2_19-.Ltmp8, $4  }
0x2b2: {  	[tilespmem:s10+$0x9A20] =	vst.add.f32.msk $0xffff, v3  }
0x2b3: {  	[tilespmem:s10+$0x9A30] =	vst.add.f32.msk $0xffff, v4  }
0x2b4: {  	[tilespmem:s10+$0x9A40] =	vst.add.f32.msk $0xffff, v5  }
0x2b5: {  	s12 =	sadd.s32 $0x200, s12;
	[tilespmem:s10+$0x9A50] =	vst.add.f32.msk $0xffff, v6  }
0x2b6: {  	[tilespmem:s10+$0x9A60] =	vst.add.f32.msk $0xffff, v0  }
0x2b7: {  	[tilespmem:s21], [sflag:$0x1] =	stream.indirect.gather [hbm4b:s4+s20], $0x10, s17, s20, $0xb8;
	[tilespmem:$0xD200] =	vst v63  }
0x2b8: {  	s11 =	simm.s32 $0x2380  }
0x2b9: {  	[tilespmem:s22], [sflag:$0x1] =	stream.indirect.gather [hbm4b:s4+s20], $0x10, s11, s20, $0xb8;
	[tilespmem:$0xD200] =	vst v63  }
0x2ba: {  	s12 =	simm.s32 $0x2400  }
0x2bb: {  	[tilespmem:s24], [sflag:$0x1] =	stream.indirect.gather [hbm4b:s4+s20], $0x10, s12, s20, $0xb8;
	[tilespmem:$0xD200] =	vst v63  }
0x2bc: {  	s13 =	simm.s32 $0x2480  }
0x2bd: {  	[tilespmem:s26], [sflag:$0x1] =	stream.indirect.gather [hbm4b:s4+s20], $0x10, s13, s20, $0xb8;
	[tilespmem:$0xD200] =	vst v63  }
0x2be: {  	s11 =	simm.s32 $0x2500  }
0x2bf: {  	[tilespmem:s29], [sflag:$0x1] =	stream.indirect.gather [hbm4b:s4+s20], $0x10, s11, s20, $0xb8;
	[tilespmem:$0xD200] =	vst v63  }
0x2c0: {  	s12 =	simm.s32 $0x2580  }
0x2c1: {  	[tilespmem:s31], [sflag:$0x1] =	stream.indirect.gather [hbm4b:s4+s20], $0x10, s12, s20, $0xb8;
	[tilespmem:$0xD200] =	vst v63  }
0x2c2: {  	s13 =	simm.s32 $0x2600  }
0x2c3: {  	[tilespmem:s2], [sflag:$0x1] =	stream.indirect.gather [hbm4b:s4+s20], $0x10, s13, s20, $0xb8;
	[tilespmem:$0xD200] =	vst v63  }
0x2c4: {  	_ =	swait.ge [sflag:s5], $0x800  }
0x2c5: {  	[sflag:s5] =	ssyncset.done $0x0  }
0x2c6: {  	[sflag:s5] =	ssyncadd.s32 $0xFFFFF800  }
0x2c7: {  	_ =	swait.ge [sflag:s5], $0x800  }
0x2c8: {  	[sflag:s5] =	ssyncset.done $0x0  }
0x2c9: {  	[sflag:s5] =	ssyncadd.s32 $0xFFFFF800  }
0x2ca: {  	_ =	swait.ge [sflag:s5], $0x800  }
0x2cb: {  	[sflag:s5] =	ssyncset.done $0x0  }
0x2cc: {  	[sflag:s5] =	ssyncadd.s32 $0xFFFFF800  }
0x2cd: {  	_ =	swait.ge [sflag:s5], $0x800  }
0x2ce: {  	[sflag:s5] =	ssyncset.done $0x0  }
0x2cf: {  	[sflag:s5] =	ssyncadd.s32 $0xFFFFF800  }
0x2d0: {  	_ =	swait.ge [sflag:s5], $0x800  }
0x2d1: {  	[sflag:s5] =	ssyncset.done $0x0  }
0x2d2: {  	[sflag:s5] =	ssyncadd.s32 $0xFFFFF800  }
0x2d3: {  	_ =	swait.ge [sflag:s5], $0x800  }
0x2d4: {  	[sflag:s5] =	ssyncset.done $0x0  }
0x2d5: {  	[sflag:s5] =	ssyncadd.s32 $0xFFFFF800  }
0x2d6: {  	_ =	swait.ge [sflag:s5], $0x800  }
0x2d7: {  	[sflag:s5] =	ssyncset.done $0x0  }
0x2d8: {  	s10 =	simm.s32 $0x0;
	[sflag:s5] =	ssyncadd.s32 $0xFFFFF800  }
0x2d9: {  	v0 =	vld [tilespmem:s10+$0x6270]  }
0x2da: {  	v1 =	vld [tilespmem:s10+$0x6200]  }
0x2db: {  	v2 =	vld [tilespmem:s10+$0x6210]  }
0x2dc: {  	v3 =	vld [tilespmem:s10+$0x6220]  }
0x2dd: {  	v4 =	vld [tilespmem:s10+$0x6230]  }
0x2de: {  	v5 =	vld [tilespmem:s10+$0x6240]  }
0x2df: {  	v6 =	vld [tilespmem:s10+$0x6250]  }
0x2e0: {  	[tilespmem:s10+$0x9A70] =	vst.add.f32.msk $0xffff, v0  }
0x2e1: {  	v0 =	vld [tilespmem:s10+$0x6260]  }
0x2e2: {  	[tilespmem:s10+$0x9A00] =	vst.add.f32.msk $0xffff, v1  }
0x2e3: {  	[tilespmem:s10+$0x9A10] =	vst.add.f32.msk $0xffff, v2  }
0x2e4: {  	[tilespmem:s10+$0x9A20] =	vst.add.f32.msk $0xffff, v3  }
0x2e5: {  	[tilespmem:s10+$0x9A30] =	vst.add.f32.msk $0xffff, v4  }
0x2e6: {  	[tilespmem:s10+$0x9A40] =	vst.add.f32.msk $0xffff, v5  }
0x2e7: {  	s11 =	simm.s32 $0x0;
	s12 =	simm.s32 $0x200;
	[tilespmem:s10+$0x9A50] =	vst.add.f32.msk $0xffff, v6  }
.LBB2_21:
0x2e8: {  	s11 =	sadd.s32 $0x8, s11;
	[tilespmem:s10+$0x9A60] =	vst.add.f32.msk $0xffff, v0;
	s10 =	sshra.s32 s12, $0x2  }
0x2e9: {  	v0 =	vld [tilespmem:s10+$0x6270];
	p0 =	slt.u32 s11, $0x378  }
0x2ea: {  	v1 =	vld [tilespmem:s10+$0x6200]  }
0x2eb: {  	v2 =	vld [tilespmem:s10+$0x6210]  }
0x2ec: {  	v3 =	vld [tilespmem:s10+$0x6220]  }
0x2ed: {  	v4 =	vld [tilespmem:s10+$0x6230]  }
0x2ee: {  	[tilespmem:s10+$0x9A70] =	vst.add.f32.msk $0xffff, v0  }
0x2ef: {  	v5 =	vld [tilespmem:s10+$0x6240]  }
0x2f0: {  	v6 =	vld [tilespmem:s10+$0x6250]  }
0x2f1: {  	v0 =	vld [tilespmem:s10+$0x6260]  }
0x2f2: {  	[tilespmem:s10+$0x9A00] =	vst.add.f32.msk $0xffff, v1  }
.Ltmp9:
0x2f3: {  	[tilespmem:s10+$0x9A10] =	vst.add.f32.msk $0xffff, v2;
	(pc) =	sbr.rel @p0 .LBB2_21-.Ltmp9, $4  }
0x2f4: {  	[tilespmem:s10+$0x9A20] =	vst.add.f32.msk $0xffff, v3  }
0x2f5: {  	[tilespmem:s10+$0x9A30] =	vst.add.f32.msk $0xffff, v4  }
0x2f6: {  	[tilespmem:s10+$0x9A40] =	vst.add.f32.msk $0xffff, v5  }
0x2f7: {  	s12 =	sadd.s32 $0x200, s12;
	[tilespmem:s10+$0x9A50] =	vst.add.f32.msk $0xffff, v6  }
0x2f8: {  	[tilespmem:s10+$0x9A60] =	vst.add.f32.msk $0xffff, v0  }
0x2f9: {  	[tilespmem:s7], [sflag:$0x2] =	stream.indirect.gather [hbm4b:s4+s20], $0x10, s18, s20, $0xb8;
	[tilespmem:$0xD200] =	vst v63  }
0x2fa: {  	s11 =	simm.s32 $0x2700  }
0x2fb: {  	[tilespmem:s23], [sflag:$0x2] =	stream.indirect.gather [hbm4b:s4+s20], $0x10, s11, s20, $0xb8;
	[tilespmem:$0xD200] =	vst v63  }
0x2fc: {  	s12 =	simm.s32 $0x2780  }
0x2fd: {  	[tilespmem:s28], [sflag:$0x2] =	stream.indirect.gather [hbm4b:s4+s20], $0x10, s12, s20, $0xb8;
	[tilespmem:$0xD200] =	vst v63  }
0x2fe: {  	s13 =	simm.s32 $0x2800  }
0x2ff: {  	[tilespmem:s0], [sflag:$0x2] =	stream.indirect.gather [hbm4b:s4+s20], $0x10, s13, s20, $0xb8;
	[tilespmem:$0xD200] =	vst v63  }
0x300: {  	s11 =	simm.s32 $0x2880  }
0x301: {  	[tilespmem:s25], [sflag:$0x2] =	stream.indirect.gather [hbm4b:s4+s20], $0x10, s11, s20, $0xb8;
	[tilespmem:$0xD200] =	vst v63  }
0x302: {  	s12 =	simm.s32 $0x2900  }
0x303: {  	[tilespmem:s1], [sflag:$0x2] =	stream.indirect.gather [hbm4b:s4+s20], $0x10, s12, s20, $0xb8;
	[tilespmem:$0xD200] =	vst v63  }
0x304: {  	s13 =	simm.s32 $0x2980  }
0x305: {  	[tilespmem:s30], [sflag:$0x2] =	stream.indirect.gather [hbm4b:s4+s20], $0x10, s13, s20, $0xb8;
	[tilespmem:$0xD200] =	vst v63  }
0x306: {  	_ =	swait.ge [sflag:s19], $0x800  }
0x307: {  	[sflag:s19] =	ssyncset.done $0x0  }
0x308: {  	[sflag:s19] =	ssyncadd.s32 $0xFFFFF800  }
0x309: {  	_ =	swait.ge [sflag:s19], $0x800  }
0x30a: {  	[sflag:s19] =	ssyncset.done $0x0  }
0x30b: {  	[sflag:s19] =	ssyncadd.s32 $0xFFFFF800  }
0x30c: {  	_ =	swait.ge [sflag:s19], $0x800  }
0x30d: {  	[sflag:s19] =	ssyncset.done $0x0  }
0x30e: {  	[sflag:s19] =	ssyncadd.s32 $0xFFFFF800  }
0x30f: {  	_ =	swait.ge [sflag:s19], $0x800  }
0x310: {  	[sflag:s19] =	ssyncset.done $0x0  }
0x311: {  	[sflag:s19] =	ssyncadd.s32 $0xFFFFF800  }
0x312: {  	_ =	swait.ge [sflag:s19], $0x800  }
0x313: {  	[sflag:s19] =	ssyncset.done $0x0  }
0x314: {  	[sflag:s19] =	ssyncadd.s32 $0xFFFFF800  }
0x315: {  	_ =	swait.ge [sflag:s19], $0x800  }
0x316: {  	[sflag:s19] =	ssyncset.done $0x0  }
0x317: {  	[sflag:s19] =	ssyncadd.s32 $0xFFFFF800  }
0x318: {  	_ =	swait.ge [sflag:s19], $0x800  }
0x319: {  	[sflag:s19] =	ssyncset.done $0x0  }
0x31a: {  	s10 =	simm.s32 $0x0;
	[sflag:s19] =	ssyncadd.s32 $0xFFFFF800  }
0x31b: {  	v0 =	vld [tilespmem:s10+$0x2A70]  }
0x31c: {  	v1 =	vld [tilespmem:s10+$0x2A00]  }
0x31d: {  	v2 =	vld [tilespmem:s10+$0x2A10]  }
0x31e: {  	v3 =	vld [tilespmem:s10+$0x2A20]  }
0x31f: {  	v4 =	vld [tilespmem:s10+$0x2A30]  }
0x320: {  	v5 =	vld [tilespmem:s10+$0x2A40]  }
0x321: {  	v6 =	vld [tilespmem:s10+$0x2A50]  }
0x322: {  	[tilespmem:s10+$0x9A70] =	vst.add.f32.msk $0xffff, v0  }
0x323: {  	v0 =	vld [tilespmem:s10+$0x2A60]  }
0x324: {  	[tilespmem:s10+$0x9A00] =	vst.add.f32.msk $0xffff, v1  }
0x325: {  	[tilespmem:s10+$0x9A10] =	vst.add.f32.msk $0xffff, v2  }
0x326: {  	[tilespmem:s10+$0x9A20] =	vst.add.f32.msk $0xffff, v3  }
0x327: {  	[tilespmem:s10+$0x9A30] =	vst.add.f32.msk $0xffff, v4  }
0x328: {  	[tilespmem:s10+$0x9A40] =	vst.add.f32.msk $0xffff, v5  }
0x329: {  	s11 =	simm.s32 $0x0;
	s12 =	simm.s32 $0x200;
	[tilespmem:s10+$0x9A50] =	vst.add.f32.msk $0xffff, v6  }
.LBB2_23:
0x32a: {  	s11 =	sadd.s32 $0x8, s11;
	[tilespmem:s10+$0x9A60] =	vst.add.f32.msk $0xffff, v0;
	s10 =	sshra.s32 s12, $0x2  }
0x32b: {  	v0 =	vld [tilespmem:s10+$0x2A70];
	p0 =	slt.u32 s11, $0x378  }
0x32c: {  	v1 =	vld [tilespmem:s10+$0x2A00]  }
0x32d: {  	v2 =	vld [tilespmem:s10+$0x2A10]  }
0x32e: {  	v3 =	vld [tilespmem:s10+$0x2A20]  }
0x32f: {  	v4 =	vld [tilespmem:s10+$0x2A30]  }
0x330: {  	[tilespmem:s10+$0x9A70] =	vst.add.f32.msk $0xffff, v0  }
0x331: {  	v5 =	vld [tilespmem:s10+$0x2A40]  }
0x332: {  	v6 =	vld [tilespmem:s10+$0x2A50]  }
0x333: {  	v0 =	vld [tilespmem:s10+$0x2A60]  }
0x334: {  	[tilespmem:s10+$0x9A00] =	vst.add.f32.msk $0xffff, v1  }
.Ltmp10:
0x335: {  	[tilespmem:s10+$0x9A10] =	vst.add.f32.msk $0xffff, v2;
	(pc) =	sbr.rel @p0 .LBB2_23-.Ltmp10, $4  }
0x336: {  	[tilespmem:s10+$0x9A20] =	vst.add.f32.msk $0xffff, v3  }
0x337: {  	[tilespmem:s10+$0x9A30] =	vst.add.f32.msk $0xffff, v4  }
0x338: {  	[tilespmem:s10+$0x9A40] =	vst.add.f32.msk $0xffff, v5  }
0x339: {  	s12 =	sadd.s32 $0x200, s12;
	[tilespmem:s10+$0x9A50] =	vst.add.f32.msk $0xffff, v6  }
0x33a: {  	[tilespmem:s10+$0x9A60] =	vst.add.f32.msk $0xffff, v0  }
0x33b: {  	_ =	swait.ge [sflag:s5], $0x800  }
0x33c: {  	[sflag:s5] =	ssyncset.done $0x0  }
0x33d: {  	[sflag:s5] =	ssyncadd.s32 $0xFFFFF800  }
0x33e: {  	_ =	swait.ge [sflag:s5], $0x800  }
0x33f: {  	[sflag:s5] =	ssyncset.done $0x0  }
0x340: {  	[sflag:s5] =	ssyncadd.s32 $0xFFFFF800  }
0x341: {  	_ =	swait.ge [sflag:s5], $0x800  }
0x342: {  	[sflag:s5] =	ssyncset.done $0x0  }
0x343: {  	[sflag:s5] =	ssyncadd.s32 $0xFFFFF800  }
0x344: {  	_ =	swait.ge [sflag:s5], $0x800  }
0x345: {  	[sflag:s5] =	ssyncset.done $0x0  }
0x346: {  	[sflag:s5] =	ssyncadd.s32 $0xFFFFF800  }
0x347: {  	_ =	swait.ge [sflag:s5], $0x800  }
0x348: {  	[sflag:s5] =	ssyncset.done $0x0  }
0x349: {  	[sflag:s5] =	ssyncadd.s32 $0xFFFFF800  }
0x34a: {  	_ =	swait.ge [sflag:s5], $0x800  }
0x34b: {  	[sflag:s5] =	ssyncset.done $0x0  }
0x34c: {  	[sflag:s5] =	ssyncadd.s32 $0xFFFFF800  }
0x34d: {  	_ =	swait.ge [sflag:s5], $0x800  }
0x34e: {  	[sflag:s5] =	ssyncset.done $0x0  }
0x34f: {  	s10 =	simm.s32 $0x0;
	[sflag:s5] =	ssyncadd.s32 $0xFFFFF800  }
0x350: {  	v0 =	vld [tilespmem:s10+$0x6270]  }
0x351: {  	v1 =	vld [tilespmem:s10+$0x6200]  }
0x352: {  	v2 =	vld [tilespmem:s10+$0x6210]  }
0x353: {  	v3 =	vld [tilespmem:s10+$0x6220]  }
0x354: {  	v4 =	vld [tilespmem:s10+$0x6230]  }
0x355: {  	v5 =	vld [tilespmem:s10+$0x6240]  }
0x356: {  	v6 =	vld [tilespmem:s10+$0x6250]  }
0x357: {  	[tilespmem:s10+$0x9A70] =	vst.add.f32.msk $0xffff, v0  }
0x358: {  	v0 =	vld [tilespmem:s10+$0x6260]  }
0x359: {  	[tilespmem:s10+$0x9A00] =	vst.add.f32.msk $0xffff, v1  }
0x35a: {  	[tilespmem:s10+$0x9A10] =	vst.add.f32.msk $0xffff, v2  }
0x35b: {  	[tilespmem:s10+$0x9A20] =	vst.add.f32.msk $0xffff, v3  }
0x35c: {  	[tilespmem:s10+$0x9A30] =	vst.add.f32.msk $0xffff, v4  }
0x35d: {  	[tilespmem:s10+$0x9A40] =	vst.add.f32.msk $0xffff, v5  }
0x35e: {  	s11 =	simm.s32 $0x0;
	s12 =	simm.s32 $0x200;
	[tilespmem:s10+$0x9A50] =	vst.add.f32.msk $0xffff, v6  }
.LBB2_25:
0x35f: {  	s11 =	sadd.s32 $0x8, s11;
	[tilespmem:s10+$0x9A60] =	vst.add.f32.msk $0xffff, v0;
	s10 =	sshra.s32 s12, $0x2  }
0x360: {  	v0 =	vld [tilespmem:s10+$0x6270];
	p0 =	slt.u32 s11, $0x378  }
0x361: {  	v1 =	vld [tilespmem:s10+$0x6200]  }
0x362: {  	v2 =	vld [tilespmem:s10+$0x6210]  }
0x363: {  	v3 =	vld [tilespmem:s10+$0x6220]  }
0x364: {  	v4 =	vld [tilespmem:s10+$0x6230]  }
0x365: {  	[tilespmem:s10+$0x9A70] =	vst.add.f32.msk $0xffff, v0  }
0x366: {  	v5 =	vld [tilespmem:s10+$0x6240]  }
0x367: {  	v6 =	vld [tilespmem:s10+$0x6250]  }
0x368: {  	v0 =	vld [tilespmem:s10+$0x6260]  }
0x369: {  	[tilespmem:s10+$0x9A00] =	vst.add.f32.msk $0xffff, v1  }
.Ltmp11:
0x36a: {  	[tilespmem:s10+$0x9A10] =	vst.add.f32.msk $0xffff, v2;
	(pc) =	sbr.rel @p0 .LBB2_25-.Ltmp11, $4  }
0x36b: {  	[tilespmem:s10+$0x9A20] =	vst.add.f32.msk $0xffff, v3  }
0x36c: {  	[tilespmem:s10+$0x9A30] =	vst.add.f32.msk $0xffff, v4  }
0x36d: {  	[tilespmem:s10+$0x9A40] =	vst.add.f32.msk $0xffff, v5  }
0x36e: {  	s12 =	sadd.s32 $0x200, s12;
	[tilespmem:s10+$0x9A50] =	vst.add.f32.msk $0xffff, v6  }
0x36f: {  	s8 =	sadd.s32 $0x1, s8  }
0x370: {  	s9 =	sshll.u32 s9, $0x1;
	s12 =	rddreg [dreg:$0x1];
	p0 =	sne.s32 s8, $0x5  }
.Ltmp12:
0x371: {  	[tilespmem:s10+$0x9A60] =	vst.add.f32.msk $0xffff, v0;
	s13 =	simm.s32 $0x9A00;
	s9 =	sadd.s32 s12, s9;
	(pc) =	sbr.rel @p0 .LBB2_2-.Ltmp12, $4  }
0x372: {  	[hbm4b:s9+s3] =	stream.linear.scatter [tilespmem:s13], [sflag:$0x3], $0x3800, $0x38;
	[tilespmem:$0xD200] =	vst v63  }
0x373: {  	_ =	swait.ge [sflag:s6], $0x3800  }
0x374: {  	[sflag:s6] =	ssyncset.done $0x0  }
0x375: {  	[sflag:s6] =	ssyncadd.s32 $0xFFFFC800  }
0x376: {  	s9 =	rddreg [dreg:$0x6]  }
0x377: {  	s8 =	rddreg [dreg:$0x5];
	s9 =	sadd.s32 $0x1, s9  }
0x378: {  	p0 =	sne.s32 s9, s8  }
.Ltmp13:
0x379: {  	_ = 	snop;
	(pc) =	sbr.rel @p0 .LBB2_1-.Ltmp13, $1  }
0x37a: {  	_ =	sdelay $0x3  }
0x37b: {  	_ =	sfence.sel $0x180000  }
0x37c: {  	[bflag:$0x0] =	sbarrier.arrive $0xFFFF  }
0x37d: {  	_ =	strace $0x9000004A  }
0x37e: {  	s0 =	stileid.u32;
	[bflag:$0x2] =	sbarrier.arrive $0xFFFF  }
0x37f: {  	p0 =	sne.s32 s0, $0x0;
	s0 =	rddreg [dreg:$0x2]  }
0x380: {  	s0 =	sadd.s32 @!p0 $0x100000, s0  }
0x381: {  	[sflag:s0] =	ssyncadd.tile.s32 @!p0 $0x1;
	_ =	shalt  }
.Lfunc_end2:
_tile_overlayer_lowered:
.L_overlay_start_2:
0x382: {  	(tag) =	ssettag $0x2  }
0x383: {  	s0 =	rddreg [dreg:$0x0];
	s2 =	stileid.u32  }
0x384: {  	s1 =	rddreg [dreg:$0x1];
	p0 =	sne.s32 s2, $0x0  }
0x385: {  	s3 =	rddreg [dreg:$0x2];
	[bflag:$0x3] =	sbarrier.arrive $0xFFFF;
	s2 =	simm.s32 @!p0 $0x1C03  }
0x386: {  	[timem:s3], [sflag:s2] =	dma.local @!p0 [hbm:s0], s1  }
0x387: {  	s0 =	simm.s32 @!p0 $0x3  }
0x388: {  	_ =	swait.ge @!p0 [sflag:s0], s1  }
0x389: {  	s1 =	ssub.s32 @!p0 $0x0, s1;
	[sflag:s0] =	ssyncset.done @!p0 $0x0  }
0x38a: {  	[sflag:s0] =	ssyncadd.s32 @!p0 s1  }
0x38b: {  	[bflag:$0x3] =	sbarrier.arrive $0xFFFF  }
0x38c: {  	_ =	shalt  }

// kernel: sparse-core-data-format-call.cloned.1.call-start
scs
called_computation_lowered:
.L_overlay_start_0:
0x0: {  	s2 =	sld [smem:$0x3FD9]  }
0x1: {  	s3 =	sld [smem:$0x3FFE];
	_ =	sdelay $0x1  }
0x2: {  	s1 =	srdreg.scid  }
0x3: {  	s0 =	sand.u32 $0x1, s1  }
0x4: {  	s18 =	sshll.u32 s0, $0xA;
	s2 =	sadd.s32 s3, s2  }
0x5: {  	s2 =	sadd.s32 s2, s18  }
0x6: {  	[smem:$0x3FC5] =	sst s2  }
0x7: {  	_ = 	snop  }
0x8: {  	s2 =	sld [smem:$0x3FC9];
	(tm) =	ssettm $0x1  }
0x9: {  	s19 =	sld [smem:$0x3FFB];
	_ =	sdelay $0x3  }
0xa: {  	_ =	strace s19  }
0xb: {  	s3 =	sld [smem:$0x3FFC];
	_ =	sdelay $0x3  }
0xc: {  	_ =	strace s3  }
0xd: {  	s3 =	sld [smem:$0x3FFD];
	_ =	sdelay $0x3  }
0xe: {  	_ =	strace s3  }
0xf: {  	_ =	strace $0x8FFFFFFF  }
0x10: {  	s20 =	sld [smem:$0x3FDB];
	_ =	sdelay $0x1  }
0x11: {  	s4 =	simm.s32 $_scs_section_size  }
0x12: {  	s5 =	simm.s32 $_size__tile_overlayer_lowered;
	s6 =	simm.s32 $_tile_overlayer_lowered  }
0x13: {  	s23 =	simm.s32 $0x1BFF;
	s22 =	sshll.u32 s6, $0x1;
	s3 =	sadd.s32 s4, s20  }
0x14: {  	s7 =	simm.s32 $0x0;
	s21 =	sshll.u32 s5, $0x1;
	s5 =	sadd.s32 s22, s3  }
0x15: {  	[timem:s7], [sflag:s23] =	dma.local [hbm:s5], s21  }
0x16: {  	_ =	swait.ge [sflag:s23], s21  }
0x17: {  	s4 =	ssub.s32 $0x0, s21;
	[sflag:s23] =	ssyncset.done $0x0  }
0x18: {  	[sflag:s23] =	ssyncadd.s32 s4;
	_ =	sdelay $0x1  }
0x19: {  	s24 =	simm.s32 $0x1B8B  }
0x1a: {  	_ =	swait.ge [sflag:s24], $0x1  }
0x1b: {  	[sflag:s24] =	ssyncset.done $0x0  }
0x1c: {  	s26 =	simm.s32 $0x1B8E;
	s25 =	sld [smem:$0x3FFE];
	[sflag:s24] =	ssyncadd.s32 $0xFFFFFFFF  }
0x1d: {  	s27 =	simm.s32 $execute0_lowered;
	[smem:$0x3FD2] =	sst s26  }
0x1e: {  	s5 =	sshll.u32 s27, $0x1;
	_ =	strace $0x80000046;
	[dreg:$0x1] =	wrdreg $0xFFFFFFFF  }
0x1f: {  	s28 =	simm.s32 $_size_execute0_lowered;
	s3 =	sadd.s32 s3, s5;
	[dreg:$0x0] =	wrdreg $0x0  }
0x20: {  	s5 =	sshll.u32 s28, $0x1;
	[dreg:$0x2] =	wrdreg s3  }
0x21: {  	[dreg:$0x3] =	wrdreg s5  }
0x22: {  	[dreg:$0x4] =	wrdreg $0xC0  }
0x23: {  	_ =	task [dreg:s7], $0x5FFFF  }
0x24: {  	[dreg:$0x1] =	wrdreg $0xFFFFFFFF  }
0x25: {  	[dreg:$0x0] =	wrdreg $0x60  }
0x26: {  	[dreg:$0x2] =	wrdreg s2  }
0x27: {  	[dreg:$0x3] =	wrdreg s25  }
0x28: {  	[dreg:$0x4] =	wrdreg $0x9  }
0x29: {  	_ =	task.clear_ibuf [dreg:s7], $0x5FFFF;
	_ =	strace $0x90000046  }
0x2a: {  	s29 =	simm.s32 $0x9;
	_ =	strace $0x80000048  }
0x2b: {  	_ =	swait.ge [sflag:s29], $0x1  }
0x2c: {  	[sflag:s29] =	ssyncadd.s32 $0xFFFFFFFF  }
0x2d: {  	_ =	strace $0x90000048  }
0x2e: {  	_ =	sfence  }
0x2f: {  	s30 =	sld [smem:$0x0];
	_ =	sdelay $0x2  }
0x30: {  	s31 =	sshll.u32 s1, $0xD;
	s1 =	sshrl.u32 s1, $0x2  }
0x31: {  	s3 =	sand.u32 $0x4000, s31;
	s1 =	sadd.s32 s1, s30  }
0x32: {  	s0 =	sor.u32 s3, s0;
	s1 =	sshll.u32 s1, $0x11  }
0x33: {  	s0 =	sor.u32 s1, s0  }
0x34: {  	s0 =	sadd.s32 $0x8F2B, s0  }
0x35: {  	[sflag:s0] =	ssyncadd.remote.s32 $0x1  }
0x36: {  	_ =	sfence.sel $0xFFFF  }
0x37: {  	[dreg:$0x0] =	wrdreg $0xFFFFFFFF;
	(pc) =	sbr.abs _section_cstart, $3  }
0x38: {  	[dreg:$0x1] =	wrdreg $0xFFFFFFFF  }
0x39: {  	_ =	task.clear_ibuf [dreg:s7], $0x2FFFF;
	_ =	strace $0x9FFFFFFF  }
0x3a: {  	(tm) =	ssettm $0x7FFFFFFF  }
0x3b: {  	_ =	shalt  }
tec
execute0_lowered:
.L_overlay_start_1:
0x0: {  	(tag) =	ssettag $0x1  }
0x1: {  	s0 =	srdreg.scid;
	s1 =	stileid.u32  }
0x2: {  	s31 =	rddreg [dreg:$0x1];
	_ =	strace $0x80000047;
	s5 =	simm.s32 $0x1  }
0x3: {  	s6 =	simm.s32 $0x2;
	s25 =	simm.s32 $0x0;
	s0 =	sshll.u32 s0, $0x4  }
0x4: {  	s16 =	simm.s32 $0x80;
	s23 =	simm.s32 $0x0;
	s0 =	sand.u32 $0x10, s0  }
0x5: {  	s22 =	simm.s32 $0x0;
	s24 =	simm.s32 $0x0;
	s0 =	sor.u32 s1, s0  }
0x6: {  	s17 =	simm.s32 $0x0;
	s19 =	simm.s32 $0x0;
	s3 =	sshll.u32 s0, $0x3  }
0x7: {  	s20 =	simm.s32 $0x0;
	s21 =	simm.s32 $0x0;
	s0 =	ssub.s32 $0x200, s3  }
0x8: {  	s4 =	sadd.s32 $0xE00, s31;
	[sflag:s5] =	ssyncpa.u1 $0x0;
	s2 =	sand.u32 $0xF8, s0  }
0x9: {  	s7 =	sadd.s32 $0x3600, s31;
	p0 =	sne.s32 s2, $0x0;
	s2 =	simm.s32 $0x1  }
.Ltmp0:
0xa: {  	s0 =	sshrl.u32 s0, $0x8;
	s2 =	simm.s32 @!p0 $0x0;
	(pc) =	sbr.rel .LBB1_1-.Ltmp0, $4  }
0xb: {  	s8 =	sadd.s32 $0x5E00, s31;
	s9 =	sadd.s32 $0x8600, s31;
	s0 =	sadd.s32 s2, s0  }
0xc: {  	s10 =	sadd.s32 $0xAE00, s31;
	[sflag:s6] =	ssyncpa.u1 $0x0;
	s6 =	smul.u32 $0x3C, s0  }
0xd: {  	s11 =	sadd.s32 $0xD600, s31;
	s12 =	sadd.s32 $0xFE00, s31;
	s13 =	sadd.s32 $0x12600, s31  }
0xe: {  	s18 =	smov.u32 s3;
	p0 =	por $0x0, $0x0;
	s14 =	sor.u32 $0x1, s6  }
.LBB1_9:
0xf: {  	s0 =	sadd.s32 $0x80, s17  }
0x10: {  	s1 =	sadd.s32 $0x100, s18;
	s2 =	smov.u32 s18;
	p2 =	sgt.s32 s0, $0x27F  }
0x11: {  	s2 =	smov.u32 @p2 s1  }
0x12: {  	s15 =	smov.u32 s19;
	s1 =	sadd.s32 $0x10, s19;
	p3 =	sgt.s32 s2, $0x1FF  }
0x13: {  	s15 =	smov.u32 @p3 s1  }
0x14: {  	s1 =	simm.s32 $0x1;
	p4 =	sgt.s32 s15, $0xB  }
0x15: {  	s1 =	simm.s32 @!p4 $0x0  }
0x16: {  	p1 =	slt.u32 s21, $0x2;
	s1 =	sadd.s32 s1, s20  }
0x17: {  	s25 =	smov.u32 s17;
	s0 =	simm.s32 @p2 $0x0;
	p2 =	sgt.s32 s1, $0xB  }
0x18: {  	s23 =	smov.u32 s18;
	s1 =	simm.s32 @p2 $0x0;
	p2 =	sne.s32 s21, s14  }
.Ltmp1:
0x19: {  	s22 =	smov.u32 s19;
	s26 =	simm.s32 @!p1 $0x2;
	(pc) =	sbr.rel @!p2 .LBB1_10-.Ltmp1, $4  }
0x1a: {  	s24 =	smov.u32 s20;
	p0 =	por !p0, !p0;
	_ =	swait.ge @!p1 [sflag:s26], $0x4000  }
0x1b: {  	[sflag:s26] =	ssyncset.done @!p1 $0x0;
	s17 =	smov.u32 s0;
	s2 =	smov.u32 @p3 s3  }
0x1c: {  	[sflag:s26] =	ssyncadd.s32 @!p1 $0xFFFFC000;
	s18 =	smov.u32 s2;
	s15 =	simm.s32 @p4 $0x0  }
0x1d: {  	s19 =	smov.u32 s15;
	s21 =	sadd.s32 $0x1, s21;
	s20 =	smov.u32 s1  }
.LBB1_1:
0x1e: {  	p1 =	sge.u32 s21, s6  }
.Ltmp2:
0x1f: {  	_ = 	snop;
	(pc) =	sbr.rel @p1 .LBB1_3-.Ltmp2, $1  }
0x20: {  	_ =	sdelay $0x3  }
0x21: {  	s0 =	sshrl.u32 s18, $0x3;
	s1 =	sshll.u32 s17, $0x3  }
0x22: {  	s2 =	sshll.u32 s18, $0x7;
	s31 =	sand.u32 $0x7F, s17;
	s0 =	smul.u32 $0x1400, s0  }
0x23: {  	p1 =	sgt.s32 s20, $0xB;
	s26 =	smov.u32 s20;
	s1 =	sand.u32 $0xFFFFFC00, s1  }
0x24: {  	s27 =	sshra.s32 s20, $0x1F;
	s30 =	sand.u32 $0x380, s2;
	s0 =	sadd.s32 s0, s1  }
0x25: {  	s28 =	sshra.s32 s19, $0x1F;
	s26 =	simm.s32 @!p1 $0xB;
	s0 =	sor.u32 s30, s0  }
0x26: {  	s27 =	sand.u32 s27, s20;
	p1 =	sgt.s32 s19, $0xFFFFFFFC;
	s1 =	sor.u32 s31, s0  }
0x27: {  	s15 =	ssub.s32 s26, s27;
	s26 =	smov.u32 s19;
	s2 =	smulhi.u32 $0xCCCCCCCD, s1  }
0x28: {  	s29 =	sand.u32 s28, s19;
	s27 =	sadd.s32 $0xFFFFFFF5, s15;
	s26 =	simm.s32 @!p1 $0xFFFFFFFC  }
0x29: {  	p1 =	sgt.s32 s27, $0x0;
	s26 =	ssub.s32 s26, s29;
	s2 =	sshrl.u32 s2, $0x9  }
0x2a: {  	s27 =	smov.u32 s18;
	s29 =	sshra.s32 s18, $0x1F;
	s2 =	smul.u32 $0x280, s2  }
0x2b: {  	s30 =	sadd.s32 $0x4, s26;
	s31 =	sxor.u32 $0xFFFFFFFF, s21;
	s29 =	sand.u32 s29, s18  }
0x2c: {  	s26 =	ssub.s32 $0xC, s26;
	s1 =	ssub.s32 s1, s2;
	s2 =	ssub.s32 $0xC, s15  }
0x2d: {  	s0 =	smulhi.u32 $0xCCCCCCCD, s0;
	s2 =	simm.s32 @p1 $0x0;
	p1 =	sgt.s32 s18, $0x1F8  }
0x2e: {  	s28 =	sshll.u32 s31, $0xE;
	s31 =	smul.u32 $0x78000, s20;
	s27 =	simm.s32 @!p1 $0x1F8  }
0x2f: {  	s0 =	sshrl.u32 s0, $0x9;
	p1 =	sgt.s32 s30, $0xF;
	s27 =	ssub.s32 s27, s29  }
0x30: {  	s15 =	sshra.s32 s17, $0x1F;
	s26 =	simm.s32 @p1 $0x0;
	s29 =	sadd.s32 $0xFFFFFE08, s27  }
0x31: {  	s2 =	smul.u32 s2, s26;
	s26 =	ssub.s32 $0x200, s27;
	p1 =	sgt.s32 s29, $0x7  }
0x32: {  	s27 =	smov.u32 s17;
	s26 =	simm.s32 @p1 $0x0;
	p1 =	sgt.s32 s17, $0x200  }
0x33: {  	s0 =	sand.u32 $0x1FF, s0;
	s29 =	sand.u32 s15, s17;
	s27 =	simm.s32 @!p1 $0x200  }
0x34: {  	s28 =	sand.u32 $0x4000, s28;
	s0 =	smul.u32 $0x50, s0;
	s30 =	ssub.s32 s27, s29  }
0x35: {  	s15 =	rddreg [dreg:$0x0];
	s2 =	smul.u32 s26, s2;
	s27 =	sadd.s32 $0xFFFFFE00, s30  }
0x36: {  	s26 =	ssub.s32 $0x280, s30;
	s30 =	smul.u32 $0xA000, s19;
	p1 =	sgt.s32 s27, $0x7F  }
0x37: {  	s29 =	sadd.s32 s15, s31;
	s15 =	sand.u32 $0x7, s1;
	s26 =	simm.s32 @p1 $0x0  }
0x38: {  	s31 =	sadd.s32 s30, s29;
	s29 =	sshll.u32 s15, $0x12;
	s2 =	smul.u32 s26, s2  }
0x39: {  	s1 =	sshrl.u32 s1, $0x3;
	s0 =	sadd.s32 s0, s31;
	s30 =	sor.u32 $0x400, s29  }
0x3a: {  	s31 =	simm.s32 $0x50000;
	s0 =	sadd.s32 s1, s0;
	s2 =	sand.u32 $0x3FFFFFFF, s2  }
0x3b: {  	[tilespmem:s28], [sflag:$0x1] =	stream.strided.gather [hbm4b:s0+s30], s2, s31, s30, $0x38;
	[tilespmem:$0x10800] =	vst v63  }
.LBB1_3:
0x3c: {  	s0 =	sadd.s32 $0xFFFFFFFF, s21  }
0x3d: {  	p1 =	sge.u32 s0, s6  }
.Ltmp3:
0x3e: {  	_ = 	snop;
	(pc) =	sbr.rel @p1 .LBB1_9-.Ltmp3, $1  }
0x3f: {  	_ =	sdelay $0x3  }
0x40: {  	p1 =	sgt.s32 s24, $0xB  }
0x41: {  	s0 =	smov.u32 s24;
	s1 =	sshra.s32 s24, $0x1F;
	s2 =	smov.u32 s22  }
0x42: {  	s26 =	sshra.s32 s22, $0x1F;
	s0 =	simm.s32 @!p1 $0xB;
	s1 =	sand.u32 s1, s24  }
0x43: {  	p1 =	sgt.s32 s22, $0xFFFFFFFC;
	s31 =	sand.u32 s26, s22;
	s0 =	ssub.s32 s0, s1  }
0x44: {  	s26 =	simm.s32 $0x1;
	s2 =	simm.s32 @!p1 $0xFFFFFFFC;
	s27 =	sadd.s32 $0xFFFFFFF5, s0  }
0x45: {  	s1 =	ssub.s32 s2, s31;
	s0 =	ssub.s32 $0xC, s0;
	p1 =	sgt.s32 s27, $0x0  }
0x46: {  	s2 =	sadd.s32 $0x4, s1;
	s1 =	ssub.s32 $0xC, s1;
	s27 =	sshra.s32 s23, $0x1F  }
0x47: {  	s0 =	simm.s32 @p1 $0x0;
	p1 =	sgt.s32 s2, $0xF;
	s2 =	smov.u32 s23  }
0x48: {  	s15 =	sand.u32 s27, s23;
	s1 =	simm.s32 @p1 $0x0;
	p1 =	sgt.s32 s23, $0x1F8  }
0x49: {  	s27 =	sshra.s32 s25, $0x1F;
	s0 =	smul.u32 s0, s1;
	s2 =	simm.s32 @!p1 $0x1F8  }
0x4a: {  	p1 =	sgt.s32 s25, $0x200;
	s1 =	ssub.s32 s2, s15;
	s2 =	smov.u32 s25  }
0x4b: {  	s27 =	sand.u32 s27, s25;
	s28 =	sadd.s32 $0xFFFFFE08, s1;
	s2 =	simm.s32 @!p1 $0x200  }
0x4c: {  	s1 =	ssub.s32 $0x200, s1;
	p1 =	sgt.s32 s28, $0x7;
	s2 =	ssub.s32 s2, s27  }
0x4d: {  	s26 =	simm.s32 @!p0 $0x0;
	s1 =	simm.s32 @p1 $0x0;
	s27 =	sadd.s32 $0xFFFFFE00, s2  }
0x4e: {  	s0 =	smul.u32 s1, s0;
	p1 =	sgt.s32 s27, $0x7F;
	s1 =	ssub.s32 $0x280, s2  }
0x4f: {  	s31 =	smul.u32 $0x11000, s26;
	s1 =	simm.s32 @p1 $0x0  }
0x50: {  	s0 =	smul.u32 s1, s0  }
0x51: {  	s15 =	sshrl.u32 s31, $0x2;
	s31 =	sand.u32 $0x1, s21  }
0x52: {  	s26 =	sshll.u32 s26, $0xE;
	s2 =	smul.u32 $0x11000, s31;
	s0 =	sand.u32 $0x3FFFFFFF, s0  }
0x53: {  	s30 =	simm.s32 $0x0;
	s29 =	sor.u32 $0x40, s26;
	_ =	swait.ge [sflag:s5], s0  }
0x54: {  	s26 =	sshrl.u32 s2, $0x2;
	s0 =	ssub.s32 $0x0, s0;
	[sflag:s5] =	ssyncset.done $0x0  }
0x55: {  	s28 =	sor.u32 $0x8000, s15;
	s27 =	sor.u32 $0x8000, s26;
	[sflag:s5] =	ssyncadd.s32 s0  }
.LBB1_5:
0x56: {  	v0 =	vld [tilespmem:s29+$0x30]  }
0x57: {  	v1 =	vld [tilespmem:s29+$0xFFFFFFD0]  }
0x58: {  	v5 =	vld [tilespmem:s29+$0xFFFFFFE0]  }
0x59: {  	v6 =	vld [tilespmem:s29+$0xFFFFFFF0]  }
0x5a: {  	s31 =	sadd.s32 $0x0, s28;
	v2 =	vld [tilespmem:s29+$0x0]  }
0x5b: {  	v3 =	vld [tilespmem:s29+$0x10];
	[tilespmem:s31+$0x770 ss:$0x11] =	vst.msk $0xffff, v0  }
0x5c: {  	v4 =	vld [tilespmem:s29+$0x20];
	[tilespmem:s31+$0x110 ss:$0x11] =	vst.msk $0xffff, v1  }
0x5d: {  	s1 =	sadd.s32 $0x80, s29;
	v0 =	vld [tilespmem:s29+$0xFFFFFFC0];
	[tilespmem:s31+$0x220 ss:$0x11] =	vst.msk $0xffff, v5  }
0x5e: {  	s0 =	simm.s32 $0x2200;
	s2 =	simm.s32 $0x4400;
	v1 =	vld [tilespmem:s1+$0x30];
	[tilespmem:s31+$0x330 ss:$0x11] =	vst.msk $0xffff, v6  }
.LBB1_6:
0x5f: {  	p1 =	sne.s32 s2, $0xEE00;
	v5 =	vld [tilespmem:s1+$0xFFFFFFD0];
	[tilespmem:s31+$0x440 ss:$0x11] =	vst.msk $0xffff, v2  }
0x60: {  	v6 =	vld [tilespmem:s1+$0xFFFFFFE0];
	[tilespmem:s31+$0x550 ss:$0x11] =	vst.msk $0xffff, v3  }
0x61: {  	s15 =	sshra.s32 s0, $0x2;
	s0 =	smov.u32 s2;
	v7 =	vld [tilespmem:s1+$0xFFFFFFF0];
	[tilespmem:s31+$0x660 ss:$0x11] =	vst.msk $0xffff, v4  }
.Ltmp4:
0x62: {  	v2 =	vld [tilespmem:s1+$0x0];
	[tilespmem:s31+$0x0 ss:$0x11] =	vst.msk $0xffff, v0;
	s31 =	sadd.s32 s15, s28;
	(pc) =	sbr.rel @p1 .LBB1_6-.Ltmp4, $4  }
0x63: {  	v3 =	vld [tilespmem:s1+$0x10];
	[tilespmem:s31+$0x770 ss:$0x11] =	vst.msk $0xffff, v1  }
0x64: {  	[tilespmem:s31+$0x110 ss:$0x11] =	vst.msk $0xffff, v5;
	v4 =	vld [tilespmem:s1+$0x20]  }
0x65: {  	v0 =	vld [tilespmem:s1+$0xFFFFFFC0];
	[tilespmem:s31+$0x220 ss:$0x11] =	vst.msk $0xffff, v6;
	s1 =	sadd.s32 $0x80, s1  }
0x66: {  	s2 =	sadd.s32 $0x2200, s2;
	v1 =	vld [tilespmem:s1+$0x30];
	[tilespmem:s31+$0x330 ss:$0x11] =	vst.msk $0xffff, v7  }
0x67: {  	v5 =	vld [tilespmem:s1+$0xFFFFFFD0];
	[tilespmem:s31+$0x440 ss:$0x11] =	vst.msk $0xffff, v2  }
0x68: {  	v58 =	vld [tilespmem:s1+$0xFFFFFFE0];
	[tilespmem:s31+$0x550 ss:$0x11] =	vst.msk $0xffff, v3  }
0x69: {  	s0 =	sshra.s32 s0, $0x2;
	v59 =	vld [tilespmem:s1+$0xFFFFFFF0];
	[tilespmem:s31+$0x660 ss:$0x11] =	vst.msk $0xffff, v4  }
0x6a: {  	v60 =	vld [tilespmem:s1+$0x0];
	s0 =	sadd.s32 s0, s28;
	[tilespmem:s31+$0x0 ss:$0x11] =	vst.msk $0xffff, v0  }
0x6b: {  	v61 =	vld [tilespmem:s1+$0x10];
	[tilespmem:s0+$0x770 ss:$0x11] =	vst.msk $0xffff, v1  }
0x6c: {  	v62 =	vld [tilespmem:s1+$0x20];
	s30 =	sadd.s32 $0x1, s30;
	[tilespmem:s0+$0x110 ss:$0x11] =	vst.msk $0xffff, v5  }
0x6d: {  	v63 =	vld [tilespmem:s1+$0xFFFFFFC0];
	p1 =	sne.s32 s30, $0x10;
	[tilespmem:s0+$0x220 ss:$0x11] =	vst.msk $0xffff, v58  }
.Ltmp5:
0x6e: {  	[tilespmem:s0+$0x330 ss:$0x11] =	vst.msk $0xffff, v59;
	(pc) =	sbr.rel @p1 .LBB1_5-.Ltmp5, $4  }
0x6f: {  	[tilespmem:s0+$0x440 ss:$0x11] =	vst.msk $0xffff, v60  }
0x70: {  	[tilespmem:s0+$0x550 ss:$0x11] =	vst.msk $0xffff, v61  }
0x71: {  	[tilespmem:s0+$0x660 ss:$0x11] =	vst.msk $0xffff, v62  }
0x72: {  	s29 =	sadd.s32 $0x400, s29;
	s28 =	sadd.s32 $0x1, s28;
	[tilespmem:s0+$0x0 ss:$0x11] =	vst.msk $0xffff, v63  }
0x73: {  	s0 =	sshll.u32 s25, $0x7;
	s1 =	sshll.u32 s22, $0x3  }
0x74: {  	s2 =	sand.u32 $0xFFFFFC00, s0;
	s1 =	sand.u32 $0xFFFFFC00, s1  }
0x75: {  	s0 =	sand.u32 $0x380, s0;
	s1 =	sadd.s32 s1, s2  }
0x76: {  	s0 =	sor.u32 s0, s1  }
0x77: {  	s0 =	sshrl.u32 s0, $0x7  }
0x78: {  	s30 =	smulhi.u32 $0xCCCCCD, s0  }
0x79: {  	s15 =	smul.u32 $0x2800, s23  }
0x7a: {  	s2 =	smul.u32 $0x500000, s24;
	s1 =	sshrl.u32 s30, $0x1  }
0x7b: {  	s1 =	smul.u32 $0x280, s1  }
0x7c: {  	s31 =	sshrl.u32 s22, $0x3;
	s24 =	sand.u32 $0x7, s22;
	s23 =	sadd.s32 s2, s15  }
0x7d: {  	s23 =	sadd.s32 s4, s23;
	s0 =	ssub.s32 s0, s1;
	s1 =	sand.u32 $0xF, s31  }
0x7e: {  	s22 =	sshll.u32 s24, $0x12;
	s0 =	sshll.u32 s0, $0x4;
	s23 =	sadd.s32 s1, s23  }
0x7f: {  	s22 =	sor.u32 $0x10, s22;
	s25 =	sadd.s32 s2, s7;
	s23 =	sadd.s32 s0, s23  }
0x80: {  	[hbm4b:s23+s22] =	stream.strided.scatter [tilespmem:s27], [sflag:$0x2], $0x800, s16, s22, $0x8;
	[tilespmem:$0x10800] =	vst v63  }
0x81: {  	s23 =	sadd.s32 s15, s25  }
0x82: {  	s23 =	sadd.s32 s1, s23  }
0x83: {  	s28 =	sadd.s32 s2, s8;
	s27 =	sadd.s32 $0x8880, s26;
	s23 =	sadd.s32 s0, s23  }
0x84: {  	[hbm4b:s23+s22] =	stream.strided.scatter [tilespmem:s27], [sflag:$0x2], $0x800, s16, s22, $0x8;
	[tilespmem:$0x10800] =	vst v63  }
0x85: {  	s23 =	sadd.s32 s15, s28  }
0x86: {  	s23 =	sadd.s32 s1, s23  }
0x87: {  	s29 =	sadd.s32 $0x9100, s26;
	s30 =	sadd.s32 s2, s9;
	s23 =	sadd.s32 s0, s23  }
0x88: {  	[hbm4b:s23+s22] =	stream.strided.scatter [tilespmem:s29], [sflag:$0x2], $0x800, s16, s22, $0x8;
	[tilespmem:$0x10800] =	vst v63  }
0x89: {  	s23 =	sadd.s32 s15, s30  }
0x8a: {  	s23 =	sadd.s32 s1, s23  }
0x8b: {  	s24 =	sadd.s32 s2, s10;
	s31 =	sadd.s32 $0x9980, s26;
	s23 =	sadd.s32 s0, s23  }
0x8c: {  	[hbm4b:s23+s22] =	stream.strided.scatter [tilespmem:s31], [sflag:$0x2], $0x800, s16, s22, $0x8;
	[tilespmem:$0x10800] =	vst v63  }
0x8d: {  	s23 =	sadd.s32 s15, s24  }
0x8e: {  	s23 =	sadd.s32 s1, s23  }
0x8f: {  	s25 =	sadd.s32 $0xA200, s26;
	s27 =	sadd.s32 s2, s11;
	s23 =	sadd.s32 s0, s23  }
0x90: {  	[hbm4b:s23+s22] =	stream.strided.scatter [tilespmem:s25], [sflag:$0x2], $0x800, s16, s22, $0x8;
	[tilespmem:$0x10800] =	vst v63  }
0x91: {  	s23 =	sadd.s32 s15, s27  }
0x92: {  	s23 =	sadd.s32 s1, s23  }
0x93: {  	s28 =	sadd.s32 $0xAA80, s26;
	s29 =	sadd.s32 s2, s12;
	s23 =	sadd.s32 s0, s23  }
0x94: {  	[hbm4b:s23+s22] =	stream.strided.scatter [tilespmem:s28], [sflag:$0x2], $0x800, s16, s22, $0x8;
	[tilespmem:$0x10800] =	vst v63  }
0x95: {  	s2 =	sadd.s32 s2, s13;
	s23 =	sadd.s32 s15, s29  }
.Ltmp6:
0x96: {  	s2 =	sadd.s32 s15, s2;
	s23 =	sadd.s32 s1, s23;
	(pc) =	sbr.rel .LBB1_9-.Ltmp6, $4  }
0x97: {  	s30 =	sadd.s32 $0xB300, s26;
	s1 =	sadd.s32 s1, s2;
	s23 =	sadd.s32 s0, s23  }
0x98: {  	[hbm4b:s23+s22] =	stream.strided.scatter [tilespmem:s30], [sflag:$0x2], $0x800, s16, s22, $0x8;
	[tilespmem:$0x10800] =	vst v63  }
0x99: {  	s31 =	sadd.s32 $0xBB80, s26;
	s0 =	sadd.s32 s0, s1  }
0x9a: {  	[hbm4b:s0+s22] =	stream.strided.scatter [tilespmem:s31], [sflag:$0x2], $0x800, s16, s22, $0x8;
	[tilespmem:$0x10800] =	vst v63  }
.LBB1_10:
0x9b: {  	_ =	sfence.sel $0x180000  }
0x9c: {  	s0 =	simm.s32 $0x1;
	[bflag:$0x0] =	sbarrier.arrive $0xFFFF  }
0x9d: {  	s30 =	simm.s32 $0x2;
	[sflag:s0] =	ssyncpa.u1 $0x1  }
0x9e: {  	[sflag:s30] =	ssyncpa.u1 $0x1  }
0x9f: {  	_ =	strace $0x90000047  }
0xa0: {  	s31 =	stileid.u32;
	[bflag:$0x2] =	sbarrier.arrive $0xFFFF  }
0xa1: {  	p0 =	sne.s32 s31, $0x0;
	s0 =	rddreg [dreg:$0x2]  }
0xa2: {  	s0 =	sadd.s32 @!p0 $0x100000, s0  }
0xa3: {  	[sflag:s0] =	ssyncadd.tile.s32 @!p0 $0x1;
	_ =	shalt  }
.Lfunc_end1:
_tile_overlayer_lowered:
.L_overlay_start_2:
0xa4: {  	(tag) =	ssettag $0x2  }
0xa5: {  	s0 =	rddreg [dreg:$0x0];
	s2 =	stileid.u32  }
0xa6: {  	s1 =	rddreg [dreg:$0x1];
	p0 =	sne.s32 s2, $0x0  }
0xa7: {  	s3 =	rddreg [dreg:$0x2];
	[bflag:$0x3] =	sbarrier.arrive $0xFFFF;
	s2 =	simm.s32 @!p0 $0x1C01  }
0xa8: {  	[timem:s3], [sflag:s2] =	dma.local @!p0 [hbm:s0], s1  }
0xa9: {  	s0 =	simm.s32 @!p0 $0x1  }
0xaa: {  	_ =	swait.ge @!p0 [sflag:s0], s1  }
0xab: {  	s1 =	ssub.s32 @!p0 $0x0, s1;
	[sflag:s0] =	ssyncset.done @!p0 $0x0  }
0xac: {  	[sflag:s0] =	ssyncadd.s32 @!p0 s1  }
0xad: {  	[bflag:$0x3] =	sbarrier.arrive $0xFFFF  }
0xae: {  	_ =	shalt  }

</sc_bundles>
